<compile_context>
chip_gen: v7x
topology: tpu7x:2x2x1
jax: 0.10.2.dev20260603
libtpu: 0.0.44.dev20260713+nightly
codegen_flags: <defaults>
</compile_context>

<pallas_src>
import functools

import jax
import jax.numpy as jnp
from jax import lax
from jax.experimental import pallas as pl
from jax.experimental.pallas import tpu as pltpu
from jax.experimental.pallas import tpu_sc as plsc

_N = 1024
_R = -4.0
_S = 4.0
_RDELTA = 127.8751220703125
_L = 16
_NW = 32
_SEG_VECS = 32
_IDX_HI = 512
_TBL = 528
_APAD = 1040
_ROWS = 16
_UNROLL = 8


def _tec_body(x_hbm, a_hbm, ns_hbm, out_hbm,
              a_v, ns_v, pair_v,
              xb0, xb1, xb2,
              sg0, sg1, sg2, ss0, ss1, ss2):
    nrows, ncols = out_hbm.shape
    rows_per_w = nrows // _NW
    n_chunks = rows_per_w // _ROWS
    vecs_per_row = ncols // _L

    wid = lax.axis_index("s") * 2 + lax.axis_index("c")
    row0 = wid * rows_per_w

    pltpu.sync_copy(a_hbm, a_v.at[pl.ds(0, _N)])
    pltpu.sync_copy(ns_hbm, ns_v)

    iota = lax.iota(jnp.int32, _L)

    def build(i, carry):
        off = i * _L
        idx = iota + off
        idxp = idx + 1
        a1 = plsc.load_gather(a_v, [idx])
        a2 = plsc.load_gather(a_v, [idxp])
        n1 = plsc.load_gather(ns_v, [idx])
        n2 = plsc.load_gather(ns_v, [idxp])
        sl = (a2 - a1) / (n2 - n1)
        ic = a1 - n1 * sl
        sl_b = ((plsc.bitcast(sl, jnp.int32) + 0x8000) >> 16) << 16
        ic_b = ((plsc.bitcast(ic, jnp.int32) + 0x8000) >> 16) & 0xFFFF
        pair_v[pl.ds(off, _L)] = sl_b | ic_b
        return carry

    lax.fori_loop(0, _SEG_VECS, build, 0)

    spec = a_v[pl.ds(_N - 1, _L)]
    pair_v[pl.ds(_IDX_HI, _L)] = (
        (plsc.bitcast(spec, jnp.int32) + 0x8000) >> 16) & 0xFFFF

    xbufs = (xb0, xb1, xb2)
    gsems = (sg0, sg1, sg2)
    ssems = (ss0, ss1, ss2)

    def compute(xr):
        @plsc.parallel_loop(0, _ROWS * vecs_per_row, 1, unroll=_UNROLL)
        def step(i):
            r = i >> 7
            off = (i & 127) * _L
            xv = xr[r, pl.ds(off, _L)]
            t = jnp.minimum(jnp.maximum(xv * _RDELTA, 0.0), 512.0)
            idx = t.astype(jnp.int32)
            w = plsc.load_gather(pair_v, [idx])
            sl = plsc.bitcast(w, jnp.float32)
            ic = plsc.bitcast(w << 16, jnp.float32)
            xr[r, pl.ds(off, _L)] = xv * sl + ic

    gcopies = [None, None, None]
    scopies = [None, None, None]
    for c in range(min(3, n_chunks)):
        gcopies[c] = pltpu.make_async_copy(
            x_hbm.at[pl.ds(row0 + c * _ROWS, _ROWS)], xbufs[c], gsems[c])
        gcopies[c].start()

    for c in range(n_chunks):
        b = c % 3
        gcopies[b].wait()
        compute(xbufs[b])
        scopies[b] = pltpu.make_async_copy(
            xbufs[b], out_hbm.at[pl.ds(row0 + c * _ROWS, _ROWS)], ssems[b])
        scopies[b].start()
        k = c + 2
        if c >= 1 and k < n_chunks:
            kb = k % 3
            scopies[kb].wait()
            gcopies[kb] = pltpu.make_async_copy(
                x_hbm.at[pl.ds(row0 + k * _ROWS, _ROWS)], xbufs[kb], gsems[kb])
            gcopies[kb].start()

    for b in range(min(3, n_chunks)):
        if scopies[b] is not None:
            scopies[b].wait()


def _make_sc_call(shape):
    mesh = plsc.VectorSubcoreMesh(core_axis_name="c", subcore_axis_name="s")
    return functools.partial(
        pl.kernel,
        mesh=mesh,
        out_type=jax.ShapeDtypeStruct(shape, jnp.float32),
        compiler_params=pltpu.CompilerParams(
            needs_layout_passes=False, use_tc_tiling_on_sc=True),
        scratch_types=[
            pltpu.VMEM((_APAD,), jnp.float32),
            pltpu.VMEM((_N,), jnp.float32),
            pltpu.VMEM((_TBL,), jnp.int32),
            pltpu.VMEM((_ROWS, 2048), jnp.float32),
            pltpu.VMEM((_ROWS, 2048), jnp.float32),
            pltpu.VMEM((_ROWS, 2048), jnp.float32),
            pltpu.SemaphoreType.DMA,
            pltpu.SemaphoreType.DMA,
            pltpu.SemaphoreType.DMA,
            pltpu.SemaphoreType.DMA,
            pltpu.SemaphoreType.DMA,
            pltpu.SemaphoreType.DMA,
        ],
    )(_tec_body)


def kernel(x, a, ns):
    return _make_sc_call(x.shape)(x, a, ns)

# --- scband reference (transcript-rebuilt; emitter-appended) ---
"""Pipeline reference for scband-ad-act-12257836663440 (READ-ONLY COPY).

The authoritative reference and input builder live on the scoring server;
editing this copy changes nothing except your own understanding.
"""

import jax, jax.numpy as jnp
import numpy as np

NUM_HINGES = 1024
R = -4.0
S = 4.0


def setup_inputs(seed: int = 0) -> dict:
    key = jax.random.key(seed)
    x = jax.random.normal(key, (8192, 2048), dtype=jnp.float32)
    # learned / fixed parameters per init_kwargs
    ns = jnp.linspace(R, S, NUM_HINGES, dtype=jnp.float32)  # requires_grad=False buffer
    a = jnp.tanh(ns)  # trainable hinge heights, tanh reference init
    return {"x": x, "a": a, "ns": ns}


def reference(x, a, ns):
    # Vectorized, faithful translation of AdAct.forward's per-element loop.
    N = a.shape[0]
    delta_ns = ns[1] - ns[0]
    # m1 = int(ceil(x / delta_ns)) - 1 ; clamp m1 >= 0 ; m2 = m1 + 1 clamped < N.
    # For in-range x (r <= x <= s) m1 never exceeds N-2, so the upper clamp only
    # sanitizes the out-of-range lanes that are overwritten by the where() below.
    m1 = jnp.ceil(x / delta_ns).astype(jnp.int32) - 1
    m1 = jnp.clip(m1, 0, N - 2)
    m2 = m1 + 1
    ns_m1 = jnp.take(ns, m1)
    ns_m2 = jnp.take(ns, m2)
    denom = ns_m2 - ns_m1
    w1 = (ns_m2 - x) / denom
    w2 = (x - ns_m1) / denom
    interp = w1 * jnp.take(a, m1) + w2 * jnp.take(a, m2)
    op = jnp.where(x > S, a[-1], jnp.where(x < R, a[0], interp))
    return op

if __name__ == "__main__":
    import jax
    _d = setup_inputs()
    print(jax.jit(kernel)(*tuple(_d.values())))

</pallas_src>

<mosaic_0001>
#map = affine_map<(d0, d1) -> (0, 0)>
#map1 = affine_map<(d0, d1) -> (0)>
module attributes {stable_mosaic.version = 14 : i64} {
  func.func @_tec_body(%arg0: i32, %arg1: i32, %arg2: memref<8192x2048xf32, #tpu.memory_space<hbm>>, %arg3: memref<1024xf32, #tpu.memory_space<hbm>>, %arg4: memref<1024xf32, #tpu.memory_space<hbm>>, %arg5: memref<8192x2048xf32, #tpu.memory_space<hbm>>, %arg6: memref<1040xf32, #tpu.memory_space<vmem>>, %arg7: memref<1024xf32, #tpu.memory_space<vmem>>, %arg8: memref<528xi32, #tpu.memory_space<vmem>>, %arg9: memref<16x2048xf32, #tpu.memory_space<vmem>>, %arg10: memref<16x2048xf32, #tpu.memory_space<vmem>>, %arg11: memref<16x2048xf32, #tpu.memory_space<vmem>>, %arg12: memref<!tpu.dma_semaphore, #tpu.memory_space<semaphore_mem>>, %arg13: memref<!tpu.dma_semaphore, #tpu.memory_space<semaphore_mem>>, %arg14: memref<!tpu.dma_semaphore, #tpu.memory_space<semaphore_mem>>, %arg15: memref<!tpu.dma_semaphore, #tpu.memory_space<semaphore_mem>>, %arg16: memref<!tpu.dma_semaphore, #tpu.memory_space<semaphore_mem>>, %arg17: memref<!tpu.dma_semaphore, #tpu.memory_space<semaphore_mem>>) attributes {dimension_semantics = [#tpu.dimension_semantics<core_parallel>, #tpu.dimension_semantics<subcore_parallel>], iteration_bounds = array<i64: 2, 16>, scalar_prefetch = 0 : i64, scratch_operands = 12 : i64, tpu.core_type = #tpu.core_type<sc_vector_subcore>, window_params = [{transform_indices = #map}, {transform_indices = #map1}, {transform_indices = #map1}, {transform_indices = #map}]} {
    %mul3A = arith.constant 2 : i32
    %mul3A_0 = arith.muli %arg1, %mul3A : i32
    %add3A = arith.addi %mul3A_0, %arg0 : i32
    %mul3A_1 = arith.constant 256 : i32
    %mul3A_2 = arith.muli %add3A, %mul3A_1 : i32
    "tpu.region"() ({
      %run_scoped3A = tpu.sem_alloc : memref<!tpu.dma_semaphore, #tpu.memory_space<semaphore_mem>>
      %dma_start3A_382 = arith.constant 0 : i32
      %dma_start3A_383 = tpu.memref_slice %arg6[%dma_start3A_382] : memref<1040xf32, #tpu.memory_space<vmem>> -> memref<1024xf32, #tpu.memory_space<vmem>>
      %dma_start3A_384 = arith.constant 0 : i32
      %dma_start3A_385 = tpu.memref_slice %arg6[%dma_start3A_384] : memref<1040xf32, #tpu.memory_space<vmem>> -> memref<1024xf32, #tpu.memory_space<vmem>>
      tpu.enqueue_dma source(%arg3 : memref<1024xf32, #tpu.memory_space<hbm>>) target(%dma_start3A_385 : memref<1024xf32, #tpu.memory_space<vmem>>) target_semaphore(%run_scoped3A : memref<!tpu.dma_semaphore, #tpu.memory_space<semaphore_mem>>)
      %dma_wait3A_386 = arith.constant 0 : i32
      %dma_wait3A_387 = tpu.memref_slice %arg6[%dma_wait3A_386] : memref<1040xf32, #tpu.memory_space<vmem>> -> memref<1024xf32, #tpu.memory_space<vmem>>
      %dma_wait3A_388 = arith.constant 0 : i32
      %dma_wait3A_389 = tpu.memref_slice %arg6[%dma_wait3A_388] : memref<1040xf32, #tpu.memory_space<vmem>> -> memref<1024xf32, #tpu.memory_space<vmem>>
      tpu.wait_dma2 semaphore(%run_scoped3A : memref<!tpu.dma_semaphore, #tpu.memory_space<semaphore_mem>>) src(%arg3 : memref<1024xf32, #tpu.memory_space<hbm>>) dst(%dma_wait3A_389 : memref<1024xf32, #tpu.memory_space<vmem>>)
      tpu.yield
    }) : () -> ()
    "tpu.region"() ({
      %run_scoped3A = tpu.sem_alloc : memref<!tpu.dma_semaphore, #tpu.memory_space<semaphore_mem>>
      tpu.enqueue_dma source(%arg4 : memref<1024xf32, #tpu.memory_space<hbm>>) target(%arg7 : memref<1024xf32, #tpu.memory_space<vmem>>) target_semaphore(%run_scoped3A : memref<!tpu.dma_semaphore, #tpu.memory_space<semaphore_mem>>)
      tpu.wait_dma2 semaphore(%run_scoped3A : memref<!tpu.dma_semaphore, #tpu.memory_space<semaphore_mem>>) src(%arg4 : memref<1024xf32, #tpu.memory_space<hbm>>) dst(%arg7 : memref<1024xf32, #tpu.memory_space<vmem>>)
      tpu.yield
    }) : () -> ()
    %iota3A = tpu.iota {dimensions = array<i32: 0>} : vector<16xi32>
    %scan3A = arith.constant 0 : i32
    %scan3A_3 = arith.constant 0 : i32
    %scan3A_4 = arith.constant 32 : i32
    %scan3A_5 = arith.addi %scan3A_3, %scan3A_4 : i32
    %scan3A_6 = arith.constant 1 : i32
    scf.for %scan3A_382 = %scan3A_3 to %scan3A_5 step %scan3A_6  : i32 {
      %mul3A_383 = arith.constant 16 : i32
      %mul3A_384 = arith.muli %scan3A_382, %mul3A_383 : i32
      %add3A_385 = vector.broadcast %mul3A_384 : i32 to vector<16xi32>
      %add3A_386 = arith.addi %iota3A, %add3A_385 : vector<16xi32>
      %add3A_387 = arith.constant 1 : i32
      %add3A_388 = vector.broadcast %add3A_387 : i32 to vector<16xi32>
      %add3A_389 = arith.addi %add3A_386, %add3A_388 : vector<16xi32>
      %gather3A = tpu.vector_load_idx %arg6[%add3A_386] : memref<1040xf32, #tpu.memory_space<vmem>>[vector<16xi32>], vector<16xf32>,
      %gather3A_390 = tpu.vector_load_idx %arg6[%add3A_389] : memref<1040xf32, #tpu.memory_space<vmem>>[vector<16xi32>], vector<16xf32>,
      %gather3A_391 = tpu.vector_load_idx %arg7[%add3A_386] : memref<1024xf32, #tpu.memory_space<vmem>>[vector<16xi32>], vector<16xf32>,
      %gather3A_392 = tpu.vector_load_idx %arg7[%add3A_389] : memref<1024xf32, #tpu.memory_space<vmem>>[vector<16xi32>], vector<16xf32>,
      %sub3A = arith.subf %gather3A_390, %gather3A : vector<16xf32>
      %sub3A_393 = arith.subf %gather3A_392, %gather3A_391 : vector<16xf32>
      %div3A = arith.divf %sub3A, %sub3A_393 : vector<16xf32>
      %mul3A_394 = arith.mulf %gather3A_391, %div3A : vector<16xf32>
      %sub3A_395 = arith.subf %gather3A, %mul3A_394 : vector<16xf32>
      %bitcast3A_396 = vector.bitcast %div3A : vector<16xf32> to vector<16xi32>
      %add3A_397 = arith.constant 32768 : i32
      %add3A_398 = vector.broadcast %add3A_397 : i32 to vector<16xi32>
      %add3A_399 = arith.addi %bitcast3A_396, %add3A_398 : vector<16xi32>
      %shift_right_arithmetic3A_400 = arith.constant 16 : i32
      %shift_right_arithmetic3A_401 = vector.broadcast %shift_right_arithmetic3A_400 : i32 to vector<16xi32>
      %shift_right_arithmetic3A_402 = arith.shrsi %add3A_399, %shift_right_arithmetic3A_401 : vector<16xi32>
      %shift_left3A = arith.constant 16 : i32
      %shift_left3A_403 = vector.broadcast %shift_left3A : i32 to vector<16xi32>
      %shift_left3A_404 = arith.shli %shift_right_arithmetic3A_402, %shift_left3A_403 : vector<16xi32>
      %bitcast3A_405 = vector.bitcast %sub3A_395 : vector<16xf32> to vector<16xi32>
      %add3A_406 = arith.constant 32768 : i32
      %add3A_407 = vector.broadcast %add3A_406 : i32 to vector<16xi32>
      %add3A_408 = arith.addi %bitcast3A_405, %add3A_407 : vector<16xi32>
      %shift_right_arithmetic3A_409 = arith.constant 16 : i32
      %shift_right_arithmetic3A_410 = vector.broadcast %shift_right_arithmetic3A_409 : i32 to vector<16xi32>
      %shift_right_arithmetic3A_411 = arith.shrsi %add3A_408, %shift_right_arithmetic3A_410 : vector<16xi32>
      %and3A_412 = arith.constant 65535 : i32
      %and3A_413 = vector.broadcast %and3A_412 : i32 to vector<16xi32>
      %and3A_414 = arith.andi %shift_right_arithmetic3A_411, %and3A_413 : vector<16xi32>
      %or3A = arith.ori %shift_left3A_404, %and3A_414 : vector<16xi32>
      %swap3A_415 = arith.index_cast %mul3A_384 : i32 to index
      %swap3A_416 = tpu.vector_load %arg8[%swap3A_415] {strides = array<i32>} : memref<528xi32, #tpu.memory_space<vmem>>, vector<16xi32>,
      tpu.vector_store %arg8[%swap3A_415], %or3A {strides = array<i32>} : memref<528xi32, #tpu.memory_space<vmem>>, vector<16xi32>,
    }
    %scan3A_7 = arith.constant 32 : i32
    %get3A = arith.constant 1023 : index
    %get3A_8 = tpu.vector_load %arg6[%get3A] {strides = array<i32>} : memref<1040xf32, #tpu.memory_space<vmem>>, vector<16xf32>,
    %bitcast3A = vector.bitcast %get3A_8 : vector<16xf32> to vector<16xi32>
    %add3A_9 = arith.constant 32768 : i32
    %add3A_10 = vector.broadcast %add3A_9 : i32 to vector<16xi32>
    %add3A_11 = arith.addi %bitcast3A, %add3A_10 : vector<16xi32>
    %shift_right_arithmetic3A = arith.constant 16 : i32
    %shift_right_arithmetic3A_12 = vector.broadcast %shift_right_arithmetic3A : i32 to vector<16xi32>
    %shift_right_arithmetic3A_13 = arith.shrsi %add3A_11, %shift_right_arithmetic3A_12 : vector<16xi32>
    %and3A = arith.constant 65535 : i32
    %and3A_14 = vector.broadcast %and3A : i32 to vector<16xi32>
    %and3A_15 = arith.andi %shift_right_arithmetic3A_13, %and3A_14 : vector<16xi32>
    %swap3A = arith.constant 512 : index
    %swap3A_16 = tpu.vector_load %arg8[%swap3A] {strides = array<i32>} : memref<528xi32, #tpu.memory_space<vmem>>, vector<16xi32>,
    tpu.vector_store %arg8[%swap3A], %and3A_15 {strides = array<i32>} : memref<528xi32, #tpu.memory_space<vmem>>, vector<16xi32>,
    %add3A_17 = arith.constant 0 : i32
    %add3A_18 = arith.addi %mul3A_2, %add3A_17 : i32
    %dma_start3A = arith.constant 0 : i32
    %dma_start3A_19 = tpu.memref_slice %arg2[%add3A_18, %dma_start3A] : memref<8192x2048xf32, #tpu.memory_space<hbm>> -> memref<16x2048xf32, #tpu.memory_space<hbm>>
    %dma_start3A_20 = arith.constant 0 : i32
    %dma_start3A_21 = tpu.memref_slice %arg2[%add3A_18, %dma_start3A_20] : memref<8192x2048xf32, #tpu.memory_space<hbm>> -> memref<16x2048xf32, #tpu.memory_space<hbm>>
    tpu.enqueue_dma source(%dma_start3A_21 : memref<16x2048xf32, #tpu.memory_space<hbm>>) target(%arg9 : memref<16x2048xf32, #tpu.memory_space<vmem>>) target_semaphore(%arg12 : memref<!tpu.dma_semaphore, #tpu.memory_space<semaphore_mem>>)
    %add3A_22 = arith.constant 16 : i32
    %add3A_23 = arith.addi %mul3A_2, %add3A_22 : i32
    %dma_start3A_24 = arith.constant 0 : i32
    %dma_start3A_25 = tpu.memref_slice %arg2[%add3A_23, %dma_start3A_24] : memref<8192x2048xf32, #tpu.memory_space<hbm>> -> memref<16x2048xf32, #tpu.memory_space<hbm>>
    %dma_start3A_26 = arith.constant 0 : i32
    %dma_start3A_27 = tpu.memref_slice %arg2[%add3A_23, %dma_start3A_26] : memref<8192x2048xf32, #tpu.memory_space<hbm>> -> memref<16x2048xf32, #tpu.memory_space<hbm>>
    tpu.enqueue_dma source(%dma_start3A_27 : memref<16x2048xf32, #tpu.memory_space<hbm>>) target(%arg10 : memref<16x2048xf32, #tpu.memory_space<vmem>>) target_semaphore(%arg13 : memref<!tpu.dma_semaphore, #tpu.memory_space<semaphore_mem>>)
    %add3A_28 = arith.constant 32 : i32
    %add3A_29 = arith.addi %mul3A_2, %add3A_28 : i32
    %dma_start3A_30 = arith.constant 0 : i32
    %dma_start3A_31 = tpu.memref_slice %arg2[%add3A_29, %dma_start3A_30] : memref<8192x2048xf32, #tpu.memory_space<hbm>> -> memref<16x2048xf32, #tpu.memory_space<hbm>>
    %dma_start3A_32 = arith.constant 0 : i32
    %dma_start3A_33 = tpu.memref_slice %arg2[%add3A_29, %dma_start3A_32] : memref<8192x2048xf32, #tpu.memory_space<hbm>> -> memref<16x2048xf32, #tpu.memory_space<hbm>>
    tpu.enqueue_dma source(%dma_start3A_33 : memref<16x2048xf32, #tpu.memory_space<hbm>>) target(%arg11 : memref<16x2048xf32, #tpu.memory_space<vmem>>) target_semaphore(%arg14 : memref<!tpu.dma_semaphore, #tpu.memory_space<semaphore_mem>>)
    %dma_wait3A = arith.constant 0 : i32
    %dma_wait3A_34 = tpu.memref_slice %arg2[%add3A_18, %dma_wait3A] : memref<8192x2048xf32, #tpu.memory_space<hbm>> -> memref<16x2048xf32, #tpu.memory_space<hbm>>
    %dma_wait3A_35 = arith.constant 0 : i32
    %dma_wait3A_36 = tpu.memref_slice %arg2[%add3A_18, %dma_wait3A_35] : memref<8192x2048xf32, #tpu.memory_space<hbm>> -> memref<16x2048xf32, #tpu.memory_space<hbm>>
    tpu.wait_dma2 semaphore(%arg12 : memref<!tpu.dma_semaphore, #tpu.memory_space<semaphore_mem>>) src(%dma_wait3A_36 : memref<16x2048xf32, #tpu.memory_space<hbm>>) dst(%arg9 : memref<16x2048xf32, #tpu.memory_space<vmem>>)
    %parallel_loop3A = arith.constant 0 : i32
    %parallel_loop3A_37 = arith.constant 2048 : i32
    %parallel_loop3A_38 = arith.constant 1 : i32
    scf.for %parallel_loop3A_382 = %parallel_loop3A to %parallel_loop3A_37 step %parallel_loop3A_38  : i32 {
      %parallel_loop3A_383 = arith.constant 7 : i32
      %parallel_loop3A_384 = arith.shrsi %parallel_loop3A_382, %parallel_loop3A_383 : i32
      %parallel_loop3A_385 = arith.constant 127 : i32
      %parallel_loop3A_386 = arith.andi %parallel_loop3A_382, %parallel_loop3A_385 : i32
      %parallel_loop3A_387 = arith.constant 16 : i32
      %parallel_loop3A_388 = arith.muli %parallel_loop3A_386, %parallel_loop3A_387 : i32
      %parallel_loop3A_389 = arith.index_cast %parallel_loop3A_384 : i32 to index
      %parallel_loop3A_390 = arith.index_cast %parallel_loop3A_388 : i32 to index
      %parallel_loop3A_391 = tpu.vector_load %arg9[%parallel_loop3A_389, %parallel_loop3A_390] {strides = array<i32>} : memref<16x2048xf32, #tpu.memory_space<vmem>>, vector<16xf32>,
      %parallel_loop3A_392 = arith.constant 127.875122 : f32
      %parallel_loop3A_393 = vector.broadcast %parallel_loop3A_392 : f32 to vector<16xf32>
      %parallel_loop3A_394 = arith.mulf %parallel_loop3A_391, %parallel_loop3A_393 : vector<16xf32>
      %parallel_loop3A_395 = arith.constant 0.000000e+00 : f32
      %parallel_loop3A_396 = vector.broadcast %parallel_loop3A_395 : f32 to vector<16xf32>
      %parallel_loop3A_397 = arith.maximumf %parallel_loop3A_394, %parallel_loop3A_396 : vector<16xf32>
      %parallel_loop3A_398 = arith.constant 5.120000e+02 : f32
      %parallel_loop3A_399 = vector.broadcast %parallel_loop3A_398 : f32 to vector<16xf32>
      %parallel_loop3A_400 = arith.minimumf %parallel_loop3A_397, %parallel_loop3A_399 : vector<16xf32>
      %parallel_loop3A_401 = arith.fptosi %parallel_loop3A_400 : vector<16xf32> to vector<16xi32>
      %parallel_loop3A_402 = tpu.vector_load_idx %arg8[%parallel_loop3A_401] : memref<528xi32, #tpu.memory_space<vmem>>[vector<16xi32>], vector<16xi32>,
      %parallel_loop3A_403 = vector.bitcast %parallel_loop3A_402 : vector<16xi32> to vector<16xf32>
      %parallel_loop3A_404 = arith.constant 16 : i32
      %parallel_loop3A_405 = vector.broadcast %parallel_loop3A_404 : i32 to vector<16xi32>
      %parallel_loop3A_406 = arith.shli %parallel_loop3A_402, %parallel_loop3A_405 : vector<16xi32>
      %parallel_loop3A_407 = vector.bitcast %parallel_loop3A_406 : vector<16xi32> to vector<16xf32>
      %parallel_loop3A_408 = arith.mulf %parallel_loop3A_391, %parallel_loop3A_403 : vector<16xf32>
      %parallel_loop3A_409 = arith.addf %parallel_loop3A_408, %parallel_loop3A_407 : vector<16xf32>
      %parallel_loop3A_410 = arith.index_cast %parallel_loop3A_384 : i32 to index
      %parallel_loop3A_411 = arith.index_cast %parallel_loop3A_388 : i32 to index
      %parallel_loop3A_412 = tpu.vector_load %arg9[%parallel_loop3A_410, %parallel_loop3A_411] {strides = array<i32>} : memref<16x2048xf32, #tpu.memory_space<vmem>>, vector<16xf32>,
      tpu.vector_store %arg9[%parallel_loop3A_410, %parallel_loop3A_411], %parallel_loop3A_409 {strides = array<i32>} : memref<16x2048xf32, #tpu.memory_space<vmem>>, vector<16xf32>,
    } {sc.loop_unroll_factor = 8 : i64, sc.parallel_access}
    %add3A_39 = arith.constant 0 : i32
    %add3A_40 = arith.addi %mul3A_2, %add3A_39 : i32
    %dma_start3A_41 = arith.constant 0 : i32
    %dma_start3A_42 = tpu.memref_slice %arg5[%add3A_40, %dma_start3A_41] : memref<8192x2048xf32, #tpu.memory_space<hbm>> -> memref<16x2048xf32, #tpu.memory_space<hbm>>
    %dma_start3A_43 = arith.constant 0 : i32
    %dma_start3A_44 = tpu.memref_slice %arg5[%add3A_40, %dma_start3A_43] : memref<8192x2048xf32, #tpu.memory_space<hbm>> -> memref<16x2048xf32, #tpu.memory_space<hbm>>
    tpu.enqueue_dma source(%arg9 : memref<16x2048xf32, #tpu.memory_space<vmem>>) target(%dma_start3A_44 : memref<16x2048xf32, #tpu.memory_space<hbm>>) target_semaphore(%arg15 : memref<!tpu.dma_semaphore, #tpu.memory_space<semaphore_mem>>)
    %dma_wait3A_45 = arith.constant 0 : i32
    %dma_wait3A_46 = tpu.memref_slice %arg2[%add3A_23, %dma_wait3A_45] : memref<8192x2048xf32, #tpu.memory_space<hbm>> -> memref<16x2048xf32, #tpu.memory_space<hbm>>
    %dma_wait3A_47 = arith.constant 0 : i32
    %dma_wait3A_48 = tpu.memref_slice %arg2[%add3A_23, %dma_wait3A_47] : memref<8192x2048xf32, #tpu.memory_space<hbm>> -> memref<16x2048xf32, #tpu.memory_space<hbm>>
    tpu.wait_dma2 semaphore(%arg13 : memref<!tpu.dma_semaphore, #tpu.memory_space<semaphore_mem>>) src(%dma_wait3A_48 : memref<16x2048xf32, #tpu.memory_space<hbm>>) dst(%arg10 : memref<16x2048xf32, #tpu.memory_space<vmem>>)
    %parallel_loop3A_49 = arith.constant 0 : i32
    %parallel_loop3A_50 = arith.constant 2048 : i32
    %parallel_loop3A_51 = arith.constant 1 : i32
    scf.for %parallel_loop3A_382 = %parallel_loop3A_49 to %parallel_loop3A_50 step %parallel_loop3A_51  : i32 {
      %parallel_loop3A_383 = arith.constant 7 : i32
      %parallel_loop3A_384 = arith.shrsi %parallel_loop3A_382, %parallel_loop3A_383 : i32
      %parallel_loop3A_385 = arith.constant 127 : i32
      %parallel_loop3A_386 = arith.andi %parallel_loop3A_382, %parallel_loop3A_385 : i32
      %parallel_loop3A_387 = arith.constant 16 : i32
      %parallel_loop3A_388 = arith.muli %parallel_loop3A_386, %parallel_loop3A_387 : i32
      %parallel_loop3A_389 = arith.index_cast %parallel_loop3A_384 : i32 to index
      %parallel_loop3A_390 = arith.index_cast %parallel_loop3A_388 : i32 to index
      %parallel_loop3A_391 = tpu.vector_load %arg10[%parallel_loop3A_389, %parallel_loop3A_390] {strides = array<i32>} : memref<16x2048xf32, #tpu.memory_space<vmem>>, vector<16xf32>,
      %parallel_loop3A_392 = arith.constant 127.875122 : f32
      %parallel_loop3A_393 = vector.broadcast %parallel_loop3A_392 : f32 to vector<16xf32>
      %parallel_loop3A_394 = arith.mulf %parallel_loop3A_391, %parallel_loop3A_393 : vector<16xf32>
      %parallel_loop3A_395 = arith.constant 0.000000e+00 : f32
      %parallel_loop3A_396 = vector.broadcast %parallel_loop3A_395 : f32 to vector<16xf32>
      %parallel_loop3A_397 = arith.maximumf %parallel_loop3A_394, %parallel_loop3A_396 : vector<16xf32>
      %parallel_loop3A_398 = arith.constant 5.120000e+02 : f32
      %parallel_loop3A_399 = vector.broadcast %parallel_loop3A_398 : f32 to vector<16xf32>
      %parallel_loop3A_400 = arith.minimumf %parallel_loop3A_397, %parallel_loop3A_399 : vector<16xf32>
      %parallel_loop3A_401 = arith.fptosi %parallel_loop3A_400 : vector<16xf32> to vector<16xi32>
      %parallel_loop3A_402 = tpu.vector_load_idx %arg8[%parallel_loop3A_401] : memref<528xi32, #tpu.memory_space<vmem>>[vector<16xi32>], vector<16xi32>,
      %parallel_loop3A_403 = vector.bitcast %parallel_loop3A_402 : vector<16xi32> to vector<16xf32>
      %parallel_loop3A_404 = arith.constant 16 : i32
      %parallel_loop3A_405 = vector.broadcast %parallel_loop3A_404 : i32 to vector<16xi32>
      %parallel_loop3A_406 = arith.shli %parallel_loop3A_402, %parallel_loop3A_405 : vector<16xi32>
      %parallel_loop3A_407 = vector.bitcast %parallel_loop3A_406 : vector<16xi32> to vector<16xf32>
      %parallel_loop3A_408 = arith.mulf %parallel_loop3A_391, %parallel_loop3A_403 : vector<16xf32>
      %parallel_loop3A_409 = arith.addf %parallel_loop3A_408, %parallel_loop3A_407 : vector<16xf32>
      %parallel_loop3A_410 = arith.index_cast %parallel_loop3A_384 : i32 to index
      %parallel_loop3A_411 = arith.index_cast %parallel_loop3A_388 : i32 to index
      %parallel_loop3A_412 = tpu.vector_load %arg10[%parallel_loop3A_410, %parallel_loop3A_411] {strides = array<i32>} : memref<16x2048xf32, #tpu.memory_space<vmem>>, vector<16xf32>,
      tpu.vector_store %arg10[%parallel_loop3A_410, %parallel_loop3A_411], %parallel_loop3A_409 {strides = array<i32>} : memref<16x2048xf32, #tpu.memory_space<vmem>>, vector<16xf32>,
    } {sc.loop_unroll_factor = 8 : i64, sc.parallel_access}
    %add3A_52 = arith.constant 16 : i32
    %add3A_53 = arith.addi %mul3A_2, %add3A_52 : i32
    %dma_start3A_54 = arith.constant 0 : i32
    %dma_start3A_55 = tpu.memref_slice %arg5[%add3A_53, %dma_start3A_54] : memref<8192x2048xf32, #tpu.memory_space<hbm>> -> memref<16x2048xf32, #tpu.memory_space<hbm>>
    %dma_start3A_56 = arith.constant 0 : i32
    %dma_start3A_57 = tpu.memref_slice %arg5[%add3A_53, %dma_start3A_56] : memref<8192x2048xf32, #tpu.memory_space<hbm>> -> memref<16x2048xf32, #tpu.memory_space<hbm>>
    tpu.enqueue_dma source(%arg10 : memref<16x2048xf32, #tpu.memory_space<vmem>>) target(%dma_start3A_57 : memref<16x2048xf32, #tpu.memory_space<hbm>>) target_semaphore(%arg16 : memref<!tpu.dma_semaphore, #tpu.memory_space<semaphore_mem>>)
    %dma_wait3A_58 = arith.constant 0 : i32
    %dma_wait3A_59 = tpu.memref_slice %arg5[%add3A_40, %dma_wait3A_58] : memref<8192x2048xf32, #tpu.memory_space<hbm>> -> memref<16x2048xf32, #tpu.memory_space<hbm>>
    %dma_wait3A_60 = arith.constant 0 : i32
    %dma_wait3A_61 = tpu.memref_slice %arg5[%add3A_40, %dma_wait3A_60] : memref<8192x2048xf32, #tpu.memory_space<hbm>> -> memref<16x2048xf32, #tpu.memory_space<hbm>>
    tpu.wait_dma2 semaphore(%arg15 : memref<!tpu.dma_semaphore, #tpu.memory_space<semaphore_mem>>) src(%arg9 : memref<16x2048xf32, #tpu.memory_space<vmem>>) dst(%dma_wait3A_61 : memref<16x2048xf32, #tpu.memory_space<hbm>>)
    %add3A_62 = arith.constant 48 : i32
    %add3A_63 = arith.addi %mul3A_2, %add3A_62 : i32
    %dma_start3A_64 = arith.constant 0 : i32
    %dma_start3A_65 = tpu.memref_slice %arg2[%add3A_63, %dma_start3A_64] : memref<8192x2048xf32, #tpu.memory_space<hbm>> -> memref<16x2048xf32, #tpu.memory_space<hbm>>
    %dma_start3A_66 = arith.constant 0 : i32
    %dma_start3A_67 = tpu.memref_slice %arg2[%add3A_63, %dma_start3A_66] : memref<8192x2048xf32, #tpu.memory_space<hbm>> -> memref<16x2048xf32, #tpu.memory_space<hbm>>
    tpu.enqueue_dma source(%dma_start3A_67 : memref<16x2048xf32, #tpu.memory_space<hbm>>) target(%arg9 : memref<16x2048xf32, #tpu.memory_space<vmem>>) target_semaphore(%arg12 : memref<!tpu.dma_semaphore, #tpu.memory_space<semaphore_mem>>)
    %dma_wait3A_68 = arith.constant 0 : i32
    %dma_wait3A_69 = tpu.memref_slice %arg2[%add3A_29, %dma_wait3A_68] : memref<8192x2048xf32, #tpu.memory_space<hbm>> -> memref<16x2048xf32, #tpu.memory_space<hbm>>
    %dma_wait3A_70 = arith.constant 0 : i32
    %dma_wait3A_71 = tpu.memref_slice %arg2[%add3A_29, %dma_wait3A_70] : memref<8192x2048xf32, #tpu.memory_space<hbm>> -> memref<16x2048xf32, #tpu.memory_space<hbm>>
    tpu.wait_dma2 semaphore(%arg14 : memref<!tpu.dma_semaphore, #tpu.memory_space<semaphore_mem>>) src(%dma_wait3A_71 : memref<16x2048xf32, #tpu.memory_space<hbm>>) dst(%arg11 : memref<16x2048xf32, #tpu.memory_space<vmem>>)
    %parallel_loop3A_72 = arith.constant 0 : i32
    %parallel_loop3A_73 = arith.constant 2048 : i32
    %parallel_loop3A_74 = arith.constant 1 : i32
    scf.for %parallel_loop3A_382 = %parallel_loop3A_72 to %parallel_loop3A_73 step %parallel_loop3A_74  : i32 {
      %parallel_loop3A_383 = arith.constant 7 : i32
      %parallel_loop3A_384 = arith.shrsi %parallel_loop3A_382, %parallel_loop3A_383 : i32
      %parallel_loop3A_385 = arith.constant 127 : i32
      %parallel_loop3A_386 = arith.andi %parallel_loop3A_382, %parallel_loop3A_385 : i32
      %parallel_loop3A_387 = arith.constant 16 : i32
      %parallel_loop3A_388 = arith.muli %parallel_loop3A_386, %parallel_loop3A_387 : i32
      %parallel_loop3A_389 = arith.index_cast %parallel_loop3A_384 : i32 to index
      %parallel_loop3A_390 = arith.index_cast %parallel_loop3A_388 : i32 to index
      %parallel_loop3A_391 = tpu.vector_load %arg11[%parallel_loop3A_389, %parallel_loop3A_390] {strides = array<i32>} : memref<16x2048xf32, #tpu.memory_space<vmem>>, vector<16xf32>,
      %parallel_loop3A_392 = arith.constant 127.875122 : f32
      %parallel_loop3A_393 = vector.broadcast %parallel_loop3A_392 : f32 to vector<16xf32>
      %parallel_loop3A_394 = arith.mulf %parallel_loop3A_391, %parallel_loop3A_393 : vector<16xf32>
      %parallel_loop3A_395 = arith.constant 0.000000e+00 : f32
      %parallel_loop3A_396 = vector.broadcast %parallel_loop3A_395 : f32 to vector<16xf32>
      %parallel_loop3A_397 = arith.maximumf %parallel_loop3A_394, %parallel_loop3A_396 : vector<16xf32>
      %parallel_loop3A_398 = arith.constant 5.120000e+02 : f32
      %parallel_loop3A_399 = vector.broadcast %parallel_loop3A_398 : f32 to vector<16xf32>
      %parallel_loop3A_400 = arith.minimumf %parallel_loop3A_397, %parallel_loop3A_399 : vector<16xf32>
      %parallel_loop3A_401 = arith.fptosi %parallel_loop3A_400 : vector<16xf32> to vector<16xi32>
      %parallel_loop3A_402 = tpu.vector_load_idx %arg8[%parallel_loop3A_401] : memref<528xi32, #tpu.memory_space<vmem>>[vector<16xi32>], vector<16xi32>,
      %parallel_loop3A_403 = vector.bitcast %parallel_loop3A_402 : vector<16xi32> to vector<16xf32>
      %parallel_loop3A_404 = arith.constant 16 : i32
      %parallel_loop3A_405 = vector.broadcast %parallel_loop3A_404 : i32 to vector<16xi32>
      %parallel_loop3A_406 = arith.shli %parallel_loop3A_402, %parallel_loop3A_405 : vector<16xi32>
      %parallel_loop3A_407 = vector.bitcast %parallel_loop3A_406 : vector<16xi32> to vector<16xf32>
      %parallel_loop3A_408 = arith.mulf %parallel_loop3A_391, %parallel_loop3A_403 : vector<16xf32>
      %parallel_loop3A_409 = arith.addf %parallel_loop3A_408, %parallel_loop3A_407 : vector<16xf32>
      %parallel_loop3A_410 = arith.index_cast %parallel_loop3A_384 : i32 to index
      %parallel_loop3A_411 = arith.index_cast %parallel_loop3A_388 : i32 to index
      %parallel_loop3A_412 = tpu.vector_load %arg11[%parallel_loop3A_410, %parallel_loop3A_411] {strides = array<i32>} : memref<16x2048xf32, #tpu.memory_space<vmem>>, vector<16xf32>,
      tpu.vector_store %arg11[%parallel_loop3A_410, %parallel_loop3A_411], %parallel_loop3A_409 {strides = array<i32>} : memref<16x2048xf32, #tpu.memory_space<vmem>>, vector<16xf32>,
    } {sc.loop_unroll_factor = 8 : i64, sc.parallel_access}
    %add3A_75 = arith.constant 32 : i32
    %add3A_76 = arith.addi %mul3A_2, %add3A_75 : i32
    %dma_start3A_77 = arith.constant 0 : i32
    %dma_start3A_78 = tpu.memref_slice %arg5[%add3A_76, %dma_start3A_77] : memref<8192x2048xf32, #tpu.memory_space<hbm>> -> memref<16x2048xf32, #tpu.memory_space<hbm>>
    %dma_start3A_79 = arith.constant 0 : i32
    %dma_start3A_80 = tpu.memref_slice %arg5[%add3A_76, %dma_start3A_79] : memref<8192x2048xf32, #tpu.memory_space<hbm>> -> memref<16x2048xf32, #tpu.memory_space<hbm>>
    tpu.enqueue_dma source(%arg11 : memref<16x2048xf32, #tpu.memory_space<vmem>>) target(%dma_start3A_80 : memref<16x2048xf32, #tpu.memory_space<hbm>>) target_semaphore(%arg17 : memref<!tpu.dma_semaphore, #tpu.memory_space<semaphore_mem>>)
    %dma_wait3A_81 = arith.constant 0 : i32
    %dma_wait3A_82 = tpu.memref_slice %arg5[%add3A_53, %dma_wait3A_81] : memref<8192x2048xf32, #tpu.memory_space<hbm>> -> memref<16x2048xf32, #tpu.memory_space<hbm>>
    %dma_wait3A_83 = arith.constant 0 : i32
    %dma_wait3A_84 = tpu.memref_slice %arg5[%add3A_53, %dma_wait3A_83] : memref<8192x2048xf32, #tpu.memory_space<hbm>> -> memref<16x2048xf32, #tpu.memory_space<hbm>>
    tpu.wait_dma2 semaphore(%arg16 : memref<!tpu.dma_semaphore, #tpu.memory_space<semaphore_mem>>) src(%arg10 : memref<16x2048xf32, #tpu.memory_space<vmem>>) dst(%dma_wait3A_84 : memref<16x2048xf32, #tpu.memory_space<hbm>>)
    %add3A_85 = arith.constant 64 : i32
    %add3A_86 = arith.addi %mul3A_2, %add3A_85 : i32
    %dma_start3A_87 = arith.constant 0 : i32
    %dma_start3A_88 = tpu.memref_slice %arg2[%add3A_86, %dma_start3A_87] : memref<8192x2048xf32, #tpu.memory_space<hbm>> -> memref<16x2048xf32, #tpu.memory_space<hbm>>
    %dma_start3A_89 = arith.constant 0 : i32
    %dma_start3A_90 = tpu.memref_slice %arg2[%add3A_86, %dma_start3A_89] : memref<8192x2048xf32, #tpu.memory_space<hbm>> -> memref<16x2048xf32, #tpu.memory_space<hbm>>
    tpu.enqueue_dma source(%dma_start3A_90 : memref<16x2048xf32, #tpu.memory_space<hbm>>) target(%arg10 : memref<16x2048xf32, #tpu.memory_space<vmem>>) target_semaphore(%arg13 : memref<!tpu.dma_semaphore, #tpu.memory_space<semaphore_mem>>)
    %dma_wait3A_91 = arith.constant 0 : i32
    %dma_wait3A_92 = tpu.memref_slice %arg2[%add3A_63, %dma_wait3A_91] : memref<8192x2048xf32, #tpu.memory_space<hbm>> -> memref<16x2048xf32, #tpu.memory_space<hbm>>
    %dma_wait3A_93 = arith.constant 0 : i32
    %dma_wait3A_94 = tpu.memref_slice %arg2[%add3A_63, %dma_wait3A_93] : memref<8192x2048xf32, #tpu.memory_space<hbm>> -> memref<16x2048xf32, #tpu.memory_space<hbm>>
    tpu.wait_dma2 semaphore(%arg12 : memref<!tpu.dma_semaphore, #tpu.memory_space<semaphore_mem>>) src(%dma_wait3A_94 : memref<16x2048xf32, #tpu.memory_space<hbm>>) dst(%arg9 : memref<16x2048xf32, #tpu.memory_space<vmem>>)
    %parallel_loop3A_95 = arith.constant 0 : i32
    %parallel_loop3A_96 = arith.constant 2048 : i32
    %parallel_loop3A_97 = arith.constant 1 : i32
    scf.for %parallel_loop3A_382 = %parallel_loop3A_95 to %parallel_loop3A_96 step %parallel_loop3A_97  : i32 {
      %parallel_loop3A_383 = arith.constant 7 : i32
      %parallel_loop3A_384 = arith.shrsi %parallel_loop3A_382, %parallel_loop3A_383 : i32
      %parallel_loop3A_385 = arith.constant 127 : i32
      %parallel_loop3A_386 = arith.andi %parallel_loop3A_382, %parallel_loop3A_385 : i32
      %parallel_loop3A_387 = arith.constant 16 : i32
      %parallel_loop3A_388 = arith.muli %parallel_loop3A_386, %parallel_loop3A_387 : i32
      %parallel_loop3A_389 = arith.index_cast %parallel_loop3A_384 : i32 to index
      %parallel_loop3A_390 = arith.index_cast %parallel_loop3A_388 : i32 to index
      %parallel_loop3A_391 = tpu.vector_load %arg9[%parallel_loop3A_389, %parallel_loop3A_390] {strides = array<i32>} : memref<16x2048xf32, #tpu.memory_space<vmem>>, vector<16xf32>,
      %parallel_loop3A_392 = arith.constant 127.875122 : f32
      %parallel_loop3A_393 = vector.broadcast %parallel_loop3A_392 : f32 to vector<16xf32>
      %parallel_loop3A_394 = arith.mulf %parallel_loop3A_391, %parallel_loop3A_393 : vector<16xf32>
      %parallel_loop3A_395 = arith.constant 0.000000e+00 : f32
      %parallel_loop3A_396 = vector.broadcast %parallel_loop3A_395 : f32 to vector<16xf32>
      %parallel_loop3A_397 = arith.maximumf %parallel_loop3A_394, %parallel_loop3A_396 : vector<16xf32>
      %parallel_loop3A_398 = arith.constant 5.120000e+02 : f32
      %parallel_loop3A_399 = vector.broadcast %parallel_loop3A_398 : f32 to vector<16xf32>
      %parallel_loop3A_400 = arith.minimumf %parallel_loop3A_397, %parallel_loop3A_399 : vector<16xf32>
      %parallel_loop3A_401 = arith.fptosi %parallel_loop3A_400 : vector<16xf32> to vector<16xi32>
      %parallel_loop3A_402 = tpu.vector_load_idx %arg8[%parallel_loop3A_401] : memref<528xi32, #tpu.memory_space<vmem>>[vector<16xi32>], vector<16xi32>,
      %parallel_loop3A_403 = vector.bitcast %parallel_loop3A_402 : vector<16xi32> to vector<16xf32>
      %parallel_loop3A_404 = arith.constant 16 : i32
      %parallel_loop3A_405 = vector.broadcast %parallel_loop3A_404 : i32 to vector<16xi32>
      %parallel_loop3A_406 = arith.shli %parallel_loop3A_402, %parallel_loop3A_405 : vector<16xi32>
      %parallel_loop3A_407 = vector.bitcast %parallel_loop3A_406 : vector<16xi32> to vector<16xf32>
      %parallel_loop3A_408 = arith.mulf %parallel_loop3A_391, %parallel_loop3A_403 : vector<16xf32>
      %parallel_loop3A_409 = arith.addf %parallel_loop3A_408, %parallel_loop3A_407 : vector<16xf32>
      %parallel_loop3A_410 = arith.index_cast %parallel_loop3A_384 : i32 to index
      %parallel_loop3A_411 = arith.index_cast %parallel_loop3A_388 : i32 to index
      %parallel_loop3A_412 = tpu.vector_load %arg9[%parallel_loop3A_410, %parallel_loop3A_411] {strides = array<i32>} : memref<16x2048xf32, #tpu.memory_space<vmem>>, vector<16xf32>,
      tpu.vector_store %arg9[%parallel_loop3A_410, %parallel_loop3A_411], %parallel_loop3A_409 {strides = array<i32>} : memref<16x2048xf32, #tpu.memory_space<vmem>>, vector<16xf32>,
    } {sc.loop_unroll_factor = 8 : i64, sc.parallel_access}
    %add3A_98 = arith.constant 48 : i32
    %add3A_99 = arith.addi %mul3A_2, %add3A_98 : i32
    %dma_start3A_100 = arith.constant 0 : i32
    %dma_start3A_101 = tpu.memref_slice %arg5[%add3A_99, %dma_start3A_100] : memref<8192x2048xf32, #tpu.memory_space<hbm>> -> memref<16x2048xf32, #tpu.memory_space<hbm>>
    %dma_start3A_102 = arith.constant 0 : i32
    %dma_start3A_103 = tpu.memref_slice %arg5[%add3A_99, %dma_start3A_102] : memref<8192x2048xf32, #tpu.memory_space<hbm>> -> memref<16x2048xf32, #tpu.memory_space<hbm>>
    tpu.enqueue_dma source(%arg9 : memref<16x2048xf32, #tpu.memory_space<vmem>>) target(%dma_start3A_103 : memref<16x2048xf32, #tpu.memory_space<hbm>>) target_semaphore(%arg15 : memref<!tpu.dma_semaphore, #tpu.memory_space<semaphore_mem>>)
    %dma_wait3A_104 = arith.constant 0 : i32
    %dma_wait3A_105 = tpu.memref_slice %arg5[%add3A_76, %dma_wait3A_104] : memref<8192x2048xf32, #tpu.memory_space<hbm>> -> memref<16x2048xf32, #tpu.memory_space<hbm>>
    %dma_wait3A_106 = arith.constant 0 : i32
    %dma_wait3A_107 = tpu.memref_slice %arg5[%add3A_76, %dma_wait3A_106] : memref<8192x2048xf32, #tpu.memory_space<hbm>> -> memref<16x2048xf32, #tpu.memory_space<hbm>>
    tpu.wait_dma2 semaphore(%arg17 : memref<!tpu.dma_semaphore, #tpu.memory_space<semaphore_mem>>) src(%arg11 : memref<16x2048xf32, #tpu.memory_space<vmem>>) dst(%dma_wait3A_107 : memref<16x2048xf32, #tpu.memory_space<hbm>>)
    %add3A_108 = arith.constant 80 : i32
    %add3A_109 = arith.addi %mul3A_2, %add3A_108 : i32
    %dma_start3A_110 = arith.constant 0 : i32
    %dma_start3A_111 = tpu.memref_slice %arg2[%add3A_109, %dma_start3A_110] : memref<8192x2048xf32, #tpu.memory_space<hbm>> -> memref<16x2048xf32, #tpu.memory_space<hbm>>
    %dma_start3A_112 = arith.constant 0 : i32
    %dma_start3A_113 = tpu.memref_slice %arg2[%add3A_109, %dma_start3A_112] : memref<8192x2048xf32, #tpu.memory_space<hbm>> -> memref<16x2048xf32, #tpu.memory_space<hbm>>
    tpu.enqueue_dma source(%dma_start3A_113 : memref<16x2048xf32, #tpu.memory_space<hbm>>) target(%arg11 : memref<16x2048xf32, #tpu.memory_space<vmem>>) target_semaphore(%arg14 : memref<!tpu.dma_semaphore, #tpu.memory_space<semaphore_mem>>)
    %dma_wait3A_114 = arith.constant 0 : i32
    %dma_wait3A_115 = tpu.memref_slice %arg2[%add3A_86, %dma_wait3A_114] : memref<8192x2048xf32, #tpu.memory_space<hbm>> -> memref<16x2048xf32, #tpu.memory_space<hbm>>
    %dma_wait3A_116 = arith.constant 0 : i32
    %dma_wait3A_117 = tpu.memref_slice %arg2[%add3A_86, %dma_wait3A_116] : memref<8192x2048xf32, #tpu.memory_space<hbm>> -> memref<16x2048xf32, #tpu.memory_space<hbm>>
    tpu.wait_dma2 semaphore(%arg13 : memref<!tpu.dma_semaphore, #tpu.memory_space<semaphore_mem>>) src(%dma_wait3A_117 : memref<16x2048xf32, #tpu.memory_space<hbm>>) dst(%arg10 : memref<16x2048xf32, #tpu.memory_space<vmem>>)
    %parallel_loop3A_118 = arith.constant 0 : i32
    %parallel_loop3A_119 = arith.constant 2048 : i32
    %parallel_loop3A_120 = arith.constant 1 : i32
    scf.for %parallel_loop3A_382 = %parallel_loop3A_118 to %parallel_loop3A_119 step %parallel_loop3A_120  : i32 {
      %parallel_loop3A_383 = arith.constant 7 : i32
      %parallel_loop3A_384 = arith.shrsi %parallel_loop3A_382, %parallel_loop3A_383 : i32
      %parallel_loop3A_385 = arith.constant 127 : i32
      %parallel_loop3A_386 = arith.andi %parallel_loop3A_382, %parallel_loop3A_385 : i32
      %parallel_loop3A_387 = arith.constant 16 : i32
      %parallel_loop3A_388 = arith.muli %parallel_loop3A_386, %parallel_loop3A_387 : i32
      %parallel_loop3A_389 = arith.index_cast %parallel_loop3A_384 : i32 to index
      %parallel_loop3A_390 = arith.index_cast %parallel_loop3A_388 : i32 to index
      %parallel_loop3A_391 = tpu.vector_load %arg10[%parallel_loop3A_389, %parallel_loop3A_390] {strides = array<i32>} : memref<16x2048xf32, #tpu.memory_space<vmem>>, vector<16xf32>,
      %parallel_loop3A_392 = arith.constant 127.875122 : f32
      %parallel_loop3A_393 = vector.broadcast %parallel_loop3A_392 : f32 to vector<16xf32>
      %parallel_loop3A_394 = arith.mulf %parallel_loop3A_391, %parallel_loop3A_393 : vector<16xf32>
      %parallel_loop3A_395 = arith.constant 0.000000e+00 : f32
      %parallel_loop3A_396 = vector.broadcast %parallel_loop3A_395 : f32 to vector<16xf32>
      %parallel_loop3A_397 = arith.maximumf %parallel_loop3A_394, %parallel_loop3A_396 : vector<16xf32>
      %parallel_loop3A_398 = arith.constant 5.120000e+02 : f32
      %parallel_loop3A_399 = vector.broadcast %parallel_loop3A_398 : f32 to vector<16xf32>
      %parallel_loop3A_400 = arith.minimumf %parallel_loop3A_397, %parallel_loop3A_399 : vector<16xf32>
      %parallel_loop3A_401 = arith.fptosi %parallel_loop3A_400 : vector<16xf32> to vector<16xi32>
      %parallel_loop3A_402 = tpu.vector_load_idx %arg8[%parallel_loop3A_401] : memref<528xi32, #tpu.memory_space<vmem>>[vector<16xi32>], vector<16xi32>,
      %parallel_loop3A_403 = vector.bitcast %parallel_loop3A_402 : vector<16xi32> to vector<16xf32>
      %parallel_loop3A_404 = arith.constant 16 : i32
      %parallel_loop3A_405 = vector.broadcast %parallel_loop3A_404 : i32 to vector<16xi32>
      %parallel_loop3A_406 = arith.shli %parallel_loop3A_402, %parallel_loop3A_405 : vector<16xi32>
      %parallel_loop3A_407 = vector.bitcast %parallel_loop3A_406 : vector<16xi32> to vector<16xf32>
      %parallel_loop3A_408 = arith.mulf %parallel_loop3A_391, %parallel_loop3A_403 : vector<16xf32>
      %parallel_loop3A_409 = arith.addf %parallel_loop3A_408, %parallel_loop3A_407 : vector<16xf32>
      %parallel_loop3A_410 = arith.index_cast %parallel_loop3A_384 : i32 to index
      %parallel_loop3A_411 = arith.index_cast %parallel_loop3A_388 : i32 to index
      %parallel_loop3A_412 = tpu.vector_load %arg10[%parallel_loop3A_410, %parallel_loop3A_411] {strides = array<i32>} : memref<16x2048xf32, #tpu.memory_space<vmem>>, vector<16xf32>,
      tpu.vector_store %arg10[%parallel_loop3A_410, %parallel_loop3A_411], %parallel_loop3A_409 {strides = array<i32>} : memref<16x2048xf32, #tpu.memory_space<vmem>>, vector<16xf32>,
    } {sc.loop_unroll_factor = 8 : i64, sc.parallel_access}
    %add3A_121 = arith.constant 64 : i32
    %add3A_122 = arith.addi %mul3A_2, %add3A_121 : i32
    %dma_start3A_123 = arith.constant 0 : i32
    %dma_start3A_124 = tpu.memref_slice %arg5[%add3A_122, %dma_start3A_123] : memref<8192x2048xf32, #tpu.memory_space<hbm>> -> memref<16x2048xf32, #tpu.memory_space<hbm>>
    %dma_start3A_125 = arith.constant 0 : i32
    %dma_start3A_126 = tpu.memref_slice %arg5[%add3A_122, %dma_start3A_125] : memref<8192x2048xf32, #tpu.memory_space<hbm>> -> memref<16x2048xf32, #tpu.memory_space<hbm>>
    tpu.enqueue_dma source(%arg10 : memref<16x2048xf32, #tpu.memory_space<vmem>>) target(%dma_start3A_126 : memref<16x2048xf32, #tpu.memory_space<hbm>>) target_semaphore(%arg16 : memref<!tpu.dma_semaphore, #tpu.memory_space<semaphore_mem>>)
    %dma_wait3A_127 = arith.constant 0 : i32
    %dma_wait3A_128 = tpu.memref_slice %arg5[%add3A_99, %dma_wait3A_127] : memref<8192x2048xf32, #tpu.memory_space<hbm>> -> memref<16x2048xf32, #tpu.memory_space<hbm>>
    %dma_wait3A_129 = arith.constant 0 : i32
    %dma_wait3A_130 = tpu.memref_slice %arg5[%add3A_99, %dma_wait3A_129] : memref<8192x2048xf32, #tpu.memory_space<hbm>> -> memref<16x2048xf32, #tpu.memory_space<hbm>>
    tpu.wait_dma2 semaphore(%arg15 : memref<!tpu.dma_semaphore, #tpu.memory_space<semaphore_mem>>) src(%arg9 : memref<16x2048xf32, #tpu.memory_space<vmem>>) dst(%dma_wait3A_130 : memref<16x2048xf32, #tpu.memory_space<hbm>>)
    %add3A_131 = arith.constant 96 : i32
    %add3A_132 = arith.addi %mul3A_2, %add3A_131 : i32
    %dma_start3A_133 = arith.constant 0 : i32
    %dma_start3A_134 = tpu.memref_slice %arg2[%add3A_132, %dma_start3A_133] : memref<8192x2048xf32, #tpu.memory_space<hbm>> -> memref<16x2048xf32, #tpu.memory_space<hbm>>
    %dma_start3A_135 = arith.constant 0 : i32
    %dma_start3A_136 = tpu.memref_slice %arg2[%add3A_132, %dma_start3A_135] : memref<8192x2048xf32, #tpu.memory_space<hbm>> -> memref<16x2048xf32, #tpu.memory_space<hbm>>
    tpu.enqueue_dma source(%dma_start3A_136 : memref<16x2048xf32, #tpu.memory_space<hbm>>) target(%arg9 : memref<16x2048xf32, #tpu.memory_space<vmem>>) target_semaphore(%arg12 : memref<!tpu.dma_semaphore, #tpu.memory_space<semaphore_mem>>)
    %dma_wait3A_137 = arith.constant 0 : i32
    %dma_wait3A_138 = tpu.memref_slice %arg2[%add3A_109, %dma_wait3A_137] : memref<8192x2048xf32, #tpu.memory_space<hbm>> -> memref<16x2048xf32, #tpu.memory_space<hbm>>
    %dma_wait3A_139 = arith.constant 0 : i32
    %dma_wait3A_140 = tpu.memref_slice %arg2[%add3A_109, %dma_wait3A_139] : memref<8192x2048xf32, #tpu.memory_space<hbm>> -> memref<16x2048xf32, #tpu.memory_space<hbm>>
    tpu.wait_dma2 semaphore(%arg14 : memref<!tpu.dma_semaphore, #tpu.memory_space<semaphore_mem>>) src(%dma_wait3A_140 : memref<16x2048xf32, #tpu.memory_space<hbm>>) dst(%arg11 : memref<16x2048xf32, #tpu.memory_space<vmem>>)
    %parallel_loop3A_141 = arith.constant 0 : i32
    %parallel_loop3A_142 = arith.constant 2048 : i32
    %parallel_loop3A_143 = arith.constant 1 : i32
    scf.for %parallel_loop3A_382 = %parallel_loop3A_141 to %parallel_loop3A_142 step %parallel_loop3A_143  : i32 {
      %parallel_loop3A_383 = arith.constant 7 : i32
      %parallel_loop3A_384 = arith.shrsi %parallel_loop3A_382, %parallel_loop3A_383 : i32
      %parallel_loop3A_385 = arith.constant 127 : i32
      %parallel_loop3A_386 = arith.andi %parallel_loop3A_382, %parallel_loop3A_385 : i32
      %parallel_loop3A_387 = arith.constant 16 : i32
      %parallel_loop3A_388 = arith.muli %parallel_loop3A_386, %parallel_loop3A_387 : i32
      %parallel_loop3A_389 = arith.index_cast %parallel_loop3A_384 : i32 to index
      %parallel_loop3A_390 = arith.index_cast %parallel_loop3A_388 : i32 to index
      %parallel_loop3A_391 = tpu.vector_load %arg11[%parallel_loop3A_389, %parallel_loop3A_390] {strides = array<i32>} : memref<16x2048xf32, #tpu.memory_space<vmem>>, vector<16xf32>,
      %parallel_loop3A_392 = arith.constant 127.875122 : f32
      %parallel_loop3A_393 = vector.broadcast %parallel_loop3A_392 : f32 to vector<16xf32>
      %parallel_loop3A_394 = arith.mulf %parallel_loop3A_391, %parallel_loop3A_393 : vector<16xf32>
      %parallel_loop3A_395 = arith.constant 0.000000e+00 : f32
      %parallel_loop3A_396 = vector.broadcast %parallel_loop3A_395 : f32 to vector<16xf32>
      %parallel_loop3A_397 = arith.maximumf %parallel_loop3A_394, %parallel_loop3A_396 : vector<16xf32>
      %parallel_loop3A_398 = arith.constant 5.120000e+02 : f32
      %parallel_loop3A_399 = vector.broadcast %parallel_loop3A_398 : f32 to vector<16xf32>
      %parallel_loop3A_400 = arith.minimumf %parallel_loop3A_397, %parallel_loop3A_399 : vector<16xf32>
      %parallel_loop3A_401 = arith.fptosi %parallel_loop3A_400 : vector<16xf32> to vector<16xi32>
      %parallel_loop3A_402 = tpu.vector_load_idx %arg8[%parallel_loop3A_401] : memref<528xi32, #tpu.memory_space<vmem>>[vector<16xi32>], vector<16xi32>,
      %parallel_loop3A_403 = vector.bitcast %parallel_loop3A_402 : vector<16xi32> to vector<16xf32>
      %parallel_loop3A_404 = arith.constant 16 : i32
      %parallel_loop3A_405 = vector.broadcast %parallel_loop3A_404 : i32 to vector<16xi32>
      %parallel_loop3A_406 = arith.shli %parallel_loop3A_402, %parallel_loop3A_405 : vector<16xi32>
      %parallel_loop3A_407 = vector.bitcast %parallel_loop3A_406 : vector<16xi32> to vector<16xf32>
      %parallel_loop3A_408 = arith.mulf %parallel_loop3A_391, %parallel_loop3A_403 : vector<16xf32>
      %parallel_loop3A_409 = arith.addf %parallel_loop3A_408, %parallel_loop3A_407 : vector<16xf32>
      %parallel_loop3A_410 = arith.index_cast %parallel_loop3A_384 : i32 to index
      %parallel_loop3A_411 = arith.index_cast %parallel_loop3A_388 : i32 to index
      %parallel_loop3A_412 = tpu.vector_load %arg11[%parallel_loop3A_410, %parallel_loop3A_411] {strides = array<i32>} : memref<16x2048xf32, #tpu.memory_space<vmem>>, vector<16xf32>,
      tpu.vector_store %arg11[%parallel_loop3A_410, %parallel_loop3A_411], %parallel_loop3A_409 {strides = array<i32>} : memref<16x2048xf32, #tpu.memory_space<vmem>>, vector<16xf32>,
    } {sc.loop_unroll_factor = 8 : i64, sc.parallel_access}
    %add3A_144 = arith.constant 80 : i32
    %add3A_145 = arith.addi %mul3A_2, %add3A_144 : i32
    %dma_start3A_146 = arith.constant 0 : i32
    %dma_start3A_147 = tpu.memref_slice %arg5[%add3A_145, %dma_start3A_146] : memref<8192x2048xf32, #tpu.memory_space<hbm>> -> memref<16x2048xf32, #tpu.memory_space<hbm>>
    %dma_start3A_148 = arith.constant 0 : i32
    %dma_start3A_149 = tpu.memref_slice %arg5[%add3A_145, %dma_start3A_148] : memref<8192x2048xf32, #tpu.memory_space<hbm>> -> memref<16x2048xf32, #tpu.memory_space<hbm>>
    tpu.enqueue_dma source(%arg11 : memref<16x2048xf32, #tpu.memory_space<vmem>>) target(%dma_start3A_149 : memref<16x2048xf32, #tpu.memory_space<hbm>>) target_semaphore(%arg17 : memref<!tpu.dma_semaphore, #tpu.memory_space<semaphore_mem>>)
    %dma_wait3A_150 = arith.constant 0 : i32
    %dma_wait3A_151 = tpu.memref_slice %arg5[%add3A_122, %dma_wait3A_150] : memref<8192x2048xf32, #tpu.memory_space<hbm>> -> memref<16x2048xf32, #tpu.memory_space<hbm>>
    %dma_wait3A_152 = arith.constant 0 : i32
    %dma_wait3A_153 = tpu.memref_slice %arg5[%add3A_122, %dma_wait3A_152] : memref<8192x2048xf32, #tpu.memory_space<hbm>> -> memref<16x2048xf32, #tpu.memory_space<hbm>>
    tpu.wait_dma2 semaphore(%arg16 : memref<!tpu.dma_semaphore, #tpu.memory_space<semaphore_mem>>) src(%arg10 : memref<16x2048xf32, #tpu.memory_space<vmem>>) dst(%dma_wait3A_153 : memref<16x2048xf32, #tpu.memory_space<hbm>>)
    %add3A_154 = arith.constant 112 : i32
    %add3A_155 = arith.addi %mul3A_2, %add3A_154 : i32
    %dma_start3A_156 = arith.constant 0 : i32
    %dma_start3A_157 = tpu.memref_slice %arg2[%add3A_155, %dma_start3A_156] : memref<8192x2048xf32, #tpu.memory_space<hbm>> -> memref<16x2048xf32, #tpu.memory_space<hbm>>
    %dma_start3A_158 = arith.constant 0 : i32
    %dma_start3A_159 = tpu.memref_slice %arg2[%add3A_155, %dma_start3A_158] : memref<8192x2048xf32, #tpu.memory_space<hbm>> -> memref<16x2048xf32, #tpu.memory_space<hbm>>
    tpu.enqueue_dma source(%dma_start3A_159 : memref<16x2048xf32, #tpu.memory_space<hbm>>) target(%arg10 : memref<16x2048xf32, #tpu.memory_space<vmem>>) target_semaphore(%arg13 : memref<!tpu.dma_semaphore, #tpu.memory_space<semaphore_mem>>)
    %dma_wait3A_160 = arith.constant 0 : i32
    %dma_wait3A_161 = tpu.memref_slice %arg2[%add3A_132, %dma_wait3A_160] : memref<8192x2048xf32, #tpu.memory_space<hbm>> -> memref<16x2048xf32, #tpu.memory_space<hbm>>
    %dma_wait3A_162 = arith.constant 0 : i32
    %dma_wait3A_163 = tpu.memref_slice %arg2[%add3A_132, %dma_wait3A_162] : memref<8192x2048xf32, #tpu.memory_space<hbm>> -> memref<16x2048xf32, #tpu.memory_space<hbm>>
    tpu.wait_dma2 semaphore(%arg12 : memref<!tpu.dma_semaphore, #tpu.memory_space<semaphore_mem>>) src(%dma_wait3A_163 : memref<16x2048xf32, #tpu.memory_space<hbm>>) dst(%arg9 : memref<16x2048xf32, #tpu.memory_space<vmem>>)
    %parallel_loop3A_164 = arith.constant 0 : i32
    %parallel_loop3A_165 = arith.constant 2048 : i32
    %parallel_loop3A_166 = arith.constant 1 : i32
    scf.for %parallel_loop3A_382 = %parallel_loop3A_164 to %parallel_loop3A_165 step %parallel_loop3A_166  : i32 {
      %parallel_loop3A_383 = arith.constant 7 : i32
      %parallel_loop3A_384 = arith.shrsi %parallel_loop3A_382, %parallel_loop3A_383 : i32
      %parallel_loop3A_385 = arith.constant 127 : i32
      %parallel_loop3A_386 = arith.andi %parallel_loop3A_382, %parallel_loop3A_385 : i32
      %parallel_loop3A_387 = arith.constant 16 : i32
      %parallel_loop3A_388 = arith.muli %parallel_loop3A_386, %parallel_loop3A_387 : i32
      %parallel_loop3A_389 = arith.index_cast %parallel_loop3A_384 : i32 to index
      %parallel_loop3A_390 = arith.index_cast %parallel_loop3A_388 : i32 to index
      %parallel_loop3A_391 = tpu.vector_load %arg9[%parallel_loop3A_389, %parallel_loop3A_390] {strides = array<i32>} : memref<16x2048xf32, #tpu.memory_space<vmem>>, vector<16xf32>,
      %parallel_loop3A_392 = arith.constant 127.875122 : f32
      %parallel_loop3A_393 = vector.broadcast %parallel_loop3A_392 : f32 to vector<16xf32>
      %parallel_loop3A_394 = arith.mulf %parallel_loop3A_391, %parallel_loop3A_393 : vector<16xf32>
      %parallel_loop3A_395 = arith.constant 0.000000e+00 : f32
      %parallel_loop3A_396 = vector.broadcast %parallel_loop3A_395 : f32 to vector<16xf32>
      %parallel_loop3A_397 = arith.maximumf %parallel_loop3A_394, %parallel_loop3A_396 : vector<16xf32>
      %parallel_loop3A_398 = arith.constant 5.120000e+02 : f32
      %parallel_loop3A_399 = vector.broadcast %parallel_loop3A_398 : f32 to vector<16xf32>
      %parallel_loop3A_400 = arith.minimumf %parallel_loop3A_397, %parallel_loop3A_399 : vector<16xf32>
      %parallel_loop3A_401 = arith.fptosi %parallel_loop3A_400 : vector<16xf32> to vector<16xi32>
      %parallel_loop3A_402 = tpu.vector_load_idx %arg8[%parallel_loop3A_401] : memref<528xi32, #tpu.memory_space<vmem>>[vector<16xi32>], vector<16xi32>,
      %parallel_loop3A_403 = vector.bitcast %parallel_loop3A_402 : vector<16xi32> to vector<16xf32>
      %parallel_loop3A_404 = arith.constant 16 : i32
      %parallel_loop3A_405 = vector.broadcast %parallel_loop3A_404 : i32 to vector<16xi32>
      %parallel_loop3A_406 = arith.shli %parallel_loop3A_402, %parallel_loop3A_405 : vector<16xi32>
      %parallel_loop3A_407 = vector.bitcast %parallel_loop3A_406 : vector<16xi32> to vector<16xf32>
      %parallel_loop3A_408 = arith.mulf %parallel_loop3A_391, %parallel_loop3A_403 : vector<16xf32>
      %parallel_loop3A_409 = arith.addf %parallel_loop3A_408, %parallel_loop3A_407 : vector<16xf32>
      %parallel_loop3A_410 = arith.index_cast %parallel_loop3A_384 : i32 to index
      %parallel_loop3A_411 = arith.index_cast %parallel_loop3A_388 : i32 to index
      %parallel_loop3A_412 = tpu.vector_load %arg9[%parallel_loop3A_410, %parallel_loop3A_411] {strides = array<i32>} : memref<16x2048xf32, #tpu.memory_space<vmem>>, vector<16xf32>,
      tpu.vector_store %arg9[%parallel_loop3A_410, %parallel_loop3A_411], %parallel_loop3A_409 {strides = array<i32>} : memref<16x2048xf32, #tpu.memory_space<vmem>>, vector<16xf32>,
    } {sc.loop_unroll_factor = 8 : i64, sc.parallel_access}
    %add3A_167 = arith.constant 96 : i32
    %add3A_168 = arith.addi %mul3A_2, %add3A_167 : i32
    %dma_start3A_169 = arith.constant 0 : i32
    %dma_start3A_170 = tpu.memref_slice %arg5[%add3A_168, %dma_start3A_169] : memref<8192x2048xf32, #tpu.memory_space<hbm>> -> memref<16x2048xf32, #tpu.memory_space<hbm>>
    %dma_start3A_171 = arith.constant 0 : i32
    %dma_start3A_172 = tpu.memref_slice %arg5[%add3A_168, %dma_start3A_171] : memref<8192x2048xf32, #tpu.memory_space<hbm>> -> memref<16x2048xf32, #tpu.memory_space<hbm>>
    tpu.enqueue_dma source(%arg9 : memref<16x2048xf32, #tpu.memory_space<vmem>>) target(%dma_start3A_172 : memref<16x2048xf32, #tpu.memory_space<hbm>>) target_semaphore(%arg15 : memref<!tpu.dma_semaphore, #tpu.memory_space<semaphore_mem>>)
    %dma_wait3A_173 = arith.constant 0 : i32
    %dma_wait3A_174 = tpu.memref_slice %arg5[%add3A_145, %dma_wait3A_173] : memref<8192x2048xf32, #tpu.memory_space<hbm>> -> memref<16x2048xf32, #tpu.memory_space<hbm>>
    %dma_wait3A_175 = arith.constant 0 : i32
    %dma_wait3A_176 = tpu.memref_slice %arg5[%add3A_145, %dma_wait3A_175] : memref<8192x2048xf32, #tpu.memory_space<hbm>> -> memref<16x2048xf32, #tpu.memory_space<hbm>>
    tpu.wait_dma2 semaphore(%arg17 : memref<!tpu.dma_semaphore, #tpu.memory_space<semaphore_mem>>) src(%arg11 : memref<16x2048xf32, #tpu.memory_space<vmem>>) dst(%dma_wait3A_176 : memref<16x2048xf32, #tpu.memory_space<hbm>>)
    %add3A_177 = arith.constant 128 : i32
    %add3A_178 = arith.addi %mul3A_2, %add3A_177 : i32
    %dma_start3A_179 = arith.constant 0 : i32
    %dma_start3A_180 = tpu.memref_slice %arg2[%add3A_178, %dma_start3A_179] : memref<8192x2048xf32, #tpu.memory_space<hbm>> -> memref<16x2048xf32, #tpu.memory_space<hbm>>
    %dma_start3A_181 = arith.constant 0 : i32
    %dma_start3A_182 = tpu.memref_slice %arg2[%add3A_178, %dma_start3A_181] : memref<8192x2048xf32, #tpu.memory_space<hbm>> -> memref<16x2048xf32, #tpu.memory_space<hbm>>
    tpu.enqueue_dma source(%dma_start3A_182 : memref<16x2048xf32, #tpu.memory_space<hbm>>) target(%arg11 : memref<16x2048xf32, #tpu.memory_space<vmem>>) target_semaphore(%arg14 : memref<!tpu.dma_semaphore, #tpu.memory_space<semaphore_mem>>)
    %dma_wait3A_183 = arith.constant 0 : i32
    %dma_wait3A_184 = tpu.memref_slice %arg2[%add3A_155, %dma_wait3A_183] : memref<8192x2048xf32, #tpu.memory_space<hbm>> -> memref<16x2048xf32, #tpu.memory_space<hbm>>
    %dma_wait3A_185 = arith.constant 0 : i32
    %dma_wait3A_186 = tpu.memref_slice %arg2[%add3A_155, %dma_wait3A_185] : memref<8192x2048xf32, #tpu.memory_space<hbm>> -> memref<16x2048xf32, #tpu.memory_space<hbm>>
    tpu.wait_dma2 semaphore(%arg13 : memref<!tpu.dma_semaphore, #tpu.memory_space<semaphore_mem>>) src(%dma_wait3A_186 : memref<16x2048xf32, #tpu.memory_space<hbm>>) dst(%arg10 : memref<16x2048xf32, #tpu.memory_space<vmem>>)
    %parallel_loop3A_187 = arith.constant 0 : i32
    %parallel_loop3A_188 = arith.constant 2048 : i32
    %parallel_loop3A_189 = arith.constant 1 : i32
    scf.for %parallel_loop3A_382 = %parallel_loop3A_187 to %parallel_loop3A_188 step %parallel_loop3A_189  : i32 {
      %parallel_loop3A_383 = arith.constant 7 : i32
      %parallel_loop3A_384 = arith.shrsi %parallel_loop3A_382, %parallel_loop3A_383 : i32
      %parallel_loop3A_385 = arith.constant 127 : i32
      %parallel_loop3A_386 = arith.andi %parallel_loop3A_382, %parallel_loop3A_385 : i32
      %parallel_loop3A_387 = arith.constant 16 : i32
      %parallel_loop3A_388 = arith.muli %parallel_loop3A_386, %parallel_loop3A_387 : i32
      %parallel_loop3A_389 = arith.index_cast %parallel_loop3A_384 : i32 to index
      %parallel_loop3A_390 = arith.index_cast %parallel_loop3A_388 : i32 to index
      %parallel_loop3A_391 = tpu.vector_load %arg10[%parallel_loop3A_389, %parallel_loop3A_390] {strides = array<i32>} : memref<16x2048xf32, #tpu.memory_space<vmem>>, vector<16xf32>,
      %parallel_loop3A_392 = arith.constant 127.875122 : f32
      %parallel_loop3A_393 = vector.broadcast %parallel_loop3A_392 : f32 to vector<16xf32>
      %parallel_loop3A_394 = arith.mulf %parallel_loop3A_391, %parallel_loop3A_393 : vector<16xf32>
      %parallel_loop3A_395 = arith.constant 0.000000e+00 : f32
      %parallel_loop3A_396 = vector.broadcast %parallel_loop3A_395 : f32 to vector<16xf32>
      %parallel_loop3A_397 = arith.maximumf %parallel_loop3A_394, %parallel_loop3A_396 : vector<16xf32>
      %parallel_loop3A_398 = arith.constant 5.120000e+02 : f32
      %parallel_loop3A_399 = vector.broadcast %parallel_loop3A_398 : f32 to vector<16xf32>
      %parallel_loop3A_400 = arith.minimumf %parallel_loop3A_397, %parallel_loop3A_399 : vector<16xf32>
      %parallel_loop3A_401 = arith.fptosi %parallel_loop3A_400 : vector<16xf32> to vector<16xi32>
      %parallel_loop3A_402 = tpu.vector_load_idx %arg8[%parallel_loop3A_401] : memref<528xi32, #tpu.memory_space<vmem>>[vector<16xi32>], vector<16xi32>,
      %parallel_loop3A_403 = vector.bitcast %parallel_loop3A_402 : vector<16xi32> to vector<16xf32>
      %parallel_loop3A_404 = arith.constant 16 : i32
      %parallel_loop3A_405 = vector.broadcast %parallel_loop3A_404 : i32 to vector<16xi32>
      %parallel_loop3A_406 = arith.shli %parallel_loop3A_402, %parallel_loop3A_405 : vector<16xi32>
      %parallel_loop3A_407 = vector.bitcast %parallel_loop3A_406 : vector<16xi32> to vector<16xf32>
      %parallel_loop3A_408 = arith.mulf %parallel_loop3A_391, %parallel_loop3A_403 : vector<16xf32>
      %parallel_loop3A_409 = arith.addf %parallel_loop3A_408, %parallel_loop3A_407 : vector<16xf32>
      %parallel_loop3A_410 = arith.index_cast %parallel_loop3A_384 : i32 to index
      %parallel_loop3A_411 = arith.index_cast %parallel_loop3A_388 : i32 to index
      %parallel_loop3A_412 = tpu.vector_load %arg10[%parallel_loop3A_410, %parallel_loop3A_411] {strides = array<i32>} : memref<16x2048xf32, #tpu.memory_space<vmem>>, vector<16xf32>,
      tpu.vector_store %arg10[%parallel_loop3A_410, %parallel_loop3A_411], %parallel_loop3A_409 {strides = array<i32>} : memref<16x2048xf32, #tpu.memory_space<vmem>>, vector<16xf32>,
    } {sc.loop_unroll_factor = 8 : i64, sc.parallel_access}
    %add3A_190 = arith.constant 112 : i32
    %add3A_191 = arith.addi %mul3A_2, %add3A_190 : i32
    %dma_start3A_192 = arith.constant 0 : i32
    %dma_start3A_193 = tpu.memref_slice %arg5[%add3A_191, %dma_start3A_192] : memref<8192x2048xf32, #tpu.memory_space<hbm>> -> memref<16x2048xf32, #tpu.memory_space<hbm>>
    %dma_start3A_194 = arith.constant 0 : i32
    %dma_start3A_195 = tpu.memref_slice %arg5[%add3A_191, %dma_start3A_194] : memref<8192x2048xf32, #tpu.memory_space<hbm>> -> memref<16x2048xf32, #tpu.memory_space<hbm>>
    tpu.enqueue_dma source(%arg10 : memref<16x2048xf32, #tpu.memory_space<vmem>>) target(%dma_start3A_195 : memref<16x2048xf32, #tpu.memory_space<hbm>>) target_semaphore(%arg16 : memref<!tpu.dma_semaphore, #tpu.memory_space<semaphore_mem>>)
    %dma_wait3A_196 = arith.constant 0 : i32
    %dma_wait3A_197 = tpu.memref_slice %arg5[%add3A_168, %dma_wait3A_196] : memref<8192x2048xf32, #tpu.memory_space<hbm>> -> memref<16x2048xf32, #tpu.memory_space<hbm>>
    %dma_wait3A_198 = arith.constant 0 : i32
    %dma_wait3A_199 = tpu.memref_slice %arg5[%add3A_168, %dma_wait3A_198] : memref<8192x2048xf32, #tpu.memory_space<hbm>> -> memref<16x2048xf32, #tpu.memory_space<hbm>>
    tpu.wait_dma2 semaphore(%arg15 : memref<!tpu.dma_semaphore, #tpu.memory_space<semaphore_mem>>) src(%arg9 : memref<16x2048xf32, #tpu.memory_space<vmem>>) dst(%dma_wait3A_199 : memref<16x2048xf32, #tpu.memory_space<hbm>>)
    %add3A_200 = arith.constant 144 : i32
    %add3A_201 = arith.addi %mul3A_2, %add3A_200 : i32
    %dma_start3A_202 = arith.constant 0 : i32
    %dma_start3A_203 = tpu.memref_slice %arg2[%add3A_201, %dma_start3A_202] : memref<8192x2048xf32, #tpu.memory_space<hbm>> -> memref<16x2048xf32, #tpu.memory_space<hbm>>
    %dma_start3A_204 = arith.constant 0 : i32
    %dma_start3A_205 = tpu.memref_slice %arg2[%add3A_201, %dma_start3A_204] : memref<8192x2048xf32, #tpu.memory_space<hbm>> -> memref<16x2048xf32, #tpu.memory_space<hbm>>
    tpu.enqueue_dma source(%dma_start3A_205 : memref<16x2048xf32, #tpu.memory_space<hbm>>) target(%arg9 : memref<16x2048xf32, #tpu.memory_space<vmem>>) target_semaphore(%arg12 : memref<!tpu.dma_semaphore, #tpu.memory_space<semaphore_mem>>)
    %dma_wait3A_206 = arith.constant 0 : i32
    %dma_wait3A_207 = tpu.memref_slice %arg2[%add3A_178, %dma_wait3A_206] : memref<8192x2048xf32, #tpu.memory_space<hbm>> -> memref<16x2048xf32, #tpu.memory_space<hbm>>
    %dma_wait3A_208 = arith.constant 0 : i32
    %dma_wait3A_209 = tpu.memref_slice %arg2[%add3A_178, %dma_wait3A_208] : memref<8192x2048xf32, #tpu.memory_space<hbm>> -> memref<16x2048xf32, #tpu.memory_space<hbm>>
    tpu.wait_dma2 semaphore(%arg14 : memref<!tpu.dma_semaphore, #tpu.memory_space<semaphore_mem>>) src(%dma_wait3A_209 : memref<16x2048xf32, #tpu.memory_space<hbm>>) dst(%arg11 : memref<16x2048xf32, #tpu.memory_space<vmem>>)
    %parallel_loop3A_210 = arith.constant 0 : i32
    %parallel_loop3A_211 = arith.constant 2048 : i32
    %parallel_loop3A_212 = arith.constant 1 : i32
    scf.for %parallel_loop3A_382 = %parallel_loop3A_210 to %parallel_loop3A_211 step %parallel_loop3A_212  : i32 {
      %parallel_loop3A_383 = arith.constant 7 : i32
      %parallel_loop3A_384 = arith.shrsi %parallel_loop3A_382, %parallel_loop3A_383 : i32
      %parallel_loop3A_385 = arith.constant 127 : i32
      %parallel_loop3A_386 = arith.andi %parallel_loop3A_382, %parallel_loop3A_385 : i32
      %parallel_loop3A_387 = arith.constant 16 : i32
      %parallel_loop3A_388 = arith.muli %parallel_loop3A_386, %parallel_loop3A_387 : i32
      %parallel_loop3A_389 = arith.index_cast %parallel_loop3A_384 : i32 to index
      %parallel_loop3A_390 = arith.index_cast %parallel_loop3A_388 : i32 to index
      %parallel_loop3A_391 = tpu.vector_load %arg11[%parallel_loop3A_389, %parallel_loop3A_390] {strides = array<i32>} : memref<16x2048xf32, #tpu.memory_space<vmem>>, vector<16xf32>,
      %parallel_loop3A_392 = arith.constant 127.875122 : f32
      %parallel_loop3A_393 = vector.broadcast %parallel_loop3A_392 : f32 to vector<16xf32>
      %parallel_loop3A_394 = arith.mulf %parallel_loop3A_391, %parallel_loop3A_393 : vector<16xf32>
      %parallel_loop3A_395 = arith.constant 0.000000e+00 : f32
      %parallel_loop3A_396 = vector.broadcast %parallel_loop3A_395 : f32 to vector<16xf32>
      %parallel_loop3A_397 = arith.maximumf %parallel_loop3A_394, %parallel_loop3A_396 : vector<16xf32>
      %parallel_loop3A_398 = arith.constant 5.120000e+02 : f32
      %parallel_loop3A_399 = vector.broadcast %parallel_loop3A_398 : f32 to vector<16xf32>
      %parallel_loop3A_400 = arith.minimumf %parallel_loop3A_397, %parallel_loop3A_399 : vector<16xf32>
      %parallel_loop3A_401 = arith.fptosi %parallel_loop3A_400 : vector<16xf32> to vector<16xi32>
      %parallel_loop3A_402 = tpu.vector_load_idx %arg8[%parallel_loop3A_401] : memref<528xi32, #tpu.memory_space<vmem>>[vector<16xi32>], vector<16xi32>,
      %parallel_loop3A_403 = vector.bitcast %parallel_loop3A_402 : vector<16xi32> to vector<16xf32>
      %parallel_loop3A_404 = arith.constant 16 : i32
      %parallel_loop3A_405 = vector.broadcast %parallel_loop3A_404 : i32 to vector<16xi32>
      %parallel_loop3A_406 = arith.shli %parallel_loop3A_402, %parallel_loop3A_405 : vector<16xi32>
      %parallel_loop3A_407 = vector.bitcast %parallel_loop3A_406 : vector<16xi32> to vector<16xf32>
      %parallel_loop3A_408 = arith.mulf %parallel_loop3A_391, %parallel_loop3A_403 : vector<16xf32>
      %parallel_loop3A_409 = arith.addf %parallel_loop3A_408, %parallel_loop3A_407 : vector<16xf32>
      %parallel_loop3A_410 = arith.index_cast %parallel_loop3A_384 : i32 to index
      %parallel_loop3A_411 = arith.index_cast %parallel_loop3A_388 : i32 to index
      %parallel_loop3A_412 = tpu.vector_load %arg11[%parallel_loop3A_410, %parallel_loop3A_411] {strides = array<i32>} : memref<16x2048xf32, #tpu.memory_space<vmem>>, vector<16xf32>,
      tpu.vector_store %arg11[%parallel_loop3A_410, %parallel_loop3A_411], %parallel_loop3A_409 {strides = array<i32>} : memref<16x2048xf32, #tpu.memory_space<vmem>>, vector<16xf32>,
    } {sc.loop_unroll_factor = 8 : i64, sc.parallel_access}
    %add3A_213 = arith.constant 128 : i32
    %add3A_214 = arith.addi %mul3A_2, %add3A_213 : i32
    %dma_start3A_215 = arith.constant 0 : i32
    %dma_start3A_216 = tpu.memref_slice %arg5[%add3A_214, %dma_start3A_215] : memref<8192x2048xf32, #tpu.memory_space<hbm>> -> memref<16x2048xf32, #tpu.memory_space<hbm>>
    %dma_start3A_217 = arith.constant 0 : i32
    %dma_start3A_218 = tpu.memref_slice %arg5[%add3A_214, %dma_start3A_217] : memref<8192x2048xf32, #tpu.memory_space<hbm>> -> memref<16x2048xf32, #tpu.memory_space<hbm>>
    tpu.enqueue_dma source(%arg11 : memref<16x2048xf32, #tpu.memory_space<vmem>>) target(%dma_start3A_218 : memref<16x2048xf32, #tpu.memory_space<hbm>>) target_semaphore(%arg17 : memref<!tpu.dma_semaphore, #tpu.memory_space<semaphore_mem>>)
    %dma_wait3A_219 = arith.constant 0 : i32
    %dma_wait3A_220 = tpu.memref_slice %arg5[%add3A_191, %dma_wait3A_219] : memref<8192x2048xf32, #tpu.memory_space<hbm>> -> memref<16x2048xf32, #tpu.memory_space<hbm>>
    %dma_wait3A_221 = arith.constant 0 : i32
    %dma_wait3A_222 = tpu.memref_slice %arg5[%add3A_191, %dma_wait3A_221] : memref<8192x2048xf32, #tpu.memory_space<hbm>> -> memref<16x2048xf32, #tpu.memory_space<hbm>>
    tpu.wait_dma2 semaphore(%arg16 : memref<!tpu.dma_semaphore, #tpu.memory_space<semaphore_mem>>) src(%arg10 : memref<16x2048xf32, #tpu.memory_space<vmem>>) dst(%dma_wait3A_222 : memref<16x2048xf32, #tpu.memory_space<hbm>>)
    %add3A_223 = arith.constant 160 : i32
    %add3A_224 = arith.addi %mul3A_2, %add3A_223 : i32
    %dma_start3A_225 = arith.constant 0 : i32
    %dma_start3A_226 = tpu.memref_slice %arg2[%add3A_224, %dma_start3A_225] : memref<8192x2048xf32, #tpu.memory_space<hbm>> -> memref<16x2048xf32, #tpu.memory_space<hbm>>
    %dma_start3A_227 = arith.constant 0 : i32
    %dma_start3A_228 = tpu.memref_slice %arg2[%add3A_224, %dma_start3A_227] : memref<8192x2048xf32, #tpu.memory_space<hbm>> -> memref<16x2048xf32, #tpu.memory_space<hbm>>
    tpu.enqueue_dma source(%dma_start3A_228 : memref<16x2048xf32, #tpu.memory_space<hbm>>) target(%arg10 : memref<16x2048xf32, #tpu.memory_space<vmem>>) target_semaphore(%arg13 : memref<!tpu.dma_semaphore, #tpu.memory_space<semaphore_mem>>)
    %dma_wait3A_229 = arith.constant 0 : i32
    %dma_wait3A_230 = tpu.memref_slice %arg2[%add3A_201, %dma_wait3A_229] : memref<8192x2048xf32, #tpu.memory_space<hbm>> -> memref<16x2048xf32, #tpu.memory_space<hbm>>
    %dma_wait3A_231 = arith.constant 0 : i32
    %dma_wait3A_232 = tpu.memref_slice %arg2[%add3A_201, %dma_wait3A_231] : memref<8192x2048xf32, #tpu.memory_space<hbm>> -> memref<16x2048xf32, #tpu.memory_space<hbm>>
    tpu.wait_dma2 semaphore(%arg12 : memref<!tpu.dma_semaphore, #tpu.memory_space<semaphore_mem>>) src(%dma_wait3A_232 : memref<16x2048xf32, #tpu.memory_space<hbm>>) dst(%arg9 : memref<16x2048xf32, #tpu.memory_space<vmem>>)
    %parallel_loop3A_233 = arith.constant 0 : i32
    %parallel_loop3A_234 = arith.constant 2048 : i32
    %parallel_loop3A_235 = arith.constant 1 : i32
    scf.for %parallel_loop3A_382 = %parallel_loop3A_233 to %parallel_loop3A_234 step %parallel_loop3A_235  : i32 {
      %parallel_loop3A_383 = arith.constant 7 : i32
      %parallel_loop3A_384 = arith.shrsi %parallel_loop3A_382, %parallel_loop3A_383 : i32
      %parallel_loop3A_385 = arith.constant 127 : i32
      %parallel_loop3A_386 = arith.andi %parallel_loop3A_382, %parallel_loop3A_385 : i32
      %parallel_loop3A_387 = arith.constant 16 : i32
      %parallel_loop3A_388 = arith.muli %parallel_loop3A_386, %parallel_loop3A_387 : i32
      %parallel_loop3A_389 = arith.index_cast %parallel_loop3A_384 : i32 to index
      %parallel_loop3A_390 = arith.index_cast %parallel_loop3A_388 : i32 to index
      %parallel_loop3A_391 = tpu.vector_load %arg9[%parallel_loop3A_389, %parallel_loop3A_390] {strides = array<i32>} : memref<16x2048xf32, #tpu.memory_space<vmem>>, vector<16xf32>,
      %parallel_loop3A_392 = arith.constant 127.875122 : f32
      %parallel_loop3A_393 = vector.broadcast %parallel_loop3A_392 : f32 to vector<16xf32>
      %parallel_loop3A_394 = arith.mulf %parallel_loop3A_391, %parallel_loop3A_393 : vector<16xf32>
      %parallel_loop3A_395 = arith.constant 0.000000e+00 : f32
      %parallel_loop3A_396 = vector.broadcast %parallel_loop3A_395 : f32 to vector<16xf32>
      %parallel_loop3A_397 = arith.maximumf %parallel_loop3A_394, %parallel_loop3A_396 : vector<16xf32>
      %parallel_loop3A_398 = arith.constant 5.120000e+02 : f32
      %parallel_loop3A_399 = vector.broadcast %parallel_loop3A_398 : f32 to vector<16xf32>
      %parallel_loop3A_400 = arith.minimumf %parallel_loop3A_397, %parallel_loop3A_399 : vector<16xf32>
      %parallel_loop3A_401 = arith.fptosi %parallel_loop3A_400 : vector<16xf32> to vector<16xi32>
      %parallel_loop3A_402 = tpu.vector_load_idx %arg8[%parallel_loop3A_401] : memref<528xi32, #tpu.memory_space<vmem>>[vector<16xi32>], vector<16xi32>,
      %parallel_loop3A_403 = vector.bitcast %parallel_loop3A_402 : vector<16xi32> to vector<16xf32>
      %parallel_loop3A_404 = arith.constant 16 : i32
      %parallel_loop3A_405 = vector.broadcast %parallel_loop3A_404 : i32 to vector<16xi32>
      %parallel_loop3A_406 = arith.shli %parallel_loop3A_402, %parallel_loop3A_405 : vector<16xi32>
      %parallel_loop3A_407 = vector.bitcast %parallel_loop3A_406 : vector<16xi32> to vector<16xf32>
      %parallel_loop3A_408 = arith.mulf %parallel_loop3A_391, %parallel_loop3A_403 : vector<16xf32>
      %parallel_loop3A_409 = arith.addf %parallel_loop3A_408, %parallel_loop3A_407 : vector<16xf32>
      %parallel_loop3A_410 = arith.index_cast %parallel_loop3A_384 : i32 to index
      %parallel_loop3A_411 = arith.index_cast %parallel_loop3A_388 : i32 to index
      %parallel_loop3A_412 = tpu.vector_load %arg9[%parallel_loop3A_410, %parallel_loop3A_411] {strides = array<i32>} : memref<16x2048xf32, #tpu.memory_space<vmem>>, vector<16xf32>,
      tpu.vector_store %arg9[%parallel_loop3A_410, %parallel_loop3A_411], %parallel_loop3A_409 {strides = array<i32>} : memref<16x2048xf32, #tpu.memory_space<vmem>>, vector<16xf32>,
    } {sc.loop_unroll_factor = 8 : i64, sc.parallel_access}
    %add3A_236 = arith.constant 144 : i32
    %add3A_237 = arith.addi %mul3A_2, %add3A_236 : i32
    %dma_start3A_238 = arith.constant 0 : i32
    %dma_start3A_239 = tpu.memref_slice %arg5[%add3A_237, %dma_start3A_238] : memref<8192x2048xf32, #tpu.memory_space<hbm>> -> memref<16x2048xf32, #tpu.memory_space<hbm>>
    %dma_start3A_240 = arith.constant 0 : i32
    %dma_start3A_241 = tpu.memref_slice %arg5[%add3A_237, %dma_start3A_240] : memref<8192x2048xf32, #tpu.memory_space<hbm>> -> memref<16x2048xf32, #tpu.memory_space<hbm>>
    tpu.enqueue_dma source(%arg9 : memref<16x2048xf32, #tpu.memory_space<vmem>>) target(%dma_start3A_241 : memref<16x2048xf32, #tpu.memory_space<hbm>>) target_semaphore(%arg15 : memref<!tpu.dma_semaphore, #tpu.memory_space<semaphore_mem>>)
    %dma_wait3A_242 = arith.constant 0 : i32
    %dma_wait3A_243 = tpu.memref_slice %arg5[%add3A_214, %dma_wait3A_242] : memref<8192x2048xf32, #tpu.memory_space<hbm>> -> memref<16x2048xf32, #tpu.memory_space<hbm>>
    %dma_wait3A_244 = arith.constant 0 : i32
    %dma_wait3A_245 = tpu.memref_slice %arg5[%add3A_214, %dma_wait3A_244] : memref<8192x2048xf32, #tpu.memory_space<hbm>> -> memref<16x2048xf32, #tpu.memory_space<hbm>>
    tpu.wait_dma2 semaphore(%arg17 : memref<!tpu.dma_semaphore, #tpu.memory_space<semaphore_mem>>) src(%arg11 : memref<16x2048xf32, #tpu.memory_space<vmem>>) dst(%dma_wait3A_245 : memref<16x2048xf32, #tpu.memory_space<hbm>>)
    %add3A_246 = arith.constant 176 : i32
    %add3A_247 = arith.addi %mul3A_2, %add3A_246 : i32
    %dma_start3A_248 = arith.constant 0 : i32
    %dma_start3A_249 = tpu.memref_slice %arg2[%add3A_247, %dma_start3A_248] : memref<8192x2048xf32, #tpu.memory_space<hbm>> -> memref<16x2048xf32, #tpu.memory_space<hbm>>
    %dma_start3A_250 = arith.constant 0 : i32
    %dma_start3A_251 = tpu.memref_slice %arg2[%add3A_247, %dma_start3A_250] : memref<8192x2048xf32, #tpu.memory_space<hbm>> -> memref<16x2048xf32, #tpu.memory_space<hbm>>
    tpu.enqueue_dma source(%dma_start3A_251 : memref<16x2048xf32, #tpu.memory_space<hbm>>) target(%arg11 : memref<16x2048xf32, #tpu.memory_space<vmem>>) target_semaphore(%arg14 : memref<!tpu.dma_semaphore, #tpu.memory_space<semaphore_mem>>)
    %dma_wait3A_252 = arith.constant 0 : i32
    %dma_wait3A_253 = tpu.memref_slice %arg2[%add3A_224, %dma_wait3A_252] : memref<8192x2048xf32, #tpu.memory_space<hbm>> -> memref<16x2048xf32, #tpu.memory_space<hbm>>
    %dma_wait3A_254 = arith.constant 0 : i32
    %dma_wait3A_255 = tpu.memref_slice %arg2[%add3A_224, %dma_wait3A_254] : memref<8192x2048xf32, #tpu.memory_space<hbm>> -> memref<16x2048xf32, #tpu.memory_space<hbm>>
    tpu.wait_dma2 semaphore(%arg13 : memref<!tpu.dma_semaphore, #tpu.memory_space<semaphore_mem>>) src(%dma_wait3A_255 : memref<16x2048xf32, #tpu.memory_space<hbm>>) dst(%arg10 : memref<16x2048xf32, #tpu.memory_space<vmem>>)
    %parallel_loop3A_256 = arith.constant 0 : i32
    %parallel_loop3A_257 = arith.constant 2048 : i32
    %parallel_loop3A_258 = arith.constant 1 : i32
    scf.for %parallel_loop3A_382 = %parallel_loop3A_256 to %parallel_loop3A_257 step %parallel_loop3A_258  : i32 {
      %parallel_loop3A_383 = arith.constant 7 : i32
      %parallel_loop3A_384 = arith.shrsi %parallel_loop3A_382, %parallel_loop3A_383 : i32
      %parallel_loop3A_385 = arith.constant 127 : i32
      %parallel_loop3A_386 = arith.andi %parallel_loop3A_382, %parallel_loop3A_385 : i32
      %parallel_loop3A_387 = arith.constant 16 : i32
      %parallel_loop3A_388 = arith.muli %parallel_loop3A_386, %parallel_loop3A_387 : i32
      %parallel_loop3A_389 = arith.index_cast %parallel_loop3A_384 : i32 to index
      %parallel_loop3A_390 = arith.index_cast %parallel_loop3A_388 : i32 to index
      %parallel_loop3A_391 = tpu.vector_load %arg10[%parallel_loop3A_389, %parallel_loop3A_390] {strides = array<i32>} : memref<16x2048xf32, #tpu.memory_space<vmem>>, vector<16xf32>,
      %parallel_loop3A_392 = arith.constant 127.875122 : f32
      %parallel_loop3A_393 = vector.broadcast %parallel_loop3A_392 : f32 to vector<16xf32>
      %parallel_loop3A_394 = arith.mulf %parallel_loop3A_391, %parallel_loop3A_393 : vector<16xf32>
      %parallel_loop3A_395 = arith.constant 0.000000e+00 : f32
      %parallel_loop3A_396 = vector.broadcast %parallel_loop3A_395 : f32 to vector<16xf32>
      %parallel_loop3A_397 = arith.maximumf %parallel_loop3A_394, %parallel_loop3A_396 : vector<16xf32>
      %parallel_loop3A_398 = arith.constant 5.120000e+02 : f32
      %parallel_loop3A_399 = vector.broadcast %parallel_loop3A_398 : f32 to vector<16xf32>
      %parallel_loop3A_400 = arith.minimumf %parallel_loop3A_397, %parallel_loop3A_399 : vector<16xf32>
      %parallel_loop3A_401 = arith.fptosi %parallel_loop3A_400 : vector<16xf32> to vector<16xi32>
      %parallel_loop3A_402 = tpu.vector_load_idx %arg8[%parallel_loop3A_401] : memref<528xi32, #tpu.memory_space<vmem>>[vector<16xi32>], vector<16xi32>,
      %parallel_loop3A_403 = vector.bitcast %parallel_loop3A_402 : vector<16xi32> to vector<16xf32>
      %parallel_loop3A_404 = arith.constant 16 : i32
      %parallel_loop3A_405 = vector.broadcast %parallel_loop3A_404 : i32 to vector<16xi32>
      %parallel_loop3A_406 = arith.shli %parallel_loop3A_402, %parallel_loop3A_405 : vector<16xi32>
      %parallel_loop3A_407 = vector.bitcast %parallel_loop3A_406 : vector<16xi32> to vector<16xf32>
      %parallel_loop3A_408 = arith.mulf %parallel_loop3A_391, %parallel_loop3A_403 : vector<16xf32>
      %parallel_loop3A_409 = arith.addf %parallel_loop3A_408, %parallel_loop3A_407 : vector<16xf32>
      %parallel_loop3A_410 = arith.index_cast %parallel_loop3A_384 : i32 to index
      %parallel_loop3A_411 = arith.index_cast %parallel_loop3A_388 : i32 to index
      %parallel_loop3A_412 = tpu.vector_load %arg10[%parallel_loop3A_410, %parallel_loop3A_411] {strides = array<i32>} : memref<16x2048xf32, #tpu.memory_space<vmem>>, vector<16xf32>,
      tpu.vector_store %arg10[%parallel_loop3A_410, %parallel_loop3A_411], %parallel_loop3A_409 {strides = array<i32>} : memref<16x2048xf32, #tpu.memory_space<vmem>>, vector<16xf32>,
    } {sc.loop_unroll_factor = 8 : i64, sc.parallel_access}
    %add3A_259 = arith.constant 160 : i32
    %add3A_260 = arith.addi %mul3A_2, %add3A_259 : i32
    %dma_start3A_261 = arith.constant 0 : i32
    %dma_start3A_262 = tpu.memref_slice %arg5[%add3A_260, %dma_start3A_261] : memref<8192x2048xf32, #tpu.memory_space<hbm>> -> memref<16x2048xf32, #tpu.memory_space<hbm>>
    %dma_start3A_263 = arith.constant 0 : i32
    %dma_start3A_264 = tpu.memref_slice %arg5[%add3A_260, %dma_start3A_263] : memref<8192x2048xf32, #tpu.memory_space<hbm>> -> memref<16x2048xf32, #tpu.memory_space<hbm>>
    tpu.enqueue_dma source(%arg10 : memref<16x2048xf32, #tpu.memory_space<vmem>>) target(%dma_start3A_264 : memref<16x2048xf32, #tpu.memory_space<hbm>>) target_semaphore(%arg16 : memref<!tpu.dma_semaphore, #tpu.memory_space<semaphore_mem>>)
    %dma_wait3A_265 = arith.constant 0 : i32
    %dma_wait3A_266 = tpu.memref_slice %arg5[%add3A_237, %dma_wait3A_265] : memref<8192x2048xf32, #tpu.memory_space<hbm>> -> memref<16x2048xf32, #tpu.memory_space<hbm>>
    %dma_wait3A_267 = arith.constant 0 : i32
    %dma_wait3A_268 = tpu.memref_slice %arg5[%add3A_237, %dma_wait3A_267] : memref<8192x2048xf32, #tpu.memory_space<hbm>> -> memref<16x2048xf32, #tpu.memory_space<hbm>>
    tpu.wait_dma2 semaphore(%arg15 : memref<!tpu.dma_semaphore, #tpu.memory_space<semaphore_mem>>) src(%arg9 : memref<16x2048xf32, #tpu.memory_space<vmem>>) dst(%dma_wait3A_268 : memref<16x2048xf32, #tpu.memory_space<hbm>>)
    %add3A_269 = arith.constant 192 : i32
    %add3A_270 = arith.addi %mul3A_2, %add3A_269 : i32
    %dma_start3A_271 = arith.constant 0 : i32
    %dma_start3A_272 = tpu.memref_slice %arg2[%add3A_270, %dma_start3A_271] : memref<8192x2048xf32, #tpu.memory_space<hbm>> -> memref<16x2048xf32, #tpu.memory_space<hbm>>
    %dma_start3A_273 = arith.constant 0 : i32
    %dma_start3A_274 = tpu.memref_slice %arg2[%add3A_270, %dma_start3A_273] : memref<8192x2048xf32, #tpu.memory_space<hbm>> -> memref<16x2048xf32, #tpu.memory_space<hbm>>
    tpu.enqueue_dma source(%dma_start3A_274 : memref<16x2048xf32, #tpu.memory_space<hbm>>) target(%arg9 : memref<16x2048xf32, #tpu.memory_space<vmem>>) target_semaphore(%arg12 : memref<!tpu.dma_semaphore, #tpu.memory_space<semaphore_mem>>)
    %dma_wait3A_275 = arith.constant 0 : i32
    %dma_wait3A_276 = tpu.memref_slice %arg2[%add3A_247, %dma_wait3A_275] : memref<8192x2048xf32, #tpu.memory_space<hbm>> -> memref<16x2048xf32, #tpu.memory_space<hbm>>
    %dma_wait3A_277 = arith.constant 0 : i32
    %dma_wait3A_278 = tpu.memref_slice %arg2[%add3A_247, %dma_wait3A_277] : memref<8192x2048xf32, #tpu.memory_space<hbm>> -> memref<16x2048xf32, #tpu.memory_space<hbm>>
    tpu.wait_dma2 semaphore(%arg14 : memref<!tpu.dma_semaphore, #tpu.memory_space<semaphore_mem>>) src(%dma_wait3A_278 : memref<16x2048xf32, #tpu.memory_space<hbm>>) dst(%arg11 : memref<16x2048xf32, #tpu.memory_space<vmem>>)
    %parallel_loop3A_279 = arith.constant 0 : i32
    %parallel_loop3A_280 = arith.constant 2048 : i32
    %parallel_loop3A_281 = arith.constant 1 : i32
    scf.for %parallel_loop3A_382 = %parallel_loop3A_279 to %parallel_loop3A_280 step %parallel_loop3A_281  : i32 {
      %parallel_loop3A_383 = arith.constant 7 : i32
      %parallel_loop3A_384 = arith.shrsi %parallel_loop3A_382, %parallel_loop3A_383 : i32
      %parallel_loop3A_385 = arith.constant 127 : i32
      %parallel_loop3A_386 = arith.andi %parallel_loop3A_382, %parallel_loop3A_385 : i32
      %parallel_loop3A_387 = arith.constant 16 : i32
      %parallel_loop3A_388 = arith.muli %parallel_loop3A_386, %parallel_loop3A_387 : i32
      %parallel_loop3A_389 = arith.index_cast %parallel_loop3A_384 : i32 to index
      %parallel_loop3A_390 = arith.index_cast %parallel_loop3A_388 : i32 to index
      %parallel_loop3A_391 = tpu.vector_load %arg11[%parallel_loop3A_389, %parallel_loop3A_390] {strides = array<i32>} : memref<16x2048xf32, #tpu.memory_space<vmem>>, vector<16xf32>,
      %parallel_loop3A_392 = arith.constant 127.875122 : f32
      %parallel_loop3A_393 = vector.broadcast %parallel_loop3A_392 : f32 to vector<16xf32>
      %parallel_loop3A_394 = arith.mulf %parallel_loop3A_391, %parallel_loop3A_393 : vector<16xf32>
      %parallel_loop3A_395 = arith.constant 0.000000e+00 : f32
      %parallel_loop3A_396 = vector.broadcast %parallel_loop3A_395 : f32 to vector<16xf32>
      %parallel_loop3A_397 = arith.maximumf %parallel_loop3A_394, %parallel_loop3A_396 : vector<16xf32>
      %parallel_loop3A_398 = arith.constant 5.120000e+02 : f32
      %parallel_loop3A_399 = vector.broadcast %parallel_loop3A_398 : f32 to vector<16xf32>
      %parallel_loop3A_400 = arith.minimumf %parallel_loop3A_397, %parallel_loop3A_399 : vector<16xf32>
      %parallel_loop3A_401 = arith.fptosi %parallel_loop3A_400 : vector<16xf32> to vector<16xi32>
      %parallel_loop3A_402 = tpu.vector_load_idx %arg8[%parallel_loop3A_401] : memref<528xi32, #tpu.memory_space<vmem>>[vector<16xi32>], vector<16xi32>,
      %parallel_loop3A_403 = vector.bitcast %parallel_loop3A_402 : vector<16xi32> to vector<16xf32>
      %parallel_loop3A_404 = arith.constant 16 : i32
      %parallel_loop3A_405 = vector.broadcast %parallel_loop3A_404 : i32 to vector<16xi32>
      %parallel_loop3A_406 = arith.shli %parallel_loop3A_402, %parallel_loop3A_405 : vector<16xi32>
      %parallel_loop3A_407 = vector.bitcast %parallel_loop3A_406 : vector<16xi32> to vector<16xf32>
      %parallel_loop3A_408 = arith.mulf %parallel_loop3A_391, %parallel_loop3A_403 : vector<16xf32>
      %parallel_loop3A_409 = arith.addf %parallel_loop3A_408, %parallel_loop3A_407 : vector<16xf32>
      %parallel_loop3A_410 = arith.index_cast %parallel_loop3A_384 : i32 to index
      %parallel_loop3A_411 = arith.index_cast %parallel_loop3A_388 : i32 to index
      %parallel_loop3A_412 = tpu.vector_load %arg11[%parallel_loop3A_410, %parallel_loop3A_411] {strides = array<i32>} : memref<16x2048xf32, #tpu.memory_space<vmem>>, vector<16xf32>,
      tpu.vector_store %arg11[%parallel_loop3A_410, %parallel_loop3A_411], %parallel_loop3A_409 {strides = array<i32>} : memref<16x2048xf32, #tpu.memory_space<vmem>>, vector<16xf32>,
    } {sc.loop_unroll_factor = 8 : i64, sc.parallel_access}
    %add3A_282 = arith.constant 176 : i32
    %add3A_283 = arith.addi %mul3A_2, %add3A_282 : i32
    %dma_start3A_284 = arith.constant 0 : i32
    %dma_start3A_285 = tpu.memref_slice %arg5[%add3A_283, %dma_start3A_284] : memref<8192x2048xf32, #tpu.memory_space<hbm>> -> memref<16x2048xf32, #tpu.memory_space<hbm>>
    %dma_start3A_286 = arith.constant 0 : i32
    %dma_start3A_287 = tpu.memref_slice %arg5[%add3A_283, %dma_start3A_286] : memref<8192x2048xf32, #tpu.memory_space<hbm>> -> memref<16x2048xf32, #tpu.memory_space<hbm>>
    tpu.enqueue_dma source(%arg11 : memref<16x2048xf32, #tpu.memory_space<vmem>>) target(%dma_start3A_287 : memref<16x2048xf32, #tpu.memory_space<hbm>>) target_semaphore(%arg17 : memref<!tpu.dma_semaphore, #tpu.memory_space<semaphore_mem>>)
    %dma_wait3A_288 = arith.constant 0 : i32
    %dma_wait3A_289 = tpu.memref_slice %arg5[%add3A_260, %dma_wait3A_288] : memref<8192x2048xf32, #tpu.memory_space<hbm>> -> memref<16x2048xf32, #tpu.memory_space<hbm>>
    %dma_wait3A_290 = arith.constant 0 : i32
    %dma_wait3A_291 = tpu.memref_slice %arg5[%add3A_260, %dma_wait3A_290] : memref<8192x2048xf32, #tpu.memory_space<hbm>> -> memref<16x2048xf32, #tpu.memory_space<hbm>>
    tpu.wait_dma2 semaphore(%arg16 : memref<!tpu.dma_semaphore, #tpu.memory_space<semaphore_mem>>) src(%arg10 : memref<16x2048xf32, #tpu.memory_space<vmem>>) dst(%dma_wait3A_291 : memref<16x2048xf32, #tpu.memory_space<hbm>>)
    %add3A_292 = arith.constant 208 : i32
    %add3A_293 = arith.addi %mul3A_2, %add3A_292 : i32
    %dma_start3A_294 = arith.constant 0 : i32
    %dma_start3A_295 = tpu.memref_slice %arg2[%add3A_293, %dma_start3A_294] : memref<8192x2048xf32, #tpu.memory_space<hbm>> -> memref<16x2048xf32, #tpu.memory_space<hbm>>
    %dma_start3A_296 = arith.constant 0 : i32
    %dma_start3A_297 = tpu.memref_slice %arg2[%add3A_293, %dma_start3A_296] : memref<8192x2048xf32, #tpu.memory_space<hbm>> -> memref<16x2048xf32, #tpu.memory_space<hbm>>
    tpu.enqueue_dma source(%dma_start3A_297 : memref<16x2048xf32, #tpu.memory_space<hbm>>) target(%arg10 : memref<16x2048xf32, #tpu.memory_space<vmem>>) target_semaphore(%arg13 : memref<!tpu.dma_semaphore, #tpu.memory_space<semaphore_mem>>)
    %dma_wait3A_298 = arith.constant 0 : i32
    %dma_wait3A_299 = tpu.memref_slice %arg2[%add3A_270, %dma_wait3A_298] : memref<8192x2048xf32, #tpu.memory_space<hbm>> -> memref<16x2048xf32, #tpu.memory_space<hbm>>
    %dma_wait3A_300 = arith.constant 0 : i32
    %dma_wait3A_301 = tpu.memref_slice %arg2[%add3A_270, %dma_wait3A_300] : memref<8192x2048xf32, #tpu.memory_space<hbm>> -> memref<16x2048xf32, #tpu.memory_space<hbm>>
    tpu.wait_dma2 semaphore(%arg12 : memref<!tpu.dma_semaphore, #tpu.memory_space<semaphore_mem>>) src(%dma_wait3A_301 : memref<16x2048xf32, #tpu.memory_space<hbm>>) dst(%arg9 : memref<16x2048xf32, #tpu.memory_space<vmem>>)
    %parallel_loop3A_302 = arith.constant 0 : i32
    %parallel_loop3A_303 = arith.constant 2048 : i32
    %parallel_loop3A_304 = arith.constant 1 : i32
    scf.for %parallel_loop3A_382 = %parallel_loop3A_302 to %parallel_loop3A_303 step %parallel_loop3A_304  : i32 {
      %parallel_loop3A_383 = arith.constant 7 : i32
      %parallel_loop3A_384 = arith.shrsi %parallel_loop3A_382, %parallel_loop3A_383 : i32
      %parallel_loop3A_385 = arith.constant 127 : i32
      %parallel_loop3A_386 = arith.andi %parallel_loop3A_382, %parallel_loop3A_385 : i32
      %parallel_loop3A_387 = arith.constant 16 : i32
      %parallel_loop3A_388 = arith.muli %parallel_loop3A_386, %parallel_loop3A_387 : i32
      %parallel_loop3A_389 = arith.index_cast %parallel_loop3A_384 : i32 to index
      %parallel_loop3A_390 = arith.index_cast %parallel_loop3A_388 : i32 to index
      %parallel_loop3A_391 = tpu.vector_load %arg9[%parallel_loop3A_389, %parallel_loop3A_390] {strides = array<i32>} : memref<16x2048xf32, #tpu.memory_space<vmem>>, vector<16xf32>,
      %parallel_loop3A_392 = arith.constant 127.875122 : f32
      %parallel_loop3A_393 = vector.broadcast %parallel_loop3A_392 : f32 to vector<16xf32>
      %parallel_loop3A_394 = arith.mulf %parallel_loop3A_391, %parallel_loop3A_393 : vector<16xf32>
      %parallel_loop3A_395 = arith.constant 0.000000e+00 : f32
      %parallel_loop3A_396 = vector.broadcast %parallel_loop3A_395 : f32 to vector<16xf32>
      %parallel_loop3A_397 = arith.maximumf %parallel_loop3A_394, %parallel_loop3A_396 : vector<16xf32>
      %parallel_loop3A_398 = arith.constant 5.120000e+02 : f32
      %parallel_loop3A_399 = vector.broadcast %parallel_loop3A_398 : f32 to vector<16xf32>
      %parallel_loop3A_400 = arith.minimumf %parallel_loop3A_397, %parallel_loop3A_399 : vector<16xf32>
      %parallel_loop3A_401 = arith.fptosi %parallel_loop3A_400 : vector<16xf32> to vector<16xi32>
      %parallel_loop3A_402 = tpu.vector_load_idx %arg8[%parallel_loop3A_401] : memref<528xi32, #tpu.memory_space<vmem>>[vector<16xi32>], vector<16xi32>,
      %parallel_loop3A_403 = vector.bitcast %parallel_loop3A_402 : vector<16xi32> to vector<16xf32>
      %parallel_loop3A_404 = arith.constant 16 : i32
      %parallel_loop3A_405 = vector.broadcast %parallel_loop3A_404 : i32 to vector<16xi32>
      %parallel_loop3A_406 = arith.shli %parallel_loop3A_402, %parallel_loop3A_405 : vector<16xi32>
      %parallel_loop3A_407 = vector.bitcast %parallel_loop3A_406 : vector<16xi32> to vector<16xf32>
      %parallel_loop3A_408 = arith.mulf %parallel_loop3A_391, %parallel_loop3A_403 : vector<16xf32>
      %parallel_loop3A_409 = arith.addf %parallel_loop3A_408, %parallel_loop3A_407 : vector<16xf32>
      %parallel_loop3A_410 = arith.index_cast %parallel_loop3A_384 : i32 to index
      %parallel_loop3A_411 = arith.index_cast %parallel_loop3A_388 : i32 to index
      %parallel_loop3A_412 = tpu.vector_load %arg9[%parallel_loop3A_410, %parallel_loop3A_411] {strides = array<i32>} : memref<16x2048xf32, #tpu.memory_space<vmem>>, vector<16xf32>,
      tpu.vector_store %arg9[%parallel_loop3A_410, %parallel_loop3A_411], %parallel_loop3A_409 {strides = array<i32>} : memref<16x2048xf32, #tpu.memory_space<vmem>>, vector<16xf32>,
    } {sc.loop_unroll_factor = 8 : i64, sc.parallel_access}
    %add3A_305 = arith.constant 192 : i32
    %add3A_306 = arith.addi %mul3A_2, %add3A_305 : i32
    %dma_start3A_307 = arith.constant 0 : i32
    %dma_start3A_308 = tpu.memref_slice %arg5[%add3A_306, %dma_start3A_307] : memref<8192x2048xf32, #tpu.memory_space<hbm>> -> memref<16x2048xf32, #tpu.memory_space<hbm>>
    %dma_start3A_309 = arith.constant 0 : i32
    %dma_start3A_310 = tpu.memref_slice %arg5[%add3A_306, %dma_start3A_309] : memref<8192x2048xf32, #tpu.memory_space<hbm>> -> memref<16x2048xf32, #tpu.memory_space<hbm>>
    tpu.enqueue_dma source(%arg9 : memref<16x2048xf32, #tpu.memory_space<vmem>>) target(%dma_start3A_310 : memref<16x2048xf32, #tpu.memory_space<hbm>>) target_semaphore(%arg15 : memref<!tpu.dma_semaphore, #tpu.memory_space<semaphore_mem>>)
    %dma_wait3A_311 = arith.constant 0 : i32
    %dma_wait3A_312 = tpu.memref_slice %arg5[%add3A_283, %dma_wait3A_311] : memref<8192x2048xf32, #tpu.memory_space<hbm>> -> memref<16x2048xf32, #tpu.memory_space<hbm>>
    %dma_wait3A_313 = arith.constant 0 : i32
    %dma_wait3A_314 = tpu.memref_slice %arg5[%add3A_283, %dma_wait3A_313] : memref<8192x2048xf32, #tpu.memory_space<hbm>> -> memref<16x2048xf32, #tpu.memory_space<hbm>>
    tpu.wait_dma2 semaphore(%arg17 : memref<!tpu.dma_semaphore, #tpu.memory_space<semaphore_mem>>) src(%arg11 : memref<16x2048xf32, #tpu.memory_space<vmem>>) dst(%dma_wait3A_314 : memref<16x2048xf32, #tpu.memory_space<hbm>>)
    %add3A_315 = arith.constant 224 : i32
    %add3A_316 = arith.addi %mul3A_2, %add3A_315 : i32
    %dma_start3A_317 = arith.constant 0 : i32
    %dma_start3A_318 = tpu.memref_slice %arg2[%add3A_316, %dma_start3A_317] : memref<8192x2048xf32, #tpu.memory_space<hbm>> -> memref<16x2048xf32, #tpu.memory_space<hbm>>
    %dma_start3A_319 = arith.constant 0 : i32
    %dma_start3A_320 = tpu.memref_slice %arg2[%add3A_316, %dma_start3A_319] : memref<8192x2048xf32, #tpu.memory_space<hbm>> -> memref<16x2048xf32, #tpu.memory_space<hbm>>
    tpu.enqueue_dma source(%dma_start3A_320 : memref<16x2048xf32, #tpu.memory_space<hbm>>) target(%arg11 : memref<16x2048xf32, #tpu.memory_space<vmem>>) target_semaphore(%arg14 : memref<!tpu.dma_semaphore, #tpu.memory_space<semaphore_mem>>)
    %dma_wait3A_321 = arith.constant 0 : i32
    %dma_wait3A_322 = tpu.memref_slice %arg2[%add3A_293, %dma_wait3A_321] : memref<8192x2048xf32, #tpu.memory_space<hbm>> -> memref<16x2048xf32, #tpu.memory_space<hbm>>
    %dma_wait3A_323 = arith.constant 0 : i32
    %dma_wait3A_324 = tpu.memref_slice %arg2[%add3A_293, %dma_wait3A_323] : memref<8192x2048xf32, #tpu.memory_space<hbm>> -> memref<16x2048xf32, #tpu.memory_space<hbm>>
    tpu.wait_dma2 semaphore(%arg13 : memref<!tpu.dma_semaphore, #tpu.memory_space<semaphore_mem>>) src(%dma_wait3A_324 : memref<16x2048xf32, #tpu.memory_space<hbm>>) dst(%arg10 : memref<16x2048xf32, #tpu.memory_space<vmem>>)
    %parallel_loop3A_325 = arith.constant 0 : i32
    %parallel_loop3A_326 = arith.constant 2048 : i32
    %parallel_loop3A_327 = arith.constant 1 : i32
    scf.for %parallel_loop3A_382 = %parallel_loop3A_325 to %parallel_loop3A_326 step %parallel_loop3A_327  : i32 {
      %parallel_loop3A_383 = arith.constant 7 : i32
      %parallel_loop3A_384 = arith.shrsi %parallel_loop3A_382, %parallel_loop3A_383 : i32
      %parallel_loop3A_385 = arith.constant 127 : i32
      %parallel_loop3A_386 = arith.andi %parallel_loop3A_382, %parallel_loop3A_385 : i32
      %parallel_loop3A_387 = arith.constant 16 : i32
      %parallel_loop3A_388 = arith.muli %parallel_loop3A_386, %parallel_loop3A_387 : i32
      %parallel_loop3A_389 = arith.index_cast %parallel_loop3A_384 : i32 to index
      %parallel_loop3A_390 = arith.index_cast %parallel_loop3A_388 : i32 to index
      %parallel_loop3A_391 = tpu.vector_load %arg10[%parallel_loop3A_389, %parallel_loop3A_390] {strides = array<i32>} : memref<16x2048xf32, #tpu.memory_space<vmem>>, vector<16xf32>,
      %parallel_loop3A_392 = arith.constant 127.875122 : f32
      %parallel_loop3A_393 = vector.broadcast %parallel_loop3A_392 : f32 to vector<16xf32>
      %parallel_loop3A_394 = arith.mulf %parallel_loop3A_391, %parallel_loop3A_393 : vector<16xf32>
      %parallel_loop3A_395 = arith.constant 0.000000e+00 : f32
      %parallel_loop3A_396 = vector.broadcast %parallel_loop3A_395 : f32 to vector<16xf32>
      %parallel_loop3A_397 = arith.maximumf %parallel_loop3A_394, %parallel_loop3A_396 : vector<16xf32>
      %parallel_loop3A_398 = arith.constant 5.120000e+02 : f32
      %parallel_loop3A_399 = vector.broadcast %parallel_loop3A_398 : f32 to vector<16xf32>
      %parallel_loop3A_400 = arith.minimumf %parallel_loop3A_397, %parallel_loop3A_399 : vector<16xf32>
      %parallel_loop3A_401 = arith.fptosi %parallel_loop3A_400 : vector<16xf32> to vector<16xi32>
      %parallel_loop3A_402 = tpu.vector_load_idx %arg8[%parallel_loop3A_401] : memref<528xi32, #tpu.memory_space<vmem>>[vector<16xi32>], vector<16xi32>,
      %parallel_loop3A_403 = vector.bitcast %parallel_loop3A_402 : vector<16xi32> to vector<16xf32>
      %parallel_loop3A_404 = arith.constant 16 : i32
      %parallel_loop3A_405 = vector.broadcast %parallel_loop3A_404 : i32 to vector<16xi32>
      %parallel_loop3A_406 = arith.shli %parallel_loop3A_402, %parallel_loop3A_405 : vector<16xi32>
      %parallel_loop3A_407 = vector.bitcast %parallel_loop3A_406 : vector<16xi32> to vector<16xf32>
      %parallel_loop3A_408 = arith.mulf %parallel_loop3A_391, %parallel_loop3A_403 : vector<16xf32>
      %parallel_loop3A_409 = arith.addf %parallel_loop3A_408, %parallel_loop3A_407 : vector<16xf32>
      %parallel_loop3A_410 = arith.index_cast %parallel_loop3A_384 : i32 to index
      %parallel_loop3A_411 = arith.index_cast %parallel_loop3A_388 : i32 to index
      %parallel_loop3A_412 = tpu.vector_load %arg10[%parallel_loop3A_410, %parallel_loop3A_411] {strides = array<i32>} : memref<16x2048xf32, #tpu.memory_space<vmem>>, vector<16xf32>,
      tpu.vector_store %arg10[%parallel_loop3A_410, %parallel_loop3A_411], %parallel_loop3A_409 {strides = array<i32>} : memref<16x2048xf32, #tpu.memory_space<vmem>>, vector<16xf32>,
    } {sc.loop_unroll_factor = 8 : i64, sc.parallel_access}
    %add3A_328 = arith.constant 208 : i32
    %add3A_329 = arith.addi %mul3A_2, %add3A_328 : i32
    %dma_start3A_330 = arith.constant 0 : i32
    %dma_start3A_331 = tpu.memref_slice %arg5[%add3A_329, %dma_start3A_330] : memref<8192x2048xf32, #tpu.memory_space<hbm>> -> memref<16x2048xf32, #tpu.memory_space<hbm>>
    %dma_start3A_332 = arith.constant 0 : i32
    %dma_start3A_333 = tpu.memref_slice %arg5[%add3A_329, %dma_start3A_332] : memref<8192x2048xf32, #tpu.memory_space<hbm>> -> memref<16x2048xf32, #tpu.memory_space<hbm>>
    tpu.enqueue_dma source(%arg10 : memref<16x2048xf32, #tpu.memory_space<vmem>>) target(%dma_start3A_333 : memref<16x2048xf32, #tpu.memory_space<hbm>>) target_semaphore(%arg16 : memref<!tpu.dma_semaphore, #tpu.memory_space<semaphore_mem>>)
    %dma_wait3A_334 = arith.constant 0 : i32
    %dma_wait3A_335 = tpu.memref_slice %arg5[%add3A_306, %dma_wait3A_334] : memref<8192x2048xf32, #tpu.memory_space<hbm>> -> memref<16x2048xf32, #tpu.memory_space<hbm>>
    %dma_wait3A_336 = arith.constant 0 : i32
    %dma_wait3A_337 = tpu.memref_slice %arg5[%add3A_306, %dma_wait3A_336] : memref<8192x2048xf32, #tpu.memory_space<hbm>> -> memref<16x2048xf32, #tpu.memory_space<hbm>>
    tpu.wait_dma2 semaphore(%arg15 : memref<!tpu.dma_semaphore, #tpu.memory_space<semaphore_mem>>) src(%arg9 : memref<16x2048xf32, #tpu.memory_space<vmem>>) dst(%dma_wait3A_337 : memref<16x2048xf32, #tpu.memory_space<hbm>>)
    %add3A_338 = arith.constant 240 : i32
    %add3A_339 = arith.addi %mul3A_2, %add3A_338 : i32
    %dma_start3A_340 = arith.constant 0 : i32
    %dma_start3A_341 = tpu.memref_slice %arg2[%add3A_339, %dma_start3A_340] : memref<8192x2048xf32, #tpu.memory_space<hbm>> -> memref<16x2048xf32, #tpu.memory_space<hbm>>
    %dma_start3A_342 = arith.constant 0 : i32
    %dma_start3A_343 = tpu.memref_slice %arg2[%add3A_339, %dma_start3A_342] : memref<8192x2048xf32, #tpu.memory_space<hbm>> -> memref<16x2048xf32, #tpu.memory_space<hbm>>
    tpu.enqueue_dma source(%dma_start3A_343 : memref<16x2048xf32, #tpu.memory_space<hbm>>) target(%arg9 : memref<16x2048xf32, #tpu.memory_space<vmem>>) target_semaphore(%arg12 : memref<!tpu.dma_semaphore, #tpu.memory_space<semaphore_mem>>)
    %dma_wait3A_344 = arith.constant 0 : i32
    %dma_wait3A_345 = tpu.memref_slice %arg2[%add3A_316, %dma_wait3A_344] : memref<8192x2048xf32, #tpu.memory_space<hbm>> -> memref<16x2048xf32, #tpu.memory_space<hbm>>
    %dma_wait3A_346 = arith.constant 0 : i32
    %dma_wait3A_347 = tpu.memref_slice %arg2[%add3A_316, %dma_wait3A_346] : memref<8192x2048xf32, #tpu.memory_space<hbm>> -> memref<16x2048xf32, #tpu.memory_space<hbm>>
    tpu.wait_dma2 semaphore(%arg14 : memref<!tpu.dma_semaphore, #tpu.memory_space<semaphore_mem>>) src(%dma_wait3A_347 : memref<16x2048xf32, #tpu.memory_space<hbm>>) dst(%arg11 : memref<16x2048xf32, #tpu.memory_space<vmem>>)
    %parallel_loop3A_348 = arith.constant 0 : i32
    %parallel_loop3A_349 = arith.constant 2048 : i32
    %parallel_loop3A_350 = arith.constant 1 : i32
    scf.for %parallel_loop3A_382 = %parallel_loop3A_348 to %parallel_loop3A_349 step %parallel_loop3A_350  : i32 {
      %parallel_loop3A_383 = arith.constant 7 : i32
      %parallel_loop3A_384 = arith.shrsi %parallel_loop3A_382, %parallel_loop3A_383 : i32
      %parallel_loop3A_385 = arith.constant 127 : i32
      %parallel_loop3A_386 = arith.andi %parallel_loop3A_382, %parallel_loop3A_385 : i32
      %parallel_loop3A_387 = arith.constant 16 : i32
      %parallel_loop3A_388 = arith.muli %parallel_loop3A_386, %parallel_loop3A_387 : i32
      %parallel_loop3A_389 = arith.index_cast %parallel_loop3A_384 : i32 to index
      %parallel_loop3A_390 = arith.index_cast %parallel_loop3A_388 : i32 to index
      %parallel_loop3A_391 = tpu.vector_load %arg11[%parallel_loop3A_389, %parallel_loop3A_390] {strides = array<i32>} : memref<16x2048xf32, #tpu.memory_space<vmem>>, vector<16xf32>,
      %parallel_loop3A_392 = arith.constant 127.875122 : f32
      %parallel_loop3A_393 = vector.broadcast %parallel_loop3A_392 : f32 to vector<16xf32>
      %parallel_loop3A_394 = arith.mulf %parallel_loop3A_391, %parallel_loop3A_393 : vector<16xf32>
      %parallel_loop3A_395 = arith.constant 0.000000e+00 : f32
      %parallel_loop3A_396 = vector.broadcast %parallel_loop3A_395 : f32 to vector<16xf32>
      %parallel_loop3A_397 = arith.maximumf %parallel_loop3A_394, %parallel_loop3A_396 : vector<16xf32>
      %parallel_loop3A_398 = arith.constant 5.120000e+02 : f32
      %parallel_loop3A_399 = vector.broadcast %parallel_loop3A_398 : f32 to vector<16xf32>
      %parallel_loop3A_400 = arith.minimumf %parallel_loop3A_397, %parallel_loop3A_399 : vector<16xf32>
      %parallel_loop3A_401 = arith.fptosi %parallel_loop3A_400 : vector<16xf32> to vector<16xi32>
      %parallel_loop3A_402 = tpu.vector_load_idx %arg8[%parallel_loop3A_401] : memref<528xi32, #tpu.memory_space<vmem>>[vector<16xi32>], vector<16xi32>,
      %parallel_loop3A_403 = vector.bitcast %parallel_loop3A_402 : vector<16xi32> to vector<16xf32>
      %parallel_loop3A_404 = arith.constant 16 : i32
      %parallel_loop3A_405 = vector.broadcast %parallel_loop3A_404 : i32 to vector<16xi32>
      %parallel_loop3A_406 = arith.shli %parallel_loop3A_402, %parallel_loop3A_405 : vector<16xi32>
      %parallel_loop3A_407 = vector.bitcast %parallel_loop3A_406 : vector<16xi32> to vector<16xf32>
      %parallel_loop3A_408 = arith.mulf %parallel_loop3A_391, %parallel_loop3A_403 : vector<16xf32>
      %parallel_loop3A_409 = arith.addf %parallel_loop3A_408, %parallel_loop3A_407 : vector<16xf32>
      %parallel_loop3A_410 = arith.index_cast %parallel_loop3A_384 : i32 to index
      %parallel_loop3A_411 = arith.index_cast %parallel_loop3A_388 : i32 to index
      %parallel_loop3A_412 = tpu.vector_load %arg11[%parallel_loop3A_410, %parallel_loop3A_411] {strides = array<i32>} : memref<16x2048xf32, #tpu.memory_space<vmem>>, vector<16xf32>,
      tpu.vector_store %arg11[%parallel_loop3A_410, %parallel_loop3A_411], %parallel_loop3A_409 {strides = array<i32>} : memref<16x2048xf32, #tpu.memory_space<vmem>>, vector<16xf32>,
    } {sc.loop_unroll_factor = 8 : i64, sc.parallel_access}
    %add3A_351 = arith.constant 224 : i32
    %add3A_352 = arith.addi %mul3A_2, %add3A_351 : i32
    %dma_start3A_353 = arith.constant 0 : i32
    %dma_start3A_354 = tpu.memref_slice %arg5[%add3A_352, %dma_start3A_353] : memref<8192x2048xf32, #tpu.memory_space<hbm>> -> memref<16x2048xf32, #tpu.memory_space<hbm>>
    %dma_start3A_355 = arith.constant 0 : i32
    %dma_start3A_356 = tpu.memref_slice %arg5[%add3A_352, %dma_start3A_355] : memref<8192x2048xf32, #tpu.memory_space<hbm>> -> memref<16x2048xf32, #tpu.memory_space<hbm>>
    tpu.enqueue_dma source(%arg11 : memref<16x2048xf32, #tpu.memory_space<vmem>>) target(%dma_start3A_356 : memref<16x2048xf32, #tpu.memory_space<hbm>>) target_semaphore(%arg17 : memref<!tpu.dma_semaphore, #tpu.memory_space<semaphore_mem>>)
    %dma_wait3A_357 = arith.constant 0 : i32
    %dma_wait3A_358 = tpu.memref_slice %arg2[%add3A_339, %dma_wait3A_357] : memref<8192x2048xf32, #tpu.memory_space<hbm>> -> memref<16x2048xf32, #tpu.memory_space<hbm>>
    %dma_wait3A_359 = arith.constant 0 : i32
    %dma_wait3A_360 = tpu.memref_slice %arg2[%add3A_339, %dma_wait3A_359] : memref<8192x2048xf32, #tpu.memory_space<hbm>> -> memref<16x2048xf32, #tpu.memory_space<hbm>>
    tpu.wait_dma2 semaphore(%arg12 : memref<!tpu.dma_semaphore, #tpu.memory_space<semaphore_mem>>) src(%dma_wait3A_360 : memref<16x2048xf32, #tpu.memory_space<hbm>>) dst(%arg9 : memref<16x2048xf32, #tpu.memory_space<vmem>>)
    %parallel_loop3A_361 = arith.constant 0 : i32
    %parallel_loop3A_362 = arith.constant 2048 : i32
    %parallel_loop3A_363 = arith.constant 1 : i32
    scf.for %parallel_loop3A_382 = %parallel_loop3A_361 to %parallel_loop3A_362 step %parallel_loop3A_363  : i32 {
      %parallel_loop3A_383 = arith.constant 7 : i32
      %parallel_loop3A_384 = arith.shrsi %parallel_loop3A_382, %parallel_loop3A_383 : i32
      %parallel_loop3A_385 = arith.constant 127 : i32
      %parallel_loop3A_386 = arith.andi %parallel_loop3A_382, %parallel_loop3A_385 : i32
      %parallel_loop3A_387 = arith.constant 16 : i32
      %parallel_loop3A_388 = arith.muli %parallel_loop3A_386, %parallel_loop3A_387 : i32
      %parallel_loop3A_389 = arith.index_cast %parallel_loop3A_384 : i32 to index
      %parallel_loop3A_390 = arith.index_cast %parallel_loop3A_388 : i32 to index
      %parallel_loop3A_391 = tpu.vector_load %arg9[%parallel_loop3A_389, %parallel_loop3A_390] {strides = array<i32>} : memref<16x2048xf32, #tpu.memory_space<vmem>>, vector<16xf32>,
      %parallel_loop3A_392 = arith.constant 127.875122 : f32
      %parallel_loop3A_393 = vector.broadcast %parallel_loop3A_392 : f32 to vector<16xf32>
      %parallel_loop3A_394 = arith.mulf %parallel_loop3A_391, %parallel_loop3A_393 : vector<16xf32>
      %parallel_loop3A_395 = arith.constant 0.000000e+00 : f32
      %parallel_loop3A_396 = vector.broadcast %parallel_loop3A_395 : f32 to vector<16xf32>
      %parallel_loop3A_397 = arith.maximumf %parallel_loop3A_394, %parallel_loop3A_396 : vector<16xf32>
      %parallel_loop3A_398 = arith.constant 5.120000e+02 : f32
      %parallel_loop3A_399 = vector.broadcast %parallel_loop3A_398 : f32 to vector<16xf32>
      %parallel_loop3A_400 = arith.minimumf %parallel_loop3A_397, %parallel_loop3A_399 : vector<16xf32>
      %parallel_loop3A_401 = arith.fptosi %parallel_loop3A_400 : vector<16xf32> to vector<16xi32>
      %parallel_loop3A_402 = tpu.vector_load_idx %arg8[%parallel_loop3A_401] : memref<528xi32, #tpu.memory_space<vmem>>[vector<16xi32>], vector<16xi32>,
      %parallel_loop3A_403 = vector.bitcast %parallel_loop3A_402 : vector<16xi32> to vector<16xf32>
      %parallel_loop3A_404 = arith.constant 16 : i32
      %parallel_loop3A_405 = vector.broadcast %parallel_loop3A_404 : i32 to vector<16xi32>
      %parallel_loop3A_406 = arith.shli %parallel_loop3A_402, %parallel_loop3A_405 : vector<16xi32>
      %parallel_loop3A_407 = vector.bitcast %parallel_loop3A_406 : vector<16xi32> to vector<16xf32>
      %parallel_loop3A_408 = arith.mulf %parallel_loop3A_391, %parallel_loop3A_403 : vector<16xf32>
      %parallel_loop3A_409 = arith.addf %parallel_loop3A_408, %parallel_loop3A_407 : vector<16xf32>
      %parallel_loop3A_410 = arith.index_cast %parallel_loop3A_384 : i32 to index
      %parallel_loop3A_411 = arith.index_cast %parallel_loop3A_388 : i32 to index
      %parallel_loop3A_412 = tpu.vector_load %arg9[%parallel_loop3A_410, %parallel_loop3A_411] {strides = array<i32>} : memref<16x2048xf32, #tpu.memory_space<vmem>>, vector<16xf32>,
      tpu.vector_store %arg9[%parallel_loop3A_410, %parallel_loop3A_411], %parallel_loop3A_409 {strides = array<i32>} : memref<16x2048xf32, #tpu.memory_space<vmem>>, vector<16xf32>,
    } {sc.loop_unroll_factor = 8 : i64, sc.parallel_access}
    %add3A_364 = arith.constant 240 : i32
    %add3A_365 = arith.addi %mul3A_2, %add3A_364 : i32
    %dma_start3A_366 = arith.constant 0 : i32
    %dma_start3A_367 = tpu.memref_slice %arg5[%add3A_365, %dma_start3A_366] : memref<8192x2048xf32, #tpu.memory_space<hbm>> -> memref<16x2048xf32, #tpu.memory_space<hbm>>
    %dma_start3A_368 = arith.constant 0 : i32
    %dma_start3A_369 = tpu.memref_slice %arg5[%add3A_365, %dma_start3A_368] : memref<8192x2048xf32, #tpu.memory_space<hbm>> -> memref<16x2048xf32, #tpu.memory_space<hbm>>
    tpu.enqueue_dma source(%arg9 : memref<16x2048xf32, #tpu.memory_space<vmem>>) target(%dma_start3A_369 : memref<16x2048xf32, #tpu.memory_space<hbm>>) target_semaphore(%arg15 : memref<!tpu.dma_semaphore, #tpu.memory_space<semaphore_mem>>)
    %dma_wait3A_370 = arith.constant 0 : i32
    %dma_wait3A_371 = tpu.memref_slice %arg5[%add3A_365, %dma_wait3A_370] : memref<8192x2048xf32, #tpu.memory_space<hbm>> -> memref<16x2048xf32, #tpu.memory_space<hbm>>
    %dma_wait3A_372 = arith.constant 0 : i32
    %dma_wait3A_373 = tpu.memref_slice %arg5[%add3A_365, %dma_wait3A_372] : memref<8192x2048xf32, #tpu.memory_space<hbm>> -> memref<16x2048xf32, #tpu.memory_space<hbm>>
    tpu.wait_dma2 semaphore(%arg15 : memref<!tpu.dma_semaphore, #tpu.memory_space<semaphore_mem>>) src(%arg9 : memref<16x2048xf32, #tpu.memory_space<vmem>>) dst(%dma_wait3A_373 : memref<16x2048xf32, #tpu.memory_space<hbm>>)
    %dma_wait3A_374 = arith.constant 0 : i32
    %dma_wait3A_375 = tpu.memref_slice %arg5[%add3A_329, %dma_wait3A_374] : memref<8192x2048xf32, #tpu.memory_space<hbm>> -> memref<16x2048xf32, #tpu.memory_space<hbm>>
    %dma_wait3A_376 = arith.constant 0 : i32
    %dma_wait3A_377 = tpu.memref_slice %arg5[%add3A_329, %dma_wait3A_376] : memref<8192x2048xf32, #tpu.memory_space<hbm>> -> memref<16x2048xf32, #tpu.memory_space<hbm>>
    tpu.wait_dma2 semaphore(%arg16 : memref<!tpu.dma_semaphore, #tpu.memory_space<semaphore_mem>>) src(%arg10 : memref<16x2048xf32, #tpu.memory_space<vmem>>) dst(%dma_wait3A_377 : memref<16x2048xf32, #tpu.memory_space<hbm>>)
    %dma_wait3A_378 = arith.constant 0 : i32
    %dma_wait3A_379 = tpu.memref_slice %arg5[%add3A_352, %dma_wait3A_378] : memref<8192x2048xf32, #tpu.memory_space<hbm>> -> memref<16x2048xf32, #tpu.memory_space<hbm>>
    %dma_wait3A_380 = arith.constant 0 : i32
    %dma_wait3A_381 = tpu.memref_slice %arg5[%add3A_352, %dma_wait3A_380] : memref<8192x2048xf32, #tpu.memory_space<hbm>> -> memref<16x2048xf32, #tpu.memory_space<hbm>>
    tpu.wait_dma2 semaphore(%arg17 : memref<!tpu.dma_semaphore, #tpu.memory_space<semaphore_mem>>) src(%arg11 : memref<16x2048xf32, #tpu.memory_space<vmem>>) dst(%dma_wait3A_381 : memref<16x2048xf32, #tpu.memory_space<hbm>>)
    return
  }
}

</mosaic_0001>

<sc_bundles>
// kernel: kernel.3.cloned.1.call-start
scs
__scs_entry_jumppad:
0x0: {  	(pc) =	sbr.rel $0x88, $3  }
0x1: {  	(tag) =	ssettag $0x0;
	lr =	simm.s32 $0x1  }
0x2: {  	[smem:$0x3F9E] =	sst lr;
	_ =	strace $0xD0000000  }
0x3: {  	_ = 	snop  }
0x4: {  	_ = 	snop  }
0x5: {  	_ = 	snop  }
0x6: {  	_ = 	snop  }
0x7: {  	_ = 	snop  }
__scs_overlays_trampoline_lowered:
0x8: {  	[smem:$0x3FAD] =	sst s0  }
0x9: {  	[smem:$0x3FAE] =	sst s1  }
0xa: {  	[smem:$0x3FAF] =	sst s2  }
0xb: {  	[smem:$0x3FB0] =	sst s3  }
0xc: {  	[smem:$0x3FB1] =	sst s4  }
0xd: {  	[smem:$0x3FB2] =	sst s5  }
0xe: {  	[smem:$0x3FB3] =	sst s6  }
0xf: {  	[smem:$0x3FB4] =	sst s7  }
0x10: {  	[smem:$0x3FB5] =	sst s8  }
0x11: {  	[smem:$0x3FB6] =	sst s9;
	s0 =	simm.s32 @!p0 $0x0  }
0x12: {  	s1 =	sld [smem:$0x3F9C];
	s0 =	simm.s32 @p0 $0x1  }
0x13: {  	[smem:$0x3FB7] =	sst s0;
	s0 =	simm.s32 @!p1 $0x0  }
0x14: {  	s2 =	sld [smem:$0x3F9B];
	s0 =	simm.s32 @p1 $0x1  }
0x15: {  	[smem:$0x3FB8] =	sst s0;
	s0 =	simm.s32 @!p2 $0x0  }
0x16: {  	s3 =	sld [smem:$0x3FDB];
	s0 =	simm.s32 @p2 $0x1  }
0x17: {  	s4 =	simm.s32 $0x1BF5;
	[smem:$0x3FBA] =	sst s0  }
0x18: {  	s0 =	sld [smem:$0x3F9D];
	_ =	swait.ge [sflag:s4], $0x0  }
0x19: {  	s7 =	sld [smem:$0x3F9E]  }
0x1a: {  	s8 =	sadd.s32 $0xFFFFE003, lr  }
0x1b: {  	s9 =	sadd.s32 $0xFFFFFEF7, lr;
	s5 =	simm.s32 $0xFFFFFFFF;
	p2 =	slt.u32 s8, $0xFFFFF086  }
0x1c: {  	p1 =	slt.u32 s9, $0xF7A;
	s5 =	simm.s32 @!p2 $0x0  }
0x1d: {  	s5 =	simm.s32 @p1 $0x1;
	p0 =	seq.s32 s7, s2  }
0x1e: {  	s7 =	smul.u32 @!p0 $0xF7A, s2;
	p2 =	seq.s32 @!p0 s5, $0x0  }
0x1f: {  	s9 =	smul.u32 $0xF7A, s1;
	s8 =	simm.s32 @!p0 $0x1BF5;
	p2 =	por !p2, p0  }
0x20: {  	[sflag:s8] =	ssyncset.s32 @!p0 $0xFFFFF086;
	s6 =	sadd.s32 @!p0 s3, s7;
	s7 =	simm.s32 @!p0 $0x108  }
0x21: {  	s3 =	sadd.s32 s3, s9;
	s6 =	sadd.s32 @!p0 $0x88, s6;
	s7 =	simm.s32 @p2 $0x1082  }
0x22: {  	[simem:s7], [sflag:s8] =	dma.local @!p0 [hbm:s6], $0xF7A  }
0x23: {  	s9 =	sor.u32 $0xD0000000, s2;
	s6 =	simm.s32 $0x108;
	_ =	swait.ge @!p0 [sflag:s8], $0x0  }
0x24: {  	s3 =	sadd.s32 $0x88, s3;
	s6 =	simm.s32 @!p1 $0x1082;
	[sflag:s4] =	ssyncset.s32 $0xFFFFF086  }
0x25: {  	[simem:s6], [sflag:s4] =	dma.local [hbm:s3], $0xF7A  }
0x26: {  	[smem:$0x3F9E] =	sst s1;
	(tag) =	ssettag s2;
	_ =	strace s9  }
0x27: {  	s1 =	sld [smem:$0x3FAE]  }
0x28: {  	s2 =	sld [smem:$0x3FAF]  }
0x29: {  	s4 =	sld [smem:$0x3FB1]  }
0x2a: {  	p0 =	seq.s32 s5, $0x0;
	s5 =	sld [smem:$0x3FB2]  }
0x2b: {  	s6 =	sld [smem:$0x3FB3]  }
0x2c: {  	s7 =	sld [smem:$0x3FB4]  }
0x2d: {  	s3 =	simm.s32 $0x108;
	s8 =	sld [smem:$0x3FB5]  }
0x2e: {  	s3 =	simm.s32 @!p0 $0x1082;
	s9 =	sld [smem:$0x3FB6]  }
0x2f: {  	lr =	sadd.s32 s0, s3;
	s0 =	sld [smem:$0x3FAD]  }
0x30: {  	s3 =	sld [smem:$0x3FB0]  }
0x31: {  	[smem:$0x3FB9] =	sst s10  }
0x32: {  	s10 =	sld [smem:$0x3FB7];
	_ =	sdelay $0x3  }
0x33: {  	p0 =	seq.s32 s10, $0x1;
	s10 =	sld [smem:$0x3FB9];
	_ =	sdelay $0x3  }
0x34: {  	[smem:$0x3FB9] =	sst s10  }
0x35: {  	s10 =	sld [smem:$0x3FB8];
	_ =	sdelay $0x3  }
0x36: {  	p1 =	seq.s32 s10, $0x1;
	s10 =	sld [smem:$0x3FB9];
	_ =	sdelay $0x3  }
0x37: {  	[smem:$0x3FB9] =	sst s10  }
0x38: {  	s10 =	sld [smem:$0x3FBA]  }
0x39: {  	_ = 	snop;
	(pc) =	sbr.ind lr, $3  }
0x3a: {  	_ = 	snop  }
0x3b: {  	_ = 	snop  }
0x3c: {  	p2 =	seq.s32 s10, $0x1;
	s10 =	sld [smem:$0x3FB9]  }
0x3d: {  	_ =	shalt  }
0x3e: {  	_ =	shalt  }
0x3f: {  	_ =	shalt  }
0x40: {  	_ =	shalt  }
0x41: {  	_ =	shalt  }
0x42: {  	_ =	shalt  }
0x43: {  	_ =	shalt  }
0x44: {  	_ =	shalt  }
0x45: {  	_ =	shalt  }
0x46: {  	_ =	shalt  }
0x47: {  	_ =	shalt  }
0x48: {  	_ =	shalt  }
0x49: {  	_ =	shalt  }
0x4a: {  	_ =	shalt  }
0x4b: {  	_ =	shalt  }
0x4c: {  	_ =	shalt  }
0x4d: {  	_ =	shalt  }
0x4e: {  	_ =	shalt  }
0x4f: {  	_ =	shalt  }
0x50: {  	_ =	shalt  }
0x51: {  	_ =	shalt  }
0x52: {  	_ =	shalt  }
0x53: {  	_ =	shalt  }
0x54: {  	_ =	shalt  }
0x55: {  	_ =	shalt  }
0x56: {  	_ =	shalt  }
0x57: {  	_ =	shalt  }
0x58: {  	_ =	shalt  }
0x59: {  	_ =	shalt  }
0x5a: {  	_ =	shalt  }
0x5b: {  	_ =	shalt  }
0x5c: {  	_ =	shalt  }
0x5d: {  	_ =	shalt  }
0x5e: {  	_ =	shalt  }
0x5f: {  	_ =	shalt  }
0x60: {  	_ =	shalt  }
0x61: {  	_ =	shalt  }
0x62: {  	_ =	shalt  }
0x63: {  	_ =	shalt  }
0x64: {  	_ =	shalt  }
0x65: {  	_ =	shalt  }
0x66: {  	_ =	shalt  }
0x67: {  	_ =	shalt  }
0x68: {  	_ =	shalt  }
0x69: {  	_ =	shalt  }
0x6a: {  	_ =	shalt  }
0x6b: {  	_ =	shalt  }
0x6c: {  	_ =	shalt  }
0x6d: {  	_ =	shalt  }
0x6e: {  	_ =	shalt  }
0x6f: {  	_ =	shalt  }
0x70: {  	_ =	shalt  }
0x71: {  	_ =	shalt  }
0x72: {  	_ =	shalt  }
0x73: {  	_ =	shalt  }
0x74: {  	_ =	shalt  }
0x75: {  	_ =	shalt  }
0x76: {  	_ =	shalt  }
0x77: {  	_ =	shalt  }
0x78: {  	_ =	shalt  }
0x79: {  	_ =	shalt  }
0x7a: {  	_ =	shalt  }
0x7b: {  	_ =	shalt  }
0x7c: {  	_ =	shalt  }
0x7d: {  	_ =	shalt  }
0x7e: {  	_ =	shalt  }
0x7f: {  	_ =	shalt  }
0x80: {  	_ =	shalt  }
0x81: {  	_ =	shalt  }
0x82: {  	_ =	shalt  }
0x83: {  	_ =	shalt  }
0x84: {  	_ =	shalt  }
0x85: {  	_ =	shalt  }
0x86: {  	_ =	shalt  }
0x87: {  	_ =	shalt  }
.Lfunc_end0:
.L_simem_size_0:
called_computation_lowered:
.L_overlay_start_0:
0x88: {  	s2 =	sld [smem:$0x3FD9]  }
0x89: {  	s3 =	sld [smem:$0x3FFE];
	_ =	sdelay $0x1  }
0x8a: {  	s1 =	srdreg.scid  }
0x8b: {  	s0 =	sand.u32 $0x1, s1  }
0x8c: {  	s18 =	sshll.u32 s0, $0xA;
	s2 =	sadd.s32 s3, s2  }
0x8d: {  	s2 =	sadd.s32 s2, s18  }
0x8e: {  	[smem:$0x3FC5] =	sst s2  }
0x8f: {  	_ = 	snop  }
0x90: {  	s2 =	sld [smem:$0x3FC9]  }
0x91: {  	s19 =	sld [smem:$0x3FC8]  }
0x92: {  	s4 =	sld [smem:$0x3FC7]  }
0x93: {  	s5 =	sld [smem:$0x3FD0];
	(tm) =	ssettm $0x1  }
0x94: {  	s6 =	sld [smem:$0x3FFB];
	_ =	sdelay $0x3  }
0x95: {  	_ =	strace s6  }
0x96: {  	s6 =	sld [smem:$0x3FFC];
	_ =	sdelay $0x3  }
0x97: {  	_ =	strace s6  }
0x98: {  	s6 =	sld [smem:$0x3FFD];
	_ =	sdelay $0x3  }
0x99: {  	_ =	strace s6  }
0x9a: {  	_ =	strace $0x8FFFFFFF  }
0x9b: {  	s20 =	sld [smem:$0x3FDB];
	_ =	sdelay $0x1  }
0x9c: {  	s7 =	simm.s32 $_scs_section_size  }
0x9d: {  	s8 =	simm.s32 $_size__tile_overlayer_lowered;
	s9 =	simm.s32 $_tile_overlayer_lowered  }
0x9e: {  	s23 =	simm.s32 $0x1BFF;
	s22 =	sshll.u32 s9, $0x1;
	s6 =	sadd.s32 s7, s20  }
0x9f: {  	s10 =	simm.s32 $0x0;
	s21 =	sshll.u32 s8, $0x1;
	s8 =	sadd.s32 s22, s6  }
0xa0: {  	[timem:s10], [sflag:s23] =	dma.local [hbm:s8], s21  }
0xa1: {  	_ =	swait.ge [sflag:s23], s21  }
0xa2: {  	s7 =	ssub.s32 $0x0, s21;
	[sflag:s23] =	ssyncset.done $0x0  }
0xa3: {  	[sflag:s23] =	ssyncadd.s32 s7;
	_ =	sdelay $0x1  }
0xa4: {  	s24 =	simm.s32 $0x1B8B  }
0xa5: {  	_ =	swait.ge [sflag:s24], $0x1  }
0xa6: {  	[sflag:s24] =	ssyncset.done $0x0  }
0xa7: {  	s25 =	simm.s32 $0x1B8E;
	[sflag:s24] =	ssyncadd.s32 $0xFFFFFFFF  }
0xa8: {  	s26 =	simm.s32 $execute0_lowered;
	[smem:$0x3FD2] =	sst s25  }
0xa9: {  	s7 =	sshll.u32 s26, $0x1;
	_ =	strace $0x80000046;
	[dreg:$0x1] =	wrdreg $0xFFFFFFFF  }
0xaa: {  	s28 =	simm.s32 $_size_execute0_lowered;
	s6 =	sadd.s32 s6, s7;
	[dreg:$0x0] =	wrdreg $0x0  }
0xab: {  	s7 =	sshll.u32 s28, $0x1;
	[dreg:$0x2] =	wrdreg s6  }
0xac: {  	[dreg:$0x3] =	wrdreg s7  }
0xad: {  	[dreg:$0x4] =	wrdreg $0xC0  }
0xae: {  	_ =	task [dreg:s10], $0x5FFFF  }
0xaf: {  	[dreg:$0x1] =	wrdreg $0xFFFFFFFF  }
0xb0: {  	[dreg:$0x0] =	wrdreg $0x60  }
0xb1: {  	[dreg:$0x2] =	wrdreg s2  }
0xb2: {  	[dreg:$0x3] =	wrdreg s19  }
0xb3: {  	[dreg:$0x4] =	wrdreg s4  }
0xb4: {  	[dreg:$0x5] =	wrdreg s5  }
0xb5: {  	[dreg:$0x6] =	wrdreg $0x9  }
0xb6: {  	_ =	task.clear_ibuf [dreg:s10], $0x7FFFF;
	_ =	strace $0x90000046  }
0xb7: {  	s29 =	simm.s32 $0x9;
	_ =	strace $0x80000048  }
0xb8: {  	_ =	swait.ge [sflag:s29], $0x1  }
0xb9: {  	[sflag:s29] =	ssyncadd.s32 $0xFFFFFFFF  }
0xba: {  	_ =	strace $0x90000048  }
0xbb: {  	_ =	sfence  }
0xbc: {  	s30 =	sld [smem:$0x0];
	_ =	sdelay $0x2  }
0xbd: {  	s31 =	sshll.u32 s1, $0xD;
	s1 =	sshrl.u32 s1, $0x2  }
0xbe: {  	s3 =	sand.u32 $0x4000, s31;
	s1 =	sadd.s32 s1, s30  }
0xbf: {  	s0 =	sor.u32 s3, s0;
	s1 =	sshll.u32 s1, $0x11  }
0xc0: {  	s0 =	sor.u32 s1, s0  }
0xc1: {  	s0 =	sadd.s32 $0x8F2B, s0  }
0xc2: {  	[sflag:s0] =	ssyncadd.remote.s32 $0x1  }
0xc3: {  	_ =	sfence.sel $0xFFFF  }
0xc4: {  	[dreg:$0x0] =	wrdreg $0xFFFFFFFF;
	(pc) =	sbr.abs _section_cstart, $3  }
0xc5: {  	[dreg:$0x1] =	wrdreg $0xFFFFFFFF  }
0xc6: {  	_ =	task.clear_ibuf [dreg:s10], $0x2FFFF;
	_ =	strace $0x9FFFFFFF  }
0xc7: {  	(tm) =	ssettm $0x7FFFFFFF  }
tec
execute0_lowered:
.L_overlay_start_1:
0x0: {  	(tag) =	ssettag $0x1  }
0x1: {  	s2 =	rddreg [dreg:$0x0];
	s0 =	srdreg.scid  }
0x2: {  	s3 =	rddreg [dreg:$0x3];
	s5 =	stileid.u32;
	s0 =	sand.u32 $0x1, s0  }
0x3: {  	s5 =	sshll.u32 s5, $0x11;
	s4 =	ssub.s32 $0x2, s0;
	s0 =	sshll.u32 s0, $0x10  }
0x4: {  	s1 =	simm.s32 $0x0;
	s6 =	sshrl.u32 s4, $0x1;
	s0 =	sor.u32 s0, s5  }
0x5: {  	[smem:$0x7FF] =	sst s1;
	s4 =	ssub.s32 s4, s6;
	s5 =	sor.u32 $0x1000, s0  }
0x6: {  	s18 =	sor.u32 $0x2000, s0;
	s20 =	sor.u32 $0x3000, s0;
	s22 =	sor.u32 $0x4000, s0  }
0x7: {  	s24 =	sor.u32 $0x5000, s0;
	s26 =	sor.u32 $0x6000, s0;
	s7 =	sadd.s32 s2, s5  }
0x8: {  	s8 =	sor.u32 $0x7000, s0;
	s19 =	sadd.s32 s2, s18;
	[dreg:$0x5] =	wrdreg s7  }
0x9: {  	s10 =	sor.u32 $0x8000, s0;
	s5 =	sadd.s32 s3, s5;
	[dreg:$0x6] =	wrdreg s19  }
0xa: {  	s12 =	sor.u32 $0x9000, s0;
	s21 =	sadd.s32 s2, s20;
	[dreg:$0x7] =	wrdreg s5  }
0xb: {  	s15 =	sor.u32 $0xA000, s0;
	s6 =	sadd.s32 s3, s18;
	[dreg:$0x8] =	wrdreg s21  }
0xc: {  	s17 =	sor.u32 $0xB000, s0;
	s23 =	sadd.s32 s2, s22;
	[dreg:$0x9] =	wrdreg s6  }
0xd: {  	s29 =	sadd.s32 s2, s0;
	s25 =	sadd.s32 s2, s24;
	[dreg:$0xa] =	wrdreg s23  }
0xe: {  	s30 =	sadd.s32 s3, s0;
	s28 =	sadd.s32 s2, s26;
	[dreg:$0xc] =	wrdreg s25  }
0xf: {  	s9 =	sadd.s32 s2, s8;
	s11 =	sadd.s32 s2, s10;
	[dreg:$0xe] =	wrdreg s28  }
0x10: {  	s13 =	sadd.s32 s2, s12;
	s14 =	sadd.s32 s3, s10;
	[dreg:$0x10] =	wrdreg s9  }
0x11: {  	s16 =	sadd.s32 s3, s12;
	s18 =	sadd.s32 s2, s15;
	[dreg:$0x12] =	wrdreg s11  }
0x12: {  	s4 =	smax.u32 s4, $0x1;
	s10 =	simm.s32 $0x1;
	[dreg:$0x14] =	wrdreg s13  }
0x13: {  	s12 =	simm.s32 $0x2;
	s7 =	sadd.s32 s3, s20;
	[dreg:$0x15] =	wrdreg s14  }
0x14: {  	s5 =	sadd.s32 s3, s22;
	s6 =	sadd.s32 s3, s24;
	[dreg:$0x16] =	wrdreg s16  }
0x15: {  	[dreg:$0x17] =	wrdreg s18;
	s19 =	sadd.s32 s2, s17;
	s20 =	sadd.s32 s3, s17  }
0x16: {  	s21 =	sor.u32 $0xC000, s0;
	s22 =	sor.u32 $0xD000, s0;
	[dreg:$0xb] =	wrdreg s7  }
0x17: {  	s28 =	sor.u32 $0xF000, s0;
	s9 =	simm.s32 $0x10B00;
	[dreg:$0xd] =	wrdreg s5  }
0x18: {  	s11 =	simm.s32 $0x880;
	s13 =	simm.s32 $0x4;
	[dreg:$0xf] =	wrdreg s6  }
0x19: {  	s14 =	simm.s32 $0x3;
	s16 =	simm.s32 $0x6;
	[dreg:$0x19] =	wrdreg s19  }
0x1a: {  	s17 =	simm.s32 $0x0;
	s7 =	sadd.s32 s3, s26;
	[dreg:$0x1a] =	wrdreg s20  }
0x1b: {  	s5 =	sadd.s32 s3, s8;
	s23 =	sadd.s32 s2, s21;
	[dreg:$0x11] =	wrdreg s7  }
0x1c: {  	s24 =	sadd.s32 s2, s22;
	s25 =	sadd.s32 s3, s22;
	[dreg:$0x13] =	wrdreg s5  }
0x1d: {  	s26 =	sor.u32 $0xE000, s0;
	s31 =	sadd.s32 s2, s28;
	[dreg:$0x1b] =	wrdreg s23  }
0x1e: {  	s6 =	simm.s32 $0x480;
	s8 =	simm.s32 $0x8B00;
	[dreg:$0x1d] =	wrdreg s24  }
0x1f: {  	s5 =	sadd.s32 s3, s15;
	[dreg:$0x1e] =	wrdreg s25;
	s0 =	sadd.s32 s2, s26  }
0x20: {  	s2 =	sadd.s32 s3, s26;
	[dreg:$0x18] =	wrdreg s5;
	s5 =	sadd.s32 s3, s21  }
0x21: {  	v0 =	vlaneseq.u32;
	s7 =	simm.s32 $0xB00;
	s15 =	simm.s32 $0x5;
	[dreg:$0x1c] =	wrdreg s5  }
0x22: {  	v1 =	vadd.s32 $0x1, v0;
	s3 =	sadd.s32 s3, s28;
	s5 =	simm.s32 $0x7;
	_ =	strace $0x80000047  }
.LBB2_1:
0x23: {  	s18 =	rddreg [dreg:$0x1]  }
0x24: {  	[tilespmem:s1], [sflag:$0x7] =	stream.linear.gather [hbm4b:s18+s1], $0x400, $0x38;
	[tilespmem:$0x18B00] =	vst v63  }
0x25: {  	_ =	swait.ge [sflag:s5], $0x400  }
0x26: {  	[sflag:s5] =	ssyncset.done $0x0  }
0x27: {  	[sflag:s5] =	ssyncadd.s32 $0xFFFFFC00  }
0x28: {  	v2 =	vadd.s32 s1, v1;
	s25 =	rddreg [dreg:$0x2]  }
0x29: {  	v3 =	vor.u32 s1, v0;
	[tilespmem:s6], [sflag:$0x7] =	stream.linear.gather [hbm4b:s25+s1], $0x400, $0x38;
	[tilespmem:$0x18B00] =	vst v63  }
0x2a: {  	_ =	swait.ge [sflag:s5], $0x400  }
0x2b: {  	[sflag:s5] =	ssyncset.done $0x0  }
0x2c: {  	[sflag:s5] =	ssyncadd.s32 $0xFFFFFC00  }
0x2d: {  	v4 =	vld.idx.msk [tilespmem:v2+s6+$0x0], $0xffff  }
0x2e: {  	v5 =	vld.idx.msk [tilespmem:v3+s6+$0x0], $0xffff;
	_ =	sdelay $0x4  }
0x2f: {  	v4 =	vsub.f32 v4, v5;
	_ =	sdelay $0x1  }
0x30: {  	(erf) = vrcp.f32 v4;
	_ =	sdelay $0x1  }
0x31: {  	v2 =	vld.idx.msk [tilespmem:v2+s1+$0x0], $0xffff  }
0x32: {  	v3 =	vld.idx.msk [tilespmem:v3+s1+$0x0], $0xffff;
	_ =	sdelay $0x4  }
0x33: {  	v2 =	vsub.f32 v2, v3  }
0x34: {  	v4 =	vpop (erf)  }
0x35: {  	v2 =	vmul.f32 v4, v2;
	_ =	sdelay $0x1  }
0x36: {  	v4 =	vmul.f32 v2, v5;
	_ =	sdelay $0x1  }
0x37: {  	s26 =	simm.s32 $0x10;
	v3 =	vsub.f32 v3, v4  }
0x38: {  	v4 =	vadd.s32 s26, v1  }
0x39: {  	v5 =	vor.u32 s26, v0;
	v2 =	vadd.s32 $0x8000, v2;
	v3 =	vadd.s32 $0x8000, v3  }
0x3a: {  	v2 =	vand.u32 $0xFFFF0000, v2;
	v3 =	vshrl.u32 v3, $0x10  }
0x3b: {  	v2 =	vor.u32 v2, v3  }
0x3c: {  	[tilespmem:s11+$0x0] =	vst v2  }
0x3d: {  	v2 =	vld.idx.msk [tilespmem:v4+s6+$0x0], $0xffff  }
0x3e: {  	v3 =	vld.idx.msk [tilespmem:v5+s6+$0x0], $0xffff;
	_ =	sdelay $0x4  }
0x3f: {  	v2 =	vsub.f32 v2, v3;
	_ =	sdelay $0x1  }
0x40: {  	(erf) = vrcp.f32 v2;
	_ =	sdelay $0x1  }
0x41: {  	v2 =	vld.idx.msk [tilespmem:v4+s1+$0x0], $0xffff  }
0x42: {  	v4 =	vld.idx.msk [tilespmem:v5+s1+$0x0], $0xffff;
	_ =	sdelay $0x4  }
0x43: {  	v2 =	vsub.f32 v2, v4  }
0x44: {  	v5 =	vpop (erf)  }
0x45: {  	v5 =	vmul.f32 v5, v2;
	_ =	sdelay $0x1  }
0x46: {  	v2 =	vmul.f32 v5, v3;
	_ =	sdelay $0x1  }
0x47: {  	s28 =	simm.s32 $0x20;
	v6 =	vsub.f32 v4, v2  }
0x48: {  	v2 =	vadd.s32 s28, v1  }
0x49: {  	s19 =	simm.s32 $0x30;
	s18 =	simm.s32 $0x880;
	v3 =	vor.u32 s28, v0;
	v4 =	vadd.s32 $0x8000, v5;
	v5 =	vadd.s32 $0x8000, v6  }
.LBB2_2:
0x4a: {  	p0 =	sne.s32 s19, $0x1F0;
	v4 =	vand.u32 $0xFFFF0000, v4;
	v5 =	vshrl.u32 v5, $0x10  }
0x4b: {  	s18 =	sadd.s32 $0x10, s18;
	v4 =	vor.u32 v4, v5  }
0x4c: {  	[tilespmem:s18+$0x0] =	vst v4  }
0x4d: {  	v4 =	vld.idx.msk [tilespmem:v2+s6+$0x0], $0xffff  }
0x4e: {  	v5 =	vld.idx.msk [tilespmem:v3+s6+$0x0], $0xffff;
	_ =	sdelay $0x5  }
0x4f: {  	v4 =	vsub.f32 v4, v5;
	_ =	sdelay $0x1  }
0x50: {  	(erf) = vrcp.f32 v4  }
0x51: {  	v2 =	vld.idx.msk [tilespmem:v2+s1+$0x0], $0xffff  }
0x52: {  	v3 =	vld.idx.msk [tilespmem:v3+s1+$0x0], $0xffff;
	_ =	sdelay $0x5  }
0x53: {  	v2 =	vsub.f32 v2, v3  }
0x54: {  	v4 =	vpop (erf)  }
0x55: {  	v4 =	vmul.f32 v4, v2;
	_ =	sdelay $0x1  }
.Ltmp0:
0x56: {  	v2 =	vmul.f32 v4, v5;
	(pc) =	sbr.rel @p0 .LBB2_2-.Ltmp0, $4  }
0x57: {  	_ = 	snop  }
0x58: {  	v5 =	vsub.f32 v3, v2  }
0x59: {  	v2 =	vadd.s32 s19, v1  }
0x5a: {  	v4 =	vadd.s32 $0x8000, v4;
	v3 =	vor.u32 s19, v0;
	s19 =	sadd.s32 $0x10, s19;
	v5 =	vadd.s32 $0x8000, v5  }
0x5b: {  	_ = 	snop  }
0x5c: {  	v4 =	vand.u32 $0xFFFF0000, v4;
	v5 =	vshrl.u32 v5, $0x10  }
0x5d: {  	s18 =	sadd.s32 $0x10, s18;
	v4 =	vor.u32 v4, v5  }
0x5e: {  	[tilespmem:s18+$0x0] =	vst v4  }
0x5f: {  	v4 =	vld.idx.msk [tilespmem:v2+s6+$0x0], $0xffff  }
0x60: {  	v5 =	vld.idx.msk [tilespmem:v3+s6+$0x0], $0xffff;
	_ =	sdelay $0x4  }
0x61: {  	v4 =	vsub.f32 v4, v5;
	_ =	sdelay $0x1  }
0x62: {  	(erf) = vrcp.f32 v4;
	_ =	sdelay $0x1  }
0x63: {  	v2 =	vld.idx.msk [tilespmem:v2+s1+$0x0], $0xffff  }
0x64: {  	v3 =	vld.idx.msk [tilespmem:v3+s1+$0x0], $0xffff;
	_ =	sdelay $0x4  }
0x65: {  	v2 =	vsub.f32 v2, v3  }
0x66: {  	v4 =	vpop (erf)  }
0x67: {  	v2 =	vmul.f32 v4, v2;
	_ =	sdelay $0x1  }
0x68: {  	v4 =	vmul.f32 v2, v5;
	_ =	sdelay $0x1  }
0x69: {  	v3 =	vsub.f32 v3, v4;
	_ =	sdelay $0x1  }
0x6a: {  	v2 =	vadd.s32 $0x8000, v2;
	v3 =	vadd.s32 $0x8000, v3  }
0x6b: {  	v2 =	vand.u32 $0xFFFF0000, v2;
	v3 =	vshrl.u32 v3, $0x10  }
0x6c: {  	s18 =	sadd.s32 $0x10, s18;
	v2 =	vor.u32 v2, v3  }
0x6d: {  	[tilespmem:s18+$0x0] =	vst v2  }
0x6e: {  	v2 =	vld [tilespmem:$0x3FF];
	_ =	sdelay $0x4  }
0x6f: {  	v2 =	vadd.s32 $0x8000, v2  }
0x70: {  	v2 =	vshrl.u32 v2, $0x10  }
0x71: {  	s24 =	simm.s32 $0x0;
	[tilespmem:$0xA80] =	vst v2  }
0x72: {  	[tilespmem:s7], [sflag:$0x1] =	stream.linear.gather [hbm4b:s29+s24], $0x8000, $0x38;
	[tilespmem:$0x18B00] =	vst v63  }
0x73: {  	s19 =	rddreg [dreg:$0x5]  }
0x74: {  	[tilespmem:s8], [sflag:$0x2] =	stream.linear.gather [hbm4b:s19+s24], $0x8000, $0x38;
	[tilespmem:$0x18B00] =	vst v63  }
0x75: {  	s25 =	rddreg [dreg:$0x6];
	s26 =	simm.s32 $0x0  }
0x76: {  	[tilespmem:s9], [sflag:$0x3] =	stream.linear.gather [hbm4b:s25+s24], $0x8000, $0x38;
	[tilespmem:$0x18B00] =	vst v63  }
0x77: {  	s20 =	sand.u32 $0x4000, s24;
	s18 =	sand.u32 $0x3C00, s24;
	_ =	swait.ge [sflag:s10], $0x8000  }
0x78: {  	s18 =	sor.u32 s18, s20;
	s19 =	sand.u32 $0x380, s26;
	[sflag:s10] =	ssyncset.done $0x0  }
0x79: {  	s18 =	sor.u32 s19, s18;
	[sflag:s10] =	ssyncadd.s32 $0xFFFF8000  }
0x7a: {  	v12 =	vld [tilespmem:s18+$0xB70]  }
0x7b: {  	v8 =	vld [tilespmem:s18+$0xB00]  }
0x7c: {  	v7 =	vld [tilespmem:s18+$0xB10]  }
0x7d: {  	v5 =	vld [tilespmem:s18+$0xB20]  }
0x7e: {  	v3 =	vld [tilespmem:s18+$0xB30]  }
0x7f: {  	v6 =	vld [tilespmem:s18+$0xB40]  }
0x80: {  	v4 =	vld [tilespmem:s18+$0xB50];
	v2 =	vmul.f32 $1.278751220e+02, v12;
	_ =	sdelay $0x1  }
0x81: {  	v9 =	vmul.f32 $1.278751220e+02, v8;
	v10 =	vmul.f32 $1.278751220e+02, v7;
	v2 =	vmax.f32 v2, $0.0e+00  }
0x82: {  	v13 =	vmul.f32 $1.278751220e+02, v5;
	v14 =	vmul.f32 $1.278751220e+02, v3;
	v11 =	vmin.f32 v2, $5.120000000e+02  }
0x83: {  	s28 =	simm.s32 $0x400;
	s21 =	simm.s32 $0x80;
	v15 =	vmul.f32 $1.278751220e+02, v6;
	v2 =	vld [tilespmem:s18+$0xB60];
	v11 =	vtrunc.f32 v11  }
0x84: {  	s21 =	sand.u32 $0x4000, s21;
	s20 =	simm.s32 $0x8;
	s19 =	sand.u32 $0x3C00, s28;
	v16 =	vmul.f32 $1.278751220e+02, v4;
	v9 =	vmax.f32 v9, $0.0e+00;
	v11 =	vcvt.f32.s32 v11  }
0x85: {  	s22 =	sand.u32 $0x380, s20;
	s19 =	sor.u32 s19, s21;
	v10 =	vmax.f32 v10, $0.0e+00;
	v13 =	vmax.f32 v13, $0.0e+00;
	v14 =	vmax.f32 v14, $0.0e+00  }
0x86: {  	s19 =	sor.u32 s22, s19;
	v15 =	vmax.f32 v15, $0.0e+00;
	v16 =	vmax.f32 v16, $0.0e+00;
	v9 =	vmin.f32 v9, $5.120000000e+02  }
0x87: {  	v10 =	vmin.f32 v10, $5.120000000e+02;
	v13 =	vmin.f32 v13, $5.120000000e+02;
	v18 =	vmin.f32 v16, $5.120000000e+02;
	v16 =	vld [tilespmem:s19+$0xB70]  }
0x88: {  	v14 =	vmin.f32 v14, $5.120000000e+02;
	v13 =	vtrunc.f32 v13;
	v17 =	vmul.f32 $1.278751220e+02, v2  }
0x89: {  	v15 =	vmin.f32 v15, $5.120000000e+02;
	v19 =	vtrunc.f32 v10;
	v21 =	vcvt.f32.s32 v13;
	v13 =	vld [tilespmem:s19+$0xB20]  }
0x8a: {  	v9 =	vtrunc.f32 v9;
	v19 =	vcvt.f32.s32 v19;
	v10 =	vmax.f32 v17, $0.0e+00;
	v20 =	vld.idx.msk [tilespmem:v11+s11+$0x0], $0xffff  }
0x8b: {  	v11 =	vtrunc.f32 v14;
	v14 =	vtrunc.f32 v15;
	v15 =	vmin.f32 v10, $5.120000000e+02;
	v10 =	vld [tilespmem:s19+$0xB00]  }
0x8c: {  	v25 =	vmul.f32 $1.278751220e+02, v16;
	v22 =	vcvt.f32.s32 v11;
	v11 =	vld [tilespmem:s19+$0xB30]  }
0x8d: {  	v17 =	vtrunc.f32 v18;
	v18 =	vcvt.f32.s32 v9;
	v9 =	vld [tilespmem:s19+$0xB10]  }
0x8e: {  	v15 =	vtrunc.f32 v15;
	v23 =	vcvt.f32.s32 v14;
	v14 =	vld [tilespmem:s19+$0xB50]  }
0x8f: {  	v24 =	vcvt.f32.s32 v17;
	v27 =	vcvt.f32.s32 v15  }
0x90: {  	v17 =	vmul.f32 v20, v12;
	v15 =	vshll.u32 v20, $0x10;
	v20 =	vmul.f32 $1.278751220e+02, v10  }
0x91: {  	v25 =	vmax.f32 v25, $0.0e+00;
	v26 =	vmul.f32 $1.278751220e+02, v13;
	v12 =	vld [tilespmem:s19+$0xB40];
	v30 =	vmul.f32 $1.278751220e+02, v11  }
0x92: {  	v28 =	vadd.f32 v15, v17;
	v17 =	vmul.f32 $1.278751220e+02, v9;
	v15 =	vld [tilespmem:s19+$0xB60];
	v20 =	vmax.f32 v20, $0.0e+00  }
0x93: {  	v25 =	vmin.f32 v25, $5.120000000e+02;
	v32 =	vmul.f32 $1.278751220e+02, v14;
	v31 =	vmin.f32 v20, $5.120000000e+02  }
0x94: {  	v30 =	vmax.f32 v30, $0.0e+00;
	v20 =	vld.idx.msk [tilespmem:v21+s11+$0x0], $0xffff;
	v29 =	vmax.f32 v17, $0.0e+00;
	v17 =	vtrunc.f32 v25  }
0x95: {  	v21 =	vmax.f32 v32, $0.0e+00;
	v25 =	vmax.f32 v26, $0.0e+00;
	v33 =	vcvt.f32.s32 v17;
	v17 =	vld.idx.msk [tilespmem:v18+s11+$0x0], $0xffff  }
0x96: {  	v30 =	vmin.f32 v30, $5.120000000e+02;
	v35 =	vmin.f32 v21, $5.120000000e+02;
	v36 =	vtrunc.f32 v31;
	v18 =	vld.idx.msk [tilespmem:v19+s11+$0x0], $0xffff  }
0x97: {  	v26 =	vmul.f32 $1.278751220e+02, v12;
	v29 =	vmin.f32 v29, $5.120000000e+02;
	v19 =	vld.idx.msk [tilespmem:v22+s11+$0x0], $0xffff;
	v34 =	vmul.f32 $1.278751220e+02, v15  }
0x98: {  	v25 =	vmin.f32 v25, $5.120000000e+02;
	v22 =	vld.idx.msk [tilespmem:v23+s11+$0x0], $0xffff;
	v30 =	vtrunc.f32 v30;
	v31 =	vtrunc.f32 v29  }
0x99: {  	v23 =	vld.idx.msk [tilespmem:v27+s11+$0x0], $0xffff;
	v29 =	vtrunc.f32 v35;
	v26 =	vmax.f32 v26, $0.0e+00;
	v21 =	vmax.f32 v34, $0.0e+00  }
0x9a: {  	v63 =	vmin.f32 v26, $5.120000000e+02;
	v27 =	vshll.u32 v20, $0x10;
	v37 =	vmin.f32 v21, $5.120000000e+02;
	v21 =	vld.idx.msk [tilespmem:v24+s11+$0x0], $0xffff  }
0x9b: {  	[tilespmem:s18+$0xB70] =	vst v28;
	v34 =	vtrunc.f32 v25;
	v32 =	vtrunc.f32 v63;
	v26 =	vshll.u32 v17, $0x10;
	v28 =	vld.idx.msk [tilespmem:v33+s11+$0x0], $0xffff  }
0x9c: {  	s21 =	simm.s32 $0x800;
	s22 =	simm.s32 $0x100;
	v25 =	vshll.u32 v18, $0x10;
	v24 =	vcvt.f32.s32 v36;
	v33 =	vtrunc.f32 v37  }
.LBB2_4:
0x9d: {  	s20 =	sadd.s32 $0x8, s20;
	s23 =	sand.u32 $0x4000, s22;
	s24 =	sand.u32 $0x3C00, s21;
	v31 =	vcvt.f32.s32 v31;
	v34 =	vcvt.f32.s32 v34;
	v35 =	vshll.u32 v19, $0x10  }
0x9e: {  	v30 =	vcvt.f32.s32 v30;
	v32 =	vcvt.f32.s32 v32;
	v36 =	vshll.u32 v22, $0x10;
	s25 =	sand.u32 $0x380, s20;
	s23 =	sor.u32 s24, s23;
	p0 =	slt.u32 s20, $0x7F8  }
0x9f: {  	v29 =	vcvt.f32.s32 v29;
	v33 =	vcvt.f32.s32 v33;
	v37 =	vshll.u32 v21, $0x10;
	s23 =	sor.u32 s25, s23  }
0xa0: {  	v17 =	vmul.f32 v17, v8;
	v39 =	vshll.u32 v23, $0x10;
	v8 =	vmovc v10;
	v38 =	vmul.f32 v28, v16;
	v16 =	vld [tilespmem:s23+$0xB70]  }
0xa1: {  	v18 =	vmul.f32 v18, v7;
	v20 =	vmul.f32 v20, v5;
	v7 =	vmovc v9;
	v5 =	vmovc v13;
	v28 =	vshll.u32 v28, $0x10;
	v10 =	vld [tilespmem:s23+$0xB00]  }
0xa2: {  	v19 =	vmul.f32 v19, v3;
	v22 =	vmul.f32 v22, v6;
	v3 =	vmovc v11;
	v28 =	vadd.f32 v28, v38;
	v9 =	vld [tilespmem:s23+$0xB10]  }
0xa3: {  	v21 =	vmul.f32 v21, v4;
	v23 =	vmul.f32 v23, v2;
	v6 =	vmovc v12;
	v17 =	vadd.f32 v26, v17;
	v13 =	vld [tilespmem:s23+$0xB20]  }
0xa4: {  	v4 =	vmovc v14;
	v2 =	vmov v15;
	v18 =	vadd.f32 v25, v18;
	v20 =	vadd.f32 v27, v20;
	v11 =	vld [tilespmem:s23+$0xB30];
	[tilespmem:s19+$0xB70] =	vst v28  }
0xa5: {  	v19 =	vadd.f32 v35, v19;
	v22 =	vadd.f32 v36, v22;
	v12 =	vld [tilespmem:s23+$0xB40];
	v25 =	vmul.f32 $1.278751220e+02, v16;
	[tilespmem:s18+$0xB00] =	vst v17  }
0xa6: {  	v21 =	vadd.f32 v37, v21;
	v23 =	vadd.f32 v39, v23;
	v17 =	vmul.f32 $1.278751220e+02, v10;
	v14 =	vld [tilespmem:s23+$0xB50];
	[tilespmem:s18+$0xB10] =	vst v18  }
0xa7: {  	v18 =	vmul.f32 $1.278751220e+02, v9;
	v15 =	vld [tilespmem:s23+$0xB60];
	v25 =	vmax.f32 v25, $0.0e+00;
	[tilespmem:s18+$0xB20] =	vst v20  }
0xa8: {  	v26 =	vmax.f32 v17, $0.0e+00;
	v20 =	vmul.f32 $1.278751220e+02, v13;
	v25 =	vmin.f32 v25, $5.120000000e+02;
	v17 =	vld.idx.msk [tilespmem:v24+s11+$0x0], $0xffff;
	[tilespmem:s18+$0xB30] =	vst v19  }
0xa9: {  	v24 =	vmax.f32 v18, $0.0e+00;
	v19 =	vmul.f32 $1.278751220e+02, v11;
	v25 =	vtrunc.f32 v25;
	v18 =	vld.idx.msk [tilespmem:v31+s11+$0x0], $0xffff;
	[tilespmem:s18+$0xB40] =	vst v22  }
0xaa: {  	v27 =	vmax.f32 v20, $0.0e+00;
	v22 =	vmul.f32 $1.278751220e+02, v12;
	v25 =	vcvt.f32.s32 v25;
	v20 =	vld.idx.msk [tilespmem:v34+s11+$0x0], $0xffff;
	[tilespmem:s18+$0xB50] =	vst v21  }
0xab: {  	v26 =	vmin.f32 v26, $5.120000000e+02;
	v21 =	vmax.f32 v19, $0.0e+00;
	v28 =	vmul.f32 $1.278751220e+02, v14;
	v19 =	vld.idx.msk [tilespmem:v30+s11+$0x0], $0xffff;
	[tilespmem:s18+$0xB60] =	vst v23;
	s18 =	smov.u32 s19;
	s19 =	smov.u32 s23  }
0xac: {  	v24 =	vmin.f32 v24, $5.120000000e+02;
	v23 =	vmax.f32 v22, $0.0e+00;
	v30 =	vmul.f32 $1.278751220e+02, v15;
	v22 =	vld.idx.msk [tilespmem:v32+s11+$0x0], $0xffff  }
0xad: {  	v27 =	vmin.f32 v27, $5.120000000e+02;
	v32 =	vmin.f32 v21, $5.120000000e+02;
	v28 =	vmax.f32 v28, $0.0e+00;
	v21 =	vld.idx.msk [tilespmem:v29+s11+$0x0], $0xffff  }
.Ltmp1:
0xae: {  	v29 =	vmin.f32 v23, $5.120000000e+02;
	v35 =	vmin.f32 v28, $5.120000000e+02;
	v28 =	vmax.f32 v30, $0.0e+00;
	v23 =	vld.idx.msk [tilespmem:v33+s11+$0x0], $0xffff;
	(pc) =	sbr.rel @p0 .LBB2_4-.Ltmp1, $4  }
0xaf: {  	v31 =	vtrunc.f32 v24;
	v33 =	vtrunc.f32 v26;
	v36 =	vmin.f32 v28, $5.120000000e+02  }
0xb0: {  	v34 =	vtrunc.f32 v27;
	v30 =	vtrunc.f32 v32;
	v26 =	vshll.u32 v17, $0x10;
	v28 =	vld.idx.msk [tilespmem:v25+s11+$0x0], $0xffff  }
0xb1: {  	v32 =	vtrunc.f32 v29;
	v29 =	vtrunc.f32 v35;
	v25 =	vshll.u32 v18, $0x10  }
0xb2: {  	s21 =	sadd.s32 $0x400, s21;
	s22 =	sadd.s32 $0x80, s22;
	v24 =	vcvt.f32.s32 v33;
	v27 =	vshll.u32 v20, $0x10;
	v33 =	vtrunc.f32 v36  }
0xb3: {  	v31 =	vcvt.f32.s32 v31  }
0xb4: {  	v34 =	vcvt.f32.s32 v34  }
0xb5: {  	v30 =	vcvt.f32.s32 v30;
	v16 =	vmul.f32 v28, v16  }
0xb6: {  	v32 =	vcvt.f32.s32 v32;
	v8 =	vmul.f32 v17, v8;
	v17 =	vshll.u32 v28, $0x10  }
0xb7: {  	v7 =	vmul.f32 v18, v7;
	v28 =	vcvt.f32.s32 v29;
	v16 =	vadd.f32 v17, v16  }
0xb8: {  	v5 =	vmul.f32 v20, v5;
	v18 =	vld.idx.msk [tilespmem:v24+s11+$0x0], $0xffff;
	v8 =	vadd.f32 v26, v8;
	v17 =	vcvt.f32.s32 v33  }
0xb9: {  	v3 =	vmul.f32 v19, v3;
	v7 =	vadd.f32 v25, v7;
	[tilespmem:s19+$0xB70] =	vst v16;
	v16 =	vld.idx.msk [tilespmem:v31+s11+$0x0], $0xffff  }
0xba: {  	v19 =	vshll.u32 v19, $0x10;
	v6 =	vmul.f32 v22, v6;
	v5 =	vadd.f32 v27, v5;
	[tilespmem:s18+$0xB00] =	vst v8;
	v8 =	vld.idx.msk [tilespmem:v34+s11+$0x0], $0xffff  }
0xbb: {  	v20 =	vshll.u32 v22, $0x10;
	v4 =	vmul.f32 v21, v4;
	v3 =	vadd.f32 v19, v3;
	[tilespmem:s18+$0xB10] =	vst v7;
	v7 =	vld.idx.msk [tilespmem:v30+s11+$0x0], $0xffff  }
0xbc: {  	v2 =	vmul.f32 v23, v2;
	v19 =	vshll.u32 v21, $0x10;
	v6 =	vadd.f32 v20, v6;
	[tilespmem:s18+$0xB20] =	vst v5;
	v5 =	vld.idx.msk [tilespmem:v32+s11+$0x0], $0xffff  }
0xbd: {  	v20 =	vshll.u32 v23, $0x10;
	v4 =	vadd.f32 v19, v4;
	[tilespmem:s18+$0xB30] =	vst v3;
	v10 =	vmul.f32 v18, v10;
	v3 =	vld.idx.msk [tilespmem:v28+s11+$0x0], $0xffff  }
0xbe: {  	v2 =	vadd.f32 v20, v2;
	[tilespmem:s18+$0xB40] =	vst v6;
	v6 =	vld.idx.msk [tilespmem:v17+s11+$0x0], $0xffff;
	v17 =	vshll.u32 v18, $0x10;
	v9 =	vmul.f32 v16, v9  }
0xbf: {  	[tilespmem:s18+$0xB50] =	vst v4;
	v4 =	vshll.u32 v16, $0x10;
	v13 =	vmul.f32 v8, v13;
	v10 =	vadd.f32 v17, v10  }
0xc0: {  	[tilespmem:s18+$0xB60] =	vst v2;
	v2 =	vshll.u32 v8, $0x10;
	v8 =	vmul.f32 v7, v11;
	v4 =	vadd.f32 v4, v9  }
0xc1: {  	v7 =	vshll.u32 v7, $0x10;
	v9 =	vmul.f32 v5, v12;
	v2 =	vadd.f32 v2, v13;
	[tilespmem:s19+$0xB00] =	vst v10  }
0xc2: {  	v5 =	vshll.u32 v5, $0x10;
	v10 =	vmul.f32 v3, v14;
	v7 =	vadd.f32 v7, v8;
	[tilespmem:s19+$0xB10] =	vst v4  }
0xc3: {  	v3 =	vshll.u32 v3, $0x10;
	v4 =	vmul.f32 v6, v15;
	v5 =	vadd.f32 v5, v9;
	[tilespmem:s19+$0xB20] =	vst v2  }
0xc4: {  	v2 =	vshll.u32 v6, $0x10;
	v3 =	vadd.f32 v3, v10;
	[tilespmem:s19+$0xB30] =	vst v7  }
0xc5: {  	v2 =	vadd.f32 v2, v4;
	[tilespmem:s19+$0xB40] =	vst v5  }
0xc6: {  	[tilespmem:s19+$0xB50] =	vst v3  }
0xc7: {  	s25 =	simm.s32 $0x0;
	s26 =	simm.s32 $0x0;
	[tilespmem:s19+$0xB60] =	vst v2  }
0xc8: {  	[hbm4b:s30+s25] =	stream.linear.scatter [tilespmem:s7], [sflag:$0x4], $0x8000, $0x38;
	[tilespmem:$0x18B00] =	vst v63  }
0xc9: {  	s20 =	sand.u32 $0x4000, s25;
	s18 =	sand.u32 $0x3C00, s25;
	_ =	swait.ge [sflag:s12], $0x8000  }
0xca: {  	s18 =	sor.u32 s18, s20;
	s19 =	sand.u32 $0x380, s26;
	[sflag:s12] =	ssyncset.done $0x0  }
0xcb: {  	s18 =	sor.u32 s19, s18;
	[sflag:s12] =	ssyncadd.s32 $0xFFFF8000  }
0xcc: {  	v12 =	vld [tilespmem:s18+$0x8B70]  }
0xcd: {  	v8 =	vld [tilespmem:s18+$0x8B00]  }
0xce: {  	v7 =	vld [tilespmem:s18+$0x8B10]  }
0xcf: {  	v5 =	vld [tilespmem:s18+$0x8B20]  }
0xd0: {  	v3 =	vld [tilespmem:s18+$0x8B30]  }
0xd1: {  	v6 =	vld [tilespmem:s18+$0x8B40]  }
0xd2: {  	v4 =	vld [tilespmem:s18+$0x8B50];
	v2 =	vmul.f32 $1.278751220e+02, v12;
	_ =	sdelay $0x1  }
0xd3: {  	v9 =	vmul.f32 $1.278751220e+02, v8;
	v10 =	vmul.f32 $1.278751220e+02, v7;
	v2 =	vmax.f32 v2, $0.0e+00  }
0xd4: {  	v13 =	vmul.f32 $1.278751220e+02, v5;
	v14 =	vmul.f32 $1.278751220e+02, v3;
	v11 =	vmin.f32 v2, $5.120000000e+02  }
0xd5: {  	s28 =	simm.s32 $0x400;
	s21 =	simm.s32 $0x80;
	v15 =	vmul.f32 $1.278751220e+02, v6;
	v2 =	vld [tilespmem:s18+$0x8B60];
	v11 =	vtrunc.f32 v11  }
0xd6: {  	s21 =	sand.u32 $0x4000, s21;
	s20 =	simm.s32 $0x8;
	s19 =	sand.u32 $0x3C00, s28;
	v16 =	vmul.f32 $1.278751220e+02, v4;
	v9 =	vmax.f32 v9, $0.0e+00;
	v11 =	vcvt.f32.s32 v11  }
0xd7: {  	s22 =	sand.u32 $0x380, s20;
	s19 =	sor.u32 s19, s21;
	v10 =	vmax.f32 v10, $0.0e+00;
	v13 =	vmax.f32 v13, $0.0e+00;
	v14 =	vmax.f32 v14, $0.0e+00  }
0xd8: {  	s19 =	sor.u32 s22, s19;
	v15 =	vmax.f32 v15, $0.0e+00;
	v16 =	vmax.f32 v16, $0.0e+00;
	v9 =	vmin.f32 v9, $5.120000000e+02  }
0xd9: {  	v10 =	vmin.f32 v10, $5.120000000e+02;
	v13 =	vmin.f32 v13, $5.120000000e+02;
	v18 =	vmin.f32 v16, $5.120000000e+02;
	v16 =	vld [tilespmem:s19+$0x8B70]  }
0xda: {  	v14 =	vmin.f32 v14, $5.120000000e+02;
	v13 =	vtrunc.f32 v13;
	v17 =	vmul.f32 $1.278751220e+02, v2  }
0xdb: {  	v15 =	vmin.f32 v15, $5.120000000e+02;
	v19 =	vtrunc.f32 v10;
	v21 =	vcvt.f32.s32 v13;
	v13 =	vld [tilespmem:s19+$0x8B20]  }
0xdc: {  	v9 =	vtrunc.f32 v9;
	v19 =	vcvt.f32.s32 v19;
	v10 =	vmax.f32 v17, $0.0e+00;
	v20 =	vld.idx.msk [tilespmem:v11+s11+$0x0], $0xffff  }
0xdd: {  	v11 =	vtrunc.f32 v14;
	v14 =	vtrunc.f32 v15;
	v15 =	vmin.f32 v10, $5.120000000e+02;
	v10 =	vld [tilespmem:s19+$0x8B00]  }
0xde: {  	v25 =	vmul.f32 $1.278751220e+02, v16;
	v22 =	vcvt.f32.s32 v11;
	v11 =	vld [tilespmem:s19+$0x8B30]  }
0xdf: {  	v17 =	vtrunc.f32 v18;
	v18 =	vcvt.f32.s32 v9;
	v9 =	vld [tilespmem:s19+$0x8B10]  }
0xe0: {  	v15 =	vtrunc.f32 v15;
	v23 =	vcvt.f32.s32 v14;
	v14 =	vld [tilespmem:s19+$0x8B50]  }
0xe1: {  	v24 =	vcvt.f32.s32 v17;
	v27 =	vcvt.f32.s32 v15  }
0xe2: {  	v17 =	vmul.f32 v20, v12;
	v15 =	vshll.u32 v20, $0x10;
	v20 =	vmul.f32 $1.278751220e+02, v10  }
0xe3: {  	v25 =	vmax.f32 v25, $0.0e+00;
	v26 =	vmul.f32 $1.278751220e+02, v13;
	v12 =	vld [tilespmem:s19+$0x8B40];
	v30 =	vmul.f32 $1.278751220e+02, v11  }
0xe4: {  	v28 =	vadd.f32 v15, v17;
	v17 =	vmul.f32 $1.278751220e+02, v9;
	v15 =	vld [tilespmem:s19+$0x8B60];
	v20 =	vmax.f32 v20, $0.0e+00  }
0xe5: {  	v25 =	vmin.f32 v25, $5.120000000e+02;
	v61 =	vmul.f32 $1.278751220e+02, v14;
	v31 =	vmin.f32 v20, $5.120000000e+02  }
0xe6: {  	v30 =	vmax.f32 v30, $0.0e+00;
	v20 =	vld.idx.msk [tilespmem:v21+s11+$0x0], $0xffff;
	v29 =	vmax.f32 v17, $0.0e+00;
	v17 =	vtrunc.f32 v25  }
0xe7: {  	v21 =	vmax.f32 v61, $0.0e+00;
	v25 =	vmax.f32 v26, $0.0e+00;
	v60 =	vcvt.f32.s32 v17;
	v17 =	vld.idx.msk [tilespmem:v18+s11+$0x0], $0xffff  }
0xe8: {  	v30 =	vmin.f32 v30, $5.120000000e+02;
	v35 =	vmin.f32 v21, $5.120000000e+02;
	v36 =	vtrunc.f32 v31;
	v18 =	vld.idx.msk [tilespmem:v19+s11+$0x0], $0xffff  }
0xe9: {  	v26 =	vmul.f32 $1.278751220e+02, v12;
	v29 =	vmin.f32 v29, $5.120000000e+02;
	v19 =	vld.idx.msk [tilespmem:v22+s11+$0x0], $0xffff;
	v62 =	vmul.f32 $1.278751220e+02, v15  }
0xea: {  	v25 =	vmin.f32 v25, $5.120000000e+02;
	v22 =	vld.idx.msk [tilespmem:v23+s11+$0x0], $0xffff;
	v30 =	vtrunc.f32 v30;
	v31 =	vtrunc.f32 v29  }
0xeb: {  	v23 =	vld.idx.msk [tilespmem:v27+s11+$0x0], $0xffff;
	v34 =	vtrunc.f32 v25;
	v26 =	vmax.f32 v26, $0.0e+00;
	v21 =	vmax.f32 v62, $0.0e+00  }
0xec: {  	v29 =	vtrunc.f32 v35;
	v63 =	vmin.f32 v26, $5.120000000e+02;
	v37 =	vmin.f32 v21, $5.120000000e+02;
	v21 =	vld.idx.msk [tilespmem:v24+s11+$0x0], $0xffff  }
0xed: {  	[tilespmem:s18+$0x8B70] =	vst v28;
	v27 =	vshll.u32 v20, $0x10;
	v32 =	vtrunc.f32 v63;
	v26 =	vshll.u32 v17, $0x10;
	v28 =	vld.idx.msk [tilespmem:v60+s11+$0x0], $0xffff  }
0xee: {  	s21 =	simm.s32 $0x800;
	s22 =	simm.s32 $0x100;
	v25 =	vshll.u32 v18, $0x10;
	v24 =	vcvt.f32.s32 v36;
	v33 =	vtrunc.f32 v37  }
.LBB2_6:
0xef: {  	s20 =	sadd.s32 $0x8, s20;
	s23 =	sand.u32 $0x4000, s22;
	s24 =	sand.u32 $0x3C00, s21;
	v31 =	vcvt.f32.s32 v31;
	v34 =	vcvt.f32.s32 v34;
	v35 =	vshll.u32 v19, $0x10  }
0xf0: {  	v30 =	vcvt.f32.s32 v30;
	v32 =	vcvt.f32.s32 v32;
	v36 =	vshll.u32 v22, $0x10;
	s25 =	sand.u32 $0x380, s20;
	s23 =	sor.u32 s24, s23;
	p0 =	slt.u32 s20, $0x7F8  }
0xf1: {  	v29 =	vcvt.f32.s32 v29;
	v33 =	vcvt.f32.s32 v33;
	v37 =	vshll.u32 v21, $0x10;
	s23 =	sor.u32 s25, s23  }
0xf2: {  	v17 =	vmul.f32 v17, v8;
	v39 =	vshll.u32 v23, $0x10;
	v8 =	vmovc v10;
	v38 =	vmul.f32 v28, v16;
	v16 =	vld [tilespmem:s23+$0x8B70]  }
0xf3: {  	v18 =	vmul.f32 v18, v7;
	v20 =	vmul.f32 v20, v5;
	v7 =	vmovc v9;
	v5 =	vmovc v13;
	v28 =	vshll.u32 v28, $0x10;
	v10 =	vld [tilespmem:s23+$0x8B00]  }
0xf4: {  	v19 =	vmul.f32 v19, v3;
	v22 =	vmul.f32 v22, v6;
	v3 =	vmovc v11;
	v28 =	vadd.f32 v28, v38;
	v9 =	vld [tilespmem:s23+$0x8B10]  }
0xf5: {  	v21 =	vmul.f32 v21, v4;
	v23 =	vmul.f32 v23, v2;
	v6 =	vmovc v12;
	v17 =	vadd.f32 v26, v17;
	v13 =	vld [tilespmem:s23+$0x8B20]  }
0xf6: {  	v4 =	vmovc v14;
	v2 =	vmov v15;
	v18 =	vadd.f32 v25, v18;
	v20 =	vadd.f32 v27, v20;
	v11 =	vld [tilespmem:s23+$0x8B30];
	[tilespmem:s19+$0x8B70] =	vst v28  }
0xf7: {  	v19 =	vadd.f32 v35, v19;
	v22 =	vadd.f32 v36, v22;
	v12 =	vld [tilespmem:s23+$0x8B40];
	v25 =	vmul.f32 $1.278751220e+02, v16;
	[tilespmem:s18+$0x8B00] =	vst v17  }
0xf8: {  	v21 =	vadd.f32 v37, v21;
	v23 =	vadd.f32 v39, v23;
	v17 =	vmul.f32 $1.278751220e+02, v10;
	v14 =	vld [tilespmem:s23+$0x8B50];
	[tilespmem:s18+$0x8B10] =	vst v18  }
0xf9: {  	v18 =	vmul.f32 $1.278751220e+02, v9;
	v15 =	vld [tilespmem:s23+$0x8B60];
	v25 =	vmax.f32 v25, $0.0e+00;
	[tilespmem:s18+$0x8B20] =	vst v20  }
0xfa: {  	v26 =	vmax.f32 v17, $0.0e+00;
	v20 =	vmul.f32 $1.278751220e+02, v13;
	v25 =	vmin.f32 v25, $5.120000000e+02;
	v17 =	vld.idx.msk [tilespmem:v24+s11+$0x0], $0xffff;
	[tilespmem:s18+$0x8B30] =	vst v19  }
0xfb: {  	v24 =	vmax.f32 v18, $0.0e+00;
	v19 =	vmul.f32 $1.278751220e+02, v11;
	v25 =	vtrunc.f32 v25;
	v18 =	vld.idx.msk [tilespmem:v31+s11+$0x0], $0xffff;
	[tilespmem:s18+$0x8B40] =	vst v22  }
0xfc: {  	v27 =	vmax.f32 v20, $0.0e+00;
	v22 =	vmul.f32 $1.278751220e+02, v12;
	v25 =	vcvt.f32.s32 v25;
	v20 =	vld.idx.msk [tilespmem:v34+s11+$0x0], $0xffff;
	[tilespmem:s18+$0x8B50] =	vst v21  }
0xfd: {  	v26 =	vmin.f32 v26, $5.120000000e+02;
	v21 =	vmax.f32 v19, $0.0e+00;
	v28 =	vmul.f32 $1.278751220e+02, v14;
	v19 =	vld.idx.msk [tilespmem:v30+s11+$0x0], $0xffff;
	[tilespmem:s18+$0x8B60] =	vst v23;
	s18 =	smov.u32 s19;
	s19 =	smov.u32 s23  }
0xfe: {  	v24 =	vmin.f32 v24, $5.120000000e+02;
	v23 =	vmax.f32 v22, $0.0e+00;
	v30 =	vmul.f32 $1.278751220e+02, v15;
	v22 =	vld.idx.msk [tilespmem:v32+s11+$0x0], $0xffff  }
0xff: {  	v27 =	vmin.f32 v27, $5.120000000e+02;
	v32 =	vmin.f32 v21, $5.120000000e+02;
	v28 =	vmax.f32 v28, $0.0e+00;
	v21 =	vld.idx.msk [tilespmem:v29+s11+$0x0], $0xffff  }
.Ltmp2:
0x100: {  	v29 =	vmin.f32 v23, $5.120000000e+02;
	v35 =	vmin.f32 v28, $5.120000000e+02;
	v28 =	vmax.f32 v30, $0.0e+00;
	v23 =	vld.idx.msk [tilespmem:v33+s11+$0x0], $0xffff;
	(pc) =	sbr.rel @p0 .LBB2_6-.Ltmp2, $4  }
0x101: {  	v31 =	vtrunc.f32 v24;
	v33 =	vtrunc.f32 v26;
	v36 =	vmin.f32 v28, $5.120000000e+02  }
0x102: {  	v34 =	vtrunc.f32 v27;
	v30 =	vtrunc.f32 v32;
	v26 =	vshll.u32 v17, $0x10;
	v28 =	vld.idx.msk [tilespmem:v25+s11+$0x0], $0xffff  }
0x103: {  	v32 =	vtrunc.f32 v29;
	v29 =	vtrunc.f32 v35;
	v25 =	vshll.u32 v18, $0x10  }
0x104: {  	s21 =	sadd.s32 $0x400, s21;
	s22 =	sadd.s32 $0x80, s22;
	v24 =	vcvt.f32.s32 v33;
	v27 =	vshll.u32 v20, $0x10;
	v33 =	vtrunc.f32 v36  }
0x105: {  	v31 =	vcvt.f32.s32 v31  }
0x106: {  	v34 =	vcvt.f32.s32 v34  }
0x107: {  	v30 =	vcvt.f32.s32 v30;
	v16 =	vmul.f32 v28, v16  }
0x108: {  	v32 =	vcvt.f32.s32 v32;
	v8 =	vmul.f32 v17, v8;
	v17 =	vshll.u32 v28, $0x10  }
0x109: {  	v7 =	vmul.f32 v18, v7;
	v28 =	vcvt.f32.s32 v29;
	v16 =	vadd.f32 v17, v16  }
0x10a: {  	v5 =	vmul.f32 v20, v5;
	v18 =	vld.idx.msk [tilespmem:v24+s11+$0x0], $0xffff;
	v8 =	vadd.f32 v26, v8;
	v17 =	vcvt.f32.s32 v33  }
0x10b: {  	v3 =	vmul.f32 v19, v3;
	v7 =	vadd.f32 v25, v7;
	[tilespmem:s19+$0x8B70] =	vst v16;
	v16 =	vld.idx.msk [tilespmem:v31+s11+$0x0], $0xffff  }
0x10c: {  	v19 =	vshll.u32 v19, $0x10;
	v6 =	vmul.f32 v22, v6;
	v5 =	vadd.f32 v27, v5;
	[tilespmem:s18+$0x8B00] =	vst v8;
	v8 =	vld.idx.msk [tilespmem:v34+s11+$0x0], $0xffff  }
0x10d: {  	v20 =	vshll.u32 v22, $0x10;
	v4 =	vmul.f32 v21, v4;
	v3 =	vadd.f32 v19, v3;
	[tilespmem:s18+$0x8B10] =	vst v7;
	v7 =	vld.idx.msk [tilespmem:v30+s11+$0x0], $0xffff  }
0x10e: {  	v2 =	vmul.f32 v23, v2;
	v19 =	vshll.u32 v21, $0x10;
	v6 =	vadd.f32 v20, v6;
	[tilespmem:s18+$0x8B20] =	vst v5;
	v5 =	vld.idx.msk [tilespmem:v32+s11+$0x0], $0xffff  }
0x10f: {  	v20 =	vshll.u32 v23, $0x10;
	v4 =	vadd.f32 v19, v4;
	[tilespmem:s18+$0x8B30] =	vst v3;
	v10 =	vmul.f32 v18, v10;
	v3 =	vld.idx.msk [tilespmem:v28+s11+$0x0], $0xffff  }
0x110: {  	v2 =	vadd.f32 v20, v2;
	[tilespmem:s18+$0x8B40] =	vst v6;
	v6 =	vld.idx.msk [tilespmem:v17+s11+$0x0], $0xffff;
	v17 =	vshll.u32 v18, $0x10;
	v9 =	vmul.f32 v16, v9  }
0x111: {  	[tilespmem:s18+$0x8B50] =	vst v4;
	v4 =	vshll.u32 v16, $0x10;
	v13 =	vmul.f32 v8, v13;
	v10 =	vadd.f32 v17, v10  }
0x112: {  	[tilespmem:s18+$0x8B60] =	vst v2;
	v2 =	vshll.u32 v8, $0x10;
	v8 =	vmul.f32 v7, v11;
	v4 =	vadd.f32 v4, v9  }
0x113: {  	v7 =	vshll.u32 v7, $0x10;
	v9 =	vmul.f32 v5, v12;
	v2 =	vadd.f32 v2, v13;
	[tilespmem:s19+$0x8B00] =	vst v10  }
0x114: {  	v5 =	vshll.u32 v5, $0x10;
	v10 =	vmul.f32 v3, v14;
	v7 =	vadd.f32 v7, v8;
	[tilespmem:s19+$0x8B10] =	vst v4  }
0x115: {  	v3 =	vshll.u32 v3, $0x10;
	v4 =	vmul.f32 v6, v15;
	v5 =	vadd.f32 v5, v9;
	[tilespmem:s19+$0x8B20] =	vst v2  }
0x116: {  	v2 =	vshll.u32 v6, $0x10;
	v3 =	vadd.f32 v3, v10;
	[tilespmem:s19+$0x8B30] =	vst v7  }
0x117: {  	v2 =	vadd.f32 v2, v4;
	[tilespmem:s19+$0x8B40] =	vst v5  }
0x118: {  	[tilespmem:s19+$0x8B50] =	vst v3  }
0x119: {  	[tilespmem:s19+$0x8B60] =	vst v2  }
0x11a: {  	s24 =	simm.s32 $0x0;
	s19 =	rddreg [dreg:$0x7]  }
0x11b: {  	[hbm4b:s19+s24] =	stream.linear.scatter [tilespmem:s8], [sflag:$0x5], $0x8000, $0x38;
	[tilespmem:$0x18B00] =	vst v63  }
0x11c: {  	_ =	swait.ge [sflag:s13], $0x8000  }
0x11d: {  	s26 =	simm.s32 $0x0;
	s20 =	sand.u32 $0x4000, s24;
	[sflag:s13] =	ssyncset.done $0x0  }
0x11e: {  	s18 =	sand.u32 $0x3C00, s24;
	s25 =	rddreg [dreg:$0x8];
	[sflag:s13] =	ssyncadd.s32 $0xFFFF8000  }
0x11f: {  	[tilespmem:s7], [sflag:$0x1] =	stream.linear.gather [hbm4b:s25+s24], $0x8000, $0x38;
	[tilespmem:$0x18B00] =	vst v63  }
0x120: {  	s18 =	sor.u32 s18, s20;
	s19 =	sand.u32 $0x380, s26;
	_ =	swait.ge [sflag:s14], $0x8000  }
0x121: {  	s18 =	sor.u32 s19, s18;
	[sflag:s14] =	ssyncset.done $0x0  }
0x122: {  	s19 =	sadd.s32 $0x10B00, s18;
	[sflag:s14] =	ssyncadd.s32 $0xFFFF8000  }
0x123: {  	v12 =	vld [tilespmem:s19+$0x70]  }
0x124: {  	v2 =	vld [tilespmem:s18+$0x10B00]  }
0x125: {  	v8 =	vld [tilespmem:s19+$0x10]  }
0x126: {  	v7 =	vld [tilespmem:s19+$0x20]  }
0x127: {  	v5 =	vld [tilespmem:s19+$0x30]  }
0x128: {  	v6 =	vld [tilespmem:s19+$0x40];
	v4 =	vmul.f32 $1.278751220e+02, v12  }
0x129: {  	v3 =	vld [tilespmem:s19+$0x50]  }
0x12a: {  	v9 =	vmax.f32 v4, $0.0e+00  }
0x12b: {  	v10 =	vmul.f32 $1.278751220e+02, v2;
	v11 =	vmul.f32 $1.278751220e+02, v8;
	v9 =	vmin.f32 v9, $5.120000000e+02  }
0x12c: {  	v13 =	vmul.f32 $1.278751220e+02, v7;
	v9 =	vtrunc.f32 v9  }
0x12d: {  	v14 =	vmul.f32 $1.278751220e+02, v5;
	v9 =	vcvt.f32.s32 v9  }
0x12e: {  	v15 =	vmul.f32 $1.278751220e+02, v6;
	v16 =	vmul.f32 $1.278751220e+02, v3  }
0x12f: {  	v4 =	vld [tilespmem:s19+$0x60];
	v10 =	vmax.f32 v10, $0.0e+00;
	v11 =	vmax.f32 v11, $0.0e+00;
	v13 =	vmax.f32 v13, $0.0e+00  }
0x130: {  	s28 =	simm.s32 $0x400;
	s21 =	simm.s32 $0x80;
	v14 =	vmax.f32 v14, $0.0e+00;
	v15 =	vmax.f32 v15, $0.0e+00;
	v16 =	vmax.f32 v16, $0.0e+00  }
0x131: {  	s22 =	simm.s32 $0x8;
	s21 =	sand.u32 $0x4000, s21;
	s20 =	sand.u32 $0x3C00, s28;
	v11 =	vmin.f32 v11, $5.120000000e+02;
	v13 =	vmin.f32 v13, $5.120000000e+02;
	v14 =	vmin.f32 v14, $5.120000000e+02  }
0x132: {  	s23 =	sand.u32 $0x380, s22;
	s20 =	sor.u32 s20, s21;
	v15 =	vmin.f32 v15, $5.120000000e+02;
	v11 =	vtrunc.f32 v11;
	v13 =	vtrunc.f32 v13  }
0x133: {  	s20 =	sor.u32 s23, s20;
	v16 =	vmin.f32 v16, $5.120000000e+02;
	v14 =	vtrunc.f32 v14;
	v15 =	vtrunc.f32 v15;
	v18 =	vld.idx.msk [tilespmem:v9+s11+$0x0], $0xffff  }
0x134: {  	s21 =	sadd.s32 $0x10B00, s20;
	v10 =	vmin.f32 v10, $5.120000000e+02;
	v19 =	vtrunc.f32 v16;
	v17 =	vmul.f32 $1.278751220e+02, v4;
	v9 =	vld [tilespmem:s20+$0x10B00]  }
0x135: {  	v20 =	vtrunc.f32 v10;
	v16 =	vld [tilespmem:s21+$0x70];
	v21 =	vcvt.f32.s32 v11  }
0x136: {  	v10 =	vld [tilespmem:s21+$0x10];
	v22 =	vcvt.f32.s32 v13;
	v23 =	vcvt.f32.s32 v14;
	v17 =	vmax.f32 v17, $0.0e+00  }
0x137: {  	v24 =	vcvt.f32.s32 v15;
	v11 =	vld [tilespmem:s21+$0x20];
	v25 =	vcvt.f32.s32 v19;
	v17 =	vmin.f32 v17, $5.120000000e+02  }
0x138: {  	v26 =	vcvt.f32.s32 v20;
	v13 =	vld [tilespmem:s21+$0x30];
	v17 =	vtrunc.f32 v17  }
0x139: {  	v15 =	vld [tilespmem:s21+$0x50];
	v14 =	vmul.f32 v18, v12;
	v19 =	vmul.f32 $1.278751220e+02, v9  }
0x13a: {  	v27 =	vcvt.f32.s32 v17;
	v12 =	vld [tilespmem:s21+$0x40];
	v17 =	vshll.u32 v18, $0x10;
	v18 =	vmul.f32 $1.278751220e+02, v16  }
0x13b: {  	v28 =	vadd.f32 v17, v14;
	v17 =	vmax.f32 v19, $0.0e+00;
	v19 =	vmul.f32 $1.278751220e+02, v10  }
0x13c: {  	v14 =	vld [tilespmem:s21+$0x60];
	v18 =	vmax.f32 v18, $0.0e+00;
	v62 =	vmin.f32 v17, $5.120000000e+02;
	v17 =	vmul.f32 $1.278751220e+02, v11  }
0x13d: {  	v18 =	vmin.f32 v18, $5.120000000e+02;
	v20 =	vmax.f32 v19, $0.0e+00;
	v19 =	vmul.f32 $1.278751220e+02, v13  }
0x13e: {  	v31 =	vmul.f32 $1.278751220e+02, v15;
	v18 =	vtrunc.f32 v18;
	v29 =	vmax.f32 v17, $0.0e+00;
	v17 =	vld.idx.msk [tilespmem:v21+s11+$0x0], $0xffff  }
0x13f: {  	v33 =	vtrunc.f32 v62;
	v30 =	vmul.f32 $1.278751220e+02, v12;
	v21 =	vmax.f32 v19, $0.0e+00;
	v19 =	vld.idx.msk [tilespmem:v22+s11+$0x0], $0xffff  }
0x140: {  	v35 =	vcvt.f32.s32 v18;
	v22 =	vmin.f32 v20, $5.120000000e+02;
	v20 =	vld.idx.msk [tilespmem:v23+s11+$0x0], $0xffff;
	v23 =	vmin.f32 v29, $5.120000000e+02  }
0x141: {  	v30 =	vmax.f32 v30, $0.0e+00;
	v63 =	vmul.f32 $1.278751220e+02, v14;
	v29 =	vmin.f32 v21, $5.120000000e+02  }
0x142: {  	v18 =	vld.idx.msk [tilespmem:v24+s11+$0x0], $0xffff;
	v21 =	vmax.f32 v31, $0.0e+00;
	v37 =	vtrunc.f32 v22;
	v31 =	vtrunc.f32 v23  }
0x143: {  	v24 =	vmin.f32 v30, $5.120000000e+02;
	v36 =	vmin.f32 v21, $5.120000000e+02;
	v21 =	vld.idx.msk [tilespmem:v25+s11+$0x0], $0xffff;
	v30 =	vmax.f32 v63, $0.0e+00  }
0x144: {  	v22 =	vld.idx.msk [tilespmem:v27+s11+$0x0], $0xffff;
	v34 =	vtrunc.f32 v29;
	v32 =	vtrunc.f32 v36;
	v38 =	vmin.f32 v30, $5.120000000e+02  }
0x145: {  	v23 =	vld.idx.msk [tilespmem:v26+s11+$0x0], $0xffff;
	v30 =	vtrunc.f32 v24;
	v25 =	vshll.u32 v17, $0x10;
	v24 =	vcvt.f32.s32 v37  }
0x146: {  	s23 =	simm.s32 $0x800;
	s24 =	simm.s32 $0x100;
	[tilespmem:s19+$0x70] =	vst v28;
	v29 =	vtrunc.f32 v38;
	v26 =	vshll.u32 v19, $0x10;
	v28 =	vld.idx.msk [tilespmem:v35+s11+$0x0], $0xffff;
	v27 =	vshll.u32 v20, $0x10  }
.LBB2_8:
0x147: {  	s22 =	sadd.s32 $0x8, s22;
	s25 =	sand.u32 $0x4000, s24;
	s26 =	sand.u32 $0x3C00, s23;
	v31 =	vcvt.f32.s32 v31;
	v34 =	vcvt.f32.s32 v34;
	v35 =	vshll.u32 v18, $0x10  }
0x148: {  	v30 =	vcvt.f32.s32 v30;
	v32 =	vcvt.f32.s32 v32;
	v36 =	vshll.u32 v21, $0x10;
	s28 =	sand.u32 $0x380, s22;
	s25 =	sor.u32 s26, s25;
	p0 =	slt.u32 s22, $0x7F8  }
0x149: {  	v33 =	vcvt.f32.s32 v33;
	v29 =	vcvt.f32.s32 v29;
	v37 =	vshll.u32 v22, $0x10;
	s25 =	sor.u32 s28, s25  }
0x14a: {  	v39 =	vshll.u32 v23, $0x10;
	v17 =	vmul.f32 v17, v8;
	v19 =	vmul.f32 v19, v7;
	v8 =	vmovc v10;
	v7 =	vmovc v11;
	s26 =	sadd.s32 $0x10B00, s25;
	v38 =	vld [tilespmem:s25+$0x10B00]  }
0x14b: {  	v20 =	vmul.f32 v20, v5;
	v5 =	vmov v13;
	v40 =	vmul.f32 v28, v16;
	v16 =	vld [tilespmem:s26+$0x70]  }
0x14c: {  	v18 =	vmul.f32 v18, v6;
	v21 =	vmul.f32 v21, v3;
	v6 =	vmovc v12;
	v3 =	vmovc v15;
	v13 =	vshll.u32 v28, $0x10;
	v10 =	vld [tilespmem:s26+$0x10]  }
0x14d: {  	v23 =	vmul.f32 v23, v2;
	v22 =	vmul.f32 v22, v4;
	v2 =	vmovc v9;
	v15 =	vadd.f32 v13, v40;
	v11 =	vld [tilespmem:s26+$0x20]  }
0x14e: {  	v4 =	vmov v14;
	v17 =	vadd.f32 v25, v17;
	v19 =	vadd.f32 v26, v19;
	v13 =	vld [tilespmem:s26+$0x30]  }
0x14f: {  	v20 =	vadd.f32 v27, v20;
	v18 =	vadd.f32 v35, v18;
	v14 =	vmul.f32 $1.278751220e+02, v38;
	v12 =	vld [tilespmem:s26+$0x40];
	[tilespmem:s21+$0x70] =	vst v15;
	v9 =	vmovc v38  }
0x150: {  	v21 =	vadd.f32 v36, v21;
	v22 =	vadd.f32 v37, v22;
	v15 =	vld [tilespmem:s26+$0x50];
	v25 =	vmul.f32 $1.278751220e+02, v16;
	[tilespmem:s19+$0x10] =	vst v17  }
0x151: {  	v23 =	vadd.f32 v39, v23;
	v17 =	vmax.f32 v14, $0.0e+00;
	v26 =	vmul.f32 $1.278751220e+02, v10;
	v14 =	vld [tilespmem:s26+$0x60];
	[tilespmem:s19+$0x20] =	vst v19  }
0x152: {  	v27 =	vmin.f32 v17, $5.120000000e+02;
	v28 =	vmul.f32 $1.278751220e+02, v11;
	v19 =	vmax.f32 v25, $0.0e+00;
	v17 =	vld.idx.msk [tilespmem:v24+s11+$0x0], $0xffff;
	[tilespmem:s19+$0x30] =	vst v20  }
0x153: {  	v24 =	vmax.f32 v26, $0.0e+00;
	v25 =	vmul.f32 $1.278751220e+02, v13;
	v20 =	vmin.f32 v19, $5.120000000e+02;
	v19 =	vld.idx.msk [tilespmem:v31+s11+$0x0], $0xffff;
	[tilespmem:s19+$0x40] =	vst v18  }
0x154: {  	v26 =	vmax.f32 v28, $0.0e+00;
	v28 =	vmul.f32 $1.278751220e+02, v12;
	v18 =	vtrunc.f32 v20;
	v20 =	vld.idx.msk [tilespmem:v34+s11+$0x0], $0xffff;
	[tilespmem:s19+$0x50] =	vst v21  }
0x155: {  	v25 =	vmax.f32 v25, $0.0e+00;
	v31 =	vmul.f32 $1.278751220e+02, v15;
	v35 =	vcvt.f32.s32 v18;
	v18 =	vld.idx.msk [tilespmem:v30+s11+$0x0], $0xffff;
	[tilespmem:s19+$0x60] =	vst v22;
	s19 =	smov.u32 s21;
	s21 =	smov.u32 s26  }
0x156: {  	v24 =	vmin.f32 v24, $5.120000000e+02;
	v28 =	vmax.f32 v28, $0.0e+00;
	v30 =	vmul.f32 $1.278751220e+02, v14;
	v21 =	vld.idx.msk [tilespmem:v32+s11+$0x0], $0xffff;
	[tilespmem:s18+$0x10B00] =	vst v23;
	s18 =	smov.u32 s20;
	s20 =	smov.u32 s25  }
0x157: {  	v26 =	vmin.f32 v26, $5.120000000e+02;
	v25 =	vmin.f32 v25, $5.120000000e+02;
	v23 =	vmax.f32 v31, $0.0e+00;
	v22 =	vld.idx.msk [tilespmem:v29+s11+$0x0], $0xffff  }
.Ltmp3:
0x158: {  	v28 =	vmin.f32 v28, $5.120000000e+02;
	v29 =	vmin.f32 v23, $5.120000000e+02;
	v30 =	vmax.f32 v30, $0.0e+00;
	v23 =	vld.idx.msk [tilespmem:v33+s11+$0x0], $0xffff;
	(pc) =	sbr.rel @p0 .LBB2_8-.Ltmp3, $4  }
0x159: {  	v24 =	vtrunc.f32 v24;
	v31 =	vtrunc.f32 v26;
	v26 =	vmin.f32 v30, $5.120000000e+02  }
0x15a: {  	v34 =	vtrunc.f32 v25;
	v25 =	vshll.u32 v17, $0x10;
	v30 =	vtrunc.f32 v28  }
0x15b: {  	v32 =	vtrunc.f32 v29;
	v29 =	vtrunc.f32 v26;
	v26 =	vshll.u32 v19, $0x10;
	v28 =	vld.idx.msk [tilespmem:v35+s11+$0x0], $0xffff  }
0x15c: {  	s23 =	sadd.s32 $0x400, s23;
	s24 =	sadd.s32 $0x80, s24;
	v24 =	vcvt.f32.s32 v24;
	v33 =	vtrunc.f32 v27;
	v27 =	vshll.u32 v20, $0x10  }
0x15d: {  	v34 =	vcvt.f32.s32 v34  }
0x15e: {  	v31 =	vcvt.f32.s32 v31;
	v30 =	vcvt.f32.s32 v30  }
0x15f: {  	v32 =	vcvt.f32.s32 v32;
	v8 =	vmul.f32 v17, v8  }
0x160: {  	v7 =	vmul.f32 v19, v7;
	v16 =	vmul.f32 v28, v16  }
0x161: {  	v8 =	vadd.f32 v25, v8;
	v17 =	vshll.u32 v28, $0x10;
	v28 =	vcvt.f32.s32 v29  }
0x162: {  	v5 =	vmul.f32 v20, v5;
	v19 =	vld.idx.msk [tilespmem:v24+s11+$0x0], $0xffff;
	v16 =	vadd.f32 v17, v16;
	v17 =	vcvt.f32.s32 v33  }
0x163: {  	v6 =	vmul.f32 v18, v6;
	v7 =	vadd.f32 v26, v7;
	[tilespmem:s19+$0x10] =	vst v8;
	v8 =	vld.idx.msk [tilespmem:v34+s11+$0x0], $0xffff  }
0x164: {  	v18 =	vshll.u32 v18, $0x10;
	v3 =	vmul.f32 v21, v3;
	v5 =	vadd.f32 v27, v5;
	[tilespmem:s21+$0x70] =	vst v16;
	v16 =	vld.idx.msk [tilespmem:v31+s11+$0x0], $0xffff  }
0x165: {  	v20 =	vshll.u32 v21, $0x10;
	v2 =	vmul.f32 v23, v2;
	v6 =	vadd.f32 v18, v6;
	[tilespmem:s19+$0x20] =	vst v7;
	v7 =	vld.idx.msk [tilespmem:v30+s11+$0x0], $0xffff  }
0x166: {  	v4 =	vmul.f32 v22, v4;
	v3 =	vadd.f32 v20, v3;
	v20 =	vshll.u32 v23, $0x10;
	[tilespmem:s19+$0x30] =	vst v5;
	v5 =	vld.idx.msk [tilespmem:v32+s11+$0x0], $0xffff  }
0x167: {  	v18 =	vshll.u32 v22, $0x10;
	v2 =	vadd.f32 v20, v2;
	[tilespmem:s19+$0x40] =	vst v6;
	v10 =	vmul.f32 v19, v10;
	v6 =	vld.idx.msk [tilespmem:v28+s11+$0x0], $0xffff  }
0x168: {  	v4 =	vadd.f32 v18, v4;
	[tilespmem:s19+$0x50] =	vst v3;
	v3 =	vld.idx.msk [tilespmem:v17+s11+$0x0], $0xffff;
	v17 =	vshll.u32 v19, $0x10;
	v13 =	vmul.f32 v8, v13  }
0x169: {  	[tilespmem:s18+$0x10B00] =	vst v2;
	v2 =	vshll.u32 v8, $0x10;
	v11 =	vmul.f32 v16, v11;
	v10 =	vadd.f32 v17, v10  }
0x16a: {  	[tilespmem:s19+$0x60] =	vst v4;
	v8 =	vmul.f32 v7, v12;
	v4 =	vshll.u32 v16, $0x10;
	v2 =	vadd.f32 v2, v13  }
0x16b: {  	v7 =	vshll.u32 v7, $0x10;
	v4 =	vadd.f32 v4, v11;
	v11 =	vmul.f32 v5, v15;
	[tilespmem:s21+$0x10] =	vst v10  }
0x16c: {  	v7 =	vadd.f32 v7, v8;
	v5 =	vshll.u32 v5, $0x10;
	v10 =	vmul.f32 v6, v14;
	[tilespmem:s21+$0x30] =	vst v2  }
0x16d: {  	[tilespmem:s21+$0x20] =	vst v4;
	v4 =	vshll.u32 v6, $0x10;
	v6 =	vmul.f32 v3, v9;
	v5 =	vadd.f32 v5, v11  }
0x16e: {  	[tilespmem:s21+$0x40] =	vst v7;
	v2 =	vshll.u32 v3, $0x10;
	v3 =	vadd.f32 v4, v10  }
0x16f: {  	v2 =	vadd.f32 v2, v6;
	[tilespmem:s21+$0x50] =	vst v5  }
0x170: {  	[tilespmem:s21+$0x60] =	vst v3  }
0x171: {  	[tilespmem:s20+$0x10B00] =	vst v2  }
0x172: {  	s22 =	simm.s32 $0x0;
	s19 =	rddreg [dreg:$0x9]  }
0x173: {  	[hbm4b:s19+s22] =	stream.linear.scatter [tilespmem:s9], [sflag:$0x6], $0x8000, $0x38;
	[tilespmem:$0x18B00] =	vst v63  }
0x174: {  	_ =	swait.ge [sflag:s15], $0x8000  }
0x175: {  	[sflag:s15] =	ssyncset.done $0x0  }
0x176: {  	s24 =	simm.s32 $0x0;
	s23 =	rddreg [dreg:$0xa];
	[sflag:s15] =	ssyncadd.s32 $0xFFFF8000  }
0x177: {  	[tilespmem:s8], [sflag:$0x2] =	stream.linear.gather [hbm4b:s23+s22], $0x8000, $0x38;
	[tilespmem:$0x18B00] =	vst v63  }
0x178: {  	s25 =	sand.u32 $0x4000, s22;
	s18 =	sand.u32 $0x3C00, s22;
	_ =	swait.ge [sflag:s10], $0x8000  }
0x179: {  	s18 =	sor.u32 s18, s25;
	s19 =	sand.u32 $0x380, s24;
	[sflag:s10] =	ssyncset.done $0x0  }
0x17a: {  	s18 =	sor.u32 s19, s18;
	[sflag:s10] =	ssyncadd.s32 $0xFFFF8000  }
0x17b: {  	v12 =	vld [tilespmem:s18+$0xB70]  }
0x17c: {  	v8 =	vld [tilespmem:s18+$0xB00]  }
0x17d: {  	v7 =	vld [tilespmem:s18+$0xB10]  }
0x17e: {  	v5 =	vld [tilespmem:s18+$0xB20]  }
0x17f: {  	v3 =	vld [tilespmem:s18+$0xB30]  }
0x180: {  	v6 =	vld [tilespmem:s18+$0xB40]  }
0x181: {  	v4 =	vld [tilespmem:s18+$0xB50];
	v2 =	vmul.f32 $1.278751220e+02, v12;
	_ =	sdelay $0x1  }
0x182: {  	v9 =	vmul.f32 $1.278751220e+02, v8;
	v10 =	vmul.f32 $1.278751220e+02, v7;
	v2 =	vmax.f32 v2, $0.0e+00  }
0x183: {  	v13 =	vmul.f32 $1.278751220e+02, v5;
	v14 =	vmul.f32 $1.278751220e+02, v3;
	v11 =	vmin.f32 v2, $5.120000000e+02  }
0x184: {  	s26 =	simm.s32 $0x400;
	s28 =	simm.s32 $0x80;
	v15 =	vmul.f32 $1.278751220e+02, v6;
	v2 =	vld [tilespmem:s18+$0xB60];
	v11 =	vtrunc.f32 v11  }
0x185: {  	s21 =	sand.u32 $0x4000, s28;
	s20 =	simm.s32 $0x8;
	s19 =	sand.u32 $0x3C00, s26;
	v16 =	vmul.f32 $1.278751220e+02, v4;
	v9 =	vmax.f32 v9, $0.0e+00;
	v11 =	vcvt.f32.s32 v11  }
0x186: {  	s19 =	sor.u32 s19, s21;
	s22 =	sand.u32 $0x380, s20;
	v10 =	vmax.f32 v10, $0.0e+00;
	v13 =	vmax.f32 v13, $0.0e+00;
	v14 =	vmax.f32 v14, $0.0e+00  }
0x187: {  	s19 =	sor.u32 s22, s19;
	v15 =	vmax.f32 v15, $0.0e+00;
	v16 =	vmax.f32 v16, $0.0e+00;
	v9 =	vmin.f32 v9, $5.120000000e+02  }
0x188: {  	v10 =	vmin.f32 v10, $5.120000000e+02;
	v13 =	vmin.f32 v13, $5.120000000e+02;
	v18 =	vmin.f32 v16, $5.120000000e+02;
	v16 =	vld [tilespmem:s19+$0xB70]  }
0x189: {  	v14 =	vmin.f32 v14, $5.120000000e+02;
	v13 =	vtrunc.f32 v13;
	v17 =	vmul.f32 $1.278751220e+02, v2  }
0x18a: {  	v15 =	vmin.f32 v15, $5.120000000e+02;
	v19 =	vtrunc.f32 v10;
	v21 =	vcvt.f32.s32 v13;
	v13 =	vld [tilespmem:s19+$0xB20]  }
0x18b: {  	v9 =	vtrunc.f32 v9;
	v19 =	vcvt.f32.s32 v19;
	v10 =	vmax.f32 v17, $0.0e+00;
	v20 =	vld.idx.msk [tilespmem:v11+s11+$0x0], $0xffff  }
0x18c: {  	v11 =	vtrunc.f32 v14;
	v14 =	vtrunc.f32 v15;
	v15 =	vmin.f32 v10, $5.120000000e+02;
	v10 =	vld [tilespmem:s19+$0xB00]  }
0x18d: {  	v25 =	vmul.f32 $1.278751220e+02, v16;
	v22 =	vcvt.f32.s32 v11;
	v11 =	vld [tilespmem:s19+$0xB30]  }
0x18e: {  	v17 =	vtrunc.f32 v18;
	v18 =	vcvt.f32.s32 v9;
	v9 =	vld [tilespmem:s19+$0xB10]  }
0x18f: {  	v15 =	vtrunc.f32 v15;
	v23 =	vcvt.f32.s32 v14;
	v14 =	vld [tilespmem:s19+$0xB50]  }
0x190: {  	v24 =	vcvt.f32.s32 v17;
	v27 =	vcvt.f32.s32 v15  }
0x191: {  	v17 =	vmul.f32 v20, v12;
	v15 =	vshll.u32 v20, $0x10;
	v20 =	vmul.f32 $1.278751220e+02, v10  }
0x192: {  	v25 =	vmax.f32 v25, $0.0e+00;
	v26 =	vmul.f32 $1.278751220e+02, v13;
	v12 =	vld [tilespmem:s19+$0xB40];
	v30 =	vmul.f32 $1.278751220e+02, v11  }
0x193: {  	v28 =	vadd.f32 v15, v17;
	v17 =	vmul.f32 $1.278751220e+02, v9;
	v15 =	vld [tilespmem:s19+$0xB60];
	v20 =	vmax.f32 v20, $0.0e+00  }
0x194: {  	v25 =	vmin.f32 v25, $5.120000000e+02;
	v61 =	vmul.f32 $1.278751220e+02, v14;
	v31 =	vmin.f32 v20, $5.120000000e+02  }
0x195: {  	v30 =	vmax.f32 v30, $0.0e+00;
	v20 =	vld.idx.msk [tilespmem:v21+s11+$0x0], $0xffff;
	v29 =	vmax.f32 v17, $0.0e+00;
	v17 =	vtrunc.f32 v25  }
0x196: {  	v21 =	vmax.f32 v61, $0.0e+00;
	v25 =	vmax.f32 v26, $0.0e+00;
	v60 =	vcvt.f32.s32 v17;
	v17 =	vld.idx.msk [tilespmem:v18+s11+$0x0], $0xffff  }
0x197: {  	v30 =	vmin.f32 v30, $5.120000000e+02;
	v35 =	vmin.f32 v21, $5.120000000e+02;
	v36 =	vtrunc.f32 v31;
	v18 =	vld.idx.msk [tilespmem:v19+s11+$0x0], $0xffff  }
0x198: {  	v26 =	vmul.f32 $1.278751220e+02, v12;
	v29 =	vmin.f32 v29, $5.120000000e+02;
	v19 =	vld.idx.msk [tilespmem:v22+s11+$0x0], $0xffff;
	v62 =	vmul.f32 $1.278751220e+02, v15  }
0x199: {  	v25 =	vmin.f32 v25, $5.120000000e+02;
	v22 =	vld.idx.msk [tilespmem:v23+s11+$0x0], $0xffff;
	v30 =	vtrunc.f32 v30;
	v31 =	vtrunc.f32 v29  }
0x19a: {  	v23 =	vld.idx.msk [tilespmem:v27+s11+$0x0], $0xffff;
	v34 =	vtrunc.f32 v25;
	v26 =	vmax.f32 v26, $0.0e+00;
	v21 =	vmax.f32 v62, $0.0e+00  }
0x19b: {  	v29 =	vtrunc.f32 v35;
	v63 =	vmin.f32 v26, $5.120000000e+02;
	v37 =	vmin.f32 v21, $5.120000000e+02;
	v21 =	vld.idx.msk [tilespmem:v24+s11+$0x0], $0xffff  }
0x19c: {  	[tilespmem:s18+$0xB70] =	vst v28;
	v27 =	vshll.u32 v20, $0x10;
	v32 =	vtrunc.f32 v63;
	v26 =	vshll.u32 v17, $0x10;
	v28 =	vld.idx.msk [tilespmem:v60+s11+$0x0], $0xffff  }
0x19d: {  	s21 =	simm.s32 $0x800;
	s22 =	simm.s32 $0x100;
	v25 =	vshll.u32 v18, $0x10;
	v24 =	vcvt.f32.s32 v36;
	v33 =	vtrunc.f32 v37  }
.LBB2_10:
0x19e: {  	s20 =	sadd.s32 $0x8, s20;
	s23 =	sand.u32 $0x4000, s22;
	s24 =	sand.u32 $0x3C00, s21;
	v31 =	vcvt.f32.s32 v31;
	v34 =	vcvt.f32.s32 v34;
	v35 =	vshll.u32 v19, $0x10  }
0x19f: {  	v30 =	vcvt.f32.s32 v30;
	v32 =	vcvt.f32.s32 v32;
	v36 =	vshll.u32 v22, $0x10;
	s25 =	sand.u32 $0x380, s20;
	s23 =	sor.u32 s24, s23;
	p0 =	slt.u32 s20, $0x7F8  }
0x1a0: {  	v29 =	vcvt.f32.s32 v29;
	v33 =	vcvt.f32.s32 v33;
	v37 =	vshll.u32 v21, $0x10;
	s23 =	sor.u32 s25, s23  }
0x1a1: {  	v17 =	vmul.f32 v17, v8;
	v39 =	vshll.u32 v23, $0x10;
	v8 =	vmovc v10;
	v38 =	vmul.f32 v28, v16;
	v16 =	vld [tilespmem:s23+$0xB70]  }
0x1a2: {  	v18 =	vmul.f32 v18, v7;
	v20 =	vmul.f32 v20, v5;
	v7 =	vmovc v9;
	v5 =	vmovc v13;
	v28 =	vshll.u32 v28, $0x10;
	v10 =	vld [tilespmem:s23+$0xB00]  }
0x1a3: {  	v19 =	vmul.f32 v19, v3;
	v22 =	vmul.f32 v22, v6;
	v3 =	vmovc v11;
	v28 =	vadd.f32 v28, v38;
	v9 =	vld [tilespmem:s23+$0xB10]  }
0x1a4: {  	v21 =	vmul.f32 v21, v4;
	v23 =	vmul.f32 v23, v2;
	v6 =	vmovc v12;
	v17 =	vadd.f32 v26, v17;
	v13 =	vld [tilespmem:s23+$0xB20]  }
0x1a5: {  	v4 =	vmovc v14;
	v2 =	vmov v15;
	v18 =	vadd.f32 v25, v18;
	v20 =	vadd.f32 v27, v20;
	v11 =	vld [tilespmem:s23+$0xB30];
	[tilespmem:s19+$0xB70] =	vst v28  }
0x1a6: {  	v19 =	vadd.f32 v35, v19;
	v22 =	vadd.f32 v36, v22;
	v12 =	vld [tilespmem:s23+$0xB40];
	v25 =	vmul.f32 $1.278751220e+02, v16;
	[tilespmem:s18+$0xB00] =	vst v17  }
0x1a7: {  	v21 =	vadd.f32 v37, v21;
	v23 =	vadd.f32 v39, v23;
	v17 =	vmul.f32 $1.278751220e+02, v10;
	v14 =	vld [tilespmem:s23+$0xB50];
	[tilespmem:s18+$0xB10] =	vst v18  }
0x1a8: {  	v18 =	vmul.f32 $1.278751220e+02, v9;
	v15 =	vld [tilespmem:s23+$0xB60];
	v25 =	vmax.f32 v25, $0.0e+00;
	[tilespmem:s18+$0xB20] =	vst v20  }
0x1a9: {  	v26 =	vmax.f32 v17, $0.0e+00;
	v20 =	vmul.f32 $1.278751220e+02, v13;
	v25 =	vmin.f32 v25, $5.120000000e+02;
	v17 =	vld.idx.msk [tilespmem:v24+s11+$0x0], $0xffff;
	[tilespmem:s18+$0xB30] =	vst v19  }
0x1aa: {  	v24 =	vmax.f32 v18, $0.0e+00;
	v19 =	vmul.f32 $1.278751220e+02, v11;
	v25 =	vtrunc.f32 v25;
	v18 =	vld.idx.msk [tilespmem:v31+s11+$0x0], $0xffff;
	[tilespmem:s18+$0xB40] =	vst v22  }
0x1ab: {  	v27 =	vmax.f32 v20, $0.0e+00;
	v22 =	vmul.f32 $1.278751220e+02, v12;
	v25 =	vcvt.f32.s32 v25;
	v20 =	vld.idx.msk [tilespmem:v34+s11+$0x0], $0xffff;
	[tilespmem:s18+$0xB50] =	vst v21  }
0x1ac: {  	v26 =	vmin.f32 v26, $5.120000000e+02;
	v21 =	vmax.f32 v19, $0.0e+00;
	v28 =	vmul.f32 $1.278751220e+02, v14;
	v19 =	vld.idx.msk [tilespmem:v30+s11+$0x0], $0xffff;
	[tilespmem:s18+$0xB60] =	vst v23;
	s18 =	smov.u32 s19;
	s19 =	smov.u32 s23  }
0x1ad: {  	v24 =	vmin.f32 v24, $5.120000000e+02;
	v23 =	vmax.f32 v22, $0.0e+00;
	v30 =	vmul.f32 $1.278751220e+02, v15;
	v22 =	vld.idx.msk [tilespmem:v32+s11+$0x0], $0xffff  }
0x1ae: {  	v27 =	vmin.f32 v27, $5.120000000e+02;
	v32 =	vmin.f32 v21, $5.120000000e+02;
	v28 =	vmax.f32 v28, $0.0e+00;
	v21 =	vld.idx.msk [tilespmem:v29+s11+$0x0], $0xffff  }
.Ltmp4:
0x1af: {  	v29 =	vmin.f32 v23, $5.120000000e+02;
	v35 =	vmin.f32 v28, $5.120000000e+02;
	v28 =	vmax.f32 v30, $0.0e+00;
	v23 =	vld.idx.msk [tilespmem:v33+s11+$0x0], $0xffff;
	(pc) =	sbr.rel @p0 .LBB2_10-.Ltmp4, $4  }
0x1b0: {  	v31 =	vtrunc.f32 v24;
	v33 =	vtrunc.f32 v26;
	v36 =	vmin.f32 v28, $5.120000000e+02  }
0x1b1: {  	v34 =	vtrunc.f32 v27;
	v30 =	vtrunc.f32 v32;
	v26 =	vshll.u32 v17, $0x10;
	v28 =	vld.idx.msk [tilespmem:v25+s11+$0x0], $0xffff  }
0x1b2: {  	v32 =	vtrunc.f32 v29;
	v29 =	vtrunc.f32 v35;
	v25 =	vshll.u32 v18, $0x10  }
0x1b3: {  	s21 =	sadd.s32 $0x400, s21;
	s22 =	sadd.s32 $0x80, s22;
	v24 =	vcvt.f32.s32 v33;
	v27 =	vshll.u32 v20, $0x10;
	v33 =	vtrunc.f32 v36  }
0x1b4: {  	v31 =	vcvt.f32.s32 v31  }
0x1b5: {  	v34 =	vcvt.f32.s32 v34  }
0x1b6: {  	v30 =	vcvt.f32.s32 v30;
	v16 =	vmul.f32 v28, v16  }
0x1b7: {  	v32 =	vcvt.f32.s32 v32;
	v8 =	vmul.f32 v17, v8;
	v17 =	vshll.u32 v28, $0x10  }
0x1b8: {  	v7 =	vmul.f32 v18, v7;
	v28 =	vcvt.f32.s32 v29;
	v16 =	vadd.f32 v17, v16  }
0x1b9: {  	v5 =	vmul.f32 v20, v5;
	v18 =	vld.idx.msk [tilespmem:v24+s11+$0x0], $0xffff;
	v8 =	vadd.f32 v26, v8;
	v17 =	vcvt.f32.s32 v33  }
0x1ba: {  	v3 =	vmul.f32 v19, v3;
	v7 =	vadd.f32 v25, v7;
	[tilespmem:s19+$0xB70] =	vst v16;
	v16 =	vld.idx.msk [tilespmem:v31+s11+$0x0], $0xffff  }
0x1bb: {  	v19 =	vshll.u32 v19, $0x10;
	v6 =	vmul.f32 v22, v6;
	v5 =	vadd.f32 v27, v5;
	[tilespmem:s18+$0xB00] =	vst v8;
	v8 =	vld.idx.msk [tilespmem:v34+s11+$0x0], $0xffff  }
0x1bc: {  	v20 =	vshll.u32 v22, $0x10;
	v4 =	vmul.f32 v21, v4;
	v3 =	vadd.f32 v19, v3;
	[tilespmem:s18+$0xB10] =	vst v7;
	v7 =	vld.idx.msk [tilespmem:v30+s11+$0x0], $0xffff  }
0x1bd: {  	v2 =	vmul.f32 v23, v2;
	v19 =	vshll.u32 v21, $0x10;
	v6 =	vadd.f32 v20, v6;
	[tilespmem:s18+$0xB20] =	vst v5;
	v5 =	vld.idx.msk [tilespmem:v32+s11+$0x0], $0xffff  }
0x1be: {  	v20 =	vshll.u32 v23, $0x10;
	v4 =	vadd.f32 v19, v4;
	[tilespmem:s18+$0xB30] =	vst v3;
	v10 =	vmul.f32 v18, v10;
	v3 =	vld.idx.msk [tilespmem:v28+s11+$0x0], $0xffff  }
0x1bf: {  	v2 =	vadd.f32 v20, v2;
	[tilespmem:s18+$0xB40] =	vst v6;
	v6 =	vld.idx.msk [tilespmem:v17+s11+$0x0], $0xffff;
	v17 =	vshll.u32 v18, $0x10;
	v9 =	vmul.f32 v16, v9  }
0x1c0: {  	[tilespmem:s18+$0xB50] =	vst v4;
	v4 =	vshll.u32 v16, $0x10;
	v13 =	vmul.f32 v8, v13;
	v10 =	vadd.f32 v17, v10  }
0x1c1: {  	[tilespmem:s18+$0xB60] =	vst v2;
	v2 =	vshll.u32 v8, $0x10;
	v8 =	vmul.f32 v7, v11;
	v4 =	vadd.f32 v4, v9  }
0x1c2: {  	v7 =	vshll.u32 v7, $0x10;
	v9 =	vmul.f32 v5, v12;
	v2 =	vadd.f32 v2, v13;
	[tilespmem:s19+$0xB00] =	vst v10  }
0x1c3: {  	v5 =	vshll.u32 v5, $0x10;
	v10 =	vmul.f32 v3, v14;
	v7 =	vadd.f32 v7, v8;
	[tilespmem:s19+$0xB10] =	vst v4  }
0x1c4: {  	v3 =	vshll.u32 v3, $0x10;
	v4 =	vmul.f32 v6, v15;
	v5 =	vadd.f32 v5, v9;
	[tilespmem:s19+$0xB20] =	vst v2  }
0x1c5: {  	v2 =	vshll.u32 v6, $0x10;
	v3 =	vadd.f32 v3, v10;
	[tilespmem:s19+$0xB30] =	vst v7  }
0x1c6: {  	v2 =	vadd.f32 v2, v4;
	[tilespmem:s19+$0xB40] =	vst v5  }
0x1c7: {  	[tilespmem:s19+$0xB50] =	vst v3  }
0x1c8: {  	[tilespmem:s19+$0xB60] =	vst v2  }
0x1c9: {  	s24 =	simm.s32 $0x0;
	s19 =	rddreg [dreg:$0xb]  }
0x1ca: {  	[hbm4b:s19+s24] =	stream.linear.scatter [tilespmem:s7], [sflag:$0x4], $0x8000, $0x38;
	[tilespmem:$0x18B00] =	vst v63  }
0x1cb: {  	_ =	swait.ge [sflag:s16], $0x8000  }
0x1cc: {  	[sflag:s16] =	ssyncset.done $0x0  }
0x1cd: {  	s26 =	simm.s32 $0x0;
	s25 =	rddreg [dreg:$0xc];
	[sflag:s16] =	ssyncadd.s32 $0xFFFF8000  }
0x1ce: {  	[tilespmem:s9], [sflag:$0x3] =	stream.linear.gather [hbm4b:s25+s24], $0x8000, $0x38;
	[tilespmem:$0x18B00] =	vst v63  }
0x1cf: {  	s20 =	sand.u32 $0x4000, s24;
	s18 =	sand.u32 $0x3C00, s24;
	_ =	swait.ge [sflag:s12], $0x8000  }
0x1d0: {  	s18 =	sor.u32 s18, s20;
	s19 =	sand.u32 $0x380, s26;
	[sflag:s12] =	ssyncset.done $0x0  }
0x1d1: {  	s18 =	sor.u32 s19, s18;
	[sflag:s12] =	ssyncadd.s32 $0xFFFF8000  }
0x1d2: {  	v12 =	vld [tilespmem:s18+$0x8B70]  }
0x1d3: {  	v8 =	vld [tilespmem:s18+$0x8B00]  }
0x1d4: {  	v7 =	vld [tilespmem:s18+$0x8B10]  }
0x1d5: {  	v5 =	vld [tilespmem:s18+$0x8B20]  }
0x1d6: {  	v3 =	vld [tilespmem:s18+$0x8B30]  }
0x1d7: {  	v6 =	vld [tilespmem:s18+$0x8B40]  }
0x1d8: {  	v4 =	vld [tilespmem:s18+$0x8B50];
	v2 =	vmul.f32 $1.278751220e+02, v12;
	_ =	sdelay $0x1  }
0x1d9: {  	v9 =	vmul.f32 $1.278751220e+02, v8;
	v10 =	vmul.f32 $1.278751220e+02, v7;
	v2 =	vmax.f32 v2, $0.0e+00  }
0x1da: {  	v13 =	vmul.f32 $1.278751220e+02, v5;
	v14 =	vmul.f32 $1.278751220e+02, v3;
	v11 =	vmin.f32 v2, $5.120000000e+02  }
0x1db: {  	s28 =	simm.s32 $0x400;
	s21 =	simm.s32 $0x80;
	v15 =	vmul.f32 $1.278751220e+02, v6;
	v2 =	vld [tilespmem:s18+$0x8B60];
	v11 =	vtrunc.f32 v11  }
0x1dc: {  	s21 =	sand.u32 $0x4000, s21;
	s20 =	simm.s32 $0x8;
	s19 =	sand.u32 $0x3C00, s28;
	v16 =	vmul.f32 $1.278751220e+02, v4;
	v9 =	vmax.f32 v9, $0.0e+00;
	v11 =	vcvt.f32.s32 v11  }
0x1dd: {  	s22 =	sand.u32 $0x380, s20;
	s19 =	sor.u32 s19, s21;
	v10 =	vmax.f32 v10, $0.0e+00;
	v13 =	vmax.f32 v13, $0.0e+00;
	v14 =	vmax.f32 v14, $0.0e+00  }
0x1de: {  	s19 =	sor.u32 s22, s19;
	v15 =	vmax.f32 v15, $0.0e+00;
	v16 =	vmax.f32 v16, $0.0e+00;
	v9 =	vmin.f32 v9, $5.120000000e+02  }
0x1df: {  	v10 =	vmin.f32 v10, $5.120000000e+02;
	v13 =	vmin.f32 v13, $5.120000000e+02;
	v18 =	vmin.f32 v16, $5.120000000e+02;
	v16 =	vld [tilespmem:s19+$0x8B70]  }
0x1e0: {  	v14 =	vmin.f32 v14, $5.120000000e+02;
	v13 =	vtrunc.f32 v13;
	v17 =	vmul.f32 $1.278751220e+02, v2  }
0x1e1: {  	v15 =	vmin.f32 v15, $5.120000000e+02;
	v19 =	vtrunc.f32 v10;
	v21 =	vcvt.f32.s32 v13;
	v13 =	vld [tilespmem:s19+$0x8B20]  }
0x1e2: {  	v9 =	vtrunc.f32 v9;
	v19 =	vcvt.f32.s32 v19;
	v10 =	vmax.f32 v17, $0.0e+00;
	v20 =	vld.idx.msk [tilespmem:v11+s11+$0x0], $0xffff  }
0x1e3: {  	v11 =	vtrunc.f32 v14;
	v14 =	vtrunc.f32 v15;
	v15 =	vmin.f32 v10, $5.120000000e+02;
	v10 =	vld [tilespmem:s19+$0x8B00]  }
0x1e4: {  	v25 =	vmul.f32 $1.278751220e+02, v16;
	v22 =	vcvt.f32.s32 v11;
	v11 =	vld [tilespmem:s19+$0x8B30]  }
0x1e5: {  	v17 =	vtrunc.f32 v18;
	v18 =	vcvt.f32.s32 v9;
	v9 =	vld [tilespmem:s19+$0x8B10]  }
0x1e6: {  	v15 =	vtrunc.f32 v15;
	v23 =	vcvt.f32.s32 v14;
	v14 =	vld [tilespmem:s19+$0x8B50]  }
0x1e7: {  	v24 =	vcvt.f32.s32 v17;
	v27 =	vcvt.f32.s32 v15  }
0x1e8: {  	v17 =	vmul.f32 v20, v12;
	v15 =	vshll.u32 v20, $0x10;
	v20 =	vmul.f32 $1.278751220e+02, v10  }
0x1e9: {  	v25 =	vmax.f32 v25, $0.0e+00;
	v26 =	vmul.f32 $1.278751220e+02, v13;
	v12 =	vld [tilespmem:s19+$0x8B40];
	v30 =	vmul.f32 $1.278751220e+02, v11  }
0x1ea: {  	v28 =	vadd.f32 v15, v17;
	v17 =	vmul.f32 $1.278751220e+02, v9;
	v15 =	vld [tilespmem:s19+$0x8B60];
	v20 =	vmax.f32 v20, $0.0e+00  }
0x1eb: {  	v25 =	vmin.f32 v25, $5.120000000e+02;
	v61 =	vmul.f32 $1.278751220e+02, v14;
	v31 =	vmin.f32 v20, $5.120000000e+02  }
0x1ec: {  	v30 =	vmax.f32 v30, $0.0e+00;
	v20 =	vld.idx.msk [tilespmem:v21+s11+$0x0], $0xffff;
	v29 =	vmax.f32 v17, $0.0e+00;
	v17 =	vtrunc.f32 v25  }
0x1ed: {  	v21 =	vmax.f32 v61, $0.0e+00;
	v25 =	vmax.f32 v26, $0.0e+00;
	v60 =	vcvt.f32.s32 v17;
	v17 =	vld.idx.msk [tilespmem:v18+s11+$0x0], $0xffff  }
0x1ee: {  	v30 =	vmin.f32 v30, $5.120000000e+02;
	v35 =	vmin.f32 v21, $5.120000000e+02;
	v36 =	vtrunc.f32 v31;
	v18 =	vld.idx.msk [tilespmem:v19+s11+$0x0], $0xffff  }
0x1ef: {  	v26 =	vmul.f32 $1.278751220e+02, v12;
	v29 =	vmin.f32 v29, $5.120000000e+02;
	v19 =	vld.idx.msk [tilespmem:v22+s11+$0x0], $0xffff;
	v62 =	vmul.f32 $1.278751220e+02, v15  }
0x1f0: {  	v25 =	vmin.f32 v25, $5.120000000e+02;
	v22 =	vld.idx.msk [tilespmem:v23+s11+$0x0], $0xffff;
	v30 =	vtrunc.f32 v30;
	v31 =	vtrunc.f32 v29  }
0x1f1: {  	v23 =	vld.idx.msk [tilespmem:v27+s11+$0x0], $0xffff;
	v34 =	vtrunc.f32 v25;
	v26 =	vmax.f32 v26, $0.0e+00;
	v21 =	vmax.f32 v62, $0.0e+00  }
0x1f2: {  	v29 =	vtrunc.f32 v35;
	v63 =	vmin.f32 v26, $5.120000000e+02;
	v37 =	vmin.f32 v21, $5.120000000e+02;
	v21 =	vld.idx.msk [tilespmem:v24+s11+$0x0], $0xffff  }
0x1f3: {  	[tilespmem:s18+$0x8B70] =	vst v28;
	v27 =	vshll.u32 v20, $0x10;
	v32 =	vtrunc.f32 v63;
	v26 =	vshll.u32 v17, $0x10;
	v28 =	vld.idx.msk [tilespmem:v60+s11+$0x0], $0xffff  }
0x1f4: {  	s21 =	simm.s32 $0x800;
	s22 =	simm.s32 $0x100;
	v25 =	vshll.u32 v18, $0x10;
	v24 =	vcvt.f32.s32 v36;
	v33 =	vtrunc.f32 v37  }
.LBB2_12:
0x1f5: {  	s20 =	sadd.s32 $0x8, s20;
	s23 =	sand.u32 $0x4000, s22;
	s24 =	sand.u32 $0x3C00, s21;
	v31 =	vcvt.f32.s32 v31;
	v34 =	vcvt.f32.s32 v34;
	v35 =	vshll.u32 v19, $0x10  }
0x1f6: {  	v30 =	vcvt.f32.s32 v30;
	v32 =	vcvt.f32.s32 v32;
	v36 =	vshll.u32 v22, $0x10;
	s25 =	sand.u32 $0x380, s20;
	s23 =	sor.u32 s24, s23;
	p0 =	slt.u32 s20, $0x7F8  }
0x1f7: {  	v29 =	vcvt.f32.s32 v29;
	v33 =	vcvt.f32.s32 v33;
	v37 =	vshll.u32 v21, $0x10;
	s23 =	sor.u32 s25, s23  }
0x1f8: {  	v17 =	vmul.f32 v17, v8;
	v39 =	vshll.u32 v23, $0x10;
	v8 =	vmovc v10;
	v38 =	vmul.f32 v28, v16;
	v16 =	vld [tilespmem:s23+$0x8B70]  }
0x1f9: {  	v18 =	vmul.f32 v18, v7;
	v20 =	vmul.f32 v20, v5;
	v7 =	vmovc v9;
	v5 =	vmovc v13;
	v28 =	vshll.u32 v28, $0x10;
	v10 =	vld [tilespmem:s23+$0x8B00]  }
0x1fa: {  	v19 =	vmul.f32 v19, v3;
	v22 =	vmul.f32 v22, v6;
	v3 =	vmovc v11;
	v28 =	vadd.f32 v28, v38;
	v9 =	vld [tilespmem:s23+$0x8B10]  }
0x1fb: {  	v21 =	vmul.f32 v21, v4;
	v23 =	vmul.f32 v23, v2;
	v6 =	vmovc v12;
	v17 =	vadd.f32 v26, v17;
	v13 =	vld [tilespmem:s23+$0x8B20]  }
0x1fc: {  	v4 =	vmovc v14;
	v2 =	vmov v15;
	v18 =	vadd.f32 v25, v18;
	v20 =	vadd.f32 v27, v20;
	v11 =	vld [tilespmem:s23+$0x8B30];
	[tilespmem:s19+$0x8B70] =	vst v28  }
0x1fd: {  	v19 =	vadd.f32 v35, v19;
	v22 =	vadd.f32 v36, v22;
	v12 =	vld [tilespmem:s23+$0x8B40];
	v25 =	vmul.f32 $1.278751220e+02, v16;
	[tilespmem:s18+$0x8B00] =	vst v17  }
0x1fe: {  	v21 =	vadd.f32 v37, v21;
	v23 =	vadd.f32 v39, v23;
	v17 =	vmul.f32 $1.278751220e+02, v10;
	v14 =	vld [tilespmem:s23+$0x8B50];
	[tilespmem:s18+$0x8B10] =	vst v18  }
0x1ff: {  	v18 =	vmul.f32 $1.278751220e+02, v9;
	v15 =	vld [tilespmem:s23+$0x8B60];
	v25 =	vmax.f32 v25, $0.0e+00;
	[tilespmem:s18+$0x8B20] =	vst v20  }
0x200: {  	v26 =	vmax.f32 v17, $0.0e+00;
	v20 =	vmul.f32 $1.278751220e+02, v13;
	v25 =	vmin.f32 v25, $5.120000000e+02;
	v17 =	vld.idx.msk [tilespmem:v24+s11+$0x0], $0xffff;
	[tilespmem:s18+$0x8B30] =	vst v19  }
0x201: {  	v24 =	vmax.f32 v18, $0.0e+00;
	v19 =	vmul.f32 $1.278751220e+02, v11;
	v25 =	vtrunc.f32 v25;
	v18 =	vld.idx.msk [tilespmem:v31+s11+$0x0], $0xffff;
	[tilespmem:s18+$0x8B40] =	vst v22  }
0x202: {  	v27 =	vmax.f32 v20, $0.0e+00;
	v22 =	vmul.f32 $1.278751220e+02, v12;
	v25 =	vcvt.f32.s32 v25;
	v20 =	vld.idx.msk [tilespmem:v34+s11+$0x0], $0xffff;
	[tilespmem:s18+$0x8B50] =	vst v21  }
0x203: {  	v26 =	vmin.f32 v26, $5.120000000e+02;
	v21 =	vmax.f32 v19, $0.0e+00;
	v28 =	vmul.f32 $1.278751220e+02, v14;
	v19 =	vld.idx.msk [tilespmem:v30+s11+$0x0], $0xffff;
	[tilespmem:s18+$0x8B60] =	vst v23;
	s18 =	smov.u32 s19;
	s19 =	smov.u32 s23  }
0x204: {  	v24 =	vmin.f32 v24, $5.120000000e+02;
	v23 =	vmax.f32 v22, $0.0e+00;
	v30 =	vmul.f32 $1.278751220e+02, v15;
	v22 =	vld.idx.msk [tilespmem:v32+s11+$0x0], $0xffff  }
0x205: {  	v27 =	vmin.f32 v27, $5.120000000e+02;
	v32 =	vmin.f32 v21, $5.120000000e+02;
	v28 =	vmax.f32 v28, $0.0e+00;
	v21 =	vld.idx.msk [tilespmem:v29+s11+$0x0], $0xffff  }
.Ltmp5:
0x206: {  	v29 =	vmin.f32 v23, $5.120000000e+02;
	v35 =	vmin.f32 v28, $5.120000000e+02;
	v28 =	vmax.f32 v30, $0.0e+00;
	v23 =	vld.idx.msk [tilespmem:v33+s11+$0x0], $0xffff;
	(pc) =	sbr.rel @p0 .LBB2_12-.Ltmp5, $4  }
0x207: {  	v31 =	vtrunc.f32 v24;
	v33 =	vtrunc.f32 v26;
	v36 =	vmin.f32 v28, $5.120000000e+02  }
0x208: {  	v34 =	vtrunc.f32 v27;
	v30 =	vtrunc.f32 v32;
	v26 =	vshll.u32 v17, $0x10;
	v28 =	vld.idx.msk [tilespmem:v25+s11+$0x0], $0xffff  }
0x209: {  	v32 =	vtrunc.f32 v29;
	v29 =	vtrunc.f32 v35;
	v25 =	vshll.u32 v18, $0x10  }
0x20a: {  	s21 =	sadd.s32 $0x400, s21;
	s22 =	sadd.s32 $0x80, s22;
	v24 =	vcvt.f32.s32 v33;
	v27 =	vshll.u32 v20, $0x10;
	v33 =	vtrunc.f32 v36  }
0x20b: {  	v31 =	vcvt.f32.s32 v31  }
0x20c: {  	v34 =	vcvt.f32.s32 v34  }
0x20d: {  	v30 =	vcvt.f32.s32 v30;
	v16 =	vmul.f32 v28, v16  }
0x20e: {  	v32 =	vcvt.f32.s32 v32;
	v8 =	vmul.f32 v17, v8;
	v17 =	vshll.u32 v28, $0x10  }
0x20f: {  	v7 =	vmul.f32 v18, v7;
	v28 =	vcvt.f32.s32 v29;
	v16 =	vadd.f32 v17, v16  }
0x210: {  	v5 =	vmul.f32 v20, v5;
	v18 =	vld.idx.msk [tilespmem:v24+s11+$0x0], $0xffff;
	v8 =	vadd.f32 v26, v8;
	v17 =	vcvt.f32.s32 v33  }
0x211: {  	v3 =	vmul.f32 v19, v3;
	v7 =	vadd.f32 v25, v7;
	[tilespmem:s19+$0x8B70] =	vst v16;
	v16 =	vld.idx.msk [tilespmem:v31+s11+$0x0], $0xffff  }
0x212: {  	v19 =	vshll.u32 v19, $0x10;
	v6 =	vmul.f32 v22, v6;
	v5 =	vadd.f32 v27, v5;
	[tilespmem:s18+$0x8B00] =	vst v8;
	v8 =	vld.idx.msk [tilespmem:v34+s11+$0x0], $0xffff  }
0x213: {  	v20 =	vshll.u32 v22, $0x10;
	v4 =	vmul.f32 v21, v4;
	v3 =	vadd.f32 v19, v3;
	[tilespmem:s18+$0x8B10] =	vst v7;
	v7 =	vld.idx.msk [tilespmem:v30+s11+$0x0], $0xffff  }
0x214: {  	v2 =	vmul.f32 v23, v2;
	v19 =	vshll.u32 v21, $0x10;
	v6 =	vadd.f32 v20, v6;
	[tilespmem:s18+$0x8B20] =	vst v5;
	v5 =	vld.idx.msk [tilespmem:v32+s11+$0x0], $0xffff  }
0x215: {  	v20 =	vshll.u32 v23, $0x10;
	v4 =	vadd.f32 v19, v4;
	[tilespmem:s18+$0x8B30] =	vst v3;
	v10 =	vmul.f32 v18, v10;
	v3 =	vld.idx.msk [tilespmem:v28+s11+$0x0], $0xffff  }
0x216: {  	v2 =	vadd.f32 v20, v2;
	[tilespmem:s18+$0x8B40] =	vst v6;
	v6 =	vld.idx.msk [tilespmem:v17+s11+$0x0], $0xffff;
	v17 =	vshll.u32 v18, $0x10;
	v9 =	vmul.f32 v16, v9  }
0x217: {  	[tilespmem:s18+$0x8B50] =	vst v4;
	v4 =	vshll.u32 v16, $0x10;
	v13 =	vmul.f32 v8, v13;
	v10 =	vadd.f32 v17, v10  }
0x218: {  	[tilespmem:s18+$0x8B60] =	vst v2;
	v2 =	vshll.u32 v8, $0x10;
	v8 =	vmul.f32 v7, v11;
	v4 =	vadd.f32 v4, v9  }
0x219: {  	v7 =	vshll.u32 v7, $0x10;
	v9 =	vmul.f32 v5, v12;
	v2 =	vadd.f32 v2, v13;
	[tilespmem:s19+$0x8B00] =	vst v10  }
0x21a: {  	v5 =	vshll.u32 v5, $0x10;
	v10 =	vmul.f32 v3, v14;
	v7 =	vadd.f32 v7, v8;
	[tilespmem:s19+$0x8B10] =	vst v4  }
0x21b: {  	v3 =	vshll.u32 v3, $0x10;
	v4 =	vmul.f32 v6, v15;
	v5 =	vadd.f32 v5, v9;
	[tilespmem:s19+$0x8B20] =	vst v2  }
0x21c: {  	v2 =	vshll.u32 v6, $0x10;
	v3 =	vadd.f32 v3, v10;
	[tilespmem:s19+$0x8B30] =	vst v7  }
0x21d: {  	v2 =	vadd.f32 v2, v4;
	[tilespmem:s19+$0x8B40] =	vst v5  }
0x21e: {  	[tilespmem:s19+$0x8B50] =	vst v3  }
0x21f: {  	[tilespmem:s19+$0x8B60] =	vst v2  }
0x220: {  	s24 =	simm.s32 $0x0;
	s19 =	rddreg [dreg:$0xd]  }
0x221: {  	[hbm4b:s19+s24] =	stream.linear.scatter [tilespmem:s8], [sflag:$0x5], $0x8000, $0x38;
	[tilespmem:$0x18B00] =	vst v63  }
0x222: {  	_ =	swait.ge [sflag:s13], $0x8000  }
0x223: {  	s26 =	simm.s32 $0x0;
	s20 =	sand.u32 $0x4000, s24;
	[sflag:s13] =	ssyncset.done $0x0  }
0x224: {  	s18 =	sand.u32 $0x3C00, s24;
	s25 =	rddreg [dreg:$0xe];
	[sflag:s13] =	ssyncadd.s32 $0xFFFF8000  }
0x225: {  	[tilespmem:s7], [sflag:$0x1] =	stream.linear.gather [hbm4b:s25+s24], $0x8000, $0x38;
	[tilespmem:$0x18B00] =	vst v63  }
0x226: {  	s18 =	sor.u32 s18, s20;
	s19 =	sand.u32 $0x380, s26;
	_ =	swait.ge [sflag:s14], $0x8000  }
0x227: {  	s18 =	sor.u32 s19, s18;
	[sflag:s14] =	ssyncset.done $0x0  }
0x228: {  	s19 =	sadd.s32 $0x10B00, s18;
	[sflag:s14] =	ssyncadd.s32 $0xFFFF8000  }
0x229: {  	v12 =	vld [tilespmem:s19+$0x70]  }
0x22a: {  	v2 =	vld [tilespmem:s18+$0x10B00]  }
0x22b: {  	v8 =	vld [tilespmem:s19+$0x10]  }
0x22c: {  	v7 =	vld [tilespmem:s19+$0x20]  }
0x22d: {  	v5 =	vld [tilespmem:s19+$0x30]  }
0x22e: {  	v6 =	vld [tilespmem:s19+$0x40];
	v4 =	vmul.f32 $1.278751220e+02, v12  }
0x22f: {  	v3 =	vld [tilespmem:s19+$0x50]  }
0x230: {  	v9 =	vmax.f32 v4, $0.0e+00  }
0x231: {  	v10 =	vmul.f32 $1.278751220e+02, v2;
	v11 =	vmul.f32 $1.278751220e+02, v8;
	v9 =	vmin.f32 v9, $5.120000000e+02  }
0x232: {  	v13 =	vmul.f32 $1.278751220e+02, v7;
	v9 =	vtrunc.f32 v9  }
0x233: {  	v14 =	vmul.f32 $1.278751220e+02, v5;
	v9 =	vcvt.f32.s32 v9  }
0x234: {  	v15 =	vmul.f32 $1.278751220e+02, v6;
	v16 =	vmul.f32 $1.278751220e+02, v3  }
0x235: {  	v4 =	vld [tilespmem:s19+$0x60];
	v10 =	vmax.f32 v10, $0.0e+00;
	v11 =	vmax.f32 v11, $0.0e+00;
	v13 =	vmax.f32 v13, $0.0e+00  }
0x236: {  	s28 =	simm.s32 $0x400;
	s21 =	simm.s32 $0x80;
	v14 =	vmax.f32 v14, $0.0e+00;
	v15 =	vmax.f32 v15, $0.0e+00;
	v16 =	vmax.f32 v16, $0.0e+00  }
0x237: {  	s22 =	simm.s32 $0x8;
	s21 =	sand.u32 $0x4000, s21;
	s20 =	sand.u32 $0x3C00, s28;
	v11 =	vmin.f32 v11, $5.120000000e+02;
	v13 =	vmin.f32 v13, $5.120000000e+02;
	v14 =	vmin.f32 v14, $5.120000000e+02  }
0x238: {  	s23 =	sand.u32 $0x380, s22;
	s20 =	sor.u32 s20, s21;
	v15 =	vmin.f32 v15, $5.120000000e+02;
	v11 =	vtrunc.f32 v11;
	v13 =	vtrunc.f32 v13  }
0x239: {  	s20 =	sor.u32 s23, s20;
	v16 =	vmin.f32 v16, $5.120000000e+02;
	v14 =	vtrunc.f32 v14;
	v15 =	vtrunc.f32 v15;
	v18 =	vld.idx.msk [tilespmem:v9+s11+$0x0], $0xffff  }
0x23a: {  	s21 =	sadd.s32 $0x10B00, s20;
	v10 =	vmin.f32 v10, $5.120000000e+02;
	v19 =	vtrunc.f32 v16;
	v17 =	vmul.f32 $1.278751220e+02, v4;
	v9 =	vld [tilespmem:s20+$0x10B00]  }
0x23b: {  	v20 =	vtrunc.f32 v10;
	v16 =	vld [tilespmem:s21+$0x70];
	v21 =	vcvt.f32.s32 v11  }
0x23c: {  	v10 =	vld [tilespmem:s21+$0x10];
	v22 =	vcvt.f32.s32 v13;
	v23 =	vcvt.f32.s32 v14;
	v17 =	vmax.f32 v17, $0.0e+00  }
0x23d: {  	v24 =	vcvt.f32.s32 v15;
	v11 =	vld [tilespmem:s21+$0x20];
	v25 =	vcvt.f32.s32 v19;
	v17 =	vmin.f32 v17, $5.120000000e+02  }
0x23e: {  	v26 =	vcvt.f32.s32 v20;
	v13 =	vld [tilespmem:s21+$0x30];
	v17 =	vtrunc.f32 v17  }
0x23f: {  	v15 =	vld [tilespmem:s21+$0x50];
	v14 =	vmul.f32 v18, v12;
	v19 =	vmul.f32 $1.278751220e+02, v9  }
0x240: {  	v27 =	vcvt.f32.s32 v17;
	v12 =	vld [tilespmem:s21+$0x40];
	v17 =	vshll.u32 v18, $0x10;
	v18 =	vmul.f32 $1.278751220e+02, v16  }
0x241: {  	v28 =	vadd.f32 v17, v14;
	v17 =	vmax.f32 v19, $0.0e+00;
	v19 =	vmul.f32 $1.278751220e+02, v10  }
0x242: {  	v14 =	vld [tilespmem:s21+$0x60];
	v18 =	vmax.f32 v18, $0.0e+00;
	v62 =	vmin.f32 v17, $5.120000000e+02;
	v17 =	vmul.f32 $1.278751220e+02, v11  }
0x243: {  	v18 =	vmin.f32 v18, $5.120000000e+02;
	v20 =	vmax.f32 v19, $0.0e+00;
	v19 =	vmul.f32 $1.278751220e+02, v13  }
0x244: {  	v31 =	vmul.f32 $1.278751220e+02, v15;
	v18 =	vtrunc.f32 v18;
	v29 =	vmax.f32 v17, $0.0e+00;
	v17 =	vld.idx.msk [tilespmem:v21+s11+$0x0], $0xffff  }
0x245: {  	v33 =	vtrunc.f32 v62;
	v30 =	vmul.f32 $1.278751220e+02, v12;
	v21 =	vmax.f32 v19, $0.0e+00;
	v19 =	vld.idx.msk [tilespmem:v22+s11+$0x0], $0xffff  }
0x246: {  	v35 =	vcvt.f32.s32 v18;
	v22 =	vmin.f32 v20, $5.120000000e+02;
	v20 =	vld.idx.msk [tilespmem:v23+s11+$0x0], $0xffff;
	v23 =	vmin.f32 v29, $5.120000000e+02  }
0x247: {  	v30 =	vmax.f32 v30, $0.0e+00;
	v63 =	vmul.f32 $1.278751220e+02, v14;
	v29 =	vmin.f32 v21, $5.120000000e+02  }
0x248: {  	v18 =	vld.idx.msk [tilespmem:v24+s11+$0x0], $0xffff;
	v21 =	vmax.f32 v31, $0.0e+00;
	v37 =	vtrunc.f32 v22;
	v31 =	vtrunc.f32 v23  }
0x249: {  	v24 =	vmin.f32 v30, $5.120000000e+02;
	v36 =	vmin.f32 v21, $5.120000000e+02;
	v21 =	vld.idx.msk [tilespmem:v25+s11+$0x0], $0xffff;
	v30 =	vmax.f32 v63, $0.0e+00  }
0x24a: {  	v22 =	vld.idx.msk [tilespmem:v27+s11+$0x0], $0xffff;
	v34 =	vtrunc.f32 v29;
	v32 =	vtrunc.f32 v36;
	v38 =	vmin.f32 v30, $5.120000000e+02  }
0x24b: {  	v23 =	vld.idx.msk [tilespmem:v26+s11+$0x0], $0xffff;
	v30 =	vtrunc.f32 v24;
	v25 =	vshll.u32 v17, $0x10;
	v24 =	vcvt.f32.s32 v37  }
0x24c: {  	s23 =	simm.s32 $0x800;
	s24 =	simm.s32 $0x100;
	[tilespmem:s19+$0x70] =	vst v28;
	v29 =	vtrunc.f32 v38;
	v26 =	vshll.u32 v19, $0x10;
	v28 =	vld.idx.msk [tilespmem:v35+s11+$0x0], $0xffff;
	v27 =	vshll.u32 v20, $0x10  }
.LBB2_14:
0x24d: {  	s22 =	sadd.s32 $0x8, s22;
	s25 =	sand.u32 $0x4000, s24;
	s26 =	sand.u32 $0x3C00, s23;
	v31 =	vcvt.f32.s32 v31;
	v34 =	vcvt.f32.s32 v34;
	v35 =	vshll.u32 v18, $0x10  }
0x24e: {  	v30 =	vcvt.f32.s32 v30;
	v32 =	vcvt.f32.s32 v32;
	v36 =	vshll.u32 v21, $0x10;
	s28 =	sand.u32 $0x380, s22;
	s25 =	sor.u32 s26, s25;
	p0 =	slt.u32 s22, $0x7F8  }
0x24f: {  	v33 =	vcvt.f32.s32 v33;
	v29 =	vcvt.f32.s32 v29;
	v37 =	vshll.u32 v22, $0x10;
	s25 =	sor.u32 s28, s25  }
0x250: {  	v39 =	vshll.u32 v23, $0x10;
	v17 =	vmul.f32 v17, v8;
	v19 =	vmul.f32 v19, v7;
	v8 =	vmovc v10;
	v7 =	vmovc v11;
	s26 =	sadd.s32 $0x10B00, s25;
	v38 =	vld [tilespmem:s25+$0x10B00]  }
0x251: {  	v20 =	vmul.f32 v20, v5;
	v5 =	vmov v13;
	v40 =	vmul.f32 v28, v16;
	v16 =	vld [tilespmem:s26+$0x70]  }
0x252: {  	v18 =	vmul.f32 v18, v6;
	v21 =	vmul.f32 v21, v3;
	v6 =	vmovc v12;
	v3 =	vmovc v15;
	v13 =	vshll.u32 v28, $0x10;
	v10 =	vld [tilespmem:s26+$0x10]  }
0x253: {  	v23 =	vmul.f32 v23, v2;
	v22 =	vmul.f32 v22, v4;
	v2 =	vmovc v9;
	v15 =	vadd.f32 v13, v40;
	v11 =	vld [tilespmem:s26+$0x20]  }
0x254: {  	v4 =	vmov v14;
	v17 =	vadd.f32 v25, v17;
	v19 =	vadd.f32 v26, v19;
	v13 =	vld [tilespmem:s26+$0x30]  }
0x255: {  	v20 =	vadd.f32 v27, v20;
	v18 =	vadd.f32 v35, v18;
	v14 =	vmul.f32 $1.278751220e+02, v38;
	v12 =	vld [tilespmem:s26+$0x40];
	[tilespmem:s21+$0x70] =	vst v15;
	v9 =	vmovc v38  }
0x256: {  	v21 =	vadd.f32 v36, v21;
	v22 =	vadd.f32 v37, v22;
	v15 =	vld [tilespmem:s26+$0x50];
	v25 =	vmul.f32 $1.278751220e+02, v16;
	[tilespmem:s19+$0x10] =	vst v17  }
0x257: {  	v23 =	vadd.f32 v39, v23;
	v17 =	vmax.f32 v14, $0.0e+00;
	v26 =	vmul.f32 $1.278751220e+02, v10;
	v14 =	vld [tilespmem:s26+$0x60];
	[tilespmem:s19+$0x20] =	vst v19  }
0x258: {  	v27 =	vmin.f32 v17, $5.120000000e+02;
	v28 =	vmul.f32 $1.278751220e+02, v11;
	v19 =	vmax.f32 v25, $0.0e+00;
	v17 =	vld.idx.msk [tilespmem:v24+s11+$0x0], $0xffff;
	[tilespmem:s19+$0x30] =	vst v20  }
0x259: {  	v24 =	vmax.f32 v26, $0.0e+00;
	v25 =	vmul.f32 $1.278751220e+02, v13;
	v20 =	vmin.f32 v19, $5.120000000e+02;
	v19 =	vld.idx.msk [tilespmem:v31+s11+$0x0], $0xffff;
	[tilespmem:s19+$0x40] =	vst v18  }
0x25a: {  	v26 =	vmax.f32 v28, $0.0e+00;
	v28 =	vmul.f32 $1.278751220e+02, v12;
	v18 =	vtrunc.f32 v20;
	v20 =	vld.idx.msk [tilespmem:v34+s11+$0x0], $0xffff;
	[tilespmem:s19+$0x50] =	vst v21  }
0x25b: {  	v25 =	vmax.f32 v25, $0.0e+00;
	v31 =	vmul.f32 $1.278751220e+02, v15;
	v35 =	vcvt.f32.s32 v18;
	v18 =	vld.idx.msk [tilespmem:v30+s11+$0x0], $0xffff;
	[tilespmem:s19+$0x60] =	vst v22;
	s19 =	smov.u32 s21;
	s21 =	smov.u32 s26  }
0x25c: {  	v24 =	vmin.f32 v24, $5.120000000e+02;
	v28 =	vmax.f32 v28, $0.0e+00;
	v30 =	vmul.f32 $1.278751220e+02, v14;
	v21 =	vld.idx.msk [tilespmem:v32+s11+$0x0], $0xffff;
	[tilespmem:s18+$0x10B00] =	vst v23;
	s18 =	smov.u32 s20;
	s20 =	smov.u32 s25  }
0x25d: {  	v26 =	vmin.f32 v26, $5.120000000e+02;
	v25 =	vmin.f32 v25, $5.120000000e+02;
	v23 =	vmax.f32 v31, $0.0e+00;
	v22 =	vld.idx.msk [tilespmem:v29+s11+$0x0], $0xffff  }
.Ltmp6:
0x25e: {  	v28 =	vmin.f32 v28, $5.120000000e+02;
	v29 =	vmin.f32 v23, $5.120000000e+02;
	v30 =	vmax.f32 v30, $0.0e+00;
	v23 =	vld.idx.msk [tilespmem:v33+s11+$0x0], $0xffff;
	(pc) =	sbr.rel @p0 .LBB2_14-.Ltmp6, $4  }
0x25f: {  	v24 =	vtrunc.f32 v24;
	v31 =	vtrunc.f32 v26;
	v26 =	vmin.f32 v30, $5.120000000e+02  }
0x260: {  	v34 =	vtrunc.f32 v25;
	v25 =	vshll.u32 v17, $0x10;
	v30 =	vtrunc.f32 v28  }
0x261: {  	v32 =	vtrunc.f32 v29;
	v29 =	vtrunc.f32 v26;
	v26 =	vshll.u32 v19, $0x10;
	v28 =	vld.idx.msk [tilespmem:v35+s11+$0x0], $0xffff  }
0x262: {  	s23 =	sadd.s32 $0x400, s23;
	s24 =	sadd.s32 $0x80, s24;
	v24 =	vcvt.f32.s32 v24;
	v33 =	vtrunc.f32 v27;
	v27 =	vshll.u32 v20, $0x10  }
0x263: {  	v34 =	vcvt.f32.s32 v34  }
0x264: {  	v31 =	vcvt.f32.s32 v31;
	v30 =	vcvt.f32.s32 v30  }
0x265: {  	v32 =	vcvt.f32.s32 v32;
	v8 =	vmul.f32 v17, v8  }
0x266: {  	v7 =	vmul.f32 v19, v7;
	v16 =	vmul.f32 v28, v16  }
0x267: {  	v8 =	vadd.f32 v25, v8;
	v17 =	vshll.u32 v28, $0x10;
	v28 =	vcvt.f32.s32 v29  }
0x268: {  	v5 =	vmul.f32 v20, v5;
	v19 =	vld.idx.msk [tilespmem:v24+s11+$0x0], $0xffff;
	v16 =	vadd.f32 v17, v16;
	v17 =	vcvt.f32.s32 v33  }
0x269: {  	v6 =	vmul.f32 v18, v6;
	v7 =	vadd.f32 v26, v7;
	[tilespmem:s19+$0x10] =	vst v8;
	v8 =	vld.idx.msk [tilespmem:v34+s11+$0x0], $0xffff  }
0x26a: {  	v18 =	vshll.u32 v18, $0x10;
	v3 =	vmul.f32 v21, v3;
	v5 =	vadd.f32 v27, v5;
	[tilespmem:s21+$0x70] =	vst v16;
	v16 =	vld.idx.msk [tilespmem:v31+s11+$0x0], $0xffff  }
0x26b: {  	v20 =	vshll.u32 v21, $0x10;
	v2 =	vmul.f32 v23, v2;
	v6 =	vadd.f32 v18, v6;
	[tilespmem:s19+$0x20] =	vst v7;
	v7 =	vld.idx.msk [tilespmem:v30+s11+$0x0], $0xffff  }
0x26c: {  	v4 =	vmul.f32 v22, v4;
	v3 =	vadd.f32 v20, v3;
	v20 =	vshll.u32 v23, $0x10;
	[tilespmem:s19+$0x30] =	vst v5;
	v5 =	vld.idx.msk [tilespmem:v32+s11+$0x0], $0xffff  }
0x26d: {  	v18 =	vshll.u32 v22, $0x10;
	v2 =	vadd.f32 v20, v2;
	[tilespmem:s19+$0x40] =	vst v6;
	v10 =	vmul.f32 v19, v10;
	v6 =	vld.idx.msk [tilespmem:v28+s11+$0x0], $0xffff  }
0x26e: {  	v4 =	vadd.f32 v18, v4;
	[tilespmem:s19+$0x50] =	vst v3;
	v3 =	vld.idx.msk [tilespmem:v17+s11+$0x0], $0xffff;
	v17 =	vshll.u32 v19, $0x10;
	v13 =	vmul.f32 v8, v13  }
0x26f: {  	[tilespmem:s18+$0x10B00] =	vst v2;
	v2 =	vshll.u32 v8, $0x10;
	v11 =	vmul.f32 v16, v11;
	v10 =	vadd.f32 v17, v10  }
0x270: {  	[tilespmem:s19+$0x60] =	vst v4;
	v8 =	vmul.f32 v7, v12;
	v4 =	vshll.u32 v16, $0x10;
	v2 =	vadd.f32 v2, v13  }
0x271: {  	v7 =	vshll.u32 v7, $0x10;
	v4 =	vadd.f32 v4, v11;
	v11 =	vmul.f32 v5, v15;
	[tilespmem:s21+$0x10] =	vst v10  }
0x272: {  	v7 =	vadd.f32 v7, v8;
	v5 =	vshll.u32 v5, $0x10;
	v10 =	vmul.f32 v6, v14;
	[tilespmem:s21+$0x30] =	vst v2  }
0x273: {  	[tilespmem:s21+$0x20] =	vst v4;
	v4 =	vshll.u32 v6, $0x10;
	v6 =	vmul.f32 v3, v9;
	v5 =	vadd.f32 v5, v11  }
0x274: {  	[tilespmem:s21+$0x40] =	vst v7;
	v2 =	vshll.u32 v3, $0x10;
	v3 =	vadd.f32 v4, v10  }
0x275: {  	v2 =	vadd.f32 v2, v6;
	[tilespmem:s21+$0x50] =	vst v5  }
0x276: {  	[tilespmem:s21+$0x60] =	vst v3  }
0x277: {  	[tilespmem:s20+$0x10B00] =	vst v2  }
0x278: {  	s22 =	simm.s32 $0x0;
	s19 =	rddreg [dreg:$0xf]  }
0x279: {  	[hbm4b:s19+s22] =	stream.linear.scatter [tilespmem:s9], [sflag:$0x6], $0x8000, $0x38;
	[tilespmem:$0x18B00] =	vst v63  }
0x27a: {  	_ =	swait.ge [sflag:s15], $0x8000  }
0x27b: {  	[sflag:s15] =	ssyncset.done $0x0  }
0x27c: {  	s24 =	simm.s32 $0x0;
	s23 =	rddreg [dreg:$0x10];
	[sflag:s15] =	ssyncadd.s32 $0xFFFF8000  }
0x27d: {  	[tilespmem:s8], [sflag:$0x2] =	stream.linear.gather [hbm4b:s23+s22], $0x8000, $0x38;
	[tilespmem:$0x18B00] =	vst v63  }
0x27e: {  	s25 =	sand.u32 $0x4000, s22;
	s18 =	sand.u32 $0x3C00, s22;
	_ =	swait.ge [sflag:s10], $0x8000  }
0x27f: {  	s18 =	sor.u32 s18, s25;
	s19 =	sand.u32 $0x380, s24;
	[sflag:s10] =	ssyncset.done $0x0  }
0x280: {  	s18 =	sor.u32 s19, s18;
	[sflag:s10] =	ssyncadd.s32 $0xFFFF8000  }
0x281: {  	v12 =	vld [tilespmem:s18+$0xB70]  }
0x282: {  	v8 =	vld [tilespmem:s18+$0xB00]  }
0x283: {  	v7 =	vld [tilespmem:s18+$0xB10]  }
0x284: {  	v5 =	vld [tilespmem:s18+$0xB20]  }
0x285: {  	v3 =	vld [tilespmem:s18+$0xB30]  }
0x286: {  	v6 =	vld [tilespmem:s18+$0xB40]  }
0x287: {  	v4 =	vld [tilespmem:s18+$0xB50];
	v2 =	vmul.f32 $1.278751220e+02, v12;
	_ =	sdelay $0x1  }
0x288: {  	v9 =	vmul.f32 $1.278751220e+02, v8;
	v10 =	vmul.f32 $1.278751220e+02, v7;
	v2 =	vmax.f32 v2, $0.0e+00  }
0x289: {  	v13 =	vmul.f32 $1.278751220e+02, v5;
	v14 =	vmul.f32 $1.278751220e+02, v3;
	v11 =	vmin.f32 v2, $5.120000000e+02  }
0x28a: {  	s26 =	simm.s32 $0x400;
	s28 =	simm.s32 $0x80;
	v15 =	vmul.f32 $1.278751220e+02, v6;
	v2 =	vld [tilespmem:s18+$0xB60];
	v11 =	vtrunc.f32 v11  }
0x28b: {  	s21 =	sand.u32 $0x4000, s28;
	s20 =	simm.s32 $0x8;
	s19 =	sand.u32 $0x3C00, s26;
	v16 =	vmul.f32 $1.278751220e+02, v4;
	v9 =	vmax.f32 v9, $0.0e+00;
	v11 =	vcvt.f32.s32 v11  }
0x28c: {  	s19 =	sor.u32 s19, s21;
	s22 =	sand.u32 $0x380, s20;
	v10 =	vmax.f32 v10, $0.0e+00;
	v13 =	vmax.f32 v13, $0.0e+00;
	v14 =	vmax.f32 v14, $0.0e+00  }
0x28d: {  	s19 =	sor.u32 s22, s19;
	v15 =	vmax.f32 v15, $0.0e+00;
	v16 =	vmax.f32 v16, $0.0e+00;
	v9 =	vmin.f32 v9, $5.120000000e+02  }
0x28e: {  	v10 =	vmin.f32 v10, $5.120000000e+02;
	v13 =	vmin.f32 v13, $5.120000000e+02;
	v18 =	vmin.f32 v16, $5.120000000e+02;
	v16 =	vld [tilespmem:s19+$0xB70]  }
0x28f: {  	v14 =	vmin.f32 v14, $5.120000000e+02;
	v13 =	vtrunc.f32 v13;
	v17 =	vmul.f32 $1.278751220e+02, v2  }
0x290: {  	v15 =	vmin.f32 v15, $5.120000000e+02;
	v19 =	vtrunc.f32 v10;
	v21 =	vcvt.f32.s32 v13;
	v13 =	vld [tilespmem:s19+$0xB20]  }
0x291: {  	v9 =	vtrunc.f32 v9;
	v19 =	vcvt.f32.s32 v19;
	v10 =	vmax.f32 v17, $0.0e+00;
	v20 =	vld.idx.msk [tilespmem:v11+s11+$0x0], $0xffff  }
0x292: {  	v11 =	vtrunc.f32 v14;
	v14 =	vtrunc.f32 v15;
	v15 =	vmin.f32 v10, $5.120000000e+02;
	v10 =	vld [tilespmem:s19+$0xB00]  }
0x293: {  	v25 =	vmul.f32 $1.278751220e+02, v16;
	v22 =	vcvt.f32.s32 v11;
	v11 =	vld [tilespmem:s19+$0xB30]  }
0x294: {  	v17 =	vtrunc.f32 v18;
	v18 =	vcvt.f32.s32 v9;
	v9 =	vld [tilespmem:s19+$0xB10]  }
0x295: {  	v15 =	vtrunc.f32 v15;
	v23 =	vcvt.f32.s32 v14;
	v14 =	vld [tilespmem:s19+$0xB50]  }
0x296: {  	v24 =	vcvt.f32.s32 v17;
	v27 =	vcvt.f32.s32 v15  }
0x297: {  	v17 =	vmul.f32 v20, v12;
	v15 =	vshll.u32 v20, $0x10;
	v20 =	vmul.f32 $1.278751220e+02, v10  }
0x298: {  	v25 =	vmax.f32 v25, $0.0e+00;
	v26 =	vmul.f32 $1.278751220e+02, v13;
	v12 =	vld [tilespmem:s19+$0xB40];
	v30 =	vmul.f32 $1.278751220e+02, v11  }
0x299: {  	v28 =	vadd.f32 v15, v17;
	v17 =	vmul.f32 $1.278751220e+02, v9;
	v15 =	vld [tilespmem:s19+$0xB60];
	v20 =	vmax.f32 v20, $0.0e+00  }
0x29a: {  	v25 =	vmin.f32 v25, $5.120000000e+02;
	v61 =	vmul.f32 $1.278751220e+02, v14;
	v31 =	vmin.f32 v20, $5.120000000e+02  }
0x29b: {  	v30 =	vmax.f32 v30, $0.0e+00;
	v20 =	vld.idx.msk [tilespmem:v21+s11+$0x0], $0xffff;
	v29 =	vmax.f32 v17, $0.0e+00;
	v17 =	vtrunc.f32 v25  }
0x29c: {  	v21 =	vmax.f32 v61, $0.0e+00;
	v25 =	vmax.f32 v26, $0.0e+00;
	v60 =	vcvt.f32.s32 v17;
	v17 =	vld.idx.msk [tilespmem:v18+s11+$0x0], $0xffff  }
0x29d: {  	v30 =	vmin.f32 v30, $5.120000000e+02;
	v35 =	vmin.f32 v21, $5.120000000e+02;
	v36 =	vtrunc.f32 v31;
	v18 =	vld.idx.msk [tilespmem:v19+s11+$0x0], $0xffff  }
0x29e: {  	v26 =	vmul.f32 $1.278751220e+02, v12;
	v29 =	vmin.f32 v29, $5.120000000e+02;
	v19 =	vld.idx.msk [tilespmem:v22+s11+$0x0], $0xffff;
	v62 =	vmul.f32 $1.278751220e+02, v15  }
0x29f: {  	v25 =	vmin.f32 v25, $5.120000000e+02;
	v22 =	vld.idx.msk [tilespmem:v23+s11+$0x0], $0xffff;
	v30 =	vtrunc.f32 v30;
	v31 =	vtrunc.f32 v29  }
0x2a0: {  	v23 =	vld.idx.msk [tilespmem:v27+s11+$0x0], $0xffff;
	v34 =	vtrunc.f32 v25;
	v26 =	vmax.f32 v26, $0.0e+00;
	v21 =	vmax.f32 v62, $0.0e+00  }
0x2a1: {  	v29 =	vtrunc.f32 v35;
	v63 =	vmin.f32 v26, $5.120000000e+02;
	v37 =	vmin.f32 v21, $5.120000000e+02;
	v21 =	vld.idx.msk [tilespmem:v24+s11+$0x0], $0xffff  }
0x2a2: {  	[tilespmem:s18+$0xB70] =	vst v28;
	v27 =	vshll.u32 v20, $0x10;
	v32 =	vtrunc.f32 v63;
	v26 =	vshll.u32 v17, $0x10;
	v28 =	vld.idx.msk [tilespmem:v60+s11+$0x0], $0xffff  }
0x2a3: {  	s21 =	simm.s32 $0x800;
	s22 =	simm.s32 $0x100;
	v25 =	vshll.u32 v18, $0x10;
	v24 =	vcvt.f32.s32 v36;
	v33 =	vtrunc.f32 v37  }
.LBB2_16:
0x2a4: {  	s20 =	sadd.s32 $0x8, s20;
	s23 =	sand.u32 $0x4000, s22;
	s24 =	sand.u32 $0x3C00, s21;
	v31 =	vcvt.f32.s32 v31;
	v34 =	vcvt.f32.s32 v34;
	v35 =	vshll.u32 v19, $0x10  }
0x2a5: {  	v30 =	vcvt.f32.s32 v30;
	v32 =	vcvt.f32.s32 v32;
	v36 =	vshll.u32 v22, $0x10;
	s25 =	sand.u32 $0x380, s20;
	s23 =	sor.u32 s24, s23;
	p0 =	slt.u32 s20, $0x7F8  }
0x2a6: {  	v29 =	vcvt.f32.s32 v29;
	v33 =	vcvt.f32.s32 v33;
	v37 =	vshll.u32 v21, $0x10;
	s23 =	sor.u32 s25, s23  }
0x2a7: {  	v17 =	vmul.f32 v17, v8;
	v39 =	vshll.u32 v23, $0x10;
	v8 =	vmovc v10;
	v38 =	vmul.f32 v28, v16;
	v16 =	vld [tilespmem:s23+$0xB70]  }
0x2a8: {  	v18 =	vmul.f32 v18, v7;
	v20 =	vmul.f32 v20, v5;
	v7 =	vmovc v9;
	v5 =	vmovc v13;
	v28 =	vshll.u32 v28, $0x10;
	v10 =	vld [tilespmem:s23+$0xB00]  }
0x2a9: {  	v19 =	vmul.f32 v19, v3;
	v22 =	vmul.f32 v22, v6;
	v3 =	vmovc v11;
	v28 =	vadd.f32 v28, v38;
	v9 =	vld [tilespmem:s23+$0xB10]  }
0x2aa: {  	v21 =	vmul.f32 v21, v4;
	v23 =	vmul.f32 v23, v2;
	v6 =	vmovc v12;
	v17 =	vadd.f32 v26, v17;
	v13 =	vld [tilespmem:s23+$0xB20]  }
0x2ab: {  	v4 =	vmovc v14;
	v2 =	vmov v15;
	v18 =	vadd.f32 v25, v18;
	v20 =	vadd.f32 v27, v20;
	v11 =	vld [tilespmem:s23+$0xB30];
	[tilespmem:s19+$0xB70] =	vst v28  }
0x2ac: {  	v19 =	vadd.f32 v35, v19;
	v22 =	vadd.f32 v36, v22;
	v12 =	vld [tilespmem:s23+$0xB40];
	v25 =	vmul.f32 $1.278751220e+02, v16;
	[tilespmem:s18+$0xB00] =	vst v17  }
0x2ad: {  	v21 =	vadd.f32 v37, v21;
	v23 =	vadd.f32 v39, v23;
	v17 =	vmul.f32 $1.278751220e+02, v10;
	v14 =	vld [tilespmem:s23+$0xB50];
	[tilespmem:s18+$0xB10] =	vst v18  }
0x2ae: {  	v18 =	vmul.f32 $1.278751220e+02, v9;
	v15 =	vld [tilespmem:s23+$0xB60];
	v25 =	vmax.f32 v25, $0.0e+00;
	[tilespmem:s18+$0xB20] =	vst v20  }
0x2af: {  	v26 =	vmax.f32 v17, $0.0e+00;
	v20 =	vmul.f32 $1.278751220e+02, v13;
	v25 =	vmin.f32 v25, $5.120000000e+02;
	v17 =	vld.idx.msk [tilespmem:v24+s11+$0x0], $0xffff;
	[tilespmem:s18+$0xB30] =	vst v19  }
0x2b0: {  	v24 =	vmax.f32 v18, $0.0e+00;
	v19 =	vmul.f32 $1.278751220e+02, v11;
	v25 =	vtrunc.f32 v25;
	v18 =	vld.idx.msk [tilespmem:v31+s11+$0x0], $0xffff;
	[tilespmem:s18+$0xB40] =	vst v22  }
0x2b1: {  	v27 =	vmax.f32 v20, $0.0e+00;
	v22 =	vmul.f32 $1.278751220e+02, v12;
	v25 =	vcvt.f32.s32 v25;
	v20 =	vld.idx.msk [tilespmem:v34+s11+$0x0], $0xffff;
	[tilespmem:s18+$0xB50] =	vst v21  }
0x2b2: {  	v26 =	vmin.f32 v26, $5.120000000e+02;
	v21 =	vmax.f32 v19, $0.0e+00;
	v28 =	vmul.f32 $1.278751220e+02, v14;
	v19 =	vld.idx.msk [tilespmem:v30+s11+$0x0], $0xffff;
	[tilespmem:s18+$0xB60] =	vst v23;
	s18 =	smov.u32 s19;
	s19 =	smov.u32 s23  }
0x2b3: {  	v24 =	vmin.f32 v24, $5.120000000e+02;
	v23 =	vmax.f32 v22, $0.0e+00;
	v30 =	vmul.f32 $1.278751220e+02, v15;
	v22 =	vld.idx.msk [tilespmem:v32+s11+$0x0], $0xffff  }
0x2b4: {  	v27 =	vmin.f32 v27, $5.120000000e+02;
	v32 =	vmin.f32 v21, $5.120000000e+02;
	v28 =	vmax.f32 v28, $0.0e+00;
	v21 =	vld.idx.msk [tilespmem:v29+s11+$0x0], $0xffff  }
.Ltmp7:
0x2b5: {  	v29 =	vmin.f32 v23, $5.120000000e+02;
	v35 =	vmin.f32 v28, $5.120000000e+02;
	v28 =	vmax.f32 v30, $0.0e+00;
	v23 =	vld.idx.msk [tilespmem:v33+s11+$0x0], $0xffff;
	(pc) =	sbr.rel @p0 .LBB2_16-.Ltmp7, $4  }
0x2b6: {  	v31 =	vtrunc.f32 v24;
	v33 =	vtrunc.f32 v26;
	v36 =	vmin.f32 v28, $5.120000000e+02  }
0x2b7: {  	v34 =	vtrunc.f32 v27;
	v30 =	vtrunc.f32 v32;
	v26 =	vshll.u32 v17, $0x10;
	v28 =	vld.idx.msk [tilespmem:v25+s11+$0x0], $0xffff  }
0x2b8: {  	v32 =	vtrunc.f32 v29;
	v29 =	vtrunc.f32 v35;
	v25 =	vshll.u32 v18, $0x10  }
0x2b9: {  	s21 =	sadd.s32 $0x400, s21;
	s22 =	sadd.s32 $0x80, s22;
	v24 =	vcvt.f32.s32 v33;
	v27 =	vshll.u32 v20, $0x10;
	v33 =	vtrunc.f32 v36  }
0x2ba: {  	v31 =	vcvt.f32.s32 v31  }
0x2bb: {  	v34 =	vcvt.f32.s32 v34  }
0x2bc: {  	v30 =	vcvt.f32.s32 v30;
	v16 =	vmul.f32 v28, v16  }
0x2bd: {  	v32 =	vcvt.f32.s32 v32;
	v8 =	vmul.f32 v17, v8;
	v17 =	vshll.u32 v28, $0x10  }
0x2be: {  	v7 =	vmul.f32 v18, v7;
	v28 =	vcvt.f32.s32 v29;
	v16 =	vadd.f32 v17, v16  }
0x2bf: {  	v5 =	vmul.f32 v20, v5;
	v18 =	vld.idx.msk [tilespmem:v24+s11+$0x0], $0xffff;
	v8 =	vadd.f32 v26, v8;
	v17 =	vcvt.f32.s32 v33  }
0x2c0: {  	v3 =	vmul.f32 v19, v3;
	v7 =	vadd.f32 v25, v7;
	[tilespmem:s19+$0xB70] =	vst v16;
	v16 =	vld.idx.msk [tilespmem:v31+s11+$0x0], $0xffff  }
0x2c1: {  	v19 =	vshll.u32 v19, $0x10;
	v6 =	vmul.f32 v22, v6;
	v5 =	vadd.f32 v27, v5;
	[tilespmem:s18+$0xB00] =	vst v8;
	v8 =	vld.idx.msk [tilespmem:v34+s11+$0x0], $0xffff  }
0x2c2: {  	v20 =	vshll.u32 v22, $0x10;
	v4 =	vmul.f32 v21, v4;
	v3 =	vadd.f32 v19, v3;
	[tilespmem:s18+$0xB10] =	vst v7;
	v7 =	vld.idx.msk [tilespmem:v30+s11+$0x0], $0xffff  }
0x2c3: {  	v2 =	vmul.f32 v23, v2;
	v19 =	vshll.u32 v21, $0x10;
	v6 =	vadd.f32 v20, v6;
	[tilespmem:s18+$0xB20] =	vst v5;
	v5 =	vld.idx.msk [tilespmem:v32+s11+$0x0], $0xffff  }
0x2c4: {  	v20 =	vshll.u32 v23, $0x10;
	v4 =	vadd.f32 v19, v4;
	[tilespmem:s18+$0xB30] =	vst v3;
	v10 =	vmul.f32 v18, v10;
	v3 =	vld.idx.msk [tilespmem:v28+s11+$0x0], $0xffff  }
0x2c5: {  	v2 =	vadd.f32 v20, v2;
	[tilespmem:s18+$0xB40] =	vst v6;
	v6 =	vld.idx.msk [tilespmem:v17+s11+$0x0], $0xffff;
	v17 =	vshll.u32 v18, $0x10;
	v9 =	vmul.f32 v16, v9  }
0x2c6: {  	[tilespmem:s18+$0xB50] =	vst v4;
	v4 =	vshll.u32 v16, $0x10;
	v13 =	vmul.f32 v8, v13;
	v10 =	vadd.f32 v17, v10  }
0x2c7: {  	[tilespmem:s18+$0xB60] =	vst v2;
	v2 =	vshll.u32 v8, $0x10;
	v8 =	vmul.f32 v7, v11;
	v4 =	vadd.f32 v4, v9  }
0x2c8: {  	v7 =	vshll.u32 v7, $0x10;
	v9 =	vmul.f32 v5, v12;
	v2 =	vadd.f32 v2, v13;
	[tilespmem:s19+$0xB00] =	vst v10  }
0x2c9: {  	v5 =	vshll.u32 v5, $0x10;
	v10 =	vmul.f32 v3, v14;
	v7 =	vadd.f32 v7, v8;
	[tilespmem:s19+$0xB10] =	vst v4  }
0x2ca: {  	v3 =	vshll.u32 v3, $0x10;
	v4 =	vmul.f32 v6, v15;
	v5 =	vadd.f32 v5, v9;
	[tilespmem:s19+$0xB20] =	vst v2  }
0x2cb: {  	v2 =	vshll.u32 v6, $0x10;
	v3 =	vadd.f32 v3, v10;
	[tilespmem:s19+$0xB30] =	vst v7  }
0x2cc: {  	v2 =	vadd.f32 v2, v4;
	[tilespmem:s19+$0xB40] =	vst v5  }
0x2cd: {  	[tilespmem:s19+$0xB50] =	vst v3  }
0x2ce: {  	[tilespmem:s19+$0xB60] =	vst v2  }
0x2cf: {  	s24 =	simm.s32 $0x0;
	s19 =	rddreg [dreg:$0x11]  }
0x2d0: {  	[hbm4b:s19+s24] =	stream.linear.scatter [tilespmem:s7], [sflag:$0x4], $0x8000, $0x38;
	[tilespmem:$0x18B00] =	vst v63  }
0x2d1: {  	_ =	swait.ge [sflag:s16], $0x8000  }
0x2d2: {  	[sflag:s16] =	ssyncset.done $0x0  }
0x2d3: {  	s26 =	simm.s32 $0x0;
	s25 =	rddreg [dreg:$0x12];
	[sflag:s16] =	ssyncadd.s32 $0xFFFF8000  }
0x2d4: {  	[tilespmem:s9], [sflag:$0x3] =	stream.linear.gather [hbm4b:s25+s24], $0x8000, $0x38;
	[tilespmem:$0x18B00] =	vst v63  }
0x2d5: {  	s20 =	sand.u32 $0x4000, s24;
	s18 =	sand.u32 $0x3C00, s24;
	_ =	swait.ge [sflag:s12], $0x8000  }
0x2d6: {  	s18 =	sor.u32 s18, s20;
	s19 =	sand.u32 $0x380, s26;
	[sflag:s12] =	ssyncset.done $0x0  }
0x2d7: {  	s18 =	sor.u32 s19, s18;
	[sflag:s12] =	ssyncadd.s32 $0xFFFF8000  }
0x2d8: {  	v12 =	vld [tilespmem:s18+$0x8B70]  }
0x2d9: {  	v8 =	vld [tilespmem:s18+$0x8B00]  }
0x2da: {  	v7 =	vld [tilespmem:s18+$0x8B10]  }
0x2db: {  	v5 =	vld [tilespmem:s18+$0x8B20]  }
0x2dc: {  	v3 =	vld [tilespmem:s18+$0x8B30]  }
0x2dd: {  	v6 =	vld [tilespmem:s18+$0x8B40]  }
0x2de: {  	v4 =	vld [tilespmem:s18+$0x8B50];
	v2 =	vmul.f32 $1.278751220e+02, v12;
	_ =	sdelay $0x1  }
0x2df: {  	v9 =	vmul.f32 $1.278751220e+02, v8;
	v10 =	vmul.f32 $1.278751220e+02, v7;
	v2 =	vmax.f32 v2, $0.0e+00  }
0x2e0: {  	v13 =	vmul.f32 $1.278751220e+02, v5;
	v14 =	vmul.f32 $1.278751220e+02, v3;
	v11 =	vmin.f32 v2, $5.120000000e+02  }
0x2e1: {  	s28 =	simm.s32 $0x400;
	s21 =	simm.s32 $0x80;
	v15 =	vmul.f32 $1.278751220e+02, v6;
	v2 =	vld [tilespmem:s18+$0x8B60];
	v11 =	vtrunc.f32 v11  }
0x2e2: {  	s21 =	sand.u32 $0x4000, s21;
	s20 =	simm.s32 $0x8;
	s19 =	sand.u32 $0x3C00, s28;
	v16 =	vmul.f32 $1.278751220e+02, v4;
	v9 =	vmax.f32 v9, $0.0e+00;
	v11 =	vcvt.f32.s32 v11  }
0x2e3: {  	s22 =	sand.u32 $0x380, s20;
	s19 =	sor.u32 s19, s21;
	v10 =	vmax.f32 v10, $0.0e+00;
	v13 =	vmax.f32 v13, $0.0e+00;
	v14 =	vmax.f32 v14, $0.0e+00  }
0x2e4: {  	s19 =	sor.u32 s22, s19;
	v15 =	vmax.f32 v15, $0.0e+00;
	v16 =	vmax.f32 v16, $0.0e+00;
	v9 =	vmin.f32 v9, $5.120000000e+02  }
0x2e5: {  	v10 =	vmin.f32 v10, $5.120000000e+02;
	v13 =	vmin.f32 v13, $5.120000000e+02;
	v18 =	vmin.f32 v16, $5.120000000e+02;
	v16 =	vld [tilespmem:s19+$0x8B70]  }
0x2e6: {  	v14 =	vmin.f32 v14, $5.120000000e+02;
	v13 =	vtrunc.f32 v13;
	v17 =	vmul.f32 $1.278751220e+02, v2  }
0x2e7: {  	v15 =	vmin.f32 v15, $5.120000000e+02;
	v19 =	vtrunc.f32 v10;
	v21 =	vcvt.f32.s32 v13;
	v13 =	vld [tilespmem:s19+$0x8B20]  }
0x2e8: {  	v9 =	vtrunc.f32 v9;
	v19 =	vcvt.f32.s32 v19;
	v10 =	vmax.f32 v17, $0.0e+00;
	v20 =	vld.idx.msk [tilespmem:v11+s11+$0x0], $0xffff  }
0x2e9: {  	v11 =	vtrunc.f32 v14;
	v14 =	vtrunc.f32 v15;
	v15 =	vmin.f32 v10, $5.120000000e+02;
	v10 =	vld [tilespmem:s19+$0x8B00]  }
0x2ea: {  	v25 =	vmul.f32 $1.278751220e+02, v16;
	v22 =	vcvt.f32.s32 v11;
	v11 =	vld [tilespmem:s19+$0x8B30]  }
0x2eb: {  	v17 =	vtrunc.f32 v18;
	v18 =	vcvt.f32.s32 v9;
	v9 =	vld [tilespmem:s19+$0x8B10]  }
0x2ec: {  	v15 =	vtrunc.f32 v15;
	v23 =	vcvt.f32.s32 v14;
	v14 =	vld [tilespmem:s19+$0x8B50]  }
0x2ed: {  	v24 =	vcvt.f32.s32 v17;
	v27 =	vcvt.f32.s32 v15  }
0x2ee: {  	v17 =	vmul.f32 v20, v12;
	v15 =	vshll.u32 v20, $0x10;
	v20 =	vmul.f32 $1.278751220e+02, v10  }
0x2ef: {  	v25 =	vmax.f32 v25, $0.0e+00;
	v26 =	vmul.f32 $1.278751220e+02, v13;
	v12 =	vld [tilespmem:s19+$0x8B40];
	v30 =	vmul.f32 $1.278751220e+02, v11  }
0x2f0: {  	v28 =	vadd.f32 v15, v17;
	v17 =	vmul.f32 $1.278751220e+02, v9;
	v15 =	vld [tilespmem:s19+$0x8B60];
	v20 =	vmax.f32 v20, $0.0e+00  }
0x2f1: {  	v25 =	vmin.f32 v25, $5.120000000e+02;
	v61 =	vmul.f32 $1.278751220e+02, v14;
	v31 =	vmin.f32 v20, $5.120000000e+02  }
0x2f2: {  	v30 =	vmax.f32 v30, $0.0e+00;
	v20 =	vld.idx.msk [tilespmem:v21+s11+$0x0], $0xffff;
	v29 =	vmax.f32 v17, $0.0e+00;
	v17 =	vtrunc.f32 v25  }
0x2f3: {  	v21 =	vmax.f32 v61, $0.0e+00;
	v25 =	vmax.f32 v26, $0.0e+00;
	v60 =	vcvt.f32.s32 v17;
	v17 =	vld.idx.msk [tilespmem:v18+s11+$0x0], $0xffff  }
0x2f4: {  	v30 =	vmin.f32 v30, $5.120000000e+02;
	v35 =	vmin.f32 v21, $5.120000000e+02;
	v36 =	vtrunc.f32 v31;
	v18 =	vld.idx.msk [tilespmem:v19+s11+$0x0], $0xffff  }
0x2f5: {  	v26 =	vmul.f32 $1.278751220e+02, v12;
	v29 =	vmin.f32 v29, $5.120000000e+02;
	v19 =	vld.idx.msk [tilespmem:v22+s11+$0x0], $0xffff;
	v62 =	vmul.f32 $1.278751220e+02, v15  }
0x2f6: {  	v25 =	vmin.f32 v25, $5.120000000e+02;
	v22 =	vld.idx.msk [tilespmem:v23+s11+$0x0], $0xffff;
	v30 =	vtrunc.f32 v30;
	v31 =	vtrunc.f32 v29  }
0x2f7: {  	v23 =	vld.idx.msk [tilespmem:v27+s11+$0x0], $0xffff;
	v34 =	vtrunc.f32 v25;
	v26 =	vmax.f32 v26, $0.0e+00;
	v21 =	vmax.f32 v62, $0.0e+00  }
0x2f8: {  	v29 =	vtrunc.f32 v35;
	v63 =	vmin.f32 v26, $5.120000000e+02;
	v37 =	vmin.f32 v21, $5.120000000e+02;
	v21 =	vld.idx.msk [tilespmem:v24+s11+$0x0], $0xffff  }
0x2f9: {  	[tilespmem:s18+$0x8B70] =	vst v28;
	v27 =	vshll.u32 v20, $0x10;
	v32 =	vtrunc.f32 v63;
	v26 =	vshll.u32 v17, $0x10;
	v28 =	vld.idx.msk [tilespmem:v60+s11+$0x0], $0xffff  }
0x2fa: {  	s21 =	simm.s32 $0x800;
	s22 =	simm.s32 $0x100;
	v25 =	vshll.u32 v18, $0x10;
	v24 =	vcvt.f32.s32 v36;
	v33 =	vtrunc.f32 v37  }
.LBB2_18:
0x2fb: {  	s20 =	sadd.s32 $0x8, s20;
	s23 =	sand.u32 $0x4000, s22;
	s24 =	sand.u32 $0x3C00, s21;
	v31 =	vcvt.f32.s32 v31;
	v34 =	vcvt.f32.s32 v34;
	v35 =	vshll.u32 v19, $0x10  }
0x2fc: {  	v30 =	vcvt.f32.s32 v30;
	v32 =	vcvt.f32.s32 v32;
	v36 =	vshll.u32 v22, $0x10;
	s25 =	sand.u32 $0x380, s20;
	s23 =	sor.u32 s24, s23;
	p0 =	slt.u32 s20, $0x7F8  }
0x2fd: {  	v29 =	vcvt.f32.s32 v29;
	v33 =	vcvt.f32.s32 v33;
	v37 =	vshll.u32 v21, $0x10;
	s23 =	sor.u32 s25, s23  }
0x2fe: {  	v17 =	vmul.f32 v17, v8;
	v39 =	vshll.u32 v23, $0x10;
	v8 =	vmovc v10;
	v38 =	vmul.f32 v28, v16;
	v16 =	vld [tilespmem:s23+$0x8B70]  }
0x2ff: {  	v18 =	vmul.f32 v18, v7;
	v20 =	vmul.f32 v20, v5;
	v7 =	vmovc v9;
	v5 =	vmovc v13;
	v28 =	vshll.u32 v28, $0x10;
	v10 =	vld [tilespmem:s23+$0x8B00]  }
0x300: {  	v19 =	vmul.f32 v19, v3;
	v22 =	vmul.f32 v22, v6;
	v3 =	vmovc v11;
	v28 =	vadd.f32 v28, v38;
	v9 =	vld [tilespmem:s23+$0x8B10]  }
0x301: {  	v21 =	vmul.f32 v21, v4;
	v23 =	vmul.f32 v23, v2;
	v6 =	vmovc v12;
	v17 =	vadd.f32 v26, v17;
	v13 =	vld [tilespmem:s23+$0x8B20]  }
0x302: {  	v4 =	vmovc v14;
	v2 =	vmov v15;
	v18 =	vadd.f32 v25, v18;
	v20 =	vadd.f32 v27, v20;
	v11 =	vld [tilespmem:s23+$0x8B30];
	[tilespmem:s19+$0x8B70] =	vst v28  }
0x303: {  	v19 =	vadd.f32 v35, v19;
	v22 =	vadd.f32 v36, v22;
	v12 =	vld [tilespmem:s23+$0x8B40];
	v25 =	vmul.f32 $1.278751220e+02, v16;
	[tilespmem:s18+$0x8B00] =	vst v17  }
0x304: {  	v21 =	vadd.f32 v37, v21;
	v23 =	vadd.f32 v39, v23;
	v17 =	vmul.f32 $1.278751220e+02, v10;
	v14 =	vld [tilespmem:s23+$0x8B50];
	[tilespmem:s18+$0x8B10] =	vst v18  }
0x305: {  	v18 =	vmul.f32 $1.278751220e+02, v9;
	v15 =	vld [tilespmem:s23+$0x8B60];
	v25 =	vmax.f32 v25, $0.0e+00;
	[tilespmem:s18+$0x8B20] =	vst v20  }
0x306: {  	v26 =	vmax.f32 v17, $0.0e+00;
	v20 =	vmul.f32 $1.278751220e+02, v13;
	v25 =	vmin.f32 v25, $5.120000000e+02;
	v17 =	vld.idx.msk [tilespmem:v24+s11+$0x0], $0xffff;
	[tilespmem:s18+$0x8B30] =	vst v19  }
0x307: {  	v24 =	vmax.f32 v18, $0.0e+00;
	v19 =	vmul.f32 $1.278751220e+02, v11;
	v25 =	vtrunc.f32 v25;
	v18 =	vld.idx.msk [tilespmem:v31+s11+$0x0], $0xffff;
	[tilespmem:s18+$0x8B40] =	vst v22  }
0x308: {  	v27 =	vmax.f32 v20, $0.0e+00;
	v22 =	vmul.f32 $1.278751220e+02, v12;
	v25 =	vcvt.f32.s32 v25;
	v20 =	vld.idx.msk [tilespmem:v34+s11+$0x0], $0xffff;
	[tilespmem:s18+$0x8B50] =	vst v21  }
0x309: {  	v26 =	vmin.f32 v26, $5.120000000e+02;
	v21 =	vmax.f32 v19, $0.0e+00;
	v28 =	vmul.f32 $1.278751220e+02, v14;
	v19 =	vld.idx.msk [tilespmem:v30+s11+$0x0], $0xffff;
	[tilespmem:s18+$0x8B60] =	vst v23;
	s18 =	smov.u32 s19;
	s19 =	smov.u32 s23  }
0x30a: {  	v24 =	vmin.f32 v24, $5.120000000e+02;
	v23 =	vmax.f32 v22, $0.0e+00;
	v30 =	vmul.f32 $1.278751220e+02, v15;
	v22 =	vld.idx.msk [tilespmem:v32+s11+$0x0], $0xffff  }
0x30b: {  	v27 =	vmin.f32 v27, $5.120000000e+02;
	v32 =	vmin.f32 v21, $5.120000000e+02;
	v28 =	vmax.f32 v28, $0.0e+00;
	v21 =	vld.idx.msk [tilespmem:v29+s11+$0x0], $0xffff  }
.Ltmp8:
0x30c: {  	v29 =	vmin.f32 v23, $5.120000000e+02;
	v35 =	vmin.f32 v28, $5.120000000e+02;
	v28 =	vmax.f32 v30, $0.0e+00;
	v23 =	vld.idx.msk [tilespmem:v33+s11+$0x0], $0xffff;
	(pc) =	sbr.rel @p0 .LBB2_18-.Ltmp8, $4  }
0x30d: {  	v31 =	vtrunc.f32 v24;
	v33 =	vtrunc.f32 v26;
	v36 =	vmin.f32 v28, $5.120000000e+02  }
0x30e: {  	v34 =	vtrunc.f32 v27;
	v30 =	vtrunc.f32 v32;
	v26 =	vshll.u32 v17, $0x10;
	v28 =	vld.idx.msk [tilespmem:v25+s11+$0x0], $0xffff  }
0x30f: {  	v32 =	vtrunc.f32 v29;
	v29 =	vtrunc.f32 v35;
	v25 =	vshll.u32 v18, $0x10  }
0x310: {  	s21 =	sadd.s32 $0x400, s21;
	s22 =	sadd.s32 $0x80, s22;
	v24 =	vcvt.f32.s32 v33;
	v27 =	vshll.u32 v20, $0x10;
	v33 =	vtrunc.f32 v36  }
0x311: {  	v31 =	vcvt.f32.s32 v31  }
0x312: {  	v34 =	vcvt.f32.s32 v34  }
0x313: {  	v30 =	vcvt.f32.s32 v30;
	v16 =	vmul.f32 v28, v16  }
0x314: {  	v32 =	vcvt.f32.s32 v32;
	v8 =	vmul.f32 v17, v8;
	v17 =	vshll.u32 v28, $0x10  }
0x315: {  	v7 =	vmul.f32 v18, v7;
	v28 =	vcvt.f32.s32 v29;
	v16 =	vadd.f32 v17, v16  }
0x316: {  	v5 =	vmul.f32 v20, v5;
	v18 =	vld.idx.msk [tilespmem:v24+s11+$0x0], $0xffff;
	v8 =	vadd.f32 v26, v8;
	v17 =	vcvt.f32.s32 v33  }
0x317: {  	v3 =	vmul.f32 v19, v3;
	v7 =	vadd.f32 v25, v7;
	[tilespmem:s19+$0x8B70] =	vst v16;
	v16 =	vld.idx.msk [tilespmem:v31+s11+$0x0], $0xffff  }
0x318: {  	v19 =	vshll.u32 v19, $0x10;
	v6 =	vmul.f32 v22, v6;
	v5 =	vadd.f32 v27, v5;
	[tilespmem:s18+$0x8B00] =	vst v8;
	v8 =	vld.idx.msk [tilespmem:v34+s11+$0x0], $0xffff  }
0x319: {  	v20 =	vshll.u32 v22, $0x10;
	v4 =	vmul.f32 v21, v4;
	v3 =	vadd.f32 v19, v3;
	[tilespmem:s18+$0x8B10] =	vst v7;
	v7 =	vld.idx.msk [tilespmem:v30+s11+$0x0], $0xffff  }
0x31a: {  	v2 =	vmul.f32 v23, v2;
	v19 =	vshll.u32 v21, $0x10;
	v6 =	vadd.f32 v20, v6;
	[tilespmem:s18+$0x8B20] =	vst v5;
	v5 =	vld.idx.msk [tilespmem:v32+s11+$0x0], $0xffff  }
0x31b: {  	v20 =	vshll.u32 v23, $0x10;
	v4 =	vadd.f32 v19, v4;
	[tilespmem:s18+$0x8B30] =	vst v3;
	v10 =	vmul.f32 v18, v10;
	v3 =	vld.idx.msk [tilespmem:v28+s11+$0x0], $0xffff  }
0x31c: {  	v2 =	vadd.f32 v20, v2;
	[tilespmem:s18+$0x8B40] =	vst v6;
	v6 =	vld.idx.msk [tilespmem:v17+s11+$0x0], $0xffff;
	v17 =	vshll.u32 v18, $0x10;
	v9 =	vmul.f32 v16, v9  }
0x31d: {  	[tilespmem:s18+$0x8B50] =	vst v4;
	v4 =	vshll.u32 v16, $0x10;
	v13 =	vmul.f32 v8, v13;
	v10 =	vadd.f32 v17, v10  }
0x31e: {  	[tilespmem:s18+$0x8B60] =	vst v2;
	v2 =	vshll.u32 v8, $0x10;
	v8 =	vmul.f32 v7, v11;
	v4 =	vadd.f32 v4, v9  }
0x31f: {  	v7 =	vshll.u32 v7, $0x10;
	v9 =	vmul.f32 v5, v12;
	v2 =	vadd.f32 v2, v13;
	[tilespmem:s19+$0x8B00] =	vst v10  }
0x320: {  	v5 =	vshll.u32 v5, $0x10;
	v10 =	vmul.f32 v3, v14;
	v7 =	vadd.f32 v7, v8;
	[tilespmem:s19+$0x8B10] =	vst v4  }
0x321: {  	v3 =	vshll.u32 v3, $0x10;
	v4 =	vmul.f32 v6, v15;
	v5 =	vadd.f32 v5, v9;
	[tilespmem:s19+$0x8B20] =	vst v2  }
0x322: {  	v2 =	vshll.u32 v6, $0x10;
	v3 =	vadd.f32 v3, v10;
	[tilespmem:s19+$0x8B30] =	vst v7  }
0x323: {  	v2 =	vadd.f32 v2, v4;
	[tilespmem:s19+$0x8B40] =	vst v5  }
0x324: {  	[tilespmem:s19+$0x8B50] =	vst v3  }
0x325: {  	[tilespmem:s19+$0x8B60] =	vst v2  }
0x326: {  	s24 =	simm.s32 $0x0;
	s19 =	rddreg [dreg:$0x13]  }
0x327: {  	[hbm4b:s19+s24] =	stream.linear.scatter [tilespmem:s8], [sflag:$0x5], $0x8000, $0x38;
	[tilespmem:$0x18B00] =	vst v63  }
0x328: {  	_ =	swait.ge [sflag:s13], $0x8000  }
0x329: {  	s26 =	simm.s32 $0x0;
	s20 =	sand.u32 $0x4000, s24;
	[sflag:s13] =	ssyncset.done $0x0  }
0x32a: {  	s18 =	sand.u32 $0x3C00, s24;
	s25 =	rddreg [dreg:$0x14];
	[sflag:s13] =	ssyncadd.s32 $0xFFFF8000  }
0x32b: {  	[tilespmem:s7], [sflag:$0x1] =	stream.linear.gather [hbm4b:s25+s24], $0x8000, $0x38;
	[tilespmem:$0x18B00] =	vst v63  }
0x32c: {  	s18 =	sor.u32 s18, s20;
	s19 =	sand.u32 $0x380, s26;
	_ =	swait.ge [sflag:s14], $0x8000  }
0x32d: {  	s18 =	sor.u32 s19, s18;
	[sflag:s14] =	ssyncset.done $0x0  }
0x32e: {  	s19 =	sadd.s32 $0x10B00, s18;
	[sflag:s14] =	ssyncadd.s32 $0xFFFF8000  }
0x32f: {  	v12 =	vld [tilespmem:s19+$0x70]  }
0x330: {  	v2 =	vld [tilespmem:s18+$0x10B00]  }
0x331: {  	v8 =	vld [tilespmem:s19+$0x10]  }
0x332: {  	v7 =	vld [tilespmem:s19+$0x20]  }
0x333: {  	v5 =	vld [tilespmem:s19+$0x30]  }
0x334: {  	v6 =	vld [tilespmem:s19+$0x40];
	v4 =	vmul.f32 $1.278751220e+02, v12  }
0x335: {  	v3 =	vld [tilespmem:s19+$0x50]  }
0x336: {  	v9 =	vmax.f32 v4, $0.0e+00  }
0x337: {  	v10 =	vmul.f32 $1.278751220e+02, v2;
	v11 =	vmul.f32 $1.278751220e+02, v8;
	v9 =	vmin.f32 v9, $5.120000000e+02  }
0x338: {  	v13 =	vmul.f32 $1.278751220e+02, v7;
	v9 =	vtrunc.f32 v9  }
0x339: {  	v14 =	vmul.f32 $1.278751220e+02, v5;
	v9 =	vcvt.f32.s32 v9  }
0x33a: {  	v15 =	vmul.f32 $1.278751220e+02, v6;
	v16 =	vmul.f32 $1.278751220e+02, v3  }
0x33b: {  	v4 =	vld [tilespmem:s19+$0x60];
	v10 =	vmax.f32 v10, $0.0e+00;
	v11 =	vmax.f32 v11, $0.0e+00;
	v13 =	vmax.f32 v13, $0.0e+00  }
0x33c: {  	s28 =	simm.s32 $0x400;
	s21 =	simm.s32 $0x80;
	v14 =	vmax.f32 v14, $0.0e+00;
	v15 =	vmax.f32 v15, $0.0e+00;
	v16 =	vmax.f32 v16, $0.0e+00  }
0x33d: {  	s22 =	simm.s32 $0x8;
	s21 =	sand.u32 $0x4000, s21;
	s20 =	sand.u32 $0x3C00, s28;
	v11 =	vmin.f32 v11, $5.120000000e+02;
	v13 =	vmin.f32 v13, $5.120000000e+02;
	v14 =	vmin.f32 v14, $5.120000000e+02  }
0x33e: {  	s23 =	sand.u32 $0x380, s22;
	s20 =	sor.u32 s20, s21;
	v15 =	vmin.f32 v15, $5.120000000e+02;
	v11 =	vtrunc.f32 v11;
	v13 =	vtrunc.f32 v13  }
0x33f: {  	s20 =	sor.u32 s23, s20;
	v16 =	vmin.f32 v16, $5.120000000e+02;
	v14 =	vtrunc.f32 v14;
	v15 =	vtrunc.f32 v15;
	v18 =	vld.idx.msk [tilespmem:v9+s11+$0x0], $0xffff  }
0x340: {  	s21 =	sadd.s32 $0x10B00, s20;
	v10 =	vmin.f32 v10, $5.120000000e+02;
	v19 =	vtrunc.f32 v16;
	v17 =	vmul.f32 $1.278751220e+02, v4;
	v9 =	vld [tilespmem:s20+$0x10B00]  }
0x341: {  	v20 =	vtrunc.f32 v10;
	v16 =	vld [tilespmem:s21+$0x70];
	v21 =	vcvt.f32.s32 v11  }
0x342: {  	v10 =	vld [tilespmem:s21+$0x10];
	v22 =	vcvt.f32.s32 v13;
	v23 =	vcvt.f32.s32 v14;
	v17 =	vmax.f32 v17, $0.0e+00  }
0x343: {  	v24 =	vcvt.f32.s32 v15;
	v11 =	vld [tilespmem:s21+$0x20];
	v25 =	vcvt.f32.s32 v19;
	v17 =	vmin.f32 v17, $5.120000000e+02  }
0x344: {  	v26 =	vcvt.f32.s32 v20;
	v13 =	vld [tilespmem:s21+$0x30];
	v17 =	vtrunc.f32 v17  }
0x345: {  	v15 =	vld [tilespmem:s21+$0x50];
	v14 =	vmul.f32 v18, v12;
	v19 =	vmul.f32 $1.278751220e+02, v9  }
0x346: {  	v27 =	vcvt.f32.s32 v17;
	v12 =	vld [tilespmem:s21+$0x40];
	v17 =	vshll.u32 v18, $0x10;
	v18 =	vmul.f32 $1.278751220e+02, v16  }
0x347: {  	v28 =	vadd.f32 v17, v14;
	v17 =	vmax.f32 v19, $0.0e+00;
	v19 =	vmul.f32 $1.278751220e+02, v10  }
0x348: {  	v14 =	vld [tilespmem:s21+$0x60];
	v18 =	vmax.f32 v18, $0.0e+00;
	v62 =	vmin.f32 v17, $5.120000000e+02;
	v17 =	vmul.f32 $1.278751220e+02, v11  }
0x349: {  	v18 =	vmin.f32 v18, $5.120000000e+02;
	v20 =	vmax.f32 v19, $0.0e+00;
	v19 =	vmul.f32 $1.278751220e+02, v13  }
0x34a: {  	v31 =	vmul.f32 $1.278751220e+02, v15;
	v18 =	vtrunc.f32 v18;
	v29 =	vmax.f32 v17, $0.0e+00;
	v17 =	vld.idx.msk [tilespmem:v21+s11+$0x0], $0xffff  }
0x34b: {  	v33 =	vtrunc.f32 v62;
	v30 =	vmul.f32 $1.278751220e+02, v12;
	v21 =	vmax.f32 v19, $0.0e+00;
	v19 =	vld.idx.msk [tilespmem:v22+s11+$0x0], $0xffff  }
0x34c: {  	v35 =	vcvt.f32.s32 v18;
	v22 =	vmin.f32 v20, $5.120000000e+02;
	v20 =	vld.idx.msk [tilespmem:v23+s11+$0x0], $0xffff;
	v23 =	vmin.f32 v29, $5.120000000e+02  }
0x34d: {  	v30 =	vmax.f32 v30, $0.0e+00;
	v63 =	vmul.f32 $1.278751220e+02, v14;
	v29 =	vmin.f32 v21, $5.120000000e+02  }
0x34e: {  	v18 =	vld.idx.msk [tilespmem:v24+s11+$0x0], $0xffff;
	v21 =	vmax.f32 v31, $0.0e+00;
	v37 =	vtrunc.f32 v22;
	v31 =	vtrunc.f32 v23  }
0x34f: {  	v24 =	vmin.f32 v30, $5.120000000e+02;
	v36 =	vmin.f32 v21, $5.120000000e+02;
	v21 =	vld.idx.msk [tilespmem:v25+s11+$0x0], $0xffff;
	v30 =	vmax.f32 v63, $0.0e+00  }
0x350: {  	v22 =	vld.idx.msk [tilespmem:v27+s11+$0x0], $0xffff;
	v34 =	vtrunc.f32 v29;
	v32 =	vtrunc.f32 v36;
	v38 =	vmin.f32 v30, $5.120000000e+02  }
0x351: {  	v23 =	vld.idx.msk [tilespmem:v26+s11+$0x0], $0xffff;
	v30 =	vtrunc.f32 v24;
	v25 =	vshll.u32 v17, $0x10;
	v24 =	vcvt.f32.s32 v37  }
0x352: {  	s23 =	simm.s32 $0x800;
	s24 =	simm.s32 $0x100;
	[tilespmem:s19+$0x70] =	vst v28;
	v29 =	vtrunc.f32 v38;
	v26 =	vshll.u32 v19, $0x10;
	v28 =	vld.idx.msk [tilespmem:v35+s11+$0x0], $0xffff;
	v27 =	vshll.u32 v20, $0x10  }
.LBB2_20:
0x353: {  	s22 =	sadd.s32 $0x8, s22;
	s25 =	sand.u32 $0x4000, s24;
	s26 =	sand.u32 $0x3C00, s23;
	v31 =	vcvt.f32.s32 v31;
	v34 =	vcvt.f32.s32 v34;
	v35 =	vshll.u32 v18, $0x10  }
0x354: {  	v30 =	vcvt.f32.s32 v30;
	v32 =	vcvt.f32.s32 v32;
	v36 =	vshll.u32 v21, $0x10;
	s28 =	sand.u32 $0x380, s22;
	s25 =	sor.u32 s26, s25;
	p0 =	slt.u32 s22, $0x7F8  }
0x355: {  	v33 =	vcvt.f32.s32 v33;
	v29 =	vcvt.f32.s32 v29;
	v37 =	vshll.u32 v22, $0x10;
	s25 =	sor.u32 s28, s25  }
0x356: {  	v39 =	vshll.u32 v23, $0x10;
	v17 =	vmul.f32 v17, v8;
	v19 =	vmul.f32 v19, v7;
	v8 =	vmovc v10;
	v7 =	vmovc v11;
	s26 =	sadd.s32 $0x10B00, s25;
	v38 =	vld [tilespmem:s25+$0x10B00]  }
0x357: {  	v20 =	vmul.f32 v20, v5;
	v5 =	vmov v13;
	v40 =	vmul.f32 v28, v16;
	v16 =	vld [tilespmem:s26+$0x70]  }
0x358: {  	v18 =	vmul.f32 v18, v6;
	v21 =	vmul.f32 v21, v3;
	v6 =	vmovc v12;
	v3 =	vmovc v15;
	v13 =	vshll.u32 v28, $0x10;
	v10 =	vld [tilespmem:s26+$0x10]  }
0x359: {  	v23 =	vmul.f32 v23, v2;
	v22 =	vmul.f32 v22, v4;
	v2 =	vmovc v9;
	v15 =	vadd.f32 v13, v40;
	v11 =	vld [tilespmem:s26+$0x20]  }
0x35a: {  	v4 =	vmov v14;
	v17 =	vadd.f32 v25, v17;
	v19 =	vadd.f32 v26, v19;
	v13 =	vld [tilespmem:s26+$0x30]  }
0x35b: {  	v20 =	vadd.f32 v27, v20;
	v18 =	vadd.f32 v35, v18;
	v14 =	vmul.f32 $1.278751220e+02, v38;
	v12 =	vld [tilespmem:s26+$0x40];
	[tilespmem:s21+$0x70] =	vst v15;
	v9 =	vmovc v38  }
0x35c: {  	v21 =	vadd.f32 v36, v21;
	v22 =	vadd.f32 v37, v22;
	v15 =	vld [tilespmem:s26+$0x50];
	v25 =	vmul.f32 $1.278751220e+02, v16;
	[tilespmem:s19+$0x10] =	vst v17  }
0x35d: {  	v23 =	vadd.f32 v39, v23;
	v17 =	vmax.f32 v14, $0.0e+00;
	v26 =	vmul.f32 $1.278751220e+02, v10;
	v14 =	vld [tilespmem:s26+$0x60];
	[tilespmem:s19+$0x20] =	vst v19  }
0x35e: {  	v27 =	vmin.f32 v17, $5.120000000e+02;
	v28 =	vmul.f32 $1.278751220e+02, v11;
	v19 =	vmax.f32 v25, $0.0e+00;
	v17 =	vld.idx.msk [tilespmem:v24+s11+$0x0], $0xffff;
	[tilespmem:s19+$0x30] =	vst v20  }
0x35f: {  	v24 =	vmax.f32 v26, $0.0e+00;
	v25 =	vmul.f32 $1.278751220e+02, v13;
	v20 =	vmin.f32 v19, $5.120000000e+02;
	v19 =	vld.idx.msk [tilespmem:v31+s11+$0x0], $0xffff;
	[tilespmem:s19+$0x40] =	vst v18  }
0x360: {  	v26 =	vmax.f32 v28, $0.0e+00;
	v28 =	vmul.f32 $1.278751220e+02, v12;
	v18 =	vtrunc.f32 v20;
	v20 =	vld.idx.msk [tilespmem:v34+s11+$0x0], $0xffff;
	[tilespmem:s19+$0x50] =	vst v21  }
0x361: {  	v25 =	vmax.f32 v25, $0.0e+00;
	v31 =	vmul.f32 $1.278751220e+02, v15;
	v35 =	vcvt.f32.s32 v18;
	v18 =	vld.idx.msk [tilespmem:v30+s11+$0x0], $0xffff;
	[tilespmem:s19+$0x60] =	vst v22;
	s19 =	smov.u32 s21;
	s21 =	smov.u32 s26  }
0x362: {  	v24 =	vmin.f32 v24, $5.120000000e+02;
	v28 =	vmax.f32 v28, $0.0e+00;
	v30 =	vmul.f32 $1.278751220e+02, v14;
	v21 =	vld.idx.msk [tilespmem:v32+s11+$0x0], $0xffff;
	[tilespmem:s18+$0x10B00] =	vst v23;
	s18 =	smov.u32 s20;
	s20 =	smov.u32 s25  }
0x363: {  	v26 =	vmin.f32 v26, $5.120000000e+02;
	v25 =	vmin.f32 v25, $5.120000000e+02;
	v23 =	vmax.f32 v31, $0.0e+00;
	v22 =	vld.idx.msk [tilespmem:v29+s11+$0x0], $0xffff  }
.Ltmp9:
0x364: {  	v28 =	vmin.f32 v28, $5.120000000e+02;
	v29 =	vmin.f32 v23, $5.120000000e+02;
	v30 =	vmax.f32 v30, $0.0e+00;
	v23 =	vld.idx.msk [tilespmem:v33+s11+$0x0], $0xffff;
	(pc) =	sbr.rel @p0 .LBB2_20-.Ltmp9, $4  }
0x365: {  	v24 =	vtrunc.f32 v24;
	v31 =	vtrunc.f32 v26;
	v26 =	vmin.f32 v30, $5.120000000e+02  }
0x366: {  	v34 =	vtrunc.f32 v25;
	v25 =	vshll.u32 v17, $0x10;
	v30 =	vtrunc.f32 v28  }
0x367: {  	v32 =	vtrunc.f32 v29;
	v29 =	vtrunc.f32 v26;
	v26 =	vshll.u32 v19, $0x10;
	v28 =	vld.idx.msk [tilespmem:v35+s11+$0x0], $0xffff  }
0x368: {  	s23 =	sadd.s32 $0x400, s23;
	s24 =	sadd.s32 $0x80, s24;
	v24 =	vcvt.f32.s32 v24;
	v33 =	vtrunc.f32 v27;
	v27 =	vshll.u32 v20, $0x10  }
0x369: {  	v34 =	vcvt.f32.s32 v34  }
0x36a: {  	v31 =	vcvt.f32.s32 v31;
	v30 =	vcvt.f32.s32 v30  }
0x36b: {  	v32 =	vcvt.f32.s32 v32;
	v8 =	vmul.f32 v17, v8  }
0x36c: {  	v7 =	vmul.f32 v19, v7;
	v16 =	vmul.f32 v28, v16  }
0x36d: {  	v8 =	vadd.f32 v25, v8;
	v17 =	vshll.u32 v28, $0x10;
	v28 =	vcvt.f32.s32 v29  }
0x36e: {  	v5 =	vmul.f32 v20, v5;
	v19 =	vld.idx.msk [tilespmem:v24+s11+$0x0], $0xffff;
	v16 =	vadd.f32 v17, v16;
	v17 =	vcvt.f32.s32 v33  }
0x36f: {  	v6 =	vmul.f32 v18, v6;
	v7 =	vadd.f32 v26, v7;
	[tilespmem:s19+$0x10] =	vst v8;
	v8 =	vld.idx.msk [tilespmem:v34+s11+$0x0], $0xffff  }
0x370: {  	v18 =	vshll.u32 v18, $0x10;
	v3 =	vmul.f32 v21, v3;
	v5 =	vadd.f32 v27, v5;
	[tilespmem:s21+$0x70] =	vst v16;
	v16 =	vld.idx.msk [tilespmem:v31+s11+$0x0], $0xffff  }
0x371: {  	v20 =	vshll.u32 v21, $0x10;
	v2 =	vmul.f32 v23, v2;
	v6 =	vadd.f32 v18, v6;
	[tilespmem:s19+$0x20] =	vst v7;
	v7 =	vld.idx.msk [tilespmem:v30+s11+$0x0], $0xffff  }
0x372: {  	v4 =	vmul.f32 v22, v4;
	v3 =	vadd.f32 v20, v3;
	v20 =	vshll.u32 v23, $0x10;
	[tilespmem:s19+$0x30] =	vst v5;
	v5 =	vld.idx.msk [tilespmem:v32+s11+$0x0], $0xffff  }
0x373: {  	v18 =	vshll.u32 v22, $0x10;
	v2 =	vadd.f32 v20, v2;
	[tilespmem:s19+$0x40] =	vst v6;
	v10 =	vmul.f32 v19, v10;
	v6 =	vld.idx.msk [tilespmem:v28+s11+$0x0], $0xffff  }
0x374: {  	v4 =	vadd.f32 v18, v4;
	[tilespmem:s19+$0x50] =	vst v3;
	v3 =	vld.idx.msk [tilespmem:v17+s11+$0x0], $0xffff;
	v17 =	vshll.u32 v19, $0x10;
	v13 =	vmul.f32 v8, v13  }
0x375: {  	[tilespmem:s18+$0x10B00] =	vst v2;
	v2 =	vshll.u32 v8, $0x10;
	v11 =	vmul.f32 v16, v11;
	v10 =	vadd.f32 v17, v10  }
0x376: {  	[tilespmem:s19+$0x60] =	vst v4;
	v8 =	vmul.f32 v7, v12;
	v4 =	vshll.u32 v16, $0x10;
	v2 =	vadd.f32 v2, v13  }
0x377: {  	v7 =	vshll.u32 v7, $0x10;
	v4 =	vadd.f32 v4, v11;
	v11 =	vmul.f32 v5, v15;
	[tilespmem:s21+$0x10] =	vst v10  }
0x378: {  	v7 =	vadd.f32 v7, v8;
	v5 =	vshll.u32 v5, $0x10;
	v10 =	vmul.f32 v6, v14;
	[tilespmem:s21+$0x30] =	vst v2  }
0x379: {  	[tilespmem:s21+$0x20] =	vst v4;
	v4 =	vshll.u32 v6, $0x10;
	v6 =	vmul.f32 v3, v9;
	v5 =	vadd.f32 v5, v11  }
0x37a: {  	[tilespmem:s21+$0x40] =	vst v7;
	v2 =	vshll.u32 v3, $0x10;
	v3 =	vadd.f32 v4, v10  }
0x37b: {  	v2 =	vadd.f32 v2, v6;
	[tilespmem:s21+$0x50] =	vst v5  }
0x37c: {  	[tilespmem:s21+$0x60] =	vst v3  }
0x37d: {  	[tilespmem:s20+$0x10B00] =	vst v2  }
0x37e: {  	s22 =	simm.s32 $0x0;
	s19 =	rddreg [dreg:$0x15]  }
0x37f: {  	[hbm4b:s19+s22] =	stream.linear.scatter [tilespmem:s9], [sflag:$0x6], $0x8000, $0x38;
	[tilespmem:$0x18B00] =	vst v63  }
0x380: {  	_ =	swait.ge [sflag:s15], $0x8000  }
0x381: {  	[sflag:s15] =	ssyncset.done $0x0  }
0x382: {  	s24 =	simm.s32 $0x0;
	s23 =	rddreg [dreg:$0x17];
	[sflag:s15] =	ssyncadd.s32 $0xFFFF8000  }
0x383: {  	[tilespmem:s8], [sflag:$0x2] =	stream.linear.gather [hbm4b:s23+s22], $0x8000, $0x38;
	[tilespmem:$0x18B00] =	vst v63  }
0x384: {  	s25 =	sand.u32 $0x4000, s22;
	s18 =	sand.u32 $0x3C00, s22;
	_ =	swait.ge [sflag:s10], $0x8000  }
0x385: {  	s18 =	sor.u32 s18, s25;
	s19 =	sand.u32 $0x380, s24;
	[sflag:s10] =	ssyncset.done $0x0  }
0x386: {  	s18 =	sor.u32 s19, s18;
	[sflag:s10] =	ssyncadd.s32 $0xFFFF8000  }
0x387: {  	v12 =	vld [tilespmem:s18+$0xB70]  }
0x388: {  	v8 =	vld [tilespmem:s18+$0xB00]  }
0x389: {  	v7 =	vld [tilespmem:s18+$0xB10]  }
0x38a: {  	v5 =	vld [tilespmem:s18+$0xB20]  }
0x38b: {  	v3 =	vld [tilespmem:s18+$0xB30]  }
0x38c: {  	v6 =	vld [tilespmem:s18+$0xB40]  }
0x38d: {  	v4 =	vld [tilespmem:s18+$0xB50];
	v2 =	vmul.f32 $1.278751220e+02, v12;
	_ =	sdelay $0x1  }
0x38e: {  	v9 =	vmul.f32 $1.278751220e+02, v8;
	v10 =	vmul.f32 $1.278751220e+02, v7;
	v2 =	vmax.f32 v2, $0.0e+00  }
0x38f: {  	v13 =	vmul.f32 $1.278751220e+02, v5;
	v14 =	vmul.f32 $1.278751220e+02, v3;
	v11 =	vmin.f32 v2, $5.120000000e+02  }
0x390: {  	s26 =	simm.s32 $0x400;
	s28 =	simm.s32 $0x80;
	v15 =	vmul.f32 $1.278751220e+02, v6;
	v2 =	vld [tilespmem:s18+$0xB60];
	v11 =	vtrunc.f32 v11  }
0x391: {  	s21 =	sand.u32 $0x4000, s28;
	s20 =	simm.s32 $0x8;
	s19 =	sand.u32 $0x3C00, s26;
	v16 =	vmul.f32 $1.278751220e+02, v4;
	v9 =	vmax.f32 v9, $0.0e+00;
	v11 =	vcvt.f32.s32 v11  }
0x392: {  	s19 =	sor.u32 s19, s21;
	s22 =	sand.u32 $0x380, s20;
	v10 =	vmax.f32 v10, $0.0e+00;
	v13 =	vmax.f32 v13, $0.0e+00;
	v14 =	vmax.f32 v14, $0.0e+00  }
0x393: {  	s19 =	sor.u32 s22, s19;
	v15 =	vmax.f32 v15, $0.0e+00;
	v16 =	vmax.f32 v16, $0.0e+00;
	v9 =	vmin.f32 v9, $5.120000000e+02  }
0x394: {  	v10 =	vmin.f32 v10, $5.120000000e+02;
	v13 =	vmin.f32 v13, $5.120000000e+02;
	v18 =	vmin.f32 v16, $5.120000000e+02;
	v16 =	vld [tilespmem:s19+$0xB70]  }
0x395: {  	v14 =	vmin.f32 v14, $5.120000000e+02;
	v13 =	vtrunc.f32 v13;
	v17 =	vmul.f32 $1.278751220e+02, v2  }
0x396: {  	v15 =	vmin.f32 v15, $5.120000000e+02;
	v19 =	vtrunc.f32 v10;
	v21 =	vcvt.f32.s32 v13;
	v13 =	vld [tilespmem:s19+$0xB20]  }
0x397: {  	v9 =	vtrunc.f32 v9;
	v19 =	vcvt.f32.s32 v19;
	v10 =	vmax.f32 v17, $0.0e+00;
	v20 =	vld.idx.msk [tilespmem:v11+s11+$0x0], $0xffff  }
0x398: {  	v11 =	vtrunc.f32 v14;
	v14 =	vtrunc.f32 v15;
	v15 =	vmin.f32 v10, $5.120000000e+02;
	v10 =	vld [tilespmem:s19+$0xB00]  }
0x399: {  	v25 =	vmul.f32 $1.278751220e+02, v16;
	v22 =	vcvt.f32.s32 v11;
	v11 =	vld [tilespmem:s19+$0xB30]  }
0x39a: {  	v17 =	vtrunc.f32 v18;
	v18 =	vcvt.f32.s32 v9;
	v9 =	vld [tilespmem:s19+$0xB10]  }
0x39b: {  	v15 =	vtrunc.f32 v15;
	v23 =	vcvt.f32.s32 v14;
	v14 =	vld [tilespmem:s19+$0xB50]  }
0x39c: {  	v24 =	vcvt.f32.s32 v17;
	v27 =	vcvt.f32.s32 v15  }
0x39d: {  	v17 =	vmul.f32 v20, v12;
	v15 =	vshll.u32 v20, $0x10;
	v20 =	vmul.f32 $1.278751220e+02, v10  }
0x39e: {  	v25 =	vmax.f32 v25, $0.0e+00;
	v26 =	vmul.f32 $1.278751220e+02, v13;
	v12 =	vld [tilespmem:s19+$0xB40];
	v30 =	vmul.f32 $1.278751220e+02, v11  }
0x39f: {  	v28 =	vadd.f32 v15, v17;
	v17 =	vmul.f32 $1.278751220e+02, v9;
	v15 =	vld [tilespmem:s19+$0xB60];
	v20 =	vmax.f32 v20, $0.0e+00  }
0x3a0: {  	v25 =	vmin.f32 v25, $5.120000000e+02;
	v61 =	vmul.f32 $1.278751220e+02, v14;
	v31 =	vmin.f32 v20, $5.120000000e+02  }
0x3a1: {  	v30 =	vmax.f32 v30, $0.0e+00;
	v20 =	vld.idx.msk [tilespmem:v21+s11+$0x0], $0xffff;
	v29 =	vmax.f32 v17, $0.0e+00;
	v17 =	vtrunc.f32 v25  }
0x3a2: {  	v21 =	vmax.f32 v61, $0.0e+00;
	v25 =	vmax.f32 v26, $0.0e+00;
	v60 =	vcvt.f32.s32 v17;
	v17 =	vld.idx.msk [tilespmem:v18+s11+$0x0], $0xffff  }
0x3a3: {  	v30 =	vmin.f32 v30, $5.120000000e+02;
	v35 =	vmin.f32 v21, $5.120000000e+02;
	v36 =	vtrunc.f32 v31;
	v18 =	vld.idx.msk [tilespmem:v19+s11+$0x0], $0xffff  }
0x3a4: {  	v26 =	vmul.f32 $1.278751220e+02, v12;
	v29 =	vmin.f32 v29, $5.120000000e+02;
	v19 =	vld.idx.msk [tilespmem:v22+s11+$0x0], $0xffff;
	v62 =	vmul.f32 $1.278751220e+02, v15  }
0x3a5: {  	v25 =	vmin.f32 v25, $5.120000000e+02;
	v22 =	vld.idx.msk [tilespmem:v23+s11+$0x0], $0xffff;
	v30 =	vtrunc.f32 v30;
	v31 =	vtrunc.f32 v29  }
0x3a6: {  	v23 =	vld.idx.msk [tilespmem:v27+s11+$0x0], $0xffff;
	v34 =	vtrunc.f32 v25;
	v26 =	vmax.f32 v26, $0.0e+00;
	v21 =	vmax.f32 v62, $0.0e+00  }
0x3a7: {  	v29 =	vtrunc.f32 v35;
	v63 =	vmin.f32 v26, $5.120000000e+02;
	v37 =	vmin.f32 v21, $5.120000000e+02;
	v21 =	vld.idx.msk [tilespmem:v24+s11+$0x0], $0xffff  }
0x3a8: {  	[tilespmem:s18+$0xB70] =	vst v28;
	v27 =	vshll.u32 v20, $0x10;
	v32 =	vtrunc.f32 v63;
	v26 =	vshll.u32 v17, $0x10;
	v28 =	vld.idx.msk [tilespmem:v60+s11+$0x0], $0xffff  }
0x3a9: {  	s21 =	simm.s32 $0x800;
	s22 =	simm.s32 $0x100;
	v25 =	vshll.u32 v18, $0x10;
	v24 =	vcvt.f32.s32 v36;
	v33 =	vtrunc.f32 v37  }
.LBB2_22:
0x3aa: {  	s20 =	sadd.s32 $0x8, s20;
	s23 =	sand.u32 $0x4000, s22;
	s24 =	sand.u32 $0x3C00, s21;
	v31 =	vcvt.f32.s32 v31;
	v34 =	vcvt.f32.s32 v34;
	v35 =	vshll.u32 v19, $0x10  }
0x3ab: {  	v30 =	vcvt.f32.s32 v30;
	v32 =	vcvt.f32.s32 v32;
	v36 =	vshll.u32 v22, $0x10;
	s25 =	sand.u32 $0x380, s20;
	s23 =	sor.u32 s24, s23;
	p0 =	slt.u32 s20, $0x7F8  }
0x3ac: {  	v29 =	vcvt.f32.s32 v29;
	v33 =	vcvt.f32.s32 v33;
	v37 =	vshll.u32 v21, $0x10;
	s23 =	sor.u32 s25, s23  }
0x3ad: {  	v17 =	vmul.f32 v17, v8;
	v39 =	vshll.u32 v23, $0x10;
	v8 =	vmovc v10;
	v38 =	vmul.f32 v28, v16;
	v16 =	vld [tilespmem:s23+$0xB70]  }
0x3ae: {  	v18 =	vmul.f32 v18, v7;
	v20 =	vmul.f32 v20, v5;
	v7 =	vmovc v9;
	v5 =	vmovc v13;
	v28 =	vshll.u32 v28, $0x10;
	v10 =	vld [tilespmem:s23+$0xB00]  }
0x3af: {  	v19 =	vmul.f32 v19, v3;
	v22 =	vmul.f32 v22, v6;
	v3 =	vmovc v11;
	v28 =	vadd.f32 v28, v38;
	v9 =	vld [tilespmem:s23+$0xB10]  }
0x3b0: {  	v21 =	vmul.f32 v21, v4;
	v23 =	vmul.f32 v23, v2;
	v6 =	vmovc v12;
	v17 =	vadd.f32 v26, v17;
	v13 =	vld [tilespmem:s23+$0xB20]  }
0x3b1: {  	v4 =	vmovc v14;
	v2 =	vmov v15;
	v18 =	vadd.f32 v25, v18;
	v20 =	vadd.f32 v27, v20;
	v11 =	vld [tilespmem:s23+$0xB30];
	[tilespmem:s19+$0xB70] =	vst v28  }
0x3b2: {  	v19 =	vadd.f32 v35, v19;
	v22 =	vadd.f32 v36, v22;
	v12 =	vld [tilespmem:s23+$0xB40];
	v25 =	vmul.f32 $1.278751220e+02, v16;
	[tilespmem:s18+$0xB00] =	vst v17  }
0x3b3: {  	v21 =	vadd.f32 v37, v21;
	v23 =	vadd.f32 v39, v23;
	v17 =	vmul.f32 $1.278751220e+02, v10;
	v14 =	vld [tilespmem:s23+$0xB50];
	[tilespmem:s18+$0xB10] =	vst v18  }
0x3b4: {  	v18 =	vmul.f32 $1.278751220e+02, v9;
	v15 =	vld [tilespmem:s23+$0xB60];
	v25 =	vmax.f32 v25, $0.0e+00;
	[tilespmem:s18+$0xB20] =	vst v20  }
0x3b5: {  	v26 =	vmax.f32 v17, $0.0e+00;
	v20 =	vmul.f32 $1.278751220e+02, v13;
	v25 =	vmin.f32 v25, $5.120000000e+02;
	v17 =	vld.idx.msk [tilespmem:v24+s11+$0x0], $0xffff;
	[tilespmem:s18+$0xB30] =	vst v19  }
0x3b6: {  	v24 =	vmax.f32 v18, $0.0e+00;
	v19 =	vmul.f32 $1.278751220e+02, v11;
	v25 =	vtrunc.f32 v25;
	v18 =	vld.idx.msk [tilespmem:v31+s11+$0x0], $0xffff;
	[tilespmem:s18+$0xB40] =	vst v22  }
0x3b7: {  	v27 =	vmax.f32 v20, $0.0e+00;
	v22 =	vmul.f32 $1.278751220e+02, v12;
	v25 =	vcvt.f32.s32 v25;
	v20 =	vld.idx.msk [tilespmem:v34+s11+$0x0], $0xffff;
	[tilespmem:s18+$0xB50] =	vst v21  }
0x3b8: {  	v26 =	vmin.f32 v26, $5.120000000e+02;
	v21 =	vmax.f32 v19, $0.0e+00;
	v28 =	vmul.f32 $1.278751220e+02, v14;
	v19 =	vld.idx.msk [tilespmem:v30+s11+$0x0], $0xffff;
	[tilespmem:s18+$0xB60] =	vst v23;
	s18 =	smov.u32 s19;
	s19 =	smov.u32 s23  }
0x3b9: {  	v24 =	vmin.f32 v24, $5.120000000e+02;
	v23 =	vmax.f32 v22, $0.0e+00;
	v30 =	vmul.f32 $1.278751220e+02, v15;
	v22 =	vld.idx.msk [tilespmem:v32+s11+$0x0], $0xffff  }
0x3ba: {  	v27 =	vmin.f32 v27, $5.120000000e+02;
	v32 =	vmin.f32 v21, $5.120000000e+02;
	v28 =	vmax.f32 v28, $0.0e+00;
	v21 =	vld.idx.msk [tilespmem:v29+s11+$0x0], $0xffff  }
.Ltmp10:
0x3bb: {  	v29 =	vmin.f32 v23, $5.120000000e+02;
	v35 =	vmin.f32 v28, $5.120000000e+02;
	v28 =	vmax.f32 v30, $0.0e+00;
	v23 =	vld.idx.msk [tilespmem:v33+s11+$0x0], $0xffff;
	(pc) =	sbr.rel @p0 .LBB2_22-.Ltmp10, $4  }
0x3bc: {  	v31 =	vtrunc.f32 v24;
	v33 =	vtrunc.f32 v26;
	v36 =	vmin.f32 v28, $5.120000000e+02  }
0x3bd: {  	v34 =	vtrunc.f32 v27;
	v30 =	vtrunc.f32 v32;
	v26 =	vshll.u32 v17, $0x10;
	v28 =	vld.idx.msk [tilespmem:v25+s11+$0x0], $0xffff  }
0x3be: {  	v32 =	vtrunc.f32 v29;
	v29 =	vtrunc.f32 v35;
	v25 =	vshll.u32 v18, $0x10  }
0x3bf: {  	s21 =	sadd.s32 $0x400, s21;
	s22 =	sadd.s32 $0x80, s22;
	v24 =	vcvt.f32.s32 v33;
	v27 =	vshll.u32 v20, $0x10;
	v33 =	vtrunc.f32 v36  }
0x3c0: {  	v31 =	vcvt.f32.s32 v31  }
0x3c1: {  	v34 =	vcvt.f32.s32 v34  }
0x3c2: {  	v30 =	vcvt.f32.s32 v30;
	v16 =	vmul.f32 v28, v16  }
0x3c3: {  	v32 =	vcvt.f32.s32 v32;
	v8 =	vmul.f32 v17, v8;
	v17 =	vshll.u32 v28, $0x10  }
0x3c4: {  	v7 =	vmul.f32 v18, v7;
	v28 =	vcvt.f32.s32 v29;
	v16 =	vadd.f32 v17, v16  }
0x3c5: {  	v5 =	vmul.f32 v20, v5;
	v18 =	vld.idx.msk [tilespmem:v24+s11+$0x0], $0xffff;
	v8 =	vadd.f32 v26, v8;
	v17 =	vcvt.f32.s32 v33  }
0x3c6: {  	v3 =	vmul.f32 v19, v3;
	v7 =	vadd.f32 v25, v7;
	[tilespmem:s19+$0xB70] =	vst v16;
	v16 =	vld.idx.msk [tilespmem:v31+s11+$0x0], $0xffff  }
0x3c7: {  	v19 =	vshll.u32 v19, $0x10;
	v6 =	vmul.f32 v22, v6;
	v5 =	vadd.f32 v27, v5;
	[tilespmem:s18+$0xB00] =	vst v8;
	v8 =	vld.idx.msk [tilespmem:v34+s11+$0x0], $0xffff  }
0x3c8: {  	v20 =	vshll.u32 v22, $0x10;
	v4 =	vmul.f32 v21, v4;
	v3 =	vadd.f32 v19, v3;
	[tilespmem:s18+$0xB10] =	vst v7;
	v7 =	vld.idx.msk [tilespmem:v30+s11+$0x0], $0xffff  }
0x3c9: {  	v2 =	vmul.f32 v23, v2;
	v19 =	vshll.u32 v21, $0x10;
	v6 =	vadd.f32 v20, v6;
	[tilespmem:s18+$0xB20] =	vst v5;
	v5 =	vld.idx.msk [tilespmem:v32+s11+$0x0], $0xffff  }
0x3ca: {  	v20 =	vshll.u32 v23, $0x10;
	v4 =	vadd.f32 v19, v4;
	[tilespmem:s18+$0xB30] =	vst v3;
	v10 =	vmul.f32 v18, v10;
	v3 =	vld.idx.msk [tilespmem:v28+s11+$0x0], $0xffff  }
0x3cb: {  	v2 =	vadd.f32 v20, v2;
	[tilespmem:s18+$0xB40] =	vst v6;
	v6 =	vld.idx.msk [tilespmem:v17+s11+$0x0], $0xffff;
	v17 =	vshll.u32 v18, $0x10;
	v9 =	vmul.f32 v16, v9  }
0x3cc: {  	[tilespmem:s18+$0xB50] =	vst v4;
	v4 =	vshll.u32 v16, $0x10;
	v13 =	vmul.f32 v8, v13;
	v10 =	vadd.f32 v17, v10  }
0x3cd: {  	[tilespmem:s18+$0xB60] =	vst v2;
	v2 =	vshll.u32 v8, $0x10;
	v8 =	vmul.f32 v7, v11;
	v4 =	vadd.f32 v4, v9  }
0x3ce: {  	v7 =	vshll.u32 v7, $0x10;
	v9 =	vmul.f32 v5, v12;
	v2 =	vadd.f32 v2, v13;
	[tilespmem:s19+$0xB00] =	vst v10  }
0x3cf: {  	v5 =	vshll.u32 v5, $0x10;
	v10 =	vmul.f32 v3, v14;
	v7 =	vadd.f32 v7, v8;
	[tilespmem:s19+$0xB10] =	vst v4  }
0x3d0: {  	v3 =	vshll.u32 v3, $0x10;
	v4 =	vmul.f32 v6, v15;
	v5 =	vadd.f32 v5, v9;
	[tilespmem:s19+$0xB20] =	vst v2  }
0x3d1: {  	v2 =	vshll.u32 v6, $0x10;
	v3 =	vadd.f32 v3, v10;
	[tilespmem:s19+$0xB30] =	vst v7  }
0x3d2: {  	v2 =	vadd.f32 v2, v4;
	[tilespmem:s19+$0xB40] =	vst v5  }
0x3d3: {  	[tilespmem:s19+$0xB50] =	vst v3  }
0x3d4: {  	[tilespmem:s19+$0xB60] =	vst v2  }
0x3d5: {  	s24 =	simm.s32 $0x0;
	s19 =	rddreg [dreg:$0x16]  }
0x3d6: {  	[hbm4b:s19+s24] =	stream.linear.scatter [tilespmem:s7], [sflag:$0x4], $0x8000, $0x38;
	[tilespmem:$0x18B00] =	vst v63  }
0x3d7: {  	_ =	swait.ge [sflag:s16], $0x8000  }
0x3d8: {  	[sflag:s16] =	ssyncset.done $0x0  }
0x3d9: {  	s26 =	simm.s32 $0x0;
	s25 =	rddreg [dreg:$0x19];
	[sflag:s16] =	ssyncadd.s32 $0xFFFF8000  }
0x3da: {  	[tilespmem:s9], [sflag:$0x3] =	stream.linear.gather [hbm4b:s25+s24], $0x8000, $0x38;
	[tilespmem:$0x18B00] =	vst v63  }
0x3db: {  	s20 =	sand.u32 $0x4000, s24;
	s18 =	sand.u32 $0x3C00, s24;
	_ =	swait.ge [sflag:s12], $0x8000  }
0x3dc: {  	s18 =	sor.u32 s18, s20;
	s19 =	sand.u32 $0x380, s26;
	[sflag:s12] =	ssyncset.done $0x0  }
0x3dd: {  	s18 =	sor.u32 s19, s18;
	[sflag:s12] =	ssyncadd.s32 $0xFFFF8000  }
0x3de: {  	v12 =	vld [tilespmem:s18+$0x8B70]  }
0x3df: {  	v8 =	vld [tilespmem:s18+$0x8B00]  }
0x3e0: {  	v7 =	vld [tilespmem:s18+$0x8B10]  }
0x3e1: {  	v5 =	vld [tilespmem:s18+$0x8B20]  }
0x3e2: {  	v3 =	vld [tilespmem:s18+$0x8B30]  }
0x3e3: {  	v6 =	vld [tilespmem:s18+$0x8B40]  }
0x3e4: {  	v4 =	vld [tilespmem:s18+$0x8B50];
	v2 =	vmul.f32 $1.278751220e+02, v12;
	_ =	sdelay $0x1  }
0x3e5: {  	v9 =	vmul.f32 $1.278751220e+02, v8;
	v10 =	vmul.f32 $1.278751220e+02, v7;
	v2 =	vmax.f32 v2, $0.0e+00  }
0x3e6: {  	v13 =	vmul.f32 $1.278751220e+02, v5;
	v14 =	vmul.f32 $1.278751220e+02, v3;
	v11 =	vmin.f32 v2, $5.120000000e+02  }
0x3e7: {  	s28 =	simm.s32 $0x400;
	s21 =	simm.s32 $0x80;
	v15 =	vmul.f32 $1.278751220e+02, v6;
	v2 =	vld [tilespmem:s18+$0x8B60];
	v11 =	vtrunc.f32 v11  }
0x3e8: {  	s21 =	sand.u32 $0x4000, s21;
	s20 =	simm.s32 $0x8;
	s19 =	sand.u32 $0x3C00, s28;
	v16 =	vmul.f32 $1.278751220e+02, v4;
	v9 =	vmax.f32 v9, $0.0e+00;
	v11 =	vcvt.f32.s32 v11  }
0x3e9: {  	s22 =	sand.u32 $0x380, s20;
	s19 =	sor.u32 s19, s21;
	v10 =	vmax.f32 v10, $0.0e+00;
	v13 =	vmax.f32 v13, $0.0e+00;
	v14 =	vmax.f32 v14, $0.0e+00  }
0x3ea: {  	s19 =	sor.u32 s22, s19;
	v15 =	vmax.f32 v15, $0.0e+00;
	v16 =	vmax.f32 v16, $0.0e+00;
	v9 =	vmin.f32 v9, $5.120000000e+02  }
0x3eb: {  	v10 =	vmin.f32 v10, $5.120000000e+02;
	v13 =	vmin.f32 v13, $5.120000000e+02;
	v18 =	vmin.f32 v16, $5.120000000e+02;
	v16 =	vld [tilespmem:s19+$0x8B70]  }
0x3ec: {  	v14 =	vmin.f32 v14, $5.120000000e+02;
	v13 =	vtrunc.f32 v13;
	v17 =	vmul.f32 $1.278751220e+02, v2  }
0x3ed: {  	v15 =	vmin.f32 v15, $5.120000000e+02;
	v19 =	vtrunc.f32 v10;
	v21 =	vcvt.f32.s32 v13;
	v13 =	vld [tilespmem:s19+$0x8B20]  }
0x3ee: {  	v9 =	vtrunc.f32 v9;
	v19 =	vcvt.f32.s32 v19;
	v10 =	vmax.f32 v17, $0.0e+00;
	v20 =	vld.idx.msk [tilespmem:v11+s11+$0x0], $0xffff  }
0x3ef: {  	v11 =	vtrunc.f32 v14;
	v14 =	vtrunc.f32 v15;
	v15 =	vmin.f32 v10, $5.120000000e+02;
	v10 =	vld [tilespmem:s19+$0x8B00]  }
0x3f0: {  	v25 =	vmul.f32 $1.278751220e+02, v16;
	v22 =	vcvt.f32.s32 v11;
	v11 =	vld [tilespmem:s19+$0x8B30]  }
0x3f1: {  	v17 =	vtrunc.f32 v18;
	v18 =	vcvt.f32.s32 v9;
	v9 =	vld [tilespmem:s19+$0x8B10]  }
0x3f2: {  	v15 =	vtrunc.f32 v15;
	v23 =	vcvt.f32.s32 v14;
	v14 =	vld [tilespmem:s19+$0x8B50]  }
0x3f3: {  	v24 =	vcvt.f32.s32 v17;
	v27 =	vcvt.f32.s32 v15  }
0x3f4: {  	v17 =	vmul.f32 v20, v12;
	v15 =	vshll.u32 v20, $0x10;
	v20 =	vmul.f32 $1.278751220e+02, v10  }
0x3f5: {  	v25 =	vmax.f32 v25, $0.0e+00;
	v26 =	vmul.f32 $1.278751220e+02, v13;
	v12 =	vld [tilespmem:s19+$0x8B40];
	v30 =	vmul.f32 $1.278751220e+02, v11  }
0x3f6: {  	v28 =	vadd.f32 v15, v17;
	v17 =	vmul.f32 $1.278751220e+02, v9;
	v15 =	vld [tilespmem:s19+$0x8B60];
	v20 =	vmax.f32 v20, $0.0e+00  }
0x3f7: {  	v25 =	vmin.f32 v25, $5.120000000e+02;
	v61 =	vmul.f32 $1.278751220e+02, v14;
	v31 =	vmin.f32 v20, $5.120000000e+02  }
0x3f8: {  	v30 =	vmax.f32 v30, $0.0e+00;
	v20 =	vld.idx.msk [tilespmem:v21+s11+$0x0], $0xffff;
	v29 =	vmax.f32 v17, $0.0e+00;
	v17 =	vtrunc.f32 v25  }
0x3f9: {  	v21 =	vmax.f32 v61, $0.0e+00;
	v25 =	vmax.f32 v26, $0.0e+00;
	v60 =	vcvt.f32.s32 v17;
	v17 =	vld.idx.msk [tilespmem:v18+s11+$0x0], $0xffff  }
0x3fa: {  	v30 =	vmin.f32 v30, $5.120000000e+02;
	v35 =	vmin.f32 v21, $5.120000000e+02;
	v36 =	vtrunc.f32 v31;
	v18 =	vld.idx.msk [tilespmem:v19+s11+$0x0], $0xffff  }
0x3fb: {  	v26 =	vmul.f32 $1.278751220e+02, v12;
	v29 =	vmin.f32 v29, $5.120000000e+02;
	v19 =	vld.idx.msk [tilespmem:v22+s11+$0x0], $0xffff;
	v62 =	vmul.f32 $1.278751220e+02, v15  }
0x3fc: {  	v25 =	vmin.f32 v25, $5.120000000e+02;
	v22 =	vld.idx.msk [tilespmem:v23+s11+$0x0], $0xffff;
	v30 =	vtrunc.f32 v30;
	v31 =	vtrunc.f32 v29  }
0x3fd: {  	v23 =	vld.idx.msk [tilespmem:v27+s11+$0x0], $0xffff;
	v34 =	vtrunc.f32 v25;
	v26 =	vmax.f32 v26, $0.0e+00;
	v21 =	vmax.f32 v62, $0.0e+00  }
0x3fe: {  	v29 =	vtrunc.f32 v35;
	v63 =	vmin.f32 v26, $5.120000000e+02;
	v37 =	vmin.f32 v21, $5.120000000e+02;
	v21 =	vld.idx.msk [tilespmem:v24+s11+$0x0], $0xffff  }
0x3ff: {  	[tilespmem:s18+$0x8B70] =	vst v28;
	v27 =	vshll.u32 v20, $0x10;
	v32 =	vtrunc.f32 v63;
	v26 =	vshll.u32 v17, $0x10;
	v28 =	vld.idx.msk [tilespmem:v60+s11+$0x0], $0xffff  }
0x400: {  	s21 =	simm.s32 $0x800;
	s22 =	simm.s32 $0x100;
	v25 =	vshll.u32 v18, $0x10;
	v24 =	vcvt.f32.s32 v36;
	v33 =	vtrunc.f32 v37  }
.LBB2_24:
0x401: {  	s20 =	sadd.s32 $0x8, s20;
	s23 =	sand.u32 $0x4000, s22;
	s24 =	sand.u32 $0x3C00, s21;
	v31 =	vcvt.f32.s32 v31;
	v34 =	vcvt.f32.s32 v34;
	v35 =	vshll.u32 v19, $0x10  }
0x402: {  	v30 =	vcvt.f32.s32 v30;
	v32 =	vcvt.f32.s32 v32;
	v36 =	vshll.u32 v22, $0x10;
	s25 =	sand.u32 $0x380, s20;
	s23 =	sor.u32 s24, s23;
	p0 =	slt.u32 s20, $0x7F8  }
0x403: {  	v29 =	vcvt.f32.s32 v29;
	v33 =	vcvt.f32.s32 v33;
	v37 =	vshll.u32 v21, $0x10;
	s23 =	sor.u32 s25, s23  }
0x404: {  	v17 =	vmul.f32 v17, v8;
	v39 =	vshll.u32 v23, $0x10;
	v8 =	vmovc v10;
	v38 =	vmul.f32 v28, v16;
	v16 =	vld [tilespmem:s23+$0x8B70]  }
0x405: {  	v18 =	vmul.f32 v18, v7;
	v20 =	vmul.f32 v20, v5;
	v7 =	vmovc v9;
	v5 =	vmovc v13;
	v28 =	vshll.u32 v28, $0x10;
	v10 =	vld [tilespmem:s23+$0x8B00]  }
0x406: {  	v19 =	vmul.f32 v19, v3;
	v22 =	vmul.f32 v22, v6;
	v3 =	vmovc v11;
	v28 =	vadd.f32 v28, v38;
	v9 =	vld [tilespmem:s23+$0x8B10]  }
0x407: {  	v21 =	vmul.f32 v21, v4;
	v23 =	vmul.f32 v23, v2;
	v6 =	vmovc v12;
	v17 =	vadd.f32 v26, v17;
	v13 =	vld [tilespmem:s23+$0x8B20]  }
0x408: {  	v4 =	vmovc v14;
	v2 =	vmov v15;
	v18 =	vadd.f32 v25, v18;
	v20 =	vadd.f32 v27, v20;
	v11 =	vld [tilespmem:s23+$0x8B30];
	[tilespmem:s19+$0x8B70] =	vst v28  }
0x409: {  	v19 =	vadd.f32 v35, v19;
	v22 =	vadd.f32 v36, v22;
	v12 =	vld [tilespmem:s23+$0x8B40];
	v25 =	vmul.f32 $1.278751220e+02, v16;
	[tilespmem:s18+$0x8B00] =	vst v17  }
0x40a: {  	v21 =	vadd.f32 v37, v21;
	v23 =	vadd.f32 v39, v23;
	v17 =	vmul.f32 $1.278751220e+02, v10;
	v14 =	vld [tilespmem:s23+$0x8B50];
	[tilespmem:s18+$0x8B10] =	vst v18  }
0x40b: {  	v18 =	vmul.f32 $1.278751220e+02, v9;
	v15 =	vld [tilespmem:s23+$0x8B60];
	v25 =	vmax.f32 v25, $0.0e+00;
	[tilespmem:s18+$0x8B20] =	vst v20  }
0x40c: {  	v26 =	vmax.f32 v17, $0.0e+00;
	v20 =	vmul.f32 $1.278751220e+02, v13;
	v25 =	vmin.f32 v25, $5.120000000e+02;
	v17 =	vld.idx.msk [tilespmem:v24+s11+$0x0], $0xffff;
	[tilespmem:s18+$0x8B30] =	vst v19  }
0x40d: {  	v24 =	vmax.f32 v18, $0.0e+00;
	v19 =	vmul.f32 $1.278751220e+02, v11;
	v25 =	vtrunc.f32 v25;
	v18 =	vld.idx.msk [tilespmem:v31+s11+$0x0], $0xffff;
	[tilespmem:s18+$0x8B40] =	vst v22  }
0x40e: {  	v27 =	vmax.f32 v20, $0.0e+00;
	v22 =	vmul.f32 $1.278751220e+02, v12;
	v25 =	vcvt.f32.s32 v25;
	v20 =	vld.idx.msk [tilespmem:v34+s11+$0x0], $0xffff;
	[tilespmem:s18+$0x8B50] =	vst v21  }
0x40f: {  	v26 =	vmin.f32 v26, $5.120000000e+02;
	v21 =	vmax.f32 v19, $0.0e+00;
	v28 =	vmul.f32 $1.278751220e+02, v14;
	v19 =	vld.idx.msk [tilespmem:v30+s11+$0x0], $0xffff;
	[tilespmem:s18+$0x8B60] =	vst v23;
	s18 =	smov.u32 s19;
	s19 =	smov.u32 s23  }
0x410: {  	v24 =	vmin.f32 v24, $5.120000000e+02;
	v23 =	vmax.f32 v22, $0.0e+00;
	v30 =	vmul.f32 $1.278751220e+02, v15;
	v22 =	vld.idx.msk [tilespmem:v32+s11+$0x0], $0xffff  }
0x411: {  	v27 =	vmin.f32 v27, $5.120000000e+02;
	v32 =	vmin.f32 v21, $5.120000000e+02;
	v28 =	vmax.f32 v28, $0.0e+00;
	v21 =	vld.idx.msk [tilespmem:v29+s11+$0x0], $0xffff  }
.Ltmp11:
0x412: {  	v29 =	vmin.f32 v23, $5.120000000e+02;
	v35 =	vmin.f32 v28, $5.120000000e+02;
	v28 =	vmax.f32 v30, $0.0e+00;
	v23 =	vld.idx.msk [tilespmem:v33+s11+$0x0], $0xffff;
	(pc) =	sbr.rel @p0 .LBB2_24-.Ltmp11, $4  }
0x413: {  	v31 =	vtrunc.f32 v24;
	v33 =	vtrunc.f32 v26;
	v36 =	vmin.f32 v28, $5.120000000e+02  }
0x414: {  	v34 =	vtrunc.f32 v27;
	v30 =	vtrunc.f32 v32;
	v26 =	vshll.u32 v17, $0x10;
	v28 =	vld.idx.msk [tilespmem:v25+s11+$0x0], $0xffff  }
0x415: {  	v32 =	vtrunc.f32 v29;
	v29 =	vtrunc.f32 v35;
	v25 =	vshll.u32 v18, $0x10  }
0x416: {  	s21 =	sadd.s32 $0x400, s21;
	s22 =	sadd.s32 $0x80, s22;
	v24 =	vcvt.f32.s32 v33;
	v27 =	vshll.u32 v20, $0x10;
	v33 =	vtrunc.f32 v36  }
0x417: {  	v31 =	vcvt.f32.s32 v31  }
0x418: {  	v34 =	vcvt.f32.s32 v34  }
0x419: {  	v30 =	vcvt.f32.s32 v30;
	v16 =	vmul.f32 v28, v16  }
0x41a: {  	v32 =	vcvt.f32.s32 v32;
	v8 =	vmul.f32 v17, v8;
	v17 =	vshll.u32 v28, $0x10  }
0x41b: {  	v7 =	vmul.f32 v18, v7;
	v28 =	vcvt.f32.s32 v29;
	v16 =	vadd.f32 v17, v16  }
0x41c: {  	v5 =	vmul.f32 v20, v5;
	v18 =	vld.idx.msk [tilespmem:v24+s11+$0x0], $0xffff;
	v8 =	vadd.f32 v26, v8;
	v17 =	vcvt.f32.s32 v33  }
0x41d: {  	v3 =	vmul.f32 v19, v3;
	v7 =	vadd.f32 v25, v7;
	[tilespmem:s19+$0x8B70] =	vst v16;
	v16 =	vld.idx.msk [tilespmem:v31+s11+$0x0], $0xffff  }
0x41e: {  	v19 =	vshll.u32 v19, $0x10;
	v6 =	vmul.f32 v22, v6;
	v5 =	vadd.f32 v27, v5;
	[tilespmem:s18+$0x8B00] =	vst v8;
	v8 =	vld.idx.msk [tilespmem:v34+s11+$0x0], $0xffff  }
0x41f: {  	v20 =	vshll.u32 v22, $0x10;
	v4 =	vmul.f32 v21, v4;
	v3 =	vadd.f32 v19, v3;
	[tilespmem:s18+$0x8B10] =	vst v7;
	v7 =	vld.idx.msk [tilespmem:v30+s11+$0x0], $0xffff  }
0x420: {  	v2 =	vmul.f32 v23, v2;
	v19 =	vshll.u32 v21, $0x10;
	v6 =	vadd.f32 v20, v6;
	[tilespmem:s18+$0x8B20] =	vst v5;
	v5 =	vld.idx.msk [tilespmem:v32+s11+$0x0], $0xffff  }
0x421: {  	v20 =	vshll.u32 v23, $0x10;
	v4 =	vadd.f32 v19, v4;
	[tilespmem:s18+$0x8B30] =	vst v3;
	v10 =	vmul.f32 v18, v10;
	v3 =	vld.idx.msk [tilespmem:v28+s11+$0x0], $0xffff  }
0x422: {  	v2 =	vadd.f32 v20, v2;
	[tilespmem:s18+$0x8B40] =	vst v6;
	v6 =	vld.idx.msk [tilespmem:v17+s11+$0x0], $0xffff;
	v17 =	vshll.u32 v18, $0x10;
	v9 =	vmul.f32 v16, v9  }
0x423: {  	[tilespmem:s18+$0x8B50] =	vst v4;
	v4 =	vshll.u32 v16, $0x10;
	v13 =	vmul.f32 v8, v13;
	v10 =	vadd.f32 v17, v10  }
0x424: {  	[tilespmem:s18+$0x8B60] =	vst v2;
	v2 =	vshll.u32 v8, $0x10;
	v8 =	vmul.f32 v7, v11;
	v4 =	vadd.f32 v4, v9  }
0x425: {  	v7 =	vshll.u32 v7, $0x10;
	v9 =	vmul.f32 v5, v12;
	v2 =	vadd.f32 v2, v13;
	[tilespmem:s19+$0x8B00] =	vst v10  }
0x426: {  	v5 =	vshll.u32 v5, $0x10;
	v10 =	vmul.f32 v3, v14;
	v7 =	vadd.f32 v7, v8;
	[tilespmem:s19+$0x8B10] =	vst v4  }
0x427: {  	v3 =	vshll.u32 v3, $0x10;
	v4 =	vmul.f32 v6, v15;
	v5 =	vadd.f32 v5, v9;
	[tilespmem:s19+$0x8B20] =	vst v2  }
0x428: {  	v2 =	vshll.u32 v6, $0x10;
	v3 =	vadd.f32 v3, v10;
	[tilespmem:s19+$0x8B30] =	vst v7  }
0x429: {  	v2 =	vadd.f32 v2, v4;
	[tilespmem:s19+$0x8B40] =	vst v5  }
0x42a: {  	[tilespmem:s19+$0x8B50] =	vst v3  }
0x42b: {  	[tilespmem:s19+$0x8B60] =	vst v2  }
0x42c: {  	s24 =	simm.s32 $0x0;
	s19 =	rddreg [dreg:$0x18]  }
0x42d: {  	[hbm4b:s19+s24] =	stream.linear.scatter [tilespmem:s8], [sflag:$0x5], $0x8000, $0x38;
	[tilespmem:$0x18B00] =	vst v63  }
0x42e: {  	_ =	swait.ge [sflag:s13], $0x8000  }
0x42f: {  	s26 =	simm.s32 $0x0;
	s20 =	sand.u32 $0x4000, s24;
	[sflag:s13] =	ssyncset.done $0x0  }
0x430: {  	s18 =	sand.u32 $0x3C00, s24;
	s25 =	rddreg [dreg:$0x1b];
	[sflag:s13] =	ssyncadd.s32 $0xFFFF8000  }
0x431: {  	[tilespmem:s7], [sflag:$0x1] =	stream.linear.gather [hbm4b:s25+s24], $0x8000, $0x38;
	[tilespmem:$0x18B00] =	vst v63  }
0x432: {  	s18 =	sor.u32 s18, s20;
	s19 =	sand.u32 $0x380, s26;
	_ =	swait.ge [sflag:s14], $0x8000  }
0x433: {  	s18 =	sor.u32 s19, s18;
	[sflag:s14] =	ssyncset.done $0x0  }
0x434: {  	s19 =	sadd.s32 $0x10B00, s18;
	[sflag:s14] =	ssyncadd.s32 $0xFFFF8000  }
0x435: {  	v12 =	vld [tilespmem:s19+$0x70]  }
0x436: {  	v2 =	vld [tilespmem:s18+$0x10B00]  }
0x437: {  	v8 =	vld [tilespmem:s19+$0x10]  }
0x438: {  	v7 =	vld [tilespmem:s19+$0x20]  }
0x439: {  	v5 =	vld [tilespmem:s19+$0x30]  }
0x43a: {  	v6 =	vld [tilespmem:s19+$0x40];
	v4 =	vmul.f32 $1.278751220e+02, v12  }
0x43b: {  	v3 =	vld [tilespmem:s19+$0x50]  }
0x43c: {  	v9 =	vmax.f32 v4, $0.0e+00  }
0x43d: {  	v10 =	vmul.f32 $1.278751220e+02, v2;
	v11 =	vmul.f32 $1.278751220e+02, v8;
	v9 =	vmin.f32 v9, $5.120000000e+02  }
0x43e: {  	v13 =	vmul.f32 $1.278751220e+02, v7;
	v9 =	vtrunc.f32 v9  }
0x43f: {  	v14 =	vmul.f32 $1.278751220e+02, v5;
	v9 =	vcvt.f32.s32 v9  }
0x440: {  	v15 =	vmul.f32 $1.278751220e+02, v6;
	v16 =	vmul.f32 $1.278751220e+02, v3  }
0x441: {  	v4 =	vld [tilespmem:s19+$0x60];
	v10 =	vmax.f32 v10, $0.0e+00;
	v11 =	vmax.f32 v11, $0.0e+00;
	v13 =	vmax.f32 v13, $0.0e+00  }
0x442: {  	s28 =	simm.s32 $0x400;
	s21 =	simm.s32 $0x80;
	v14 =	vmax.f32 v14, $0.0e+00;
	v15 =	vmax.f32 v15, $0.0e+00;
	v16 =	vmax.f32 v16, $0.0e+00  }
0x443: {  	s22 =	simm.s32 $0x8;
	s21 =	sand.u32 $0x4000, s21;
	s20 =	sand.u32 $0x3C00, s28;
	v11 =	vmin.f32 v11, $5.120000000e+02;
	v13 =	vmin.f32 v13, $5.120000000e+02;
	v14 =	vmin.f32 v14, $5.120000000e+02  }
0x444: {  	s23 =	sand.u32 $0x380, s22;
	s20 =	sor.u32 s20, s21;
	v15 =	vmin.f32 v15, $5.120000000e+02;
	v11 =	vtrunc.f32 v11;
	v13 =	vtrunc.f32 v13  }
0x445: {  	s20 =	sor.u32 s23, s20;
	v16 =	vmin.f32 v16, $5.120000000e+02;
	v14 =	vtrunc.f32 v14;
	v15 =	vtrunc.f32 v15;
	v18 =	vld.idx.msk [tilespmem:v9+s11+$0x0], $0xffff  }
0x446: {  	s21 =	sadd.s32 $0x10B00, s20;
	v10 =	vmin.f32 v10, $5.120000000e+02;
	v19 =	vtrunc.f32 v16;
	v17 =	vmul.f32 $1.278751220e+02, v4;
	v9 =	vld [tilespmem:s20+$0x10B00]  }
0x447: {  	v20 =	vtrunc.f32 v10;
	v16 =	vld [tilespmem:s21+$0x70];
	v21 =	vcvt.f32.s32 v11  }
0x448: {  	v10 =	vld [tilespmem:s21+$0x10];
	v22 =	vcvt.f32.s32 v13;
	v23 =	vcvt.f32.s32 v14;
	v17 =	vmax.f32 v17, $0.0e+00  }
0x449: {  	v24 =	vcvt.f32.s32 v15;
	v11 =	vld [tilespmem:s21+$0x20];
	v25 =	vcvt.f32.s32 v19;
	v17 =	vmin.f32 v17, $5.120000000e+02  }
0x44a: {  	v26 =	vcvt.f32.s32 v20;
	v13 =	vld [tilespmem:s21+$0x30];
	v17 =	vtrunc.f32 v17  }
0x44b: {  	v15 =	vld [tilespmem:s21+$0x50];
	v14 =	vmul.f32 v18, v12;
	v19 =	vmul.f32 $1.278751220e+02, v9  }
0x44c: {  	v27 =	vcvt.f32.s32 v17;
	v12 =	vld [tilespmem:s21+$0x40];
	v17 =	vshll.u32 v18, $0x10;
	v18 =	vmul.f32 $1.278751220e+02, v16  }
0x44d: {  	v28 =	vadd.f32 v17, v14;
	v17 =	vmax.f32 v19, $0.0e+00;
	v19 =	vmul.f32 $1.278751220e+02, v10  }
0x44e: {  	v14 =	vld [tilespmem:s21+$0x60];
	v18 =	vmax.f32 v18, $0.0e+00;
	v62 =	vmin.f32 v17, $5.120000000e+02;
	v17 =	vmul.f32 $1.278751220e+02, v11  }
0x44f: {  	v18 =	vmin.f32 v18, $5.120000000e+02;
	v20 =	vmax.f32 v19, $0.0e+00;
	v19 =	vmul.f32 $1.278751220e+02, v13  }
0x450: {  	v31 =	vmul.f32 $1.278751220e+02, v15;
	v18 =	vtrunc.f32 v18;
	v29 =	vmax.f32 v17, $0.0e+00;
	v17 =	vld.idx.msk [tilespmem:v21+s11+$0x0], $0xffff  }
0x451: {  	v33 =	vtrunc.f32 v62;
	v30 =	vmul.f32 $1.278751220e+02, v12;
	v21 =	vmax.f32 v19, $0.0e+00;
	v19 =	vld.idx.msk [tilespmem:v22+s11+$0x0], $0xffff  }
0x452: {  	v35 =	vcvt.f32.s32 v18;
	v22 =	vmin.f32 v20, $5.120000000e+02;
	v20 =	vld.idx.msk [tilespmem:v23+s11+$0x0], $0xffff;
	v23 =	vmin.f32 v29, $5.120000000e+02  }
0x453: {  	v30 =	vmax.f32 v30, $0.0e+00;
	v63 =	vmul.f32 $1.278751220e+02, v14;
	v29 =	vmin.f32 v21, $5.120000000e+02  }
0x454: {  	v18 =	vld.idx.msk [tilespmem:v24+s11+$0x0], $0xffff;
	v21 =	vmax.f32 v31, $0.0e+00;
	v37 =	vtrunc.f32 v22;
	v31 =	vtrunc.f32 v23  }
0x455: {  	v24 =	vmin.f32 v30, $5.120000000e+02;
	v36 =	vmin.f32 v21, $5.120000000e+02;
	v21 =	vld.idx.msk [tilespmem:v25+s11+$0x0], $0xffff;
	v30 =	vmax.f32 v63, $0.0e+00  }
0x456: {  	v22 =	vld.idx.msk [tilespmem:v27+s11+$0x0], $0xffff;
	v34 =	vtrunc.f32 v29;
	v32 =	vtrunc.f32 v36;
	v38 =	vmin.f32 v30, $5.120000000e+02  }
0x457: {  	v23 =	vld.idx.msk [tilespmem:v26+s11+$0x0], $0xffff;
	v30 =	vtrunc.f32 v24;
	v25 =	vshll.u32 v17, $0x10;
	v24 =	vcvt.f32.s32 v37  }
0x458: {  	s23 =	simm.s32 $0x800;
	s24 =	simm.s32 $0x100;
	[tilespmem:s19+$0x70] =	vst v28;
	v29 =	vtrunc.f32 v38;
	v26 =	vshll.u32 v19, $0x10;
	v28 =	vld.idx.msk [tilespmem:v35+s11+$0x0], $0xffff;
	v27 =	vshll.u32 v20, $0x10  }
.LBB2_26:
0x459: {  	s22 =	sadd.s32 $0x8, s22;
	s25 =	sand.u32 $0x4000, s24;
	s26 =	sand.u32 $0x3C00, s23;
	v31 =	vcvt.f32.s32 v31;
	v34 =	vcvt.f32.s32 v34;
	v35 =	vshll.u32 v18, $0x10  }
0x45a: {  	v30 =	vcvt.f32.s32 v30;
	v32 =	vcvt.f32.s32 v32;
	v36 =	vshll.u32 v21, $0x10;
	s28 =	sand.u32 $0x380, s22;
	s25 =	sor.u32 s26, s25;
	p0 =	slt.u32 s22, $0x7F8  }
0x45b: {  	v33 =	vcvt.f32.s32 v33;
	v29 =	vcvt.f32.s32 v29;
	v37 =	vshll.u32 v22, $0x10;
	s25 =	sor.u32 s28, s25  }
0x45c: {  	v39 =	vshll.u32 v23, $0x10;
	v17 =	vmul.f32 v17, v8;
	v19 =	vmul.f32 v19, v7;
	v8 =	vmovc v10;
	v7 =	vmovc v11;
	s26 =	sadd.s32 $0x10B00, s25;
	v38 =	vld [tilespmem:s25+$0x10B00]  }
0x45d: {  	v20 =	vmul.f32 v20, v5;
	v5 =	vmov v13;
	v40 =	vmul.f32 v28, v16;
	v16 =	vld [tilespmem:s26+$0x70]  }
0x45e: {  	v18 =	vmul.f32 v18, v6;
	v21 =	vmul.f32 v21, v3;
	v6 =	vmovc v12;
	v3 =	vmovc v15;
	v13 =	vshll.u32 v28, $0x10;
	v10 =	vld [tilespmem:s26+$0x10]  }
0x45f: {  	v23 =	vmul.f32 v23, v2;
	v22 =	vmul.f32 v22, v4;
	v2 =	vmovc v9;
	v15 =	vadd.f32 v13, v40;
	v11 =	vld [tilespmem:s26+$0x20]  }
0x460: {  	v4 =	vmov v14;
	v17 =	vadd.f32 v25, v17;
	v19 =	vadd.f32 v26, v19;
	v13 =	vld [tilespmem:s26+$0x30]  }
0x461: {  	v20 =	vadd.f32 v27, v20;
	v18 =	vadd.f32 v35, v18;
	v14 =	vmul.f32 $1.278751220e+02, v38;
	v12 =	vld [tilespmem:s26+$0x40];
	[tilespmem:s21+$0x70] =	vst v15;
	v9 =	vmovc v38  }
0x462: {  	v21 =	vadd.f32 v36, v21;
	v22 =	vadd.f32 v37, v22;
	v15 =	vld [tilespmem:s26+$0x50];
	v25 =	vmul.f32 $1.278751220e+02, v16;
	[tilespmem:s19+$0x10] =	vst v17  }
0x463: {  	v23 =	vadd.f32 v39, v23;
	v17 =	vmax.f32 v14, $0.0e+00;
	v26 =	vmul.f32 $1.278751220e+02, v10;
	v14 =	vld [tilespmem:s26+$0x60];
	[tilespmem:s19+$0x20] =	vst v19  }
0x464: {  	v27 =	vmin.f32 v17, $5.120000000e+02;
	v28 =	vmul.f32 $1.278751220e+02, v11;
	v19 =	vmax.f32 v25, $0.0e+00;
	v17 =	vld.idx.msk [tilespmem:v24+s11+$0x0], $0xffff;
	[tilespmem:s19+$0x30] =	vst v20  }
0x465: {  	v24 =	vmax.f32 v26, $0.0e+00;
	v25 =	vmul.f32 $1.278751220e+02, v13;
	v20 =	vmin.f32 v19, $5.120000000e+02;
	v19 =	vld.idx.msk [tilespmem:v31+s11+$0x0], $0xffff;
	[tilespmem:s19+$0x40] =	vst v18  }
0x466: {  	v26 =	vmax.f32 v28, $0.0e+00;
	v28 =	vmul.f32 $1.278751220e+02, v12;
	v18 =	vtrunc.f32 v20;
	v20 =	vld.idx.msk [tilespmem:v34+s11+$0x0], $0xffff;
	[tilespmem:s19+$0x50] =	vst v21  }
0x467: {  	v25 =	vmax.f32 v25, $0.0e+00;
	v31 =	vmul.f32 $1.278751220e+02, v15;
	v35 =	vcvt.f32.s32 v18;
	v18 =	vld.idx.msk [tilespmem:v30+s11+$0x0], $0xffff;
	[tilespmem:s19+$0x60] =	vst v22;
	s19 =	smov.u32 s21;
	s21 =	smov.u32 s26  }
0x468: {  	v24 =	vmin.f32 v24, $5.120000000e+02;
	v28 =	vmax.f32 v28, $0.0e+00;
	v30 =	vmul.f32 $1.278751220e+02, v14;
	v21 =	vld.idx.msk [tilespmem:v32+s11+$0x0], $0xffff;
	[tilespmem:s18+$0x10B00] =	vst v23;
	s18 =	smov.u32 s20;
	s20 =	smov.u32 s25  }
0x469: {  	v26 =	vmin.f32 v26, $5.120000000e+02;
	v25 =	vmin.f32 v25, $5.120000000e+02;
	v23 =	vmax.f32 v31, $0.0e+00;
	v22 =	vld.idx.msk [tilespmem:v29+s11+$0x0], $0xffff  }
.Ltmp12:
0x46a: {  	v28 =	vmin.f32 v28, $5.120000000e+02;
	v29 =	vmin.f32 v23, $5.120000000e+02;
	v30 =	vmax.f32 v30, $0.0e+00;
	v23 =	vld.idx.msk [tilespmem:v33+s11+$0x0], $0xffff;
	(pc) =	sbr.rel @p0 .LBB2_26-.Ltmp12, $4  }
0x46b: {  	v24 =	vtrunc.f32 v24;
	v31 =	vtrunc.f32 v26;
	v26 =	vmin.f32 v30, $5.120000000e+02  }
0x46c: {  	v34 =	vtrunc.f32 v25;
	v25 =	vshll.u32 v17, $0x10;
	v30 =	vtrunc.f32 v28  }
0x46d: {  	v32 =	vtrunc.f32 v29;
	v29 =	vtrunc.f32 v26;
	v26 =	vshll.u32 v19, $0x10;
	v28 =	vld.idx.msk [tilespmem:v35+s11+$0x0], $0xffff  }
0x46e: {  	s23 =	sadd.s32 $0x400, s23;
	s24 =	sadd.s32 $0x80, s24;
	v24 =	vcvt.f32.s32 v24;
	v33 =	vtrunc.f32 v27;
	v27 =	vshll.u32 v20, $0x10  }
0x46f: {  	v34 =	vcvt.f32.s32 v34  }
0x470: {  	v31 =	vcvt.f32.s32 v31;
	v30 =	vcvt.f32.s32 v30  }
0x471: {  	v32 =	vcvt.f32.s32 v32;
	v8 =	vmul.f32 v17, v8  }
0x472: {  	v7 =	vmul.f32 v19, v7;
	v16 =	vmul.f32 v28, v16  }
0x473: {  	v8 =	vadd.f32 v25, v8;
	v17 =	vshll.u32 v28, $0x10;
	v28 =	vcvt.f32.s32 v29  }
0x474: {  	v5 =	vmul.f32 v20, v5;
	v19 =	vld.idx.msk [tilespmem:v24+s11+$0x0], $0xffff;
	v16 =	vadd.f32 v17, v16;
	v17 =	vcvt.f32.s32 v33  }
0x475: {  	v6 =	vmul.f32 v18, v6;
	v7 =	vadd.f32 v26, v7;
	[tilespmem:s19+$0x10] =	vst v8;
	v8 =	vld.idx.msk [tilespmem:v34+s11+$0x0], $0xffff  }
0x476: {  	v18 =	vshll.u32 v18, $0x10;
	v3 =	vmul.f32 v21, v3;
	v5 =	vadd.f32 v27, v5;
	[tilespmem:s21+$0x70] =	vst v16;
	v16 =	vld.idx.msk [tilespmem:v31+s11+$0x0], $0xffff  }
0x477: {  	v20 =	vshll.u32 v21, $0x10;
	v2 =	vmul.f32 v23, v2;
	v6 =	vadd.f32 v18, v6;
	[tilespmem:s19+$0x20] =	vst v7;
	v7 =	vld.idx.msk [tilespmem:v30+s11+$0x0], $0xffff  }
0x478: {  	v4 =	vmul.f32 v22, v4;
	v3 =	vadd.f32 v20, v3;
	v20 =	vshll.u32 v23, $0x10;
	[tilespmem:s19+$0x30] =	vst v5;
	v5 =	vld.idx.msk [tilespmem:v32+s11+$0x0], $0xffff  }
0x479: {  	v18 =	vshll.u32 v22, $0x10;
	v2 =	vadd.f32 v20, v2;
	[tilespmem:s19+$0x40] =	vst v6;
	v10 =	vmul.f32 v19, v10;
	v6 =	vld.idx.msk [tilespmem:v28+s11+$0x0], $0xffff  }
0x47a: {  	v4 =	vadd.f32 v18, v4;
	[tilespmem:s19+$0x50] =	vst v3;
	v3 =	vld.idx.msk [tilespmem:v17+s11+$0x0], $0xffff;
	v17 =	vshll.u32 v19, $0x10;
	v13 =	vmul.f32 v8, v13  }
0x47b: {  	[tilespmem:s18+$0x10B00] =	vst v2;
	v2 =	vshll.u32 v8, $0x10;
	v11 =	vmul.f32 v16, v11;
	v10 =	vadd.f32 v17, v10  }
0x47c: {  	[tilespmem:s19+$0x60] =	vst v4;
	v8 =	vmul.f32 v7, v12;
	v4 =	vshll.u32 v16, $0x10;
	v2 =	vadd.f32 v2, v13  }
0x47d: {  	v7 =	vshll.u32 v7, $0x10;
	v4 =	vadd.f32 v4, v11;
	v11 =	vmul.f32 v5, v15;
	[tilespmem:s21+$0x10] =	vst v10  }
0x47e: {  	v7 =	vadd.f32 v7, v8;
	v5 =	vshll.u32 v5, $0x10;
	v10 =	vmul.f32 v6, v14;
	[tilespmem:s21+$0x30] =	vst v2  }
0x47f: {  	[tilespmem:s21+$0x20] =	vst v4;
	v4 =	vshll.u32 v6, $0x10;
	v6 =	vmul.f32 v3, v9;
	v5 =	vadd.f32 v5, v11  }
0x480: {  	[tilespmem:s21+$0x40] =	vst v7;
	v2 =	vshll.u32 v3, $0x10;
	v3 =	vadd.f32 v4, v10  }
0x481: {  	v2 =	vadd.f32 v2, v6;
	[tilespmem:s21+$0x50] =	vst v5  }
0x482: {  	[tilespmem:s21+$0x60] =	vst v3  }
0x483: {  	[tilespmem:s20+$0x10B00] =	vst v2  }
0x484: {  	s22 =	simm.s32 $0x0;
	s19 =	rddreg [dreg:$0x1a]  }
0x485: {  	[hbm4b:s19+s22] =	stream.linear.scatter [tilespmem:s9], [sflag:$0x6], $0x8000, $0x38;
	[tilespmem:$0x18B00] =	vst v63  }
0x486: {  	_ =	swait.ge [sflag:s15], $0x8000  }
0x487: {  	[sflag:s15] =	ssyncset.done $0x0  }
0x488: {  	s24 =	simm.s32 $0x0;
	s23 =	rddreg [dreg:$0x1d];
	[sflag:s15] =	ssyncadd.s32 $0xFFFF8000  }
0x489: {  	[tilespmem:s8], [sflag:$0x2] =	stream.linear.gather [hbm4b:s23+s22], $0x8000, $0x38;
	[tilespmem:$0x18B00] =	vst v63  }
0x48a: {  	s25 =	sand.u32 $0x4000, s22;
	s18 =	sand.u32 $0x3C00, s22;
	_ =	swait.ge [sflag:s10], $0x8000  }
0x48b: {  	s18 =	sor.u32 s18, s25;
	s19 =	sand.u32 $0x380, s24;
	[sflag:s10] =	ssyncset.done $0x0  }
0x48c: {  	s18 =	sor.u32 s19, s18;
	[sflag:s10] =	ssyncadd.s32 $0xFFFF8000  }
0x48d: {  	v12 =	vld [tilespmem:s18+$0xB70]  }
0x48e: {  	v8 =	vld [tilespmem:s18+$0xB00]  }
0x48f: {  	v7 =	vld [tilespmem:s18+$0xB10]  }
0x490: {  	v5 =	vld [tilespmem:s18+$0xB20]  }
0x491: {  	v3 =	vld [tilespmem:s18+$0xB30]  }
0x492: {  	v6 =	vld [tilespmem:s18+$0xB40]  }
0x493: {  	v4 =	vld [tilespmem:s18+$0xB50];
	v2 =	vmul.f32 $1.278751220e+02, v12;
	_ =	sdelay $0x1  }
0x494: {  	v9 =	vmul.f32 $1.278751220e+02, v8;
	v10 =	vmul.f32 $1.278751220e+02, v7;
	v2 =	vmax.f32 v2, $0.0e+00  }
0x495: {  	v13 =	vmul.f32 $1.278751220e+02, v5;
	v14 =	vmul.f32 $1.278751220e+02, v3;
	v11 =	vmin.f32 v2, $5.120000000e+02  }
0x496: {  	s26 =	simm.s32 $0x400;
	s28 =	simm.s32 $0x80;
	v15 =	vmul.f32 $1.278751220e+02, v6;
	v2 =	vld [tilespmem:s18+$0xB60];
	v11 =	vtrunc.f32 v11  }
0x497: {  	s21 =	sand.u32 $0x4000, s28;
	s20 =	simm.s32 $0x8;
	s19 =	sand.u32 $0x3C00, s26;
	v16 =	vmul.f32 $1.278751220e+02, v4;
	v9 =	vmax.f32 v9, $0.0e+00;
	v11 =	vcvt.f32.s32 v11  }
0x498: {  	s19 =	sor.u32 s19, s21;
	s22 =	sand.u32 $0x380, s20;
	v10 =	vmax.f32 v10, $0.0e+00;
	v13 =	vmax.f32 v13, $0.0e+00;
	v14 =	vmax.f32 v14, $0.0e+00  }
0x499: {  	s19 =	sor.u32 s22, s19;
	v15 =	vmax.f32 v15, $0.0e+00;
	v16 =	vmax.f32 v16, $0.0e+00;
	v9 =	vmin.f32 v9, $5.120000000e+02  }
0x49a: {  	v10 =	vmin.f32 v10, $5.120000000e+02;
	v13 =	vmin.f32 v13, $5.120000000e+02;
	v18 =	vmin.f32 v16, $5.120000000e+02;
	v16 =	vld [tilespmem:s19+$0xB70]  }
0x49b: {  	v14 =	vmin.f32 v14, $5.120000000e+02;
	v13 =	vtrunc.f32 v13;
	v17 =	vmul.f32 $1.278751220e+02, v2  }
0x49c: {  	v15 =	vmin.f32 v15, $5.120000000e+02;
	v19 =	vtrunc.f32 v10;
	v21 =	vcvt.f32.s32 v13;
	v13 =	vld [tilespmem:s19+$0xB20]  }
0x49d: {  	v9 =	vtrunc.f32 v9;
	v19 =	vcvt.f32.s32 v19;
	v10 =	vmax.f32 v17, $0.0e+00;
	v20 =	vld.idx.msk [tilespmem:v11+s11+$0x0], $0xffff  }
0x49e: {  	v11 =	vtrunc.f32 v14;
	v14 =	vtrunc.f32 v15;
	v15 =	vmin.f32 v10, $5.120000000e+02;
	v10 =	vld [tilespmem:s19+$0xB00]  }
0x49f: {  	v25 =	vmul.f32 $1.278751220e+02, v16;
	v22 =	vcvt.f32.s32 v11;
	v11 =	vld [tilespmem:s19+$0xB30]  }
0x4a0: {  	v17 =	vtrunc.f32 v18;
	v18 =	vcvt.f32.s32 v9;
	v9 =	vld [tilespmem:s19+$0xB10]  }
0x4a1: {  	v15 =	vtrunc.f32 v15;
	v23 =	vcvt.f32.s32 v14;
	v14 =	vld [tilespmem:s19+$0xB50]  }
0x4a2: {  	v24 =	vcvt.f32.s32 v17;
	v27 =	vcvt.f32.s32 v15  }
0x4a3: {  	v17 =	vmul.f32 v20, v12;
	v15 =	vshll.u32 v20, $0x10;
	v20 =	vmul.f32 $1.278751220e+02, v10  }
0x4a4: {  	v25 =	vmax.f32 v25, $0.0e+00;
	v26 =	vmul.f32 $1.278751220e+02, v13;
	v12 =	vld [tilespmem:s19+$0xB40];
	v30 =	vmul.f32 $1.278751220e+02, v11  }
0x4a5: {  	v28 =	vadd.f32 v15, v17;
	v17 =	vmul.f32 $1.278751220e+02, v9;
	v15 =	vld [tilespmem:s19+$0xB60];
	v20 =	vmax.f32 v20, $0.0e+00  }
0x4a6: {  	v25 =	vmin.f32 v25, $5.120000000e+02;
	v61 =	vmul.f32 $1.278751220e+02, v14;
	v31 =	vmin.f32 v20, $5.120000000e+02  }
0x4a7: {  	v30 =	vmax.f32 v30, $0.0e+00;
	v20 =	vld.idx.msk [tilespmem:v21+s11+$0x0], $0xffff;
	v29 =	vmax.f32 v17, $0.0e+00;
	v17 =	vtrunc.f32 v25  }
0x4a8: {  	v21 =	vmax.f32 v61, $0.0e+00;
	v25 =	vmax.f32 v26, $0.0e+00;
	v60 =	vcvt.f32.s32 v17;
	v17 =	vld.idx.msk [tilespmem:v18+s11+$0x0], $0xffff  }
0x4a9: {  	v30 =	vmin.f32 v30, $5.120000000e+02;
	v35 =	vmin.f32 v21, $5.120000000e+02;
	v36 =	vtrunc.f32 v31;
	v18 =	vld.idx.msk [tilespmem:v19+s11+$0x0], $0xffff  }
0x4aa: {  	v26 =	vmul.f32 $1.278751220e+02, v12;
	v29 =	vmin.f32 v29, $5.120000000e+02;
	v19 =	vld.idx.msk [tilespmem:v22+s11+$0x0], $0xffff;
	v62 =	vmul.f32 $1.278751220e+02, v15  }
0x4ab: {  	v25 =	vmin.f32 v25, $5.120000000e+02;
	v22 =	vld.idx.msk [tilespmem:v23+s11+$0x0], $0xffff;
	v30 =	vtrunc.f32 v30;
	v31 =	vtrunc.f32 v29  }
0x4ac: {  	v23 =	vld.idx.msk [tilespmem:v27+s11+$0x0], $0xffff;
	v34 =	vtrunc.f32 v25;
	v26 =	vmax.f32 v26, $0.0e+00;
	v21 =	vmax.f32 v62, $0.0e+00  }
0x4ad: {  	v29 =	vtrunc.f32 v35;
	v63 =	vmin.f32 v26, $5.120000000e+02;
	v37 =	vmin.f32 v21, $5.120000000e+02;
	v21 =	vld.idx.msk [tilespmem:v24+s11+$0x0], $0xffff  }
0x4ae: {  	[tilespmem:s18+$0xB70] =	vst v28;
	v27 =	vshll.u32 v20, $0x10;
	v32 =	vtrunc.f32 v63;
	v26 =	vshll.u32 v17, $0x10;
	v28 =	vld.idx.msk [tilespmem:v60+s11+$0x0], $0xffff  }
0x4af: {  	s21 =	simm.s32 $0x800;
	s22 =	simm.s32 $0x100;
	v25 =	vshll.u32 v18, $0x10;
	v24 =	vcvt.f32.s32 v36;
	v33 =	vtrunc.f32 v37  }
.LBB2_28:
0x4b0: {  	s20 =	sadd.s32 $0x8, s20;
	s23 =	sand.u32 $0x4000, s22;
	s24 =	sand.u32 $0x3C00, s21;
	v31 =	vcvt.f32.s32 v31;
	v34 =	vcvt.f32.s32 v34;
	v35 =	vshll.u32 v19, $0x10  }
0x4b1: {  	v30 =	vcvt.f32.s32 v30;
	v32 =	vcvt.f32.s32 v32;
	v36 =	vshll.u32 v22, $0x10;
	s25 =	sand.u32 $0x380, s20;
	s23 =	sor.u32 s24, s23;
	p0 =	slt.u32 s20, $0x7F8  }
0x4b2: {  	v29 =	vcvt.f32.s32 v29;
	v33 =	vcvt.f32.s32 v33;
	v37 =	vshll.u32 v21, $0x10;
	s23 =	sor.u32 s25, s23  }
0x4b3: {  	v17 =	vmul.f32 v17, v8;
	v39 =	vshll.u32 v23, $0x10;
	v8 =	vmovc v10;
	v38 =	vmul.f32 v28, v16;
	v16 =	vld [tilespmem:s23+$0xB70]  }
0x4b4: {  	v18 =	vmul.f32 v18, v7;
	v20 =	vmul.f32 v20, v5;
	v7 =	vmovc v9;
	v5 =	vmovc v13;
	v28 =	vshll.u32 v28, $0x10;
	v10 =	vld [tilespmem:s23+$0xB00]  }
0x4b5: {  	v19 =	vmul.f32 v19, v3;
	v22 =	vmul.f32 v22, v6;
	v3 =	vmovc v11;
	v28 =	vadd.f32 v28, v38;
	v9 =	vld [tilespmem:s23+$0xB10]  }
0x4b6: {  	v21 =	vmul.f32 v21, v4;
	v23 =	vmul.f32 v23, v2;
	v6 =	vmovc v12;
	v17 =	vadd.f32 v26, v17;
	v13 =	vld [tilespmem:s23+$0xB20]  }
0x4b7: {  	v4 =	vmovc v14;
	v2 =	vmov v15;
	v18 =	vadd.f32 v25, v18;
	v20 =	vadd.f32 v27, v20;
	v11 =	vld [tilespmem:s23+$0xB30];
	[tilespmem:s19+$0xB70] =	vst v28  }
0x4b8: {  	v19 =	vadd.f32 v35, v19;
	v22 =	vadd.f32 v36, v22;
	v12 =	vld [tilespmem:s23+$0xB40];
	v25 =	vmul.f32 $1.278751220e+02, v16;
	[tilespmem:s18+$0xB00] =	vst v17  }
0x4b9: {  	v21 =	vadd.f32 v37, v21;
	v23 =	vadd.f32 v39, v23;
	v17 =	vmul.f32 $1.278751220e+02, v10;
	v14 =	vld [tilespmem:s23+$0xB50];
	[tilespmem:s18+$0xB10] =	vst v18  }
0x4ba: {  	v18 =	vmul.f32 $1.278751220e+02, v9;
	v15 =	vld [tilespmem:s23+$0xB60];
	v25 =	vmax.f32 v25, $0.0e+00;
	[tilespmem:s18+$0xB20] =	vst v20  }
0x4bb: {  	v26 =	vmax.f32 v17, $0.0e+00;
	v20 =	vmul.f32 $1.278751220e+02, v13;
	v25 =	vmin.f32 v25, $5.120000000e+02;
	v17 =	vld.idx.msk [tilespmem:v24+s11+$0x0], $0xffff;
	[tilespmem:s18+$0xB30] =	vst v19  }
0x4bc: {  	v24 =	vmax.f32 v18, $0.0e+00;
	v19 =	vmul.f32 $1.278751220e+02, v11;
	v25 =	vtrunc.f32 v25;
	v18 =	vld.idx.msk [tilespmem:v31+s11+$0x0], $0xffff;
	[tilespmem:s18+$0xB40] =	vst v22  }
0x4bd: {  	v27 =	vmax.f32 v20, $0.0e+00;
	v22 =	vmul.f32 $1.278751220e+02, v12;
	v25 =	vcvt.f32.s32 v25;
	v20 =	vld.idx.msk [tilespmem:v34+s11+$0x0], $0xffff;
	[tilespmem:s18+$0xB50] =	vst v21  }
0x4be: {  	v26 =	vmin.f32 v26, $5.120000000e+02;
	v21 =	vmax.f32 v19, $0.0e+00;
	v28 =	vmul.f32 $1.278751220e+02, v14;
	v19 =	vld.idx.msk [tilespmem:v30+s11+$0x0], $0xffff;
	[tilespmem:s18+$0xB60] =	vst v23;
	s18 =	smov.u32 s19;
	s19 =	smov.u32 s23  }
0x4bf: {  	v24 =	vmin.f32 v24, $5.120000000e+02;
	v23 =	vmax.f32 v22, $0.0e+00;
	v30 =	vmul.f32 $1.278751220e+02, v15;
	v22 =	vld.idx.msk [tilespmem:v32+s11+$0x0], $0xffff  }
0x4c0: {  	v27 =	vmin.f32 v27, $5.120000000e+02;
	v32 =	vmin.f32 v21, $5.120000000e+02;
	v28 =	vmax.f32 v28, $0.0e+00;
	v21 =	vld.idx.msk [tilespmem:v29+s11+$0x0], $0xffff  }
.Ltmp13:
0x4c1: {  	v29 =	vmin.f32 v23, $5.120000000e+02;
	v35 =	vmin.f32 v28, $5.120000000e+02;
	v28 =	vmax.f32 v30, $0.0e+00;
	v23 =	vld.idx.msk [tilespmem:v33+s11+$0x0], $0xffff;
	(pc) =	sbr.rel @p0 .LBB2_28-.Ltmp13, $4  }
0x4c2: {  	v31 =	vtrunc.f32 v24;
	v33 =	vtrunc.f32 v26;
	v36 =	vmin.f32 v28, $5.120000000e+02  }
0x4c3: {  	v34 =	vtrunc.f32 v27;
	v30 =	vtrunc.f32 v32;
	v26 =	vshll.u32 v17, $0x10;
	v28 =	vld.idx.msk [tilespmem:v25+s11+$0x0], $0xffff  }
0x4c4: {  	v32 =	vtrunc.f32 v29;
	v29 =	vtrunc.f32 v35;
	v25 =	vshll.u32 v18, $0x10  }
0x4c5: {  	s21 =	sadd.s32 $0x400, s21;
	s22 =	sadd.s32 $0x80, s22;
	v24 =	vcvt.f32.s32 v33;
	v27 =	vshll.u32 v20, $0x10;
	v33 =	vtrunc.f32 v36  }
0x4c6: {  	v31 =	vcvt.f32.s32 v31  }
0x4c7: {  	v34 =	vcvt.f32.s32 v34  }
0x4c8: {  	v30 =	vcvt.f32.s32 v30;
	v16 =	vmul.f32 v28, v16  }
0x4c9: {  	v32 =	vcvt.f32.s32 v32;
	v8 =	vmul.f32 v17, v8;
	v17 =	vshll.u32 v28, $0x10  }
0x4ca: {  	v7 =	vmul.f32 v18, v7;
	v28 =	vcvt.f32.s32 v29;
	v16 =	vadd.f32 v17, v16  }
0x4cb: {  	v5 =	vmul.f32 v20, v5;
	v18 =	vld.idx.msk [tilespmem:v24+s11+$0x0], $0xffff;
	v8 =	vadd.f32 v26, v8;
	v17 =	vcvt.f32.s32 v33  }
0x4cc: {  	v3 =	vmul.f32 v19, v3;
	v7 =	vadd.f32 v25, v7;
	[tilespmem:s19+$0xB70] =	vst v16;
	v16 =	vld.idx.msk [tilespmem:v31+s11+$0x0], $0xffff  }
0x4cd: {  	v19 =	vshll.u32 v19, $0x10;
	v6 =	vmul.f32 v22, v6;
	v5 =	vadd.f32 v27, v5;
	[tilespmem:s18+$0xB00] =	vst v8;
	v8 =	vld.idx.msk [tilespmem:v34+s11+$0x0], $0xffff  }
0x4ce: {  	v20 =	vshll.u32 v22, $0x10;
	v4 =	vmul.f32 v21, v4;
	v3 =	vadd.f32 v19, v3;
	[tilespmem:s18+$0xB10] =	vst v7;
	v7 =	vld.idx.msk [tilespmem:v30+s11+$0x0], $0xffff  }
0x4cf: {  	v2 =	vmul.f32 v23, v2;
	v19 =	vshll.u32 v21, $0x10;
	v6 =	vadd.f32 v20, v6;
	[tilespmem:s18+$0xB20] =	vst v5;
	v5 =	vld.idx.msk [tilespmem:v32+s11+$0x0], $0xffff  }
0x4d0: {  	v20 =	vshll.u32 v23, $0x10;
	v4 =	vadd.f32 v19, v4;
	[tilespmem:s18+$0xB30] =	vst v3;
	v10 =	vmul.f32 v18, v10;
	v3 =	vld.idx.msk [tilespmem:v28+s11+$0x0], $0xffff  }
0x4d1: {  	v2 =	vadd.f32 v20, v2;
	[tilespmem:s18+$0xB40] =	vst v6;
	v6 =	vld.idx.msk [tilespmem:v17+s11+$0x0], $0xffff;
	v17 =	vshll.u32 v18, $0x10;
	v9 =	vmul.f32 v16, v9  }
0x4d2: {  	[tilespmem:s18+$0xB50] =	vst v4;
	v4 =	vshll.u32 v16, $0x10;
	v13 =	vmul.f32 v8, v13;
	v10 =	vadd.f32 v17, v10  }
0x4d3: {  	[tilespmem:s18+$0xB60] =	vst v2;
	v2 =	vshll.u32 v8, $0x10;
	v8 =	vmul.f32 v7, v11;
	v4 =	vadd.f32 v4, v9  }
0x4d4: {  	v7 =	vshll.u32 v7, $0x10;
	v9 =	vmul.f32 v5, v12;
	v2 =	vadd.f32 v2, v13;
	[tilespmem:s19+$0xB00] =	vst v10  }
0x4d5: {  	v5 =	vshll.u32 v5, $0x10;
	v10 =	vmul.f32 v3, v14;
	v7 =	vadd.f32 v7, v8;
	[tilespmem:s19+$0xB10] =	vst v4  }
0x4d6: {  	v3 =	vshll.u32 v3, $0x10;
	v4 =	vmul.f32 v6, v15;
	v5 =	vadd.f32 v5, v9;
	[tilespmem:s19+$0xB20] =	vst v2  }
0x4d7: {  	v2 =	vshll.u32 v6, $0x10;
	v3 =	vadd.f32 v3, v10;
	[tilespmem:s19+$0xB30] =	vst v7  }
0x4d8: {  	v2 =	vadd.f32 v2, v4;
	[tilespmem:s19+$0xB40] =	vst v5  }
0x4d9: {  	[tilespmem:s19+$0xB50] =	vst v3  }
0x4da: {  	[tilespmem:s19+$0xB60] =	vst v2  }
0x4db: {  	s25 =	simm.s32 $0x0;
	s19 =	rddreg [dreg:$0x1c]  }
0x4dc: {  	[hbm4b:s19+s25] =	stream.linear.scatter [tilespmem:s7], [sflag:$0x4], $0x8000, $0x38;
	[tilespmem:$0x18B00] =	vst v63  }
0x4dd: {  	_ =	swait.ge [sflag:s16], $0x8000  }
0x4de: {  	[sflag:s16] =	ssyncset.done $0x0  }
0x4df: {  	s26 =	simm.s32 $0x0;
	[sflag:s16] =	ssyncadd.s32 $0xFFFF8000  }
0x4e0: {  	[tilespmem:s9], [sflag:$0x3] =	stream.linear.gather [hbm4b:s0+s25], $0x8000, $0x38;
	[tilespmem:$0x18B00] =	vst v63  }
0x4e1: {  	s20 =	sand.u32 $0x4000, s25;
	s18 =	sand.u32 $0x3C00, s25;
	_ =	swait.ge [sflag:s12], $0x8000  }
0x4e2: {  	s18 =	sor.u32 s18, s20;
	s19 =	sand.u32 $0x380, s26;
	[sflag:s12] =	ssyncset.done $0x0  }
0x4e3: {  	s18 =	sor.u32 s19, s18;
	[sflag:s12] =	ssyncadd.s32 $0xFFFF8000  }
0x4e4: {  	v12 =	vld [tilespmem:s18+$0x8B70]  }
0x4e5: {  	v8 =	vld [tilespmem:s18+$0x8B00]  }
0x4e6: {  	v7 =	vld [tilespmem:s18+$0x8B10]  }
0x4e7: {  	v5 =	vld [tilespmem:s18+$0x8B20]  }
0x4e8: {  	v3 =	vld [tilespmem:s18+$0x8B30]  }
0x4e9: {  	v6 =	vld [tilespmem:s18+$0x8B40]  }
0x4ea: {  	v4 =	vld [tilespmem:s18+$0x8B50];
	v2 =	vmul.f32 $1.278751220e+02, v12;
	_ =	sdelay $0x1  }
0x4eb: {  	v9 =	vmul.f32 $1.278751220e+02, v8;
	v10 =	vmul.f32 $1.278751220e+02, v7;
	v2 =	vmax.f32 v2, $0.0e+00  }
0x4ec: {  	v13 =	vmul.f32 $1.278751220e+02, v5;
	v14 =	vmul.f32 $1.278751220e+02, v3;
	v11 =	vmin.f32 v2, $5.120000000e+02  }
0x4ed: {  	s28 =	simm.s32 $0x400;
	s21 =	simm.s32 $0x80;
	v15 =	vmul.f32 $1.278751220e+02, v6;
	v2 =	vld [tilespmem:s18+$0x8B60];
	v11 =	vtrunc.f32 v11  }
0x4ee: {  	s21 =	sand.u32 $0x4000, s21;
	s20 =	simm.s32 $0x8;
	s19 =	sand.u32 $0x3C00, s28;
	v16 =	vmul.f32 $1.278751220e+02, v4;
	v9 =	vmax.f32 v9, $0.0e+00;
	v11 =	vcvt.f32.s32 v11  }
0x4ef: {  	s22 =	sand.u32 $0x380, s20;
	s19 =	sor.u32 s19, s21;
	v10 =	vmax.f32 v10, $0.0e+00;
	v13 =	vmax.f32 v13, $0.0e+00;
	v14 =	vmax.f32 v14, $0.0e+00  }
0x4f0: {  	s19 =	sor.u32 s22, s19;
	v15 =	vmax.f32 v15, $0.0e+00;
	v16 =	vmax.f32 v16, $0.0e+00;
	v9 =	vmin.f32 v9, $5.120000000e+02  }
0x4f1: {  	v10 =	vmin.f32 v10, $5.120000000e+02;
	v13 =	vmin.f32 v13, $5.120000000e+02;
	v18 =	vmin.f32 v16, $5.120000000e+02;
	v16 =	vld [tilespmem:s19+$0x8B70]  }
0x4f2: {  	v14 =	vmin.f32 v14, $5.120000000e+02;
	v13 =	vtrunc.f32 v13;
	v17 =	vmul.f32 $1.278751220e+02, v2  }
0x4f3: {  	v15 =	vmin.f32 v15, $5.120000000e+02;
	v19 =	vtrunc.f32 v10;
	v21 =	vcvt.f32.s32 v13;
	v13 =	vld [tilespmem:s19+$0x8B20]  }
0x4f4: {  	v9 =	vtrunc.f32 v9;
	v19 =	vcvt.f32.s32 v19;
	v10 =	vmax.f32 v17, $0.0e+00;
	v20 =	vld.idx.msk [tilespmem:v11+s11+$0x0], $0xffff  }
0x4f5: {  	v11 =	vtrunc.f32 v14;
	v14 =	vtrunc.f32 v15;
	v15 =	vmin.f32 v10, $5.120000000e+02;
	v10 =	vld [tilespmem:s19+$0x8B00]  }
0x4f6: {  	v25 =	vmul.f32 $1.278751220e+02, v16;
	v22 =	vcvt.f32.s32 v11;
	v11 =	vld [tilespmem:s19+$0x8B30]  }
0x4f7: {  	v17 =	vtrunc.f32 v18;
	v18 =	vcvt.f32.s32 v9;
	v9 =	vld [tilespmem:s19+$0x8B10]  }
0x4f8: {  	v15 =	vtrunc.f32 v15;
	v23 =	vcvt.f32.s32 v14;
	v14 =	vld [tilespmem:s19+$0x8B50]  }
0x4f9: {  	v24 =	vcvt.f32.s32 v17;
	v27 =	vcvt.f32.s32 v15  }
0x4fa: {  	v17 =	vmul.f32 v20, v12;
	v15 =	vshll.u32 v20, $0x10;
	v20 =	vmul.f32 $1.278751220e+02, v10  }
0x4fb: {  	v25 =	vmax.f32 v25, $0.0e+00;
	v26 =	vmul.f32 $1.278751220e+02, v13;
	v12 =	vld [tilespmem:s19+$0x8B40];
	v30 =	vmul.f32 $1.278751220e+02, v11  }
0x4fc: {  	v28 =	vadd.f32 v15, v17;
	v17 =	vmul.f32 $1.278751220e+02, v9;
	v15 =	vld [tilespmem:s19+$0x8B60];
	v20 =	vmax.f32 v20, $0.0e+00  }
0x4fd: {  	v25 =	vmin.f32 v25, $5.120000000e+02;
	v61 =	vmul.f32 $1.278751220e+02, v14;
	v31 =	vmin.f32 v20, $5.120000000e+02  }
0x4fe: {  	v30 =	vmax.f32 v30, $0.0e+00;
	v20 =	vld.idx.msk [tilespmem:v21+s11+$0x0], $0xffff;
	v29 =	vmax.f32 v17, $0.0e+00;
	v17 =	vtrunc.f32 v25  }
0x4ff: {  	v21 =	vmax.f32 v61, $0.0e+00;
	v25 =	vmax.f32 v26, $0.0e+00;
	v60 =	vcvt.f32.s32 v17;
	v17 =	vld.idx.msk [tilespmem:v18+s11+$0x0], $0xffff  }
0x500: {  	v30 =	vmin.f32 v30, $5.120000000e+02;
	v35 =	vmin.f32 v21, $5.120000000e+02;
	v36 =	vtrunc.f32 v31;
	v18 =	vld.idx.msk [tilespmem:v19+s11+$0x0], $0xffff  }
0x501: {  	v26 =	vmul.f32 $1.278751220e+02, v12;
	v29 =	vmin.f32 v29, $5.120000000e+02;
	v19 =	vld.idx.msk [tilespmem:v22+s11+$0x0], $0xffff;
	v62 =	vmul.f32 $1.278751220e+02, v15  }
0x502: {  	v25 =	vmin.f32 v25, $5.120000000e+02;
	v22 =	vld.idx.msk [tilespmem:v23+s11+$0x0], $0xffff;
	v30 =	vtrunc.f32 v30;
	v31 =	vtrunc.f32 v29  }
0x503: {  	v23 =	vld.idx.msk [tilespmem:v27+s11+$0x0], $0xffff;
	v34 =	vtrunc.f32 v25;
	v26 =	vmax.f32 v26, $0.0e+00;
	v21 =	vmax.f32 v62, $0.0e+00  }
0x504: {  	v29 =	vtrunc.f32 v35;
	v63 =	vmin.f32 v26, $5.120000000e+02;
	v37 =	vmin.f32 v21, $5.120000000e+02;
	v21 =	vld.idx.msk [tilespmem:v24+s11+$0x0], $0xffff  }
0x505: {  	[tilespmem:s18+$0x8B70] =	vst v28;
	v27 =	vshll.u32 v20, $0x10;
	v32 =	vtrunc.f32 v63;
	v26 =	vshll.u32 v17, $0x10;
	v28 =	vld.idx.msk [tilespmem:v60+s11+$0x0], $0xffff  }
0x506: {  	s21 =	simm.s32 $0x800;
	s22 =	simm.s32 $0x100;
	v25 =	vshll.u32 v18, $0x10;
	v24 =	vcvt.f32.s32 v36;
	v33 =	vtrunc.f32 v37  }
.LBB2_30:
0x507: {  	s20 =	sadd.s32 $0x8, s20;
	s23 =	sand.u32 $0x4000, s22;
	s24 =	sand.u32 $0x3C00, s21;
	v31 =	vcvt.f32.s32 v31;
	v34 =	vcvt.f32.s32 v34;
	v35 =	vshll.u32 v19, $0x10  }
0x508: {  	v30 =	vcvt.f32.s32 v30;
	v32 =	vcvt.f32.s32 v32;
	v36 =	vshll.u32 v22, $0x10;
	s25 =	sand.u32 $0x380, s20;
	s23 =	sor.u32 s24, s23;
	p0 =	slt.u32 s20, $0x7F8  }
0x509: {  	v29 =	vcvt.f32.s32 v29;
	v33 =	vcvt.f32.s32 v33;
	v37 =	vshll.u32 v21, $0x10;
	s23 =	sor.u32 s25, s23  }
0x50a: {  	v17 =	vmul.f32 v17, v8;
	v39 =	vshll.u32 v23, $0x10;
	v8 =	vmovc v10;
	v38 =	vmul.f32 v28, v16;
	v16 =	vld [tilespmem:s23+$0x8B70]  }
0x50b: {  	v18 =	vmul.f32 v18, v7;
	v20 =	vmul.f32 v20, v5;
	v7 =	vmovc v9;
	v5 =	vmovc v13;
	v28 =	vshll.u32 v28, $0x10;
	v10 =	vld [tilespmem:s23+$0x8B00]  }
0x50c: {  	v19 =	vmul.f32 v19, v3;
	v22 =	vmul.f32 v22, v6;
	v3 =	vmovc v11;
	v28 =	vadd.f32 v28, v38;
	v9 =	vld [tilespmem:s23+$0x8B10]  }
0x50d: {  	v21 =	vmul.f32 v21, v4;
	v23 =	vmul.f32 v23, v2;
	v6 =	vmovc v12;
	v17 =	vadd.f32 v26, v17;
	v13 =	vld [tilespmem:s23+$0x8B20]  }
0x50e: {  	v4 =	vmovc v14;
	v2 =	vmov v15;
	v18 =	vadd.f32 v25, v18;
	v20 =	vadd.f32 v27, v20;
	v11 =	vld [tilespmem:s23+$0x8B30];
	[tilespmem:s19+$0x8B70] =	vst v28  }
0x50f: {  	v19 =	vadd.f32 v35, v19;
	v22 =	vadd.f32 v36, v22;
	v12 =	vld [tilespmem:s23+$0x8B40];
	v25 =	vmul.f32 $1.278751220e+02, v16;
	[tilespmem:s18+$0x8B00] =	vst v17  }
0x510: {  	v21 =	vadd.f32 v37, v21;
	v23 =	vadd.f32 v39, v23;
	v17 =	vmul.f32 $1.278751220e+02, v10;
	v14 =	vld [tilespmem:s23+$0x8B50];
	[tilespmem:s18+$0x8B10] =	vst v18  }
0x511: {  	v18 =	vmul.f32 $1.278751220e+02, v9;
	v15 =	vld [tilespmem:s23+$0x8B60];
	v25 =	vmax.f32 v25, $0.0e+00;
	[tilespmem:s18+$0x8B20] =	vst v20  }
0x512: {  	v26 =	vmax.f32 v17, $0.0e+00;
	v20 =	vmul.f32 $1.278751220e+02, v13;
	v25 =	vmin.f32 v25, $5.120000000e+02;
	v17 =	vld.idx.msk [tilespmem:v24+s11+$0x0], $0xffff;
	[tilespmem:s18+$0x8B30] =	vst v19  }
0x513: {  	v24 =	vmax.f32 v18, $0.0e+00;
	v19 =	vmul.f32 $1.278751220e+02, v11;
	v25 =	vtrunc.f32 v25;
	v18 =	vld.idx.msk [tilespmem:v31+s11+$0x0], $0xffff;
	[tilespmem:s18+$0x8B40] =	vst v22  }
0x514: {  	v27 =	vmax.f32 v20, $0.0e+00;
	v22 =	vmul.f32 $1.278751220e+02, v12;
	v25 =	vcvt.f32.s32 v25;
	v20 =	vld.idx.msk [tilespmem:v34+s11+$0x0], $0xffff;
	[tilespmem:s18+$0x8B50] =	vst v21  }
0x515: {  	v26 =	vmin.f32 v26, $5.120000000e+02;
	v21 =	vmax.f32 v19, $0.0e+00;
	v28 =	vmul.f32 $1.278751220e+02, v14;
	v19 =	vld.idx.msk [tilespmem:v30+s11+$0x0], $0xffff;
	[tilespmem:s18+$0x8B60] =	vst v23;
	s18 =	smov.u32 s19;
	s19 =	smov.u32 s23  }
0x516: {  	v24 =	vmin.f32 v24, $5.120000000e+02;
	v23 =	vmax.f32 v22, $0.0e+00;
	v30 =	vmul.f32 $1.278751220e+02, v15;
	v22 =	vld.idx.msk [tilespmem:v32+s11+$0x0], $0xffff  }
0x517: {  	v27 =	vmin.f32 v27, $5.120000000e+02;
	v32 =	vmin.f32 v21, $5.120000000e+02;
	v28 =	vmax.f32 v28, $0.0e+00;
	v21 =	vld.idx.msk [tilespmem:v29+s11+$0x0], $0xffff  }
.Ltmp14:
0x518: {  	v29 =	vmin.f32 v23, $5.120000000e+02;
	v35 =	vmin.f32 v28, $5.120000000e+02;
	v28 =	vmax.f32 v30, $0.0e+00;
	v23 =	vld.idx.msk [tilespmem:v33+s11+$0x0], $0xffff;
	(pc) =	sbr.rel @p0 .LBB2_30-.Ltmp14, $4  }
0x519: {  	v31 =	vtrunc.f32 v24;
	v33 =	vtrunc.f32 v26;
	v36 =	vmin.f32 v28, $5.120000000e+02  }
0x51a: {  	v34 =	vtrunc.f32 v27;
	v30 =	vtrunc.f32 v32;
	v26 =	vshll.u32 v17, $0x10;
	v28 =	vld.idx.msk [tilespmem:v25+s11+$0x0], $0xffff  }
0x51b: {  	v32 =	vtrunc.f32 v29;
	v29 =	vtrunc.f32 v35;
	v25 =	vshll.u32 v18, $0x10  }
0x51c: {  	s21 =	sadd.s32 $0x400, s21;
	s22 =	sadd.s32 $0x80, s22;
	v24 =	vcvt.f32.s32 v33;
	v27 =	vshll.u32 v20, $0x10;
	v33 =	vtrunc.f32 v36  }
0x51d: {  	v31 =	vcvt.f32.s32 v31  }
0x51e: {  	v34 =	vcvt.f32.s32 v34  }
0x51f: {  	v30 =	vcvt.f32.s32 v30;
	v16 =	vmul.f32 v28, v16  }
0x520: {  	v32 =	vcvt.f32.s32 v32;
	v8 =	vmul.f32 v17, v8;
	v17 =	vshll.u32 v28, $0x10  }
0x521: {  	v7 =	vmul.f32 v18, v7;
	v28 =	vcvt.f32.s32 v29;
	v16 =	vadd.f32 v17, v16  }
0x522: {  	v5 =	vmul.f32 v20, v5;
	v18 =	vld.idx.msk [tilespmem:v24+s11+$0x0], $0xffff;
	v8 =	vadd.f32 v26, v8;
	v17 =	vcvt.f32.s32 v33  }
0x523: {  	v3 =	vmul.f32 v19, v3;
	v7 =	vadd.f32 v25, v7;
	[tilespmem:s19+$0x8B70] =	vst v16;
	v16 =	vld.idx.msk [tilespmem:v31+s11+$0x0], $0xffff  }
0x524: {  	v19 =	vshll.u32 v19, $0x10;
	v6 =	vmul.f32 v22, v6;
	v5 =	vadd.f32 v27, v5;
	[tilespmem:s18+$0x8B00] =	vst v8;
	v8 =	vld.idx.msk [tilespmem:v34+s11+$0x0], $0xffff  }
0x525: {  	v20 =	vshll.u32 v22, $0x10;
	v4 =	vmul.f32 v21, v4;
	v3 =	vadd.f32 v19, v3;
	[tilespmem:s18+$0x8B10] =	vst v7;
	v7 =	vld.idx.msk [tilespmem:v30+s11+$0x0], $0xffff  }
0x526: {  	v2 =	vmul.f32 v23, v2;
	v19 =	vshll.u32 v21, $0x10;
	v6 =	vadd.f32 v20, v6;
	[tilespmem:s18+$0x8B20] =	vst v5;
	v5 =	vld.idx.msk [tilespmem:v32+s11+$0x0], $0xffff  }
0x527: {  	v20 =	vshll.u32 v23, $0x10;
	v4 =	vadd.f32 v19, v4;
	[tilespmem:s18+$0x8B30] =	vst v3;
	v10 =	vmul.f32 v18, v10;
	v3 =	vld.idx.msk [tilespmem:v28+s11+$0x0], $0xffff  }
0x528: {  	v2 =	vadd.f32 v20, v2;
	[tilespmem:s18+$0x8B40] =	vst v6;
	v6 =	vld.idx.msk [tilespmem:v17+s11+$0x0], $0xffff;
	v17 =	vshll.u32 v18, $0x10;
	v9 =	vmul.f32 v16, v9  }
0x529: {  	[tilespmem:s18+$0x8B50] =	vst v4;
	v4 =	vshll.u32 v16, $0x10;
	v13 =	vmul.f32 v8, v13;
	v10 =	vadd.f32 v17, v10  }
0x52a: {  	[tilespmem:s18+$0x8B60] =	vst v2;
	v2 =	vshll.u32 v8, $0x10;
	v8 =	vmul.f32 v7, v11;
	v4 =	vadd.f32 v4, v9  }
0x52b: {  	v7 =	vshll.u32 v7, $0x10;
	v9 =	vmul.f32 v5, v12;
	v2 =	vadd.f32 v2, v13;
	[tilespmem:s19+$0x8B00] =	vst v10  }
0x52c: {  	v5 =	vshll.u32 v5, $0x10;
	v10 =	vmul.f32 v3, v14;
	v7 =	vadd.f32 v7, v8;
	[tilespmem:s19+$0x8B10] =	vst v4  }
0x52d: {  	v3 =	vshll.u32 v3, $0x10;
	v4 =	vmul.f32 v6, v15;
	v5 =	vadd.f32 v5, v9;
	[tilespmem:s19+$0x8B20] =	vst v2  }
0x52e: {  	v2 =	vshll.u32 v6, $0x10;
	v3 =	vadd.f32 v3, v10;
	[tilespmem:s19+$0x8B30] =	vst v7  }
0x52f: {  	v2 =	vadd.f32 v2, v4;
	[tilespmem:s19+$0x8B40] =	vst v5  }
0x530: {  	[tilespmem:s19+$0x8B50] =	vst v3  }
0x531: {  	[tilespmem:s19+$0x8B60] =	vst v2  }
0x532: {  	s25 =	simm.s32 $0x0;
	s19 =	rddreg [dreg:$0x1e]  }
0x533: {  	[hbm4b:s19+s25] =	stream.linear.scatter [tilespmem:s8], [sflag:$0x5], $0x8000, $0x38;
	[tilespmem:$0x18B00] =	vst v63  }
0x534: {  	_ =	swait.ge [sflag:s13], $0x8000  }
0x535: {  	s26 =	simm.s32 $0x0;
	[sflag:s13] =	ssyncset.done $0x0  }
0x536: {  	s20 =	sand.u32 $0x4000, s25;
	s18 =	sand.u32 $0x3C00, s25;
	[sflag:s13] =	ssyncadd.s32 $0xFFFF8000  }
0x537: {  	[tilespmem:s7], [sflag:$0x1] =	stream.linear.gather [hbm4b:s31+s25], $0x8000, $0x38;
	[tilespmem:$0x18B00] =	vst v63  }
0x538: {  	s18 =	sor.u32 s18, s20;
	s19 =	sand.u32 $0x380, s26;
	_ =	swait.ge [sflag:s14], $0x8000  }
0x539: {  	s18 =	sor.u32 s19, s18;
	[sflag:s14] =	ssyncset.done $0x0  }
0x53a: {  	s19 =	sadd.s32 $0x10B00, s18;
	[sflag:s14] =	ssyncadd.s32 $0xFFFF8000  }
0x53b: {  	v12 =	vld [tilespmem:s19+$0x70]  }
0x53c: {  	v2 =	vld [tilespmem:s18+$0x10B00]  }
0x53d: {  	v8 =	vld [tilespmem:s19+$0x10]  }
0x53e: {  	v7 =	vld [tilespmem:s19+$0x20]  }
0x53f: {  	v5 =	vld [tilespmem:s19+$0x30]  }
0x540: {  	v6 =	vld [tilespmem:s19+$0x40];
	v4 =	vmul.f32 $1.278751220e+02, v12  }
0x541: {  	v3 =	vld [tilespmem:s19+$0x50]  }
0x542: {  	v9 =	vmax.f32 v4, $0.0e+00  }
0x543: {  	v10 =	vmul.f32 $1.278751220e+02, v2;
	v11 =	vmul.f32 $1.278751220e+02, v8;
	v9 =	vmin.f32 v9, $5.120000000e+02  }
0x544: {  	v13 =	vmul.f32 $1.278751220e+02, v7;
	v9 =	vtrunc.f32 v9  }
0x545: {  	v14 =	vmul.f32 $1.278751220e+02, v5;
	v9 =	vcvt.f32.s32 v9  }
0x546: {  	v15 =	vmul.f32 $1.278751220e+02, v6;
	v16 =	vmul.f32 $1.278751220e+02, v3  }
0x547: {  	v4 =	vld [tilespmem:s19+$0x60];
	v10 =	vmax.f32 v10, $0.0e+00;
	v11 =	vmax.f32 v11, $0.0e+00;
	v13 =	vmax.f32 v13, $0.0e+00  }
0x548: {  	s28 =	simm.s32 $0x400;
	s21 =	simm.s32 $0x80;
	v14 =	vmax.f32 v14, $0.0e+00;
	v15 =	vmax.f32 v15, $0.0e+00;
	v16 =	vmax.f32 v16, $0.0e+00  }
0x549: {  	s22 =	simm.s32 $0x8;
	s21 =	sand.u32 $0x4000, s21;
	s20 =	sand.u32 $0x3C00, s28;
	v11 =	vmin.f32 v11, $5.120000000e+02;
	v13 =	vmin.f32 v13, $5.120000000e+02;
	v14 =	vmin.f32 v14, $5.120000000e+02  }
0x54a: {  	s23 =	sand.u32 $0x380, s22;
	s20 =	sor.u32 s20, s21;
	v15 =	vmin.f32 v15, $5.120000000e+02;
	v11 =	vtrunc.f32 v11;
	v13 =	vtrunc.f32 v13  }
0x54b: {  	s20 =	sor.u32 s23, s20;
	v16 =	vmin.f32 v16, $5.120000000e+02;
	v14 =	vtrunc.f32 v14;
	v15 =	vtrunc.f32 v15;
	v18 =	vld.idx.msk [tilespmem:v9+s11+$0x0], $0xffff  }
0x54c: {  	s21 =	sadd.s32 $0x10B00, s20;
	v10 =	vmin.f32 v10, $5.120000000e+02;
	v19 =	vtrunc.f32 v16;
	v17 =	vmul.f32 $1.278751220e+02, v4;
	v9 =	vld [tilespmem:s20+$0x10B00]  }
0x54d: {  	v20 =	vtrunc.f32 v10;
	v16 =	vld [tilespmem:s21+$0x70];
	v21 =	vcvt.f32.s32 v11  }
0x54e: {  	v10 =	vld [tilespmem:s21+$0x10];
	v22 =	vcvt.f32.s32 v13;
	v23 =	vcvt.f32.s32 v14;
	v17 =	vmax.f32 v17, $0.0e+00  }
0x54f: {  	v24 =	vcvt.f32.s32 v15;
	v11 =	vld [tilespmem:s21+$0x20];
	v25 =	vcvt.f32.s32 v19;
	v17 =	vmin.f32 v17, $5.120000000e+02  }
0x550: {  	v26 =	vcvt.f32.s32 v20;
	v13 =	vld [tilespmem:s21+$0x30];
	v17 =	vtrunc.f32 v17  }
0x551: {  	v15 =	vld [tilespmem:s21+$0x50];
	v14 =	vmul.f32 v18, v12;
	v19 =	vmul.f32 $1.278751220e+02, v9  }
0x552: {  	v27 =	vcvt.f32.s32 v17;
	v12 =	vld [tilespmem:s21+$0x40];
	v17 =	vshll.u32 v18, $0x10;
	v18 =	vmul.f32 $1.278751220e+02, v16  }
0x553: {  	v28 =	vadd.f32 v17, v14;
	v17 =	vmax.f32 v19, $0.0e+00;
	v19 =	vmul.f32 $1.278751220e+02, v10  }
0x554: {  	v14 =	vld [tilespmem:s21+$0x60];
	v18 =	vmax.f32 v18, $0.0e+00;
	v62 =	vmin.f32 v17, $5.120000000e+02;
	v17 =	vmul.f32 $1.278751220e+02, v11  }
0x555: {  	v18 =	vmin.f32 v18, $5.120000000e+02;
	v20 =	vmax.f32 v19, $0.0e+00;
	v19 =	vmul.f32 $1.278751220e+02, v13  }
0x556: {  	v31 =	vmul.f32 $1.278751220e+02, v15;
	v18 =	vtrunc.f32 v18;
	v29 =	vmax.f32 v17, $0.0e+00;
	v17 =	vld.idx.msk [tilespmem:v21+s11+$0x0], $0xffff  }
0x557: {  	v33 =	vtrunc.f32 v62;
	v30 =	vmul.f32 $1.278751220e+02, v12;
	v21 =	vmax.f32 v19, $0.0e+00;
	v19 =	vld.idx.msk [tilespmem:v22+s11+$0x0], $0xffff  }
0x558: {  	v35 =	vcvt.f32.s32 v18;
	v22 =	vmin.f32 v20, $5.120000000e+02;
	v20 =	vld.idx.msk [tilespmem:v23+s11+$0x0], $0xffff;
	v23 =	vmin.f32 v29, $5.120000000e+02  }
0x559: {  	v30 =	vmax.f32 v30, $0.0e+00;
	v63 =	vmul.f32 $1.278751220e+02, v14;
	v29 =	vmin.f32 v21, $5.120000000e+02  }
0x55a: {  	v18 =	vld.idx.msk [tilespmem:v24+s11+$0x0], $0xffff;
	v21 =	vmax.f32 v31, $0.0e+00;
	v37 =	vtrunc.f32 v22;
	v31 =	vtrunc.f32 v23  }
0x55b: {  	v24 =	vmin.f32 v30, $5.120000000e+02;
	v36 =	vmin.f32 v21, $5.120000000e+02;
	v21 =	vld.idx.msk [tilespmem:v25+s11+$0x0], $0xffff;
	v30 =	vmax.f32 v63, $0.0e+00  }
0x55c: {  	v22 =	vld.idx.msk [tilespmem:v27+s11+$0x0], $0xffff;
	v34 =	vtrunc.f32 v29;
	v32 =	vtrunc.f32 v36;
	v38 =	vmin.f32 v30, $5.120000000e+02  }
0x55d: {  	v23 =	vld.idx.msk [tilespmem:v26+s11+$0x0], $0xffff;
	v30 =	vtrunc.f32 v24;
	v25 =	vshll.u32 v17, $0x10;
	v24 =	vcvt.f32.s32 v37  }
0x55e: {  	s24 =	simm.s32 $0x100;
	s23 =	simm.s32 $0x800;
	[tilespmem:s19+$0x70] =	vst v28;
	v29 =	vtrunc.f32 v38;
	v26 =	vshll.u32 v19, $0x10;
	v28 =	vld.idx.msk [tilespmem:v35+s11+$0x0], $0xffff;
	v27 =	vshll.u32 v20, $0x10  }
.LBB2_32:
0x55f: {  	s22 =	sadd.s32 $0x8, s22;
	s25 =	sand.u32 $0x4000, s24;
	s26 =	sand.u32 $0x3C00, s23;
	v31 =	vcvt.f32.s32 v31;
	v34 =	vcvt.f32.s32 v34;
	v35 =	vshll.u32 v18, $0x10  }
0x560: {  	v30 =	vcvt.f32.s32 v30;
	v32 =	vcvt.f32.s32 v32;
	v36 =	vshll.u32 v21, $0x10;
	s28 =	sand.u32 $0x380, s22;
	s25 =	sor.u32 s26, s25;
	p0 =	slt.u32 s22, $0x7F8  }
0x561: {  	v33 =	vcvt.f32.s32 v33;
	v29 =	vcvt.f32.s32 v29;
	v37 =	vshll.u32 v22, $0x10;
	s25 =	sor.u32 s28, s25  }
0x562: {  	v39 =	vshll.u32 v23, $0x10;
	v17 =	vmul.f32 v17, v8;
	v19 =	vmul.f32 v19, v7;
	v8 =	vmovc v10;
	v7 =	vmovc v11;
	s26 =	sadd.s32 $0x10B00, s25;
	v38 =	vld [tilespmem:s25+$0x10B00]  }
0x563: {  	v20 =	vmul.f32 v20, v5;
	v5 =	vmov v13;
	v40 =	vmul.f32 v28, v16;
	v16 =	vld [tilespmem:s26+$0x70]  }
0x564: {  	v18 =	vmul.f32 v18, v6;
	v21 =	vmul.f32 v21, v3;
	v6 =	vmovc v12;
	v3 =	vmovc v15;
	v13 =	vshll.u32 v28, $0x10;
	v10 =	vld [tilespmem:s26+$0x10]  }
0x565: {  	v23 =	vmul.f32 v23, v2;
	v22 =	vmul.f32 v22, v4;
	v2 =	vmovc v9;
	v15 =	vadd.f32 v13, v40;
	v11 =	vld [tilespmem:s26+$0x20]  }
0x566: {  	v4 =	vmov v14;
	v17 =	vadd.f32 v25, v17;
	v19 =	vadd.f32 v26, v19;
	v13 =	vld [tilespmem:s26+$0x30]  }
0x567: {  	v20 =	vadd.f32 v27, v20;
	v18 =	vadd.f32 v35, v18;
	v14 =	vmul.f32 $1.278751220e+02, v38;
	v12 =	vld [tilespmem:s26+$0x40];
	[tilespmem:s21+$0x70] =	vst v15;
	v9 =	vmovc v38  }
0x568: {  	v21 =	vadd.f32 v36, v21;
	v22 =	vadd.f32 v37, v22;
	v15 =	vld [tilespmem:s26+$0x50];
	v25 =	vmul.f32 $1.278751220e+02, v16;
	[tilespmem:s19+$0x10] =	vst v17  }
0x569: {  	v23 =	vadd.f32 v39, v23;
	v17 =	vmax.f32 v14, $0.0e+00;
	v26 =	vmul.f32 $1.278751220e+02, v10;
	v14 =	vld [tilespmem:s26+$0x60];
	[tilespmem:s19+$0x20] =	vst v19  }
0x56a: {  	v27 =	vmin.f32 v17, $5.120000000e+02;
	v28 =	vmul.f32 $1.278751220e+02, v11;
	v19 =	vmax.f32 v25, $0.0e+00;
	v17 =	vld.idx.msk [tilespmem:v24+s11+$0x0], $0xffff;
	[tilespmem:s19+$0x30] =	vst v20  }
0x56b: {  	v24 =	vmax.f32 v26, $0.0e+00;
	v25 =	vmul.f32 $1.278751220e+02, v13;
	v20 =	vmin.f32 v19, $5.120000000e+02;
	v19 =	vld.idx.msk [tilespmem:v31+s11+$0x0], $0xffff;
	[tilespmem:s19+$0x40] =	vst v18  }
0x56c: {  	v26 =	vmax.f32 v28, $0.0e+00;
	v28 =	vmul.f32 $1.278751220e+02, v12;
	v18 =	vtrunc.f32 v20;
	v20 =	vld.idx.msk [tilespmem:v34+s11+$0x0], $0xffff;
	[tilespmem:s19+$0x50] =	vst v21  }
0x56d: {  	v25 =	vmax.f32 v25, $0.0e+00;
	v31 =	vmul.f32 $1.278751220e+02, v15;
	v35 =	vcvt.f32.s32 v18;
	v18 =	vld.idx.msk [tilespmem:v30+s11+$0x0], $0xffff;
	[tilespmem:s19+$0x60] =	vst v22;
	s19 =	smov.u32 s21;
	s21 =	smov.u32 s26  }
0x56e: {  	v24 =	vmin.f32 v24, $5.120000000e+02;
	v28 =	vmax.f32 v28, $0.0e+00;
	v30 =	vmul.f32 $1.278751220e+02, v14;
	v21 =	vld.idx.msk [tilespmem:v32+s11+$0x0], $0xffff;
	[tilespmem:s18+$0x10B00] =	vst v23;
	s18 =	smov.u32 s20;
	s20 =	smov.u32 s25  }
0x56f: {  	v26 =	vmin.f32 v26, $5.120000000e+02;
	v25 =	vmin.f32 v25, $5.120000000e+02;
	v23 =	vmax.f32 v31, $0.0e+00;
	v22 =	vld.idx.msk [tilespmem:v29+s11+$0x0], $0xffff  }
.Ltmp15:
0x570: {  	v28 =	vmin.f32 v28, $5.120000000e+02;
	v29 =	vmin.f32 v23, $5.120000000e+02;
	v30 =	vmax.f32 v30, $0.0e+00;
	v23 =	vld.idx.msk [tilespmem:v33+s11+$0x0], $0xffff;
	(pc) =	sbr.rel @p0 .LBB2_32-.Ltmp15, $4  }
0x571: {  	v24 =	vtrunc.f32 v24;
	v31 =	vtrunc.f32 v26;
	v26 =	vmin.f32 v30, $5.120000000e+02  }
0x572: {  	v34 =	vtrunc.f32 v25;
	v25 =	vshll.u32 v17, $0x10;
	v30 =	vtrunc.f32 v28  }
0x573: {  	v32 =	vtrunc.f32 v29;
	v29 =	vtrunc.f32 v26;
	v26 =	vshll.u32 v19, $0x10;
	v28 =	vld.idx.msk [tilespmem:v35+s11+$0x0], $0xffff  }
0x574: {  	s23 =	sadd.s32 $0x400, s23;
	s24 =	sadd.s32 $0x80, s24;
	v24 =	vcvt.f32.s32 v24;
	v33 =	vtrunc.f32 v27;
	v27 =	vshll.u32 v20, $0x10  }
0x575: {  	v34 =	vcvt.f32.s32 v34  }
0x576: {  	v31 =	vcvt.f32.s32 v31;
	v30 =	vcvt.f32.s32 v30  }
0x577: {  	v32 =	vcvt.f32.s32 v32;
	v8 =	vmul.f32 v17, v8  }
0x578: {  	v7 =	vmul.f32 v19, v7;
	v16 =	vmul.f32 v28, v16  }
0x579: {  	v8 =	vadd.f32 v25, v8;
	v17 =	vshll.u32 v28, $0x10;
	v28 =	vcvt.f32.s32 v29  }
0x57a: {  	v5 =	vmul.f32 v20, v5;
	v19 =	vld.idx.msk [tilespmem:v24+s11+$0x0], $0xffff;
	v16 =	vadd.f32 v17, v16;
	v17 =	vcvt.f32.s32 v33  }
0x57b: {  	v6 =	vmul.f32 v18, v6;
	v7 =	vadd.f32 v26, v7;
	[tilespmem:s19+$0x10] =	vst v8;
	v8 =	vld.idx.msk [tilespmem:v34+s11+$0x0], $0xffff  }
0x57c: {  	v18 =	vshll.u32 v18, $0x10;
	v3 =	vmul.f32 v21, v3;
	v5 =	vadd.f32 v27, v5;
	[tilespmem:s21+$0x70] =	vst v16;
	v16 =	vld.idx.msk [tilespmem:v31+s11+$0x0], $0xffff  }
0x57d: {  	v20 =	vshll.u32 v21, $0x10;
	v2 =	vmul.f32 v23, v2;
	v6 =	vadd.f32 v18, v6;
	[tilespmem:s19+$0x20] =	vst v7;
	v7 =	vld.idx.msk [tilespmem:v30+s11+$0x0], $0xffff  }
0x57e: {  	v4 =	vmul.f32 v22, v4;
	v3 =	vadd.f32 v20, v3;
	v20 =	vshll.u32 v23, $0x10;
	[tilespmem:s19+$0x30] =	vst v5;
	v5 =	vld.idx.msk [tilespmem:v32+s11+$0x0], $0xffff  }
0x57f: {  	v18 =	vshll.u32 v22, $0x10;
	v2 =	vadd.f32 v20, v2;
	[tilespmem:s19+$0x40] =	vst v6;
	v10 =	vmul.f32 v19, v10;
	v6 =	vld.idx.msk [tilespmem:v28+s11+$0x0], $0xffff  }
0x580: {  	v4 =	vadd.f32 v18, v4;
	[tilespmem:s19+$0x50] =	vst v3;
	v3 =	vld.idx.msk [tilespmem:v17+s11+$0x0], $0xffff;
	v17 =	vshll.u32 v19, $0x10;
	v13 =	vmul.f32 v8, v13  }
0x581: {  	[tilespmem:s18+$0x10B00] =	vst v2;
	v2 =	vshll.u32 v8, $0x10;
	v11 =	vmul.f32 v16, v11;
	v10 =	vadd.f32 v17, v10  }
0x582: {  	[tilespmem:s19+$0x60] =	vst v4;
	v8 =	vmul.f32 v7, v12;
	v4 =	vshll.u32 v16, $0x10;
	v2 =	vadd.f32 v2, v13  }
0x583: {  	v7 =	vshll.u32 v7, $0x10;
	v4 =	vadd.f32 v4, v11;
	v11 =	vmul.f32 v5, v15;
	[tilespmem:s21+$0x10] =	vst v10  }
0x584: {  	v7 =	vadd.f32 v7, v8;
	v5 =	vshll.u32 v5, $0x10;
	v10 =	vmul.f32 v6, v14;
	[tilespmem:s21+$0x30] =	vst v2  }
0x585: {  	[tilespmem:s21+$0x20] =	vst v4;
	v4 =	vshll.u32 v6, $0x10;
	v6 =	vmul.f32 v3, v9;
	v5 =	vadd.f32 v5, v11  }
0x586: {  	[tilespmem:s21+$0x40] =	vst v7;
	v2 =	vshll.u32 v3, $0x10;
	v3 =	vadd.f32 v4, v10  }
0x587: {  	v2 =	vadd.f32 v2, v6;
	[tilespmem:s21+$0x50] =	vst v5  }
0x588: {  	[tilespmem:s21+$0x60] =	vst v3  }
0x589: {  	s23 =	simm.s32 $0x0;
	s24 =	simm.s32 $0x0;
	[tilespmem:s20+$0x10B00] =	vst v2  }
0x58a: {  	[hbm4b:s2+s23] =	stream.linear.scatter [tilespmem:s9], [sflag:$0x6], $0x8000, $0x38;
	[tilespmem:$0x18B00] =	vst v63  }
0x58b: {  	s25 =	sand.u32 $0x4000, s23;
	s18 =	sand.u32 $0x3C00, s23;
	_ =	swait.ge [sflag:s10], $0x8000  }
0x58c: {  	s19 =	sand.u32 $0x380, s24;
	s18 =	sor.u32 s18, s25;
	[sflag:s10] =	ssyncset.done $0x0  }
0x58d: {  	s18 =	sor.u32 s19, s18;
	[sflag:s10] =	ssyncadd.s32 $0xFFFF8000  }
0x58e: {  	v12 =	vld [tilespmem:s18+$0xB70]  }
0x58f: {  	v8 =	vld [tilespmem:s18+$0xB00]  }
0x590: {  	v7 =	vld [tilespmem:s18+$0xB10]  }
0x591: {  	v5 =	vld [tilespmem:s18+$0xB20]  }
0x592: {  	v3 =	vld [tilespmem:s18+$0xB30]  }
0x593: {  	v6 =	vld [tilespmem:s18+$0xB40]  }
0x594: {  	v4 =	vld [tilespmem:s18+$0xB50];
	v2 =	vmul.f32 $1.278751220e+02, v12;
	_ =	sdelay $0x1  }
0x595: {  	v9 =	vmul.f32 $1.278751220e+02, v8;
	v10 =	vmul.f32 $1.278751220e+02, v7;
	v2 =	vmax.f32 v2, $0.0e+00  }
0x596: {  	v13 =	vmul.f32 $1.278751220e+02, v5;
	v14 =	vmul.f32 $1.278751220e+02, v3;
	v11 =	vmin.f32 v2, $5.120000000e+02  }
0x597: {  	s26 =	simm.s32 $0x400;
	s28 =	simm.s32 $0x80;
	v15 =	vmul.f32 $1.278751220e+02, v6;
	v2 =	vld [tilespmem:s18+$0xB60];
	v11 =	vtrunc.f32 v11  }
0x598: {  	s19 =	sand.u32 $0x3C00, s26;
	s21 =	sand.u32 $0x4000, s28;
	s20 =	simm.s32 $0x8;
	v16 =	vmul.f32 $1.278751220e+02, v4;
	v9 =	vmax.f32 v9, $0.0e+00;
	v11 =	vcvt.f32.s32 v11  }
0x599: {  	s19 =	sor.u32 s19, s21;
	s22 =	sand.u32 $0x380, s20;
	v10 =	vmax.f32 v10, $0.0e+00;
	v13 =	vmax.f32 v13, $0.0e+00;
	v14 =	vmax.f32 v14, $0.0e+00  }
0x59a: {  	s19 =	sor.u32 s22, s19;
	v15 =	vmax.f32 v15, $0.0e+00;
	v16 =	vmax.f32 v16, $0.0e+00;
	v9 =	vmin.f32 v9, $5.120000000e+02  }
0x59b: {  	v10 =	vmin.f32 v10, $5.120000000e+02;
	v13 =	vmin.f32 v13, $5.120000000e+02;
	v18 =	vmin.f32 v16, $5.120000000e+02;
	v16 =	vld [tilespmem:s19+$0xB70]  }
0x59c: {  	v14 =	vmin.f32 v14, $5.120000000e+02;
	v13 =	vtrunc.f32 v13;
	v17 =	vmul.f32 $1.278751220e+02, v2  }
0x59d: {  	v15 =	vmin.f32 v15, $5.120000000e+02;
	v19 =	vtrunc.f32 v10;
	v21 =	vcvt.f32.s32 v13;
	v13 =	vld [tilespmem:s19+$0xB20]  }
0x59e: {  	v9 =	vtrunc.f32 v9;
	v19 =	vcvt.f32.s32 v19;
	v10 =	vmax.f32 v17, $0.0e+00;
	v20 =	vld.idx.msk [tilespmem:v11+s11+$0x0], $0xffff  }
0x59f: {  	v11 =	vtrunc.f32 v14;
	v14 =	vtrunc.f32 v15;
	v15 =	vmin.f32 v10, $5.120000000e+02;
	v10 =	vld [tilespmem:s19+$0xB00]  }
0x5a0: {  	v25 =	vmul.f32 $1.278751220e+02, v16;
	v22 =	vcvt.f32.s32 v11;
	v11 =	vld [tilespmem:s19+$0xB30]  }
0x5a1: {  	v17 =	vtrunc.f32 v18;
	v18 =	vcvt.f32.s32 v9;
	v9 =	vld [tilespmem:s19+$0xB10]  }
0x5a2: {  	v15 =	vtrunc.f32 v15;
	v23 =	vcvt.f32.s32 v14;
	v14 =	vld [tilespmem:s19+$0xB50]  }
0x5a3: {  	v24 =	vcvt.f32.s32 v17;
	v27 =	vcvt.f32.s32 v15  }
0x5a4: {  	v17 =	vmul.f32 v20, v12;
	v15 =	vshll.u32 v20, $0x10;
	v20 =	vmul.f32 $1.278751220e+02, v10  }
0x5a5: {  	v25 =	vmax.f32 v25, $0.0e+00;
	v26 =	vmul.f32 $1.278751220e+02, v13;
	v12 =	vld [tilespmem:s19+$0xB40];
	v30 =	vmul.f32 $1.278751220e+02, v11  }
0x5a6: {  	v28 =	vadd.f32 v15, v17;
	v17 =	vmul.f32 $1.278751220e+02, v9;
	v15 =	vld [tilespmem:s19+$0xB60];
	v20 =	vmax.f32 v20, $0.0e+00  }
0x5a7: {  	v25 =	vmin.f32 v25, $5.120000000e+02;
	v61 =	vmul.f32 $1.278751220e+02, v14;
	v31 =	vmin.f32 v20, $5.120000000e+02  }
0x5a8: {  	v30 =	vmax.f32 v30, $0.0e+00;
	v20 =	vld.idx.msk [tilespmem:v21+s11+$0x0], $0xffff;
	v29 =	vmax.f32 v17, $0.0e+00;
	v17 =	vtrunc.f32 v25  }
0x5a9: {  	v21 =	vmax.f32 v61, $0.0e+00;
	v25 =	vmax.f32 v26, $0.0e+00;
	v60 =	vcvt.f32.s32 v17;
	v17 =	vld.idx.msk [tilespmem:v18+s11+$0x0], $0xffff  }
0x5aa: {  	v30 =	vmin.f32 v30, $5.120000000e+02;
	v35 =	vmin.f32 v21, $5.120000000e+02;
	v36 =	vtrunc.f32 v31;
	v18 =	vld.idx.msk [tilespmem:v19+s11+$0x0], $0xffff  }
0x5ab: {  	v26 =	vmul.f32 $1.278751220e+02, v12;
	v29 =	vmin.f32 v29, $5.120000000e+02;
	v19 =	vld.idx.msk [tilespmem:v22+s11+$0x0], $0xffff;
	v62 =	vmul.f32 $1.278751220e+02, v15  }
0x5ac: {  	v25 =	vmin.f32 v25, $5.120000000e+02;
	v22 =	vld.idx.msk [tilespmem:v23+s11+$0x0], $0xffff;
	v30 =	vtrunc.f32 v30;
	v31 =	vtrunc.f32 v29  }
0x5ad: {  	v23 =	vld.idx.msk [tilespmem:v27+s11+$0x0], $0xffff;
	v34 =	vtrunc.f32 v25;
	v26 =	vmax.f32 v26, $0.0e+00;
	v21 =	vmax.f32 v62, $0.0e+00  }
0x5ae: {  	v29 =	vtrunc.f32 v35;
	v63 =	vmin.f32 v26, $5.120000000e+02;
	v37 =	vmin.f32 v21, $5.120000000e+02;
	v21 =	vld.idx.msk [tilespmem:v24+s11+$0x0], $0xffff  }
0x5af: {  	[tilespmem:s18+$0xB70] =	vst v28;
	v27 =	vshll.u32 v20, $0x10;
	v32 =	vtrunc.f32 v63;
	v26 =	vshll.u32 v17, $0x10;
	v28 =	vld.idx.msk [tilespmem:v60+s11+$0x0], $0xffff  }
0x5b0: {  	s21 =	simm.s32 $0x800;
	s22 =	simm.s32 $0x100;
	v25 =	vshll.u32 v18, $0x10;
	v24 =	vcvt.f32.s32 v36;
	v33 =	vtrunc.f32 v37  }
.LBB2_34:
0x5b1: {  	s20 =	sadd.s32 $0x8, s20;
	s23 =	sand.u32 $0x4000, s22;
	s24 =	sand.u32 $0x3C00, s21;
	v31 =	vcvt.f32.s32 v31;
	v34 =	vcvt.f32.s32 v34;
	v35 =	vshll.u32 v19, $0x10  }
0x5b2: {  	v30 =	vcvt.f32.s32 v30;
	v32 =	vcvt.f32.s32 v32;
	v36 =	vshll.u32 v22, $0x10;
	s25 =	sand.u32 $0x380, s20;
	s23 =	sor.u32 s24, s23;
	p0 =	slt.u32 s20, $0x7F8  }
0x5b3: {  	v29 =	vcvt.f32.s32 v29;
	v33 =	vcvt.f32.s32 v33;
	v37 =	vshll.u32 v21, $0x10;
	s23 =	sor.u32 s25, s23  }
0x5b4: {  	v17 =	vmul.f32 v17, v8;
	v39 =	vshll.u32 v23, $0x10;
	v8 =	vmovc v10;
	v38 =	vmul.f32 v28, v16;
	v16 =	vld [tilespmem:s23+$0xB70]  }
0x5b5: {  	v18 =	vmul.f32 v18, v7;
	v20 =	vmul.f32 v20, v5;
	v7 =	vmovc v9;
	v5 =	vmovc v13;
	v28 =	vshll.u32 v28, $0x10;
	v10 =	vld [tilespmem:s23+$0xB00]  }
0x5b6: {  	v19 =	vmul.f32 v19, v3;
	v22 =	vmul.f32 v22, v6;
	v3 =	vmovc v11;
	v28 =	vadd.f32 v28, v38;
	v9 =	vld [tilespmem:s23+$0xB10]  }
0x5b7: {  	v21 =	vmul.f32 v21, v4;
	v23 =	vmul.f32 v23, v2;
	v6 =	vmovc v12;
	v17 =	vadd.f32 v26, v17;
	v13 =	vld [tilespmem:s23+$0xB20]  }
0x5b8: {  	v4 =	vmovc v14;
	v2 =	vmov v15;
	v18 =	vadd.f32 v25, v18;
	v20 =	vadd.f32 v27, v20;
	v11 =	vld [tilespmem:s23+$0xB30];
	[tilespmem:s19+$0xB70] =	vst v28  }
0x5b9: {  	v19 =	vadd.f32 v35, v19;
	v22 =	vadd.f32 v36, v22;
	v12 =	vld [tilespmem:s23+$0xB40];
	v25 =	vmul.f32 $1.278751220e+02, v16;
	[tilespmem:s18+$0xB00] =	vst v17  }
0x5ba: {  	v21 =	vadd.f32 v37, v21;
	v23 =	vadd.f32 v39, v23;
	v17 =	vmul.f32 $1.278751220e+02, v10;
	v14 =	vld [tilespmem:s23+$0xB50];
	[tilespmem:s18+$0xB10] =	vst v18  }
0x5bb: {  	v18 =	vmul.f32 $1.278751220e+02, v9;
	v15 =	vld [tilespmem:s23+$0xB60];
	v25 =	vmax.f32 v25, $0.0e+00;
	[tilespmem:s18+$0xB20] =	vst v20  }
0x5bc: {  	v26 =	vmax.f32 v17, $0.0e+00;
	v20 =	vmul.f32 $1.278751220e+02, v13;
	v25 =	vmin.f32 v25, $5.120000000e+02;
	v17 =	vld.idx.msk [tilespmem:v24+s11+$0x0], $0xffff;
	[tilespmem:s18+$0xB30] =	vst v19  }
0x5bd: {  	v24 =	vmax.f32 v18, $0.0e+00;
	v19 =	vmul.f32 $1.278751220e+02, v11;
	v25 =	vtrunc.f32 v25;
	v18 =	vld.idx.msk [tilespmem:v31+s11+$0x0], $0xffff;
	[tilespmem:s18+$0xB40] =	vst v22  }
0x5be: {  	v27 =	vmax.f32 v20, $0.0e+00;
	v22 =	vmul.f32 $1.278751220e+02, v12;
	v25 =	vcvt.f32.s32 v25;
	v20 =	vld.idx.msk [tilespmem:v34+s11+$0x0], $0xffff;
	[tilespmem:s18+$0xB50] =	vst v21  }
0x5bf: {  	v26 =	vmin.f32 v26, $5.120000000e+02;
	v21 =	vmax.f32 v19, $0.0e+00;
	v28 =	vmul.f32 $1.278751220e+02, v14;
	v19 =	vld.idx.msk [tilespmem:v30+s11+$0x0], $0xffff;
	[tilespmem:s18+$0xB60] =	vst v23;
	s18 =	smov.u32 s19;
	s19 =	smov.u32 s23  }
0x5c0: {  	v24 =	vmin.f32 v24, $5.120000000e+02;
	v23 =	vmax.f32 v22, $0.0e+00;
	v30 =	vmul.f32 $1.278751220e+02, v15;
	v22 =	vld.idx.msk [tilespmem:v32+s11+$0x0], $0xffff  }
0x5c1: {  	v27 =	vmin.f32 v27, $5.120000000e+02;
	v32 =	vmin.f32 v21, $5.120000000e+02;
	v28 =	vmax.f32 v28, $0.0e+00;
	v21 =	vld.idx.msk [tilespmem:v29+s11+$0x0], $0xffff  }
.Ltmp16:
0x5c2: {  	v29 =	vmin.f32 v23, $5.120000000e+02;
	v35 =	vmin.f32 v28, $5.120000000e+02;
	v28 =	vmax.f32 v30, $0.0e+00;
	v23 =	vld.idx.msk [tilespmem:v33+s11+$0x0], $0xffff;
	(pc) =	sbr.rel @p0 .LBB2_34-.Ltmp16, $4  }
0x5c3: {  	v31 =	vtrunc.f32 v24;
	v33 =	vtrunc.f32 v26;
	v36 =	vmin.f32 v28, $5.120000000e+02  }
0x5c4: {  	v34 =	vtrunc.f32 v27;
	v30 =	vtrunc.f32 v32;
	v26 =	vshll.u32 v17, $0x10;
	v28 =	vld.idx.msk [tilespmem:v25+s11+$0x0], $0xffff  }
0x5c5: {  	v32 =	vtrunc.f32 v29;
	v29 =	vtrunc.f32 v35;
	v25 =	vshll.u32 v18, $0x10  }
0x5c6: {  	s21 =	sadd.s32 $0x400, s21;
	s22 =	sadd.s32 $0x80, s22;
	v24 =	vcvt.f32.s32 v33;
	v27 =	vshll.u32 v20, $0x10;
	v33 =	vtrunc.f32 v36  }
0x5c7: {  	v31 =	vcvt.f32.s32 v31  }
0x5c8: {  	v34 =	vcvt.f32.s32 v34  }
0x5c9: {  	v30 =	vcvt.f32.s32 v30;
	v8 =	vmul.f32 v17, v8  }
0x5ca: {  	v32 =	vcvt.f32.s32 v32;
	v7 =	vmul.f32 v18, v7  }
0x5cb: {  	v46 =	vcvt.f32.s32 v29;
	v5 =	vmul.f32 v20, v5;
	v8 =	vadd.f32 v26, v8  }
0x5cc: {  	v47 =	vcvt.f32.s32 v33;
	v3 =	vmul.f32 v19, v3;
	v48 =	vld.idx.msk [tilespmem:v24+s11+$0x0], $0xffff;
	v7 =	vadd.f32 v25, v7  }
0x5cd: {  	v50 =	vshll.u32 v19, $0x10;
	v6 =	vmul.f32 v22, v6;
	v5 =	vadd.f32 v27, v5;
	[tilespmem:s18+$0xB00] =	vst v8;
	v49 =	vld.idx.msk [tilespmem:v31+s11+$0x0], $0xffff  }
0x5ce: {  	v52 =	vshll.u32 v22, $0x10;
	v4 =	vmul.f32 v21, v4;
	v3 =	vadd.f32 v50, v3;
	[tilespmem:s18+$0xB10] =	vst v7;
	v51 =	vld.idx.msk [tilespmem:v34+s11+$0x0], $0xffff  }
0x5cf: {  	v54 =	vshll.u32 v21, $0x10;
	v2 =	vmul.f32 v23, v2;
	v6 =	vadd.f32 v52, v6;
	[tilespmem:s18+$0xB20] =	vst v5;
	v53 =	vld.idx.msk [tilespmem:v30+s11+$0x0], $0xffff  }
0x5d0: {  	v56 =	vshll.u32 v23, $0x10;
	v16 =	vmul.f32 v28, v16;
	v4 =	vadd.f32 v54, v4;
	[tilespmem:s18+$0xB30] =	vst v3;
	v55 =	vld.idx.msk [tilespmem:v32+s11+$0x0], $0xffff  }
0x5d1: {  	v45 =	vshll.u32 v28, $0x10;
	v2 =	vadd.f32 v56, v2;
	[tilespmem:s18+$0xB40] =	vst v6;
	v3 =	vld.idx.msk [tilespmem:v46+s11+$0x0], $0xffff;
	v10 =	vmul.f32 v48, v10  }
0x5d2: {  	v16 =	vadd.f32 v45, v16;
	[tilespmem:s18+$0xB50] =	vst v4;
	v57 =	vld.idx.msk [tilespmem:v47+s11+$0x0], $0xffff;
	v58 =	vshll.u32 v48, $0x10;
	v9 =	vmul.f32 v49, v9  }
0x5d3: {  	[tilespmem:s18+$0xB60] =	vst v2;
	v10 =	vadd.f32 v58, v10;
	v59 =	vshll.u32 v49, $0x10;
	v13 =	vmul.f32 v51, v13  }
0x5d4: {  	[tilespmem:s19+$0xB70] =	vst v16;
	v2 =	vshll.u32 v51, $0x10;
	v60 =	vmul.f32 v53, v11;
	v4 =	vadd.f32 v59, v9  }
0x5d5: {  	[tilespmem:s19+$0xB00] =	vst v10;
	v7 =	vshll.u32 v53, $0x10;
	v61 =	vmul.f32 v55, v12;
	v2 =	vadd.f32 v2, v13  }
0x5d6: {  	v5 =	vshll.u32 v55, $0x10;
	v62 =	vmul.f32 v3, v14;
	v7 =	vadd.f32 v7, v60;
	[tilespmem:s19+$0xB10] =	vst v4  }
0x5d7: {  	v3 =	vshll.u32 v3, $0x10;
	v63 =	vmul.f32 v57, v15;
	v5 =	vadd.f32 v5, v61;
	[tilespmem:s19+$0xB20] =	vst v2  }
0x5d8: {  	v3 =	vadd.f32 v3, v62;
	v2 =	vshll.u32 v57, $0x10;
	[tilespmem:s19+$0xB30] =	vst v7  }
0x5d9: {  	[tilespmem:s19+$0xB40] =	vst v5;
	v2 =	vadd.f32 v2, v63  }
0x5da: {  	[tilespmem:s19+$0xB50] =	vst v3  }
0x5db: {  	[tilespmem:s19+$0xB60] =	vst v2  }
0x5dc: {  	[hbm4b:s3+s1] =	stream.linear.scatter [tilespmem:s7], [sflag:$0x4], $0x8000, $0x38;
	[tilespmem:$0x18B00] =	vst v63  }
0x5dd: {  	_ =	swait.ge [sflag:s13], $0x8000  }
0x5de: {  	[sflag:s13] =	ssyncset.done $0x0  }
0x5df: {  	s17 =	sadd.s32 $0x1, s17;
	[sflag:s13] =	ssyncadd.s32 $0xFFFF8000  }
0x5e0: {  	p0 =	sne.s32 s17, s4;
	_ =	swait.ge [sflag:s15], $0x8000  }
.Ltmp17:
0x5e1: {  	[sflag:s15] =	ssyncset.done $0x0;
	(pc) =	sbr.rel @p0 .LBB2_1-.Ltmp17, $4  }
0x5e2: {  	[sflag:s15] =	ssyncadd.s32 $0xFFFF8000  }
0x5e3: {  	_ =	swait.ge [sflag:s16], $0x8000  }
0x5e4: {  	[sflag:s16] =	ssyncset.done $0x0  }
0x5e5: {  	[sflag:s16] =	ssyncadd.s32 $0xFFFF8000  }
0x5e6: {  	_ =	sfence.sel $0x180000  }
0x5e7: {  	[bflag:$0x0] =	sbarrier.arrive $0xFFFF  }
0x5e8: {  	_ =	strace $0x90000047  }
0x5e9: {  	s0 =	stileid.u32;
	[bflag:$0x2] =	sbarrier.arrive $0xFFFF  }
0x5ea: {  	p0 =	sne.s32 s0, $0x0;
	s0 =	rddreg [dreg:$0x4]  }
0x5eb: {  	s0 =	sadd.s32 @!p0 $0x100000, s0  }
0x5ec: {  	[sflag:s0] =	ssyncadd.tile.s32 @!p0 $0x1;
	_ =	shalt  }
.Lfunc_end2:
_tile_overlayer_lowered:
.L_overlay_start_2:
0x5ed: {  	(tag) =	ssettag $0x2  }
0x5ee: {  	s0 =	rddreg [dreg:$0x0];
	s2 =	stileid.u32  }
0x5ef: {  	s1 =	rddreg [dreg:$0x1];
	p0 =	sne.s32 s2, $0x0  }
0x5f0: {  	s3 =	rddreg [dreg:$0x2];
	[bflag:$0x3] =	sbarrier.arrive $0xFFFF;
	s2 =	simm.s32 @!p0 $0x1C07  }
0x5f1: {  	[timem:s3], [sflag:s2] =	dma.local @!p0 [hbm:s0], s1  }
0x5f2: {  	s0 =	simm.s32 @!p0 $0x7  }
0x5f3: {  	_ =	swait.ge @!p0 [sflag:s0], s1  }
0x5f4: {  	s1 =	ssub.s32 @!p0 $0x0, s1;
	[sflag:s0] =	ssyncset.done @!p0 $0x0  }
0x5f5: {  	[sflag:s0] =	ssyncadd.s32 @!p0 s1  }
0x5f6: {  	[bflag:$0x3] =	sbarrier.arrive $0xFFFF  }
0x5f7: {  	_ =	shalt  }

</sc_bundles>
